<compile_context>
chip_gen: v7x
topology: tpu7x:2x2x1
jax: 0.10.2.dev20260603
libtpu: 0.0.44.dev20260713+nightly
codegen_flags: <defaults>
</compile_context>

<pallas_src>
import functools

import jax
import jax.numpy as jnp
from jax import lax
from jax.experimental import pallas as pl
from jax.experimental.pallas import tpu as pltpu
from jax.experimental.pallas import tpu_sc as plsc

_N = 10000
_E = 320000
_D = 128
_DOUT = 40
_LANES = 128
_NSC = 2
_NSUB = 16
_NTILES = _NSC * _NSUB
_RPT = (-(-_E // (_LANES * _NTILES)) + 7) // 8 * 8
_ROWS = _RPT * _NTILES
_EPAD = _ROWS * _LANES
_ACC_ROWS = 10240
_RPT_ACC = _ACC_ROWS // _NSUB
_DEGW = 16
_ICH = 8
_R0 = _RPT
_NS0 = _R0 // _ICH

_f32 = jnp.float32


def _sc_mesh():
    return plsc.VectorSubcoreMesh(core_axis_name="c", subcore_axis_name="s")


def _sc_degrees(dstp):

    @functools.partial(
        pl.kernel,
        mesh=_sc_mesh(),
        out_type=jax.ShapeDtypeStruct((_NSC, _ACC_ROWS, _DEGW), _f32),
        scratch_types=[
            pltpu.VMEM((_RPT, _LANES), jnp.int32),
            pltpu.VMEM((_LANES, _DEGW), _f32),
            pltpu.VMEM_SHARED((_ACC_ROWS, _DEGW), _f32),
        ],
    )
    def kern(dstp_hbm, out_hbm, dst_v, buf_v, acc_sh):
        c = lax.axis_index("c")
        s = lax.axis_index("s")
        w = c * _NSUB + s

        def fill(val):
            def row(i, carry):
                buf_v[i, pl.ds(0, _DEGW)] = jnp.full((_DEGW,), val, _f32)
                return carry
            lax.fori_loop(0, _LANES, row, 0)

        fill(0.0)

        def zacc(k, carry):
            pltpu.sync_copy(buf_v, acc_sh.at[pl.ds(s * _RPT_ACC + k * _LANES, _LANES)])
            return carry
        lax.fori_loop(0, _RPT_ACC // _LANES, zacc, 0)
        plsc.subcore_barrier()

        pltpu.sync_copy(dstp_hbm.at[pl.ds(w * _RPT, _RPT)], dst_v)
        fill(1.0)

        def body(j, carry):
            pltpu.sync_copy(buf_v, acc_sh.at[dst_v.at[j]], add=True)
            return carry
        lax.fori_loop(0, _RPT, body, 0)
        plsc.subcore_barrier()

        def wb(k, carry):
            r = s * _RPT_ACC + k * _LANES
            pltpu.sync_copy(acc_sh.at[pl.ds(r, _LANES)], buf_v)
            pltpu.sync_copy(buf_v, out_hbm.at[c, pl.ds(r, _LANES)])
            return carry
        lax.fori_loop(0, _RPT_ACC // _LANES, wb, 0)

    return kern(dstp)


def _sc_edge_pass(srcp, dstp, hs):

    @functools.partial(
        pl.kernel,
        mesh=_sc_mesh(),
        out_type=jax.ShapeDtypeStruct((_NSC, _ACC_ROWS, _D), _f32),
        scratch_types=[
            pltpu.VMEM((_ICH, _LANES), jnp.int32),
            pltpu.VMEM((_ICH, _LANES), jnp.int32),
            pltpu.VMEM((_ICH, _LANES), jnp.int32),
            pltpu.VMEM((_ICH, _LANES), jnp.int32),
            pltpu.VMEM((_LANES, _D), _f32),
            pltpu.VMEM((_LANES, _D), _f32),
            pltpu.VMEM_SHARED((_ACC_ROWS, _D), _f32),
            pltpu.SemaphoreType.DMA,
            pltpu.SemaphoreType.DMA,
        ],
    )
    def kern(srcp_hbm, dstp_hbm, hs_hbm, out_hbm,
             si0, si1, di0, di1, r0, r1, acc_sh, g0, g1):
        c = lax.axis_index("c")
        s = lax.axis_index("s")
        rows = (r0, r1)
        gsem = (g0, g1)
        si = (si0, si1)
        di = (di0, di1)
        base = (c * _NSUB + s) * _R0
        nsup = _NS0
        nch = nsup * _ICH

        def load_idx(k_val, which):
            off = base + k_val * _ICH
            pltpu.sync_copy(srcp_hbm.at[pl.ds(off, _ICH)], si[which])
            pltpu.sync_copy(dstp_hbm.at[pl.ds(off, _ICH)], di[which])

        def gath(which, jj, b):
            return pltpu.make_async_copy(hs_hbm.at[si[which].at[jj]],
                                         rows[b], gsem[b])

        def zrow(i, carry):
            def zcol(j, carry2):
                r0[i, pl.ds(j * 16, 16)] = jnp.zeros((16,), _f32)
                return carry2
            return lax.fori_loop(0, _D // 16, zcol, carry)
        lax.fori_loop(0, _LANES, zrow, 0)

        def zacc(k, carry):
            pltpu.sync_copy(r0, acc_sh.at[pl.ds(s * _RPT_ACC + k * _LANES, _LANES)])
            return carry
        lax.fori_loop(0, _RPT_ACC // _LANES, zacc, 0)
        plsc.subcore_barrier()

        load_idx(0, 0)
        gath(0, 0, 0).start()

        def super_chunk(k_val, which):
            @pl.when(k_val + 1 < nsup)
            def _():
                load_idx(k_val + 1, 1 - which)
            for jj in range(_ICH):
                b = jj % 2
                gath(which, jj, b).wait()
                if jj < _ICH - 1:
                    gath(which, jj + 1, 1 - b).start()
                else:
                    @pl.when(k_val + 1 < nsup)
                    def _():
                        gath(1 - which, 0, 1 - b).start()
                pltpu.sync_copy(rows[b], acc_sh.at[di[which].at[jj]], add=True)

        def outer(k2, carry):
            super_chunk(2 * k2, 0)
            super_chunk(2 * k2 + 1, 1)
            return carry
        lax.fori_loop(0, nsup // 2, outer, 0)
        plsc.subcore_barrier()

        def wb(k, carry):
            r = s * _RPT_ACC + k * _LANES
            pltpu.sync_copy(acc_sh.at[pl.ds(r, _LANES)], r0)
            pltpu.sync_copy(r0, out_hbm.at[c, pl.ds(r, _LANES)])
            return carry
        lax.fori_loop(0, _RPT_ACC // _LANES, wb, 0)

    return kern(srcp, dstp, hs)


_BS = 1000


def _dense_in_body(x_ref, w_ref, dinv_ref, o_ref):
    h = jnp.dot(x_ref[...], w_ref[...], preferred_element_type=_f32)
    o_ref[...] = h * dinv_ref[...]


def _dense_mid_body(s0_ref, s1_ref, hs_ref, dinv_ref, b_ref, w_ref, o_ref):
    agg = s0_ref[...] + s1_ref[...] + hs_ref[...]
    z = jnp.maximum(b_ref[...] + dinv_ref[...] * agg, 0.0)
    o_ref[...] = jnp.dot(z, w_ref[...], preferred_element_type=_f32) * dinv_ref[...]


def _dense_out_body(s0_ref, s1_ref, hs_ref, dinv_ref, b_ref, wc_ref, bc_ref, o_ref):
    agg = s0_ref[...] + s1_ref[...] + hs_ref[...]
    z = jnp.maximum(b_ref[...] + dinv_ref[...] * agg, 0.0)
    o_ref[...] = jnp.dot(z, wc_ref[...], preferred_element_type=_f32) + bc_ref[...]


def _row_spec():
    return pl.BlockSpec((_BS, _D), lambda i: (i, 0))


def _full_spec():
    return pl.BlockSpec((_D, _D), lambda i: (0, 0))


def _dinv_spec():
    return pl.BlockSpec((_BS, 1), lambda i: (i, 0))


def _bias_spec():
    return pl.BlockSpec((1, _D), lambda i: (0, 0))


def _dense_in(x, w, dinv):
    return pl.pallas_call(
        _dense_in_body,
        grid=(_N // _BS,),
        in_specs=[_row_spec(), _full_spec(), _dinv_spec()],
        out_specs=_row_spec(),
        out_shape=jax.ShapeDtypeStruct((_N, _D), _f32),
    )(x, w, dinv)


def _dense_mid(s0, s1, hs, dinv, b, w):
    return pl.pallas_call(
        _dense_mid_body,
        grid=(_N // _BS,),
        in_specs=[_row_spec(), _row_spec(), _row_spec(), _dinv_spec(),
                  _bias_spec(), _full_spec()],
        out_specs=_row_spec(),
        out_shape=jax.ShapeDtypeStruct((_N, _D), _f32),
    )(s0, s1, hs, dinv, b, w)


def _dense_out(s0, s1, hs, dinv, b, wc, bc):
    return pl.pallas_call(
        _dense_out_body,
        grid=(_N // _BS,),
        in_specs=[_row_spec(), _row_spec(), _row_spec(), _dinv_spec(),
                  _bias_spec(), _full_spec(), _bias_spec()],
        out_specs=_row_spec(),
        out_shape=jax.ShapeDtypeStruct((_N, _D), _f32),
    )(s0, s1, hs, dinv, b, wc, bc)


def kernel(x, edge_index, W1, b1, W2, b2, W3, b3, Wc, bc):
    src = edge_index[0]
    dst = edge_index[1]
    pad = _EPAD - _E
    srcp = jnp.concatenate([src, jnp.zeros((pad,), jnp.int32)]).reshape(_ROWS, _LANES)
    dstp = jnp.concatenate([dst, jnp.full((pad,), _N, jnp.int32)]).reshape(_ROWS, _LANES)

    degp = _sc_degrees(dstp)
    deg = degp[0, :_N, 0] + degp[1, :_N, 0] + 1.0
    dinv = lax.rsqrt(deg)[:, None]

    hs1 = _dense_in(x, W1, dinv)
    agg1 = _sc_edge_pass(srcp, dstp, hs1)
    hs2 = _dense_mid(agg1[0, :_N], agg1[1, :_N], hs1, dinv, b1.reshape(1, _D), W2)
    agg2 = _sc_edge_pass(srcp, dstp, hs2)
    hs3 = _dense_mid(agg2[0, :_N], agg2[1, :_N], hs2, dinv, b2.reshape(1, _D), W3)
    agg3 = _sc_edge_pass(srcp, dstp, hs3)

    wcp = jnp.zeros((_D, _D), _f32).at[:, :_DOUT].set(Wc)
    bcp = jnp.zeros((1, _D), _f32).at[0, :_DOUT].set(bc)
    out = _dense_out(agg3[0, :_N], agg3[1, :_N], hs3, dinv, b3.reshape(1, _D), wcp, bcp)
    return out[:, :_DOUT]

# --- scband reference (transcript-rebuilt; emitter-appended) ---
"""Pipeline reference for scband-gcnmodel-61804579389667 (READ-ONLY COPY).

The authoritative reference and input builder live on the scoring server;
editing this copy changes nothing except your own understanding.
"""

import jax, jax.numpy as jnp
import numpy as np

N = 10000
E = 320000
D_IN = 128
D_H = 128
D_OUT = 40


def setup_inputs(seed: int = 0) -> dict:
    key = jax.random.key(seed)
    ks = jax.random.split(key, 12)
    x = jax.random.normal(ks[0], (N, D_IN), dtype=jnp.float32)
    edge_index = jax.random.randint(ks[1], (2, E), 0, N, dtype=jnp.int32)
    W1 = jax.random.normal(ks[2], (D_IN, D_H), dtype=jnp.float32) / np.sqrt(D_IN)
    b1 = jnp.zeros((D_H,), dtype=jnp.float32)
    W2 = jax.random.normal(ks[3], (D_H, D_H), dtype=jnp.float32) / np.sqrt(D_H)
    b2 = jnp.zeros((D_H,), dtype=jnp.float32)
    W3 = jax.random.normal(ks[4], (D_H, D_H), dtype=jnp.float32) / np.sqrt(D_H)
    b3 = jnp.zeros((D_H,), dtype=jnp.float32)
    Wc = jax.random.normal(ks[5], (D_H, D_OUT), dtype=jnp.float32) / np.sqrt(D_H)
    bc = jnp.zeros((D_OUT,), dtype=jnp.float32)
    return {"x": x, "edge_index": edge_index, "W1": W1, "b1": b1, "W2": W2, "b2": b2, "W3": W3, "b3": b3, "Wc": Wc, "bc": bc}


def _gcn_conv(x, edge_index, W, b):
    # GCNConv: add self-loops, symmetric normalization, linear transform, scatter-add aggregate
    loop = jnp.arange(N, dtype=edge_index.dtype)
    src = jnp.concatenate([edge_index[0], loop])
    dst = jnp.concatenate([edge_index[1], loop])
    ones = jnp.ones(src.shape[0], dtype=x.dtype)
    deg = jax.ops.segment_sum(ones, dst, num_segments=N)
    dinv = jnp.where(deg > 0, jax.lax.rsqrt(jnp.maximum(deg, 1e-12)), 0.0)
    norm = dinv[src] * dinv[dst]
    h = x @ W
    msg = h[src] * norm[:, None]
    out = jax.ops.segment_sum(msg, dst, num_segments=N)
    return out + b


def reference(x, edge_index, W1, b1, W2, b2, W3, b3, Wc, bc):
    # dropout is identity at inference (training=False)
    h = jax.nn.relu(_gcn_conv(x, edge_index, W1, b1))
    h = jax.nn.relu(_gcn_conv(h, edge_index, W2, b2))
    h = jax.nn.relu(_gcn_conv(h, edge_index, W3, b3))
    # batch is None -> no global_mean_pool
    return h @ Wc + bc

if __name__ == "__main__":
    import jax
    _d = setup_inputs()
    print(jax.jit(kernel)(*tuple(_d.values())))

</pallas_src>

<mosaic_0001>
#map = affine_map<(d0, d1) -> (0, 0)>
#map1 = affine_map<(d0, d1) -> (0, 0, 0)>
module attributes {stable_mosaic.version = 14 : i64} {
  func.func @kern(%arg0: i32, %arg1: i32, %arg2: memref<2560x128xi32, #tpu.memory_space<hbm>>, %arg3: memref<2x10240x16xf32, #tpu.memory_space<hbm>>, %arg4: memref<80x128xi32, #tpu.memory_space<vmem>>, %arg5: memref<128x16xf32, #tpu.memory_space<vmem>>, %arg6: memref<10240x16xf32, #tpu.memory_space<vmem_shared>>) attributes {dimension_semantics = [#tpu.dimension_semantics<core_parallel>, #tpu.dimension_semantics<subcore_parallel>], iteration_bounds = array<i64: 2, 16>, scalar_prefetch = 0 : i64, scratch_operands = 3 : i64, tpu.core_type = #tpu.core_type<sc_vector_subcore>, window_params = [{transform_indices = #map}, {transform_indices = #map1}]} {
    %mul3A = arith.constant 16 : i32
    %mul3A_0 = arith.muli %arg0, %mul3A : i32
    %add3A = arith.addi %mul3A_0, %arg1 : i32
    %scan3A = arith.constant 0 : i32
    %scan3A_1 = arith.constant 0 : i32
    %scan3A_2 = arith.constant 128 : i32
    %scan3A_3 = arith.addi %scan3A_1, %scan3A_2 : i32
    %scan3A_4 = arith.constant 1 : i32
    scf.for %scan3A_33 = %scan3A_1 to %scan3A_3 step %scan3A_4  : i32 {
      %broadcast_in_dim3A = arith.constant 0.000000e+00 : f32
      %broadcast_in_dim3A_34 = vector.broadcast %broadcast_in_dim3A : f32 to vector<16xf32>
      %swap3A = arith.index_cast %scan3A_33 : i32 to index
      %swap3A_35 = arith.constant 0 : index
      %swap3A_36 = tpu.vector_load %arg5[%swap3A, %swap3A_35] {strides = array<i32>} : memref<128x16xf32, #tpu.memory_space<vmem>>, vector<1x16xf32>,
      %swap3A_37 = vector.shape_cast %swap3A_36 : vector<1x16xf32> to vector<16xf32>
      %swap3A_38 = vector.shape_cast %broadcast_in_dim3A_34 : vector<16xf32> to vector<1x16xf32>
      tpu.vector_store %arg5[%swap3A, %swap3A_35], %swap3A_38 {strides = array<i32>} : memref<128x16xf32, #tpu.memory_space<vmem>>, vector<1x16xf32>,
    }
    %scan3A_5 = arith.constant 128 : i32
    %scan3A_6 = arith.constant 0 : i32
    %scan3A_7 = arith.constant 0 : i32
    %scan3A_8 = arith.constant 5 : i32
    %scan3A_9 = arith.addi %scan3A_7, %scan3A_8 : i32
    %scan3A_10 = arith.constant 1 : i32
    scf.for %scan3A_33 = %scan3A_7 to %scan3A_9 step %scan3A_10  : i32 {
      %mul3A_34 = arith.constant 640 : i32
      %mul3A_35 = arith.muli %arg1, %mul3A_34 : i32
      %mul3A_36 = arith.constant 128 : i32
      %mul3A_37 = arith.muli %scan3A_33, %mul3A_36 : i32
      %add3A_38 = arith.addi %mul3A_35, %mul3A_37 : i32
      "tpu.region"() ({
        %run_scoped3A = tpu.sem_alloc : memref<!tpu.dma_semaphore, #tpu.memory_space<semaphore_mem>>
        %dma_start3A = arith.constant 0 : i32
        %dma_start3A_39 = tpu.memref_slice %arg6[%add3A_38, %dma_start3A] : memref<10240x16xf32, #tpu.memory_space<vmem_shared>> -> memref<128x16xf32, #tpu.memory_space<vmem_shared>>
        %dma_start3A_40 = arith.constant 0 : i32
        %dma_start3A_41 = tpu.memref_slice %arg6[%add3A_38, %dma_start3A_40] : memref<10240x16xf32, #tpu.memory_space<vmem_shared>> -> memref<128x16xf32, #tpu.memory_space<vmem_shared>>
        tpu.enqueue_dma source(%arg5 : memref<128x16xf32, #tpu.memory_space<vmem>>) target(%dma_start3A_41 : memref<128x16xf32, #tpu.memory_space<vmem_shared>>) target_semaphore(%run_scoped3A : memref<!tpu.dma_semaphore, #tpu.memory_space<semaphore_mem>>)
        %dma_wait3A = arith.constant 0 : i32
        %dma_wait3A_42 = tpu.memref_slice %arg6[%add3A_38, %dma_wait3A] : memref<10240x16xf32, #tpu.memory_space<vmem_shared>> -> memref<128x16xf32, #tpu.memory_space<vmem_shared>>
        %dma_wait3A_43 = arith.constant 0 : i32
        %dma_wait3A_44 = tpu.memref_slice %arg6[%add3A_38, %dma_wait3A_43] : memref<10240x16xf32, #tpu.memory_space<vmem_shared>> -> memref<128x16xf32, #tpu.memory_space<vmem_shared>>
        tpu.wait_dma2 semaphore(%run_scoped3A : memref<!tpu.dma_semaphore, #tpu.memory_space<semaphore_mem>>) src(%arg5 : memref<128x16xf32, #tpu.memory_space<vmem>>) dst(%dma_wait3A_44 : memref<128x16xf32, #tpu.memory_space<vmem_shared>>)
        tpu.yield
      }) : () -> ()
    }
    %scan3A_11 = arith.constant 5 : i32
    %barrier3A = arith.constant 0 : index
    tpu.barrier barrier_id(%barrier3A)
    %mul3A_12 = arith.constant 80 : i32
    %mul3A_13 = arith.muli %add3A, %mul3A_12 : i32
    "tpu.region"() ({
      %run_scoped3A = tpu.sem_alloc : memref<!tpu.dma_semaphore, #tpu.memory_space<semaphore_mem>>
      %dma_start3A = arith.constant 0 : i32
      %dma_start3A_33 = tpu.memref_slice %arg2[%mul3A_13, %dma_start3A] : memref<2560x128xi32, #tpu.memory_space<hbm>> -> memref<80x128xi32, #tpu.memory_space<hbm>>
      %dma_start3A_34 = arith.constant 0 : i32
      %dma_start3A_35 = tpu.memref_slice %arg2[%mul3A_13, %dma_start3A_34] : memref<2560x128xi32, #tpu.memory_space<hbm>> -> memref<80x128xi32, #tpu.memory_space<hbm>>
      tpu.enqueue_dma source(%dma_start3A_35 : memref<80x128xi32, #tpu.memory_space<hbm>>) target(%arg4 : memref<80x128xi32, #tpu.memory_space<vmem>>) target_semaphore(%run_scoped3A : memref<!tpu.dma_semaphore, #tpu.memory_space<semaphore_mem>>)
      %dma_wait3A = arith.constant 0 : i32
      %dma_wait3A_36 = tpu.memref_slice %arg2[%mul3A_13, %dma_wait3A] : memref<2560x128xi32, #tpu.memory_space<hbm>> -> memref<80x128xi32, #tpu.memory_space<hbm>>
      %dma_wait3A_37 = arith.constant 0 : i32
      %dma_wait3A_38 = tpu.memref_slice %arg2[%mul3A_13, %dma_wait3A_37] : memref<2560x128xi32, #tpu.memory_space<hbm>> -> memref<80x128xi32, #tpu.memory_space<hbm>>
      tpu.wait_dma2 semaphore(%run_scoped3A : memref<!tpu.dma_semaphore, #tpu.memory_space<semaphore_mem>>) src(%dma_wait3A_38 : memref<80x128xi32, #tpu.memory_space<hbm>>) dst(%arg4 : memref<80x128xi32, #tpu.memory_space<vmem>>)
      tpu.yield
    }) : () -> ()
    %scan3A_14 = arith.constant 0 : i32
    %scan3A_15 = arith.constant 0 : i32
    %scan3A_16 = arith.constant 128 : i32
    %scan3A_17 = arith.addi %scan3A_15, %scan3A_16 : i32
    %scan3A_18 = arith.constant 1 : i32
    scf.for %scan3A_33 = %scan3A_15 to %scan3A_17 step %scan3A_18  : i32 {
      %broadcast_in_dim3A = arith.constant 1.000000e+00 : f32
      %broadcast_in_dim3A_34 = vector.broadcast %broadcast_in_dim3A : f32 to vector<16xf32>
      %swap3A = arith.index_cast %scan3A_33 : i32 to index
      %swap3A_35 = arith.constant 0 : index
      %swap3A_36 = tpu.vector_load %arg5[%swap3A, %swap3A_35] {strides = array<i32>} : memref<128x16xf32, #tpu.memory_space<vmem>>, vector<1x16xf32>,
      %swap3A_37 = vector.shape_cast %swap3A_36 : vector<1x16xf32> to vector<16xf32>
      %swap3A_38 = vector.shape_cast %broadcast_in_dim3A_34 : vector<16xf32> to vector<1x16xf32>
      tpu.vector_store %arg5[%swap3A, %swap3A_35], %swap3A_38 {strides = array<i32>} : memref<128x16xf32, #tpu.memory_space<vmem>>, vector<1x16xf32>,
    }
    %scan3A_19 = arith.constant 128 : i32
    %scan3A_20 = arith.constant 0 : i32
    %scan3A_21 = arith.constant 0 : i32
    %scan3A_22 = arith.constant 80 : i32
    %scan3A_23 = arith.addi %scan3A_21, %scan3A_22 : i32
    %scan3A_24 = arith.constant 1 : i32
    scf.for %scan3A_33 = %scan3A_21 to %scan3A_23 step %scan3A_24  : i32 {
      "tpu.region"() ({
        %run_scoped3A = tpu.sem_alloc : memref<!tpu.dma_semaphore, #tpu.memory_space<semaphore_mem>>
        %dma_start3A = arith.constant 0 : i32
        %dma_start3A_34 = tpu.memref_slice %arg4[%scan3A_33, %dma_start3A] : memref<80x128xi32, #tpu.memory_space<vmem>> -> memref<1x128xi32, #tpu.memory_space<vmem>>
        %dma_start3A_35 = tpu.memref_squeeze %dma_start3A_34 : memref<1x128xi32, #tpu.memory_space<vmem>> -> memref<128xi32, #tpu.memory_space<vmem>>
        %dma_start3A_36 = arith.constant 0 : i32
        %dma_start3A_37 = arith.constant 0 : i32
        %dma_start3A_38 = tpu.memref_slice %arg6[%dma_start3A_36, %dma_start3A_37] : memref<10240x16xf32, #tpu.memory_space<vmem_shared>> -> memref<10240x16xf32, #tpu.memory_space<vmem_shared>>
        tpu.enqueue_indirect_dma source(%arg5 : memref<128x16xf32, #tpu.memory_space<vmem>>) target(%dma_start3A_38 : memref<10240x16xf32, #tpu.memory_space<vmem_shared>>) offsets(%dma_start3A_35 : memref<128xi32, #tpu.memory_space<vmem>>) semaphore(%run_scoped3A : memref<!tpu.dma_semaphore, #tpu.memory_space<semaphore_mem>>) {add = true}
        %dma_wait3A = arith.constant 0 : i32
        %dma_wait3A_39 = tpu.memref_slice %arg4[%scan3A_33, %dma_wait3A] : memref<80x128xi32, #tpu.memory_space<vmem>> -> memref<1x128xi32, #tpu.memory_space<vmem>>
        %dma_wait3A_40 = tpu.memref_squeeze %dma_wait3A_39 : memref<1x128xi32, #tpu.memory_space<vmem>> -> memref<128xi32, #tpu.memory_space<vmem>>
        %dma_wait3A_41 = arith.constant 0 : i32
        %dma_wait3A_42 = arith.constant 0 : i32
        %dma_wait3A_43 = tpu.memref_slice %arg6[%dma_wait3A_41, %dma_wait3A_42] : memref<10240x16xf32, #tpu.memory_space<vmem_shared>> -> memref<10240x16xf32, #tpu.memory_space<vmem_shared>>
        tpu.wait_indirect_dma semaphore(%run_scoped3A : memref<!tpu.dma_semaphore, #tpu.memory_space<semaphore_mem>>) src(%arg5 : memref<128x16xf32, #tpu.memory_space<vmem>>) dst(%dma_wait3A_43 : memref<10240x16xf32, #tpu.memory_space<vmem_shared>>)
        tpu.yield
      }) : () -> ()
    }
    %scan3A_25 = arith.constant 80 : i32
    %barrier3A_26 = arith.constant 0 : index
    tpu.barrier barrier_id(%barrier3A_26)
    %scan3A_27 = arith.constant 0 : i32
    %scan3A_28 = arith.constant 0 : i32
    %scan3A_29 = arith.constant 5 : i32
    %scan3A_30 = arith.addi %scan3A_28, %scan3A_29 : i32
    %scan3A_31 = arith.constant 1 : i32
    scf.for %scan3A_33 = %scan3A_28 to %scan3A_30 step %scan3A_31  : i32 {
      %mul3A_34 = arith.constant 640 : i32
      %mul3A_35 = arith.muli %arg1, %mul3A_34 : i32
      %mul3A_36 = arith.constant 128 : i32
      %mul3A_37 = arith.muli %scan3A_33, %mul3A_36 : i32
      %add3A_38 = arith.addi %mul3A_35, %mul3A_37 : i32
      "tpu.region"() ({
        %run_scoped3A = tpu.sem_alloc : memref<!tpu.dma_semaphore, #tpu.memory_space<semaphore_mem>>
        %dma_start3A = arith.constant 0 : i32
        %dma_start3A_39 = tpu.memref_slice %arg6[%add3A_38, %dma_start3A] : memref<10240x16xf32, #tpu.memory_space<vmem_shared>> -> memref<128x16xf32, #tpu.memory_space<vmem_shared>>
        %dma_start3A_40 = arith.constant 0 : i32
        %dma_start3A_41 = tpu.memref_slice %arg6[%add3A_38, %dma_start3A_40] : memref<10240x16xf32, #tpu.memory_space<vmem_shared>> -> memref<128x16xf32, #tpu.memory_space<vmem_shared>>
        tpu.enqueue_dma source(%dma_start3A_41 : memref<128x16xf32, #tpu.memory_space<vmem_shared>>) target(%arg5 : memref<128x16xf32, #tpu.memory_space<vmem>>) target_semaphore(%run_scoped3A : memref<!tpu.dma_semaphore, #tpu.memory_space<semaphore_mem>>)
        %dma_wait3A = arith.constant 0 : i32
        %dma_wait3A_42 = tpu.memref_slice %arg6[%add3A_38, %dma_wait3A] : memref<10240x16xf32, #tpu.memory_space<vmem_shared>> -> memref<128x16xf32, #tpu.memory_space<vmem_shared>>
        %dma_wait3A_43 = arith.constant 0 : i32
        %dma_wait3A_44 = tpu.memref_slice %arg6[%add3A_38, %dma_wait3A_43] : memref<10240x16xf32, #tpu.memory_space<vmem_shared>> -> memref<128x16xf32, #tpu.memory_space<vmem_shared>>
        tpu.wait_dma2 semaphore(%run_scoped3A : memref<!tpu.dma_semaphore, #tpu.memory_space<semaphore_mem>>) src(%dma_wait3A_44 : memref<128x16xf32, #tpu.memory_space<vmem_shared>>) dst(%arg5 : memref<128x16xf32, #tpu.memory_space<vmem>>)
        tpu.yield
      }) : () -> ()
      "tpu.region"() ({
        %run_scoped3A = tpu.sem_alloc : memref<!tpu.dma_semaphore, #tpu.memory_space<semaphore_mem>>
        %dma_start3A = arith.constant 0 : i32
        %dma_start3A_39 = tpu.memref_slice %arg3[%arg0, %add3A_38, %dma_start3A] : memref<2x10240x16xf32, #tpu.memory_space<hbm>> -> memref<1x128x16xf32, #tpu.memory_space<hbm>>
        %dma_start3A_40 = tpu.memref_squeeze %dma_start3A_39 : memref<1x128x16xf32, #tpu.memory_space<hbm>> -> memref<128x16xf32, #tpu.memory_space<hbm>>
        %dma_start3A_41 = arith.constant 0 : i32
        %dma_start3A_42 = tpu.memref_slice %arg3[%arg0, %add3A_38, %dma_start3A_41] : memref<2x10240x16xf32, #tpu.memory_space<hbm>> -> memref<1x128x16xf32, #tpu.memory_space<hbm>>
        %dma_start3A_43 = tpu.memref_squeeze %dma_start3A_42 : memref<1x128x16xf32, #tpu.memory_space<hbm>> -> memref<128x16xf32, #tpu.memory_space<hbm>>
        tpu.enqueue_dma source(%arg5 : memref<128x16xf32, #tpu.memory_space<vmem>>) target(%dma_start3A_43 : memref<128x16xf32, #tpu.memory_space<hbm>>) target_semaphore(%run_scoped3A : memref<!tpu.dma_semaphore, #tpu.memory_space<semaphore_mem>>)
        %dma_wait3A = arith.constant 0 : i32
        %dma_wait3A_44 = tpu.memref_slice %arg3[%arg0, %add3A_38, %dma_wait3A] : memref<2x10240x16xf32, #tpu.memory_space<hbm>> -> memref<1x128x16xf32, #tpu.memory_space<hbm>>
        %dma_wait3A_45 = tpu.memref_squeeze %dma_wait3A_44 : memref<1x128x16xf32, #tpu.memory_space<hbm>> -> memref<128x16xf32, #tpu.memory_space<hbm>>
        %dma_wait3A_46 = arith.constant 0 : i32
        %dma_wait3A_47 = tpu.memref_slice %arg3[%arg0, %add3A_38, %dma_wait3A_46] : memref<2x10240x16xf32, #tpu.memory_space<hbm>> -> memref<1x128x16xf32, #tpu.memory_space<hbm>>
        %dma_wait3A_48 = tpu.memref_squeeze %dma_wait3A_47 : memref<1x128x16xf32, #tpu.memory_space<hbm>> -> memref<128x16xf32, #tpu.memory_space<hbm>>
        tpu.wait_dma2 semaphore(%run_scoped3A : memref<!tpu.dma_semaphore, #tpu.memory_space<semaphore_mem>>) src(%arg5 : memref<128x16xf32, #tpu.memory_space<vmem>>) dst(%dma_wait3A_48 : memref<128x16xf32, #tpu.memory_space<hbm>>)
        tpu.yield
      }) : () -> ()
    }
    %scan3A_32 = arith.constant 5 : i32
    return
  }
}

#map = affine_map<(d0, d1) -> (0, 0)>
#map1 = affine_map<(d0, d1) -> (0, 0, 0)>
module attributes {stable_mosaic.version = 14 : i64} {
  func.func @kern(%arg0: i32, %arg1: i32, %arg2: memref<2560x128xi32, #tpu.memory_space<hbm>>, %arg3: memref<2560x128xi32, #tpu.memory_space<hbm>>, %arg4: memref<10000x128xf32, #tpu.memory_space<hbm>>, %arg5: memref<2x10240x128xf32, #tpu.memory_space<hbm>>, %arg6: memref<8x128xi32, #tpu.memory_space<vmem>>, %arg7: memref<8x128xi32, #tpu.memory_space<vmem>>, %arg8: memref<8x128xi32, #tpu.memory_space<vmem>>, %arg9: memref<8x128xi32, #tpu.memory_space<vmem>>, %arg10: memref<128x128xf32, #tpu.memory_space<vmem>>, %arg11: memref<128x128xf32, #tpu.memory_space<vmem>>, %arg12: memref<10240x128xf32, #tpu.memory_space<vmem_shared>>, %arg13: memref<!tpu.dma_semaphore, #tpu.memory_space<semaphore_mem>>, %arg14: memref<!tpu.dma_semaphore, #tpu.memory_space<semaphore_mem>>) attributes {dimension_semantics = [#tpu.dimension_semantics<core_parallel>, #tpu.dimension_semantics<subcore_parallel>], iteration_bounds = array<i64: 2, 16>, scalar_prefetch = 0 : i64, scratch_operands = 9 : i64, tpu.core_type = #tpu.core_type<sc_vector_subcore>, window_params = [{transform_indices = #map}, {transform_indices = #map}, {transform_indices = #map}, {transform_indices = #map1}]} {
    %mul3A = arith.constant 16 : i32
    %mul3A_0 = arith.muli %arg0, %mul3A : i32
    %add3A = arith.addi %mul3A_0, %arg1 : i32
    %mul3A_1 = arith.constant 80 : i32
    %mul3A_2 = arith.muli %add3A, %mul3A_1 : i32
    %scan3A = arith.constant 0 : i32
    %scan3A_3 = arith.constant 0 : i32
    %scan3A_4 = arith.constant 128 : i32
    %scan3A_5 = arith.addi %scan3A_3, %scan3A_4 : i32
    %scan3A_6 = arith.constant 1 : i32
    scf.for %scan3A_35 = %scan3A_3 to %scan3A_5 step %scan3A_6  : i32 {
      %scan3A_36 = arith.constant 0 : i32
      %scan3A_37 = arith.constant 8 : i32
      %scan3A_38 = arith.addi %scan3A_36, %scan3A_37 : i32
      %scan3A_39 = arith.constant 1 : i32
      scf.for %scan3A_41 = %scan3A_36 to %scan3A_38 step %scan3A_39  : i32 {
        %broadcast_in_dim3A = arith.constant 0.000000e+00 : f32
        %broadcast_in_dim3A_42 = vector.broadcast %broadcast_in_dim3A : f32 to vector<16xf32>
        %mul3A_43 = arith.constant 16 : i32
        %mul3A_44 = arith.muli %scan3A_41, %mul3A_43 : i32
        %swap3A = arith.index_cast %scan3A_35 : i32 to index
        %swap3A_45 = arith.index_cast %mul3A_44 : i32 to index
        %swap3A_46 = tpu.vector_load %arg10[%swap3A, %swap3A_45] {strides = array<i32>} : memref<128x128xf32, #tpu.memory_space<vmem>>, vector<1x16xf32>,
        %swap3A_47 = vector.shape_cast %swap3A_46 : vector<1x16xf32> to vector<16xf32>
        %swap3A_48 = vector.shape_cast %broadcast_in_dim3A_42 : vector<16xf32> to vector<1x16xf32>
        tpu.vector_store %arg10[%swap3A, %swap3A_45], %swap3A_48 {strides = array<i32>} : memref<128x128xf32, #tpu.memory_space<vmem>>, vector<1x16xf32>,
      }
      %scan3A_40 = arith.constant 8 : i32
    }
    %scan3A_7 = arith.constant 128 : i32
    %scan3A_8 = arith.constant 0 : i32
    %scan3A_9 = arith.constant 0 : i32
    %scan3A_10 = arith.constant 5 : i32
    %scan3A_11 = arith.addi %scan3A_9, %scan3A_10 : i32
    %scan3A_12 = arith.constant 1 : i32
    scf.for %scan3A_35 = %scan3A_9 to %scan3A_11 step %scan3A_12  : i32 {
      %mul3A_36 = arith.constant 640 : i32
      %mul3A_37 = arith.muli %arg1, %mul3A_36 : i32
      %mul3A_38 = arith.constant 128 : i32
      %mul3A_39 = arith.muli %scan3A_35, %mul3A_38 : i32
      %add3A_40 = arith.addi %mul3A_37, %mul3A_39 : i32
      "tpu.region"() ({
        %run_scoped3A = tpu.sem_alloc : memref<!tpu.dma_semaphore, #tpu.memory_space<semaphore_mem>>
        %dma_start3A_41 = arith.constant 0 : i32
        %dma_start3A_42 = tpu.memref_slice %arg12[%add3A_40, %dma_start3A_41] : memref<10240x128xf32, #tpu.memory_space<vmem_shared>> -> memref<128x128xf32, #tpu.memory_space<vmem_shared>>
        %dma_start3A_43 = arith.constant 0 : i32
        %dma_start3A_44 = tpu.memref_slice %arg12[%add3A_40, %dma_start3A_43] : memref<10240x128xf32, #tpu.memory_space<vmem_shared>> -> memref<128x128xf32, #tpu.memory_space<vmem_shared>>
        tpu.enqueue_dma source(%arg10 : memref<128x128xf32, #tpu.memory_space<vmem>>) target(%dma_start3A_44 : memref<128x128xf32, #tpu.memory_space<vmem_shared>>) target_semaphore(%run_scoped3A : memref<!tpu.dma_semaphore, #tpu.memory_space<semaphore_mem>>)
        %dma_wait3A = arith.constant 0 : i32
        %dma_wait3A_45 = tpu.memref_slice %arg12[%add3A_40, %dma_wait3A] : memref<10240x128xf32, #tpu.memory_space<vmem_shared>> -> memref<128x128xf32, #tpu.memory_space<vmem_shared>>
        %dma_wait3A_46 = arith.constant 0 : i32
        %dma_wait3A_47 = tpu.memref_slice %arg12[%add3A_40, %dma_wait3A_46] : memref<10240x128xf32, #tpu.memory_space<vmem_shared>> -> memref<128x128xf32, #tpu.memory_space<vmem_shared>>
        tpu.wait_dma2 semaphore(%run_scoped3A : memref<!tpu.dma_semaphore, #tpu.memory_space<semaphore_mem>>) src(%arg10 : memref<128x128xf32, #tpu.memory_space<vmem>>) dst(%dma_wait3A_47 : memref<128x128xf32, #tpu.memory_space<vmem_shared>>)
        tpu.yield
      }) : () -> ()
    }
    %scan3A_13 = arith.constant 5 : i32
    %barrier3A = arith.constant 0 : index
    tpu.barrier barrier_id(%barrier3A)
    %add3A_14 = arith.constant 0 : i32
    %add3A_15 = arith.addi %mul3A_2, %add3A_14 : i32
    "tpu.region"() ({
      %run_scoped3A = tpu.sem_alloc : memref<!tpu.dma_semaphore, #tpu.memory_space<semaphore_mem>>
      %dma_start3A_35 = arith.constant 0 : i32
      %dma_start3A_36 = tpu.memref_slice %arg2[%add3A_15, %dma_start3A_35] : memref<2560x128xi32, #tpu.memory_space<hbm>> -> memref<8x128xi32, #tpu.memory_space<hbm>>
      %dma_start3A_37 = arith.constant 0 : i32
      %dma_start3A_38 = tpu.memref_slice %arg2[%add3A_15, %dma_start3A_37] : memref<2560x128xi32, #tpu.memory_space<hbm>> -> memref<8x128xi32, #tpu.memory_space<hbm>>
      tpu.enqueue_dma source(%dma_start3A_38 : memref<8x128xi32, #tpu.memory_space<hbm>>) target(%arg6 : memref<8x128xi32, #tpu.memory_space<vmem>>) target_semaphore(%run_scoped3A : memref<!tpu.dma_semaphore, #tpu.memory_space<semaphore_mem>>)
      %dma_wait3A = arith.constant 0 : i32
      %dma_wait3A_39 = tpu.memref_slice %arg2[%add3A_15, %dma_wait3A] : memref<2560x128xi32, #tpu.memory_space<hbm>> -> memref<8x128xi32, #tpu.memory_space<hbm>>
      %dma_wait3A_40 = arith.constant 0 : i32
      %dma_wait3A_41 = tpu.memref_slice %arg2[%add3A_15, %dma_wait3A_40] : memref<2560x128xi32, #tpu.memory_space<hbm>> -> memref<8x128xi32, #tpu.memory_space<hbm>>
      tpu.wait_dma2 semaphore(%run_scoped3A : memref<!tpu.dma_semaphore, #tpu.memory_space<semaphore_mem>>) src(%dma_wait3A_41 : memref<8x128xi32, #tpu.memory_space<hbm>>) dst(%arg6 : memref<8x128xi32, #tpu.memory_space<vmem>>)
      tpu.yield
    }) : () -> ()
    "tpu.region"() ({
      %run_scoped3A = tpu.sem_alloc : memref<!tpu.dma_semaphore, #tpu.memory_space<semaphore_mem>>
      %dma_start3A_35 = arith.constant 0 : i32
      %dma_start3A_36 = tpu.memref_slice %arg3[%add3A_15, %dma_start3A_35] : memref<2560x128xi32, #tpu.memory_space<hbm>> -> memref<8x128xi32, #tpu.memory_space<hbm>>
      %dma_start3A_37 = arith.constant 0 : i32
      %dma_start3A_38 = tpu.memref_slice %arg3[%add3A_15, %dma_start3A_37] : memref<2560x128xi32, #tpu.memory_space<hbm>> -> memref<8x128xi32, #tpu.memory_space<hbm>>
      tpu.enqueue_dma source(%dma_start3A_38 : memref<8x128xi32, #tpu.memory_space<hbm>>) target(%arg8 : memref<8x128xi32, #tpu.memory_space<vmem>>) target_semaphore(%run_scoped3A : memref<!tpu.dma_semaphore, #tpu.memory_space<semaphore_mem>>)
      %dma_wait3A = arith.constant 0 : i32
      %dma_wait3A_39 = tpu.memref_slice %arg3[%add3A_15, %dma_wait3A] : memref<2560x128xi32, #tpu.memory_space<hbm>> -> memref<8x128xi32, #tpu.memory_space<hbm>>
      %dma_wait3A_40 = arith.constant 0 : i32
      %dma_wait3A_41 = tpu.memref_slice %arg3[%add3A_15, %dma_wait3A_40] : memref<2560x128xi32, #tpu.memory_space<hbm>> -> memref<8x128xi32, #tpu.memory_space<hbm>>
      tpu.wait_dma2 semaphore(%run_scoped3A : memref<!tpu.dma_semaphore, #tpu.memory_space<semaphore_mem>>) src(%dma_wait3A_41 : memref<8x128xi32, #tpu.memory_space<hbm>>) dst(%arg8 : memref<8x128xi32, #tpu.memory_space<vmem>>)
      tpu.yield
    }) : () -> ()
    %dma_start3A = arith.constant 0 : i32
    %dma_start3A_16 = arith.constant 0 : i32
    %dma_start3A_17 = tpu.memref_slice %arg6[%dma_start3A, %dma_start3A_16] : memref<8x128xi32, #tpu.memory_space<vmem>> -> memref<1x128xi32, #tpu.memory_space<vmem>>
    %dma_start3A_18 = tpu.memref_squeeze %dma_start3A_17 : memref<1x128xi32, #tpu.memory_space<vmem>> -> memref<128xi32, #tpu.memory_space<vmem>>
    %dma_start3A_19 = arith.constant 0 : i32
    %dma_start3A_20 = arith.constant 0 : i32
    %dma_start3A_21 = tpu.memref_slice %arg4[%dma_start3A_19, %dma_start3A_20] : memref<10000x128xf32, #tpu.memory_space<hbm>> -> memref<10000x128xf32, #tpu.memory_space<hbm>>
    tpu.enqueue_indirect_dma source(%dma_start3A_21 : memref<10000x128xf32, #tpu.memory_space<hbm>>) target(%arg10 : memref<128x128xf32, #tpu.memory_space<vmem>>) offsets(%dma_start3A_18 : memref<128xi32, #tpu.memory_space<vmem>>) semaphore(%arg13 : memref<!tpu.dma_semaphore, #tpu.memory_space<semaphore_mem>>)
    %scan3A_22 = arith.constant 0 : i32
    %scan3A_23 = arith.constant 0 : i32
    %scan3A_24 = arith.constant 5 : i32
    %scan3A_25 = arith.addi %scan3A_23, %scan3A_24 : i32
    %scan3A_26 = arith.constant 1 : i32
    scf.for %scan3A_35 = %scan3A_23 to %scan3A_25 step %scan3A_26  : i32 {
      %mul3A_36 = arith.constant 2 : i32
      %mul3A_37 = arith.muli %mul3A_36, %scan3A_35 : i32
      %add3A_38 = arith.constant 1 : i32
      %add3A_39 = arith.addi %mul3A_37, %add3A_38 : i32
      %lt3A = arith.constant 10 : i32
      %lt3A_40 = arith.cmpi slt, %add3A_39, %lt3A : i32
      %convert_element_type3A = arith.extui %lt3A_40 : i1 to i32
      %cond3A = arith.constant 0 : i32
      %cond3A_41 = arith.cmpi ne, %convert_element_type3A, %cond3A : i32
      scf.if %cond3A_41 {
        %add3A_291 = arith.constant 1 : i32
        %add3A_292 = arith.addi %mul3A_37, %add3A_291 : i32
        %mul3A_293 = arith.constant 8 : i32
        %mul3A_294 = arith.muli %add3A_292, %mul3A_293 : i32
        %add3A_295 = arith.addi %mul3A_2, %mul3A_294 : i32
        "tpu.region"() ({
          %run_scoped3A_296 = tpu.sem_alloc : memref<!tpu.dma_semaphore, #tpu.memory_space<semaphore_mem>>
          %dma_start3A_297 = arith.constant 0 : i32
          %dma_start3A_298 = tpu.memref_slice %arg2[%add3A_295, %dma_start3A_297] : memref<2560x128xi32, #tpu.memory_space<hbm>> -> memref<8x128xi32, #tpu.memory_space<hbm>>
          %dma_start3A_299 = arith.constant 0 : i32
          %dma_start3A_300 = tpu.memref_slice %arg2[%add3A_295, %dma_start3A_299] : memref<2560x128xi32, #tpu.memory_space<hbm>> -> memref<8x128xi32, #tpu.memory_space<hbm>>
          tpu.enqueue_dma source(%dma_start3A_300 : memref<8x128xi32, #tpu.memory_space<hbm>>) target(%arg7 : memref<8x128xi32, #tpu.memory_space<vmem>>) target_semaphore(%run_scoped3A_296 : memref<!tpu.dma_semaphore, #tpu.memory_space<semaphore_mem>>)
          %dma_wait3A_301 = arith.constant 0 : i32
          %dma_wait3A_302 = tpu.memref_slice %arg2[%add3A_295, %dma_wait3A_301] : memref<2560x128xi32, #tpu.memory_space<hbm>> -> memref<8x128xi32, #tpu.memory_space<hbm>>
          %dma_wait3A_303 = arith.constant 0 : i32
          %dma_wait3A_304 = tpu.memref_slice %arg2[%add3A_295, %dma_wait3A_303] : memref<2560x128xi32, #tpu.memory_space<hbm>> -> memref<8x128xi32, #tpu.memory_space<hbm>>
          tpu.wait_dma2 semaphore(%run_scoped3A_296 : memref<!tpu.dma_semaphore, #tpu.memory_space<semaphore_mem>>) src(%dma_wait3A_304 : memref<8x128xi32, #tpu.memory_space<hbm>>) dst(%arg7 : memref<8x128xi32, #tpu.memory_space<vmem>>)
          tpu.yield
        }) : () -> ()
        "tpu.region"() ({
          %run_scoped3A_296 = tpu.sem_alloc : memref<!tpu.dma_semaphore, #tpu.memory_space<semaphore_mem>>
          %dma_start3A_297 = arith.constant 0 : i32
          %dma_start3A_298 = tpu.memref_slice %arg3[%add3A_295, %dma_start3A_297] : memref<2560x128xi32, #tpu.memory_space<hbm>> -> memref<8x128xi32, #tpu.memory_space<hbm>>
          %dma_start3A_299 = arith.constant 0 : i32
          %dma_start3A_300 = tpu.memref_slice %arg3[%add3A_295, %dma_start3A_299] : memref<2560x128xi32, #tpu.memory_space<hbm>> -> memref<8x128xi32, #tpu.memory_space<hbm>>
          tpu.enqueue_dma source(%dma_start3A_300 : memref<8x128xi32, #tpu.memory_space<hbm>>) target(%arg9 : memref<8x128xi32, #tpu.memory_space<vmem>>) target_semaphore(%run_scoped3A_296 : memref<!tpu.dma_semaphore, #tpu.memory_space<semaphore_mem>>)
          %dma_wait3A_301 = arith.constant 0 : i32
          %dma_wait3A_302 = tpu.memref_slice %arg3[%add3A_295, %dma_wait3A_301] : memref<2560x128xi32, #tpu.memory_space<hbm>> -> memref<8x128xi32, #tpu.memory_space<hbm>>
          %dma_wait3A_303 = arith.constant 0 : i32
          %dma_wait3A_304 = tpu.memref_slice %arg3[%add3A_295, %dma_wait3A_303] : memref<2560x128xi32, #tpu.memory_space<hbm>> -> memref<8x128xi32, #tpu.memory_space<hbm>>
          tpu.wait_dma2 semaphore(%run_scoped3A_296 : memref<!tpu.dma_semaphore, #tpu.memory_space<semaphore_mem>>) src(%dma_wait3A_304 : memref<8x128xi32, #tpu.memory_space<hbm>>) dst(%arg9 : memref<8x128xi32, #tpu.memory_space<vmem>>)
          tpu.yield
        }) : () -> ()
      } else {
      }
      %dma_wait3A = arith.constant 0 : i32
      %dma_wait3A_42 = arith.constant 0 : i32
      %dma_wait3A_43 = tpu.memref_slice %arg6[%dma_wait3A, %dma_wait3A_42] : memref<8x128xi32, #tpu.memory_space<vmem>> -> memref<1x128xi32, #tpu.memory_space<vmem>>
      %dma_wait3A_44 = tpu.memref_squeeze %dma_wait3A_43 : memref<1x128xi32, #tpu.memory_space<vmem>> -> memref<128xi32, #tpu.memory_space<vmem>>
      %dma_wait3A_45 = arith.constant 0 : i32
      %dma_wait3A_46 = arith.constant 0 : i32
      %dma_wait3A_47 = tpu.memref_slice %arg4[%dma_wait3A_45, %dma_wait3A_46] : memref<10000x128xf32, #tpu.memory_space<hbm>> -> memref<10000x128xf32, #tpu.memory_space<hbm>>
      tpu.wait_indirect_dma semaphore(%arg13 : memref<!tpu.dma_semaphore, #tpu.memory_space<semaphore_mem>>) src(%dma_wait3A_47 : memref<10000x128xf32, #tpu.memory_space<hbm>>) dst(%arg10 : memref<128x128xf32, #tpu.memory_space<vmem>>)
      %dma_start3A_48 = arith.constant 1 : i32
      %dma_start3A_49 = arith.constant 0 : i32
      %dma_start3A_50 = tpu.memref_slice %arg6[%dma_start3A_48, %dma_start3A_49] : memref<8x128xi32, #tpu.memory_space<vmem>> -> memref<1x128xi32, #tpu.memory_space<vmem>>
      %dma_start3A_51 = tpu.memref_squeeze %dma_start3A_50 : memref<1x128xi32, #tpu.memory_space<vmem>> -> memref<128xi32, #tpu.memory_space<vmem>>
      %dma_start3A_52 = arith.constant 0 : i32
      %dma_start3A_53 = arith.constant 0 : i32
      %dma_start3A_54 = tpu.memref_slice %arg4[%dma_start3A_52, %dma_start3A_53] : memref<10000x128xf32, #tpu.memory_space<hbm>> -> memref<10000x128xf32, #tpu.memory_space<hbm>>
      tpu.enqueue_indirect_dma source(%dma_start3A_54 : memref<10000x128xf32, #tpu.memory_space<hbm>>) target(%arg11 : memref<128x128xf32, #tpu.memory_space<vmem>>) offsets(%dma_start3A_51 : memref<128xi32, #tpu.memory_space<vmem>>) semaphore(%arg14 : memref<!tpu.dma_semaphore, #tpu.memory_space<semaphore_mem>>)
      %run_scoped3A = arith.constant 0 : i32
      "tpu.region"() ({
        %run_scoped3A_291 = tpu.sem_alloc : memref<!tpu.dma_semaphore, #tpu.memory_space<semaphore_mem>>
        %dma_start3A_292 = arith.constant 0 : i32
        %dma_start3A_293 = tpu.memref_slice %arg8[%run_scoped3A, %dma_start3A_292] : memref<8x128xi32, #tpu.memory_space<vmem>> -> memref<1x128xi32, #tpu.memory_space<vmem>>
        %dma_start3A_294 = tpu.memref_squeeze %dma_start3A_293 : memref<1x128xi32, #tpu.memory_space<vmem>> -> memref<128xi32, #tpu.memory_space<vmem>>
        %dma_start3A_295 = arith.constant 0 : i32
        %dma_start3A_296 = arith.constant 0 : i32
        %dma_start3A_297 = tpu.memref_slice %arg12[%dma_start3A_295, %dma_start3A_296] : memref<10240x128xf32, #tpu.memory_space<vmem_shared>> -> memref<10240x128xf32, #tpu.memory_space<vmem_shared>>
        tpu.enqueue_indirect_dma source(%arg10 : memref<128x128xf32, #tpu.memory_space<vmem>>) target(%dma_start3A_297 : memref<10240x128xf32, #tpu.memory_space<vmem_shared>>) offsets(%dma_start3A_294 : memref<128xi32, #tpu.memory_space<vmem>>) semaphore(%run_scoped3A_291 : memref<!tpu.dma_semaphore, #tpu.memory_space<semaphore_mem>>) {add = true}
        %dma_wait3A_298 = arith.constant 0 : i32
        %dma_wait3A_299 = tpu.memref_slice %arg8[%run_scoped3A, %dma_wait3A_298] : memref<8x128xi32, #tpu.memory_space<vmem>> -> memref<1x128xi32, #tpu.memory_space<vmem>>
        %dma_wait3A_300 = tpu.memref_squeeze %dma_wait3A_299 : memref<1x128xi32, #tpu.memory_space<vmem>> -> memref<128xi32, #tpu.memory_space<vmem>>
        %dma_wait3A_301 = arith.constant 0 : i32
        %dma_wait3A_302 = arith.constant 0 : i32
        %dma_wait3A_303 = tpu.memref_slice %arg12[%dma_wait3A_301, %dma_wait3A_302] : memref<10240x128xf32, #tpu.memory_space<vmem_shared>> -> memref<10240x128xf32, #tpu.memory_space<vmem_shared>>
        tpu.wait_indirect_dma semaphore(%run_scoped3A_291 : memref<!tpu.dma_semaphore, #tpu.memory_space<semaphore_mem>>) src(%arg10 : memref<128x128xf32, #tpu.memory_space<vmem>>) dst(%dma_wait3A_303 : memref<10240x128xf32, #tpu.memory_space<vmem_shared>>)
        tpu.yield
      }) : () -> ()
      %dma_wait3A_55 = arith.constant 1 : i32
      %dma_wait3A_56 = arith.constant 0 : i32
      %dma_wait3A_57 = tpu.memref_slice %arg6[%dma_wait3A_55, %dma_wait3A_56] : memref<8x128xi32, #tpu.memory_space<vmem>> -> memref<1x128xi32, #tpu.memory_space<vmem>>
      %dma_wait3A_58 = tpu.memref_squeeze %dma_wait3A_57 : memref<1x128xi32, #tpu.memory_space<vmem>> -> memref<128xi32, #tpu.memory_space<vmem>>
      %dma_wait3A_59 = arith.constant 0 : i32
      %dma_wait3A_60 = arith.constant 0 : i32
      %dma_wait3A_61 = tpu.memref_slice %arg4[%dma_wait3A_59, %dma_wait3A_60] : memref<10000x128xf32, #tpu.memory_space<hbm>> -> memref<10000x128xf32, #tpu.memory_space<hbm>>
      tpu.wait_indirect_dma semaphore(%arg14 : memref<!tpu.dma_semaphore, #tpu.memory_space<semaphore_mem>>) src(%dma_wait3A_61 : memref<10000x128xf32, #tpu.memory_space<hbm>>) dst(%arg11 : memref<128x128xf32, #tpu.memory_space<vmem>>)
      %dma_start3A_62 = arith.constant 2 : i32
      %dma_start3A_63 = arith.constant 0 : i32
      %dma_start3A_64 = tpu.memref_slice %arg6[%dma_start3A_62, %dma_start3A_63] : memref<8x128xi32, #tpu.memory_space<vmem>> -> memref<1x128xi32, #tpu.memory_space<vmem>>
      %dma_start3A_65 = tpu.memref_squeeze %dma_start3A_64 : memref<1x128xi32, #tpu.memory_space<vmem>> -> memref<128xi32, #tpu.memory_space<vmem>>
      %dma_start3A_66 = arith.constant 0 : i32
      %dma_start3A_67 = arith.constant 0 : i32
      %dma_start3A_68 = tpu.memref_slice %arg4[%dma_start3A_66, %dma_start3A_67] : memref<10000x128xf32, #tpu.memory_space<hbm>> -> memref<10000x128xf32, #tpu.memory_space<hbm>>
      tpu.enqueue_indirect_dma source(%dma_start3A_68 : memref<10000x128xf32, #tpu.memory_space<hbm>>) target(%arg10 : memref<128x128xf32, #tpu.memory_space<vmem>>) offsets(%dma_start3A_65 : memref<128xi32, #tpu.memory_space<vmem>>) semaphore(%arg13 : memref<!tpu.dma_semaphore, #tpu.memory_space<semaphore_mem>>)
      %run_scoped3A_69 = arith.constant 1 : i32
      "tpu.region"() ({
        %run_scoped3A_291 = tpu.sem_alloc : memref<!tpu.dma_semaphore, #tpu.memory_space<semaphore_mem>>
        %dma_start3A_292 = arith.constant 0 : i32
        %dma_start3A_293 = tpu.memref_slice %arg8[%run_scoped3A_69, %dma_start3A_292] : memref<8x128xi32, #tpu.memory_space<vmem>> -> memref<1x128xi32, #tpu.memory_space<vmem>>
        %dma_start3A_294 = tpu.memref_squeeze %dma_start3A_293 : memref<1x128xi32, #tpu.memory_space<vmem>> -> memref<128xi32, #tpu.memory_space<vmem>>
        %dma_start3A_295 = arith.constant 0 : i32
        %dma_start3A_296 = arith.constant 0 : i32
        %dma_start3A_297 = tpu.memref_slice %arg12[%dma_start3A_295, %dma_start3A_296] : memref<10240x128xf32, #tpu.memory_space<vmem_shared>> -> memref<10240x128xf32, #tpu.memory_space<vmem_shared>>
        tpu.enqueue_indirect_dma source(%arg11 : memref<128x128xf32, #tpu.memory_space<vmem>>) target(%dma_start3A_297 : memref<10240x128xf32, #tpu.memory_space<vmem_shared>>) offsets(%dma_start3A_294 : memref<128xi32, #tpu.memory_space<vmem>>) semaphore(%run_scoped3A_291 : memref<!tpu.dma_semaphore, #tpu.memory_space<semaphore_mem>>) {add = true}
        %dma_wait3A_298 = arith.constant 0 : i32
        %dma_wait3A_299 = tpu.memref_slice %arg8[%run_scoped3A_69, %dma_wait3A_298] : memref<8x128xi32, #tpu.memory_space<vmem>> -> memref<1x128xi32, #tpu.memory_space<vmem>>
        %dma_wait3A_300 = tpu.memref_squeeze %dma_wait3A_299 : memref<1x128xi32, #tpu.memory_space<vmem>> -> memref<128xi32, #tpu.memory_space<vmem>>
        %dma_wait3A_301 = arith.constant 0 : i32
        %dma_wait3A_302 = arith.constant 0 : i32
        %dma_wait3A_303 = tpu.memref_slice %arg12[%dma_wait3A_301, %dma_wait3A_302] : memref<10240x128xf32, #tpu.memory_space<vmem_shared>> -> memref<10240x128xf32, #tpu.memory_space<vmem_shared>>
        tpu.wait_indirect_dma semaphore(%run_scoped3A_291 : memref<!tpu.dma_semaphore, #tpu.memory_space<semaphore_mem>>) src(%arg11 : memref<128x128xf32, #tpu.memory_space<vmem>>) dst(%dma_wait3A_303 : memref<10240x128xf32, #tpu.memory_space<vmem_shared>>)
        tpu.yield
      }) : () -> ()
      %dma_wait3A_70 = arith.constant 2 : i32
      %dma_wait3A_71 = arith.constant 0 : i32
      %dma_wait3A_72 = tpu.memref_slice %arg6[%dma_wait3A_70, %dma_wait3A_71] : memref<8x128xi32, #tpu.memory_space<vmem>> -> memref<1x128xi32, #tpu.memory_space<vmem>>
      %dma_wait3A_73 = tpu.memref_squeeze %dma_wait3A_72 : memref<1x128xi32, #tpu.memory_space<vmem>> -> memref<128xi32, #tpu.memory_space<vmem>>
      %dma_wait3A_74 = arith.constant 0 : i32
      %dma_wait3A_75 = arith.constant 0 : i32
      %dma_wait3A_76 = tpu.memref_slice %arg4[%dma_wait3A_74, %dma_wait3A_75] : memref<10000x128xf32, #tpu.memory_space<hbm>> -> memref<10000x128xf32, #tpu.memory_space<hbm>>
      tpu.wait_indirect_dma semaphore(%arg13 : memref<!tpu.dma_semaphore, #tpu.memory_space<semaphore_mem>>) src(%dma_wait3A_76 : memref<10000x128xf32, #tpu.memory_space<hbm>>) dst(%arg10 : memref<128x128xf32, #tpu.memory_space<vmem>>)
      %dma_start3A_77 = arith.constant 3 : i32
      %dma_start3A_78 = arith.constant 0 : i32
      %dma_start3A_79 = tpu.memref_slice %arg6[%dma_start3A_77, %dma_start3A_78] : memref<8x128xi32, #tpu.memory_space<vmem>> -> memref<1x128xi32, #tpu.memory_space<vmem>>
      %dma_start3A_80 = tpu.memref_squeeze %dma_start3A_79 : memref<1x128xi32, #tpu.memory_space<vmem>> -> memref<128xi32, #tpu.memory_space<vmem>>
      %dma_start3A_81 = arith.constant 0 : i32
      %dma_start3A_82 = arith.constant 0 : i32
      %dma_start3A_83 = tpu.memref_slice %arg4[%dma_start3A_81, %dma_start3A_82] : memref<10000x128xf32, #tpu.memory_space<hbm>> -> memref<10000x128xf32, #tpu.memory_space<hbm>>
      tpu.enqueue_indirect_dma source(%dma_start3A_83 : memref<10000x128xf32, #tpu.memory_space<hbm>>) target(%arg11 : memref<128x128xf32, #tpu.memory_space<vmem>>) offsets(%dma_start3A_80 : memref<128xi32, #tpu.memory_space<vmem>>) semaphore(%arg14 : memref<!tpu.dma_semaphore, #tpu.memory_space<semaphore_mem>>)
      %run_scoped3A_84 = arith.constant 2 : i32
      "tpu.region"() ({
        %run_scoped3A_291 = tpu.sem_alloc : memref<!tpu.dma_semaphore, #tpu.memory_space<semaphore_mem>>
        %dma_start3A_292 = arith.constant 0 : i32
        %dma_start3A_293 = tpu.memref_slice %arg8[%run_scoped3A_84, %dma_start3A_292] : memref<8x128xi32, #tpu.memory_space<vmem>> -> memref<1x128xi32, #tpu.memory_space<vmem>>
        %dma_start3A_294 = tpu.memref_squeeze %dma_start3A_293 : memref<1x128xi32, #tpu.memory_space<vmem>> -> memref<128xi32, #tpu.memory_space<vmem>>
        %dma_start3A_295 = arith.constant 0 : i32
        %dma_start3A_296 = arith.constant 0 : i32
        %dma_start3A_297 = tpu.memref_slice %arg12[%dma_start3A_295, %dma_start3A_296] : memref<10240x128xf32, #tpu.memory_space<vmem_shared>> -> memref<10240x128xf32, #tpu.memory_space<vmem_shared>>
        tpu.enqueue_indirect_dma source(%arg10 : memref<128x128xf32, #tpu.memory_space<vmem>>) target(%dma_start3A_297 : memref<10240x128xf32, #tpu.memory_space<vmem_shared>>) offsets(%dma_start3A_294 : memref<128xi32, #tpu.memory_space<vmem>>) semaphore(%run_scoped3A_291 : memref<!tpu.dma_semaphore, #tpu.memory_space<semaphore_mem>>) {add = true}
        %dma_wait3A_298 = arith.constant 0 : i32
        %dma_wait3A_299 = tpu.memref_slice %arg8[%run_scoped3A_84, %dma_wait3A_298] : memref<8x128xi32, #tpu.memory_space<vmem>> -> memref<1x128xi32, #tpu.memory_space<vmem>>
        %dma_wait3A_300 = tpu.memref_squeeze %dma_wait3A_299 : memref<1x128xi32, #tpu.memory_space<vmem>> -> memref<128xi32, #tpu.memory_space<vmem>>
        %dma_wait3A_301 = arith.constant 0 : i32
        %dma_wait3A_302 = arith.constant 0 : i32
        %dma_wait3A_303 = tpu.memref_slice %arg12[%dma_wait3A_301, %dma_wait3A_302] : memref<10240x128xf32, #tpu.memory_space<vmem_shared>> -> memref<10240x128xf32, #tpu.memory_space<vmem_shared>>
        tpu.wait_indirect_dma semaphore(%run_scoped3A_291 : memref<!tpu.dma_semaphore, #tpu.memory_space<semaphore_mem>>) src(%arg10 : memref<128x128xf32, #tpu.memory_space<vmem>>) dst(%dma_wait3A_303 : memref<10240x128xf32, #tpu.memory_space<vmem_shared>>)
        tpu.yield
      }) : () -> ()
      %dma_wait3A_85 = arith.constant 3 : i32
      %dma_wait3A_86 = arith.constant 0 : i32
      %dma_wait3A_87 = tpu.memref_slice %arg6[%dma_wait3A_85, %dma_wait3A_86] : memref<8x128xi32, #tpu.memory_space<vmem>> -> memref<1x128xi32, #tpu.memory_space<vmem>>
      %dma_wait3A_88 = tpu.memref_squeeze %dma_wait3A_87 : memref<1x128xi32, #tpu.memory_space<vmem>> -> memref<128xi32, #tpu.memory_space<vmem>>
      %dma_wait3A_89 = arith.constant 0 : i32
      %dma_wait3A_90 = arith.constant 0 : i32
      %dma_wait3A_91 = tpu.memref_slice %arg4[%dma_wait3A_89, %dma_wait3A_90] : memref<10000x128xf32, #tpu.memory_space<hbm>> -> memref<10000x128xf32, #tpu.memory_space<hbm>>
      tpu.wait_indirect_dma semaphore(%arg14 : memref<!tpu.dma_semaphore, #tpu.memory_space<semaphore_mem>>) src(%dma_wait3A_91 : memref<10000x128xf32, #tpu.memory_space<hbm>>) dst(%arg11 : memref<128x128xf32, #tpu.memory_space<vmem>>)
      %dma_start3A_92 = arith.constant 4 : i32
      %dma_start3A_93 = arith.constant 0 : i32
      %dma_start3A_94 = tpu.memref_slice %arg6[%dma_start3A_92, %dma_start3A_93] : memref<8x128xi32, #tpu.memory_space<vmem>> -> memref<1x128xi32, #tpu.memory_space<vmem>>
      %dma_start3A_95 = tpu.memref_squeeze %dma_start3A_94 : memref<1x128xi32, #tpu.memory_space<vmem>> -> memref<128xi32, #tpu.memory_space<vmem>>
      %dma_start3A_96 = arith.constant 0 : i32
      %dma_start3A_97 = arith.constant 0 : i32
      %dma_start3A_98 = tpu.memref_slice %arg4[%dma_start3A_96, %dma_start3A_97] : memref<10000x128xf32, #tpu.memory_space<hbm>> -> memref<10000x128xf32, #tpu.memory_space<hbm>>
      tpu.enqueue_indirect_dma source(%dma_start3A_98 : memref<10000x128xf32, #tpu.memory_space<hbm>>) target(%arg10 : memref<128x128xf32, #tpu.memory_space<vmem>>) offsets(%dma_start3A_95 : memref<128xi32, #tpu.memory_space<vmem>>) semaphore(%arg13 : memref<!tpu.dma_semaphore, #tpu.memory_space<semaphore_mem>>)
      %run_scoped3A_99 = arith.constant 3 : i32
      "tpu.region"() ({
        %run_scoped3A_291 = tpu.sem_alloc : memref<!tpu.dma_semaphore, #tpu.memory_space<semaphore_mem>>
        %dma_start3A_292 = arith.constant 0 : i32
        %dma_start3A_293 = tpu.memref_slice %arg8[%run_scoped3A_99, %dma_start3A_292] : memref<8x128xi32, #tpu.memory_space<vmem>> -> memref<1x128xi32, #tpu.memory_space<vmem>>
        %dma_start3A_294 = tpu.memref_squeeze %dma_start3A_293 : memref<1x128xi32, #tpu.memory_space<vmem>> -> memref<128xi32, #tpu.memory_space<vmem>>
        %dma_start3A_295 = arith.constant 0 : i32
        %dma_start3A_296 = arith.constant 0 : i32
        %dma_start3A_297 = tpu.memref_slice %arg12[%dma_start3A_295, %dma_start3A_296] : memref<10240x128xf32, #tpu.memory_space<vmem_shared>> -> memref<10240x128xf32, #tpu.memory_space<vmem_shared>>
        tpu.enqueue_indirect_dma source(%arg11 : memref<128x128xf32, #tpu.memory_space<vmem>>) target(%dma_start3A_297 : memref<10240x128xf32, #tpu.memory_space<vmem_shared>>) offsets(%dma_start3A_294 : memref<128xi32, #tpu.memory_space<vmem>>) semaphore(%run_scoped3A_291 : memref<!tpu.dma_semaphore, #tpu.memory_space<semaphore_mem>>) {add = true}
        %dma_wait3A_298 = arith.constant 0 : i32
        %dma_wait3A_299 = tpu.memref_slice %arg8[%run_scoped3A_99, %dma_wait3A_298] : memref<8x128xi32, #tpu.memory_space<vmem>> -> memref<1x128xi32, #tpu.memory_space<vmem>>
        %dma_wait3A_300 = tpu.memref_squeeze %dma_wait3A_299 : memref<1x128xi32, #tpu.memory_space<vmem>> -> memref<128xi32, #tpu.memory_space<vmem>>
        %dma_wait3A_301 = arith.constant 0 : i32
        %dma_wait3A_302 = arith.constant 0 : i32
        %dma_wait3A_303 = tpu.memref_slice %arg12[%dma_wait3A_301, %dma_wait3A_302] : memref<10240x128xf32, #tpu.memory_space<vmem_shared>> -> memref<10240x128xf32, #tpu.memory_space<vmem_shared>>
        tpu.wait_indirect_dma semaphore(%run_scoped3A_291 : memref<!tpu.dma_semaphore, #tpu.memory_space<semaphore_mem>>) src(%arg11 : memref<128x128xf32, #tpu.memory_space<vmem>>) dst(%dma_wait3A_303 : memref<10240x128xf32, #tpu.memory_space<vmem_shared>>)
        tpu.yield
      }) : () -> ()
      %dma_wait3A_100 = arith.constant 4 : i32
      %dma_wait3A_101 = arith.constant 0 : i32
      %dma_wait3A_102 = tpu.memref_slice %arg6[%dma_wait3A_100, %dma_wait3A_101] : memref<8x128xi32, #tpu.memory_space<vmem>> -> memref<1x128xi32, #tpu.memory_space<vmem>>
      %dma_wait3A_103 = tpu.memref_squeeze %dma_wait3A_102 : memref<1x128xi32, #tpu.memory_space<vmem>> -> memref<128xi32, #tpu.memory_space<vmem>>
      %dma_wait3A_104 = arith.constant 0 : i32
      %dma_wait3A_105 = arith.constant 0 : i32
      %dma_wait3A_106 = tpu.memref_slice %arg4[%dma_wait3A_104, %dma_wait3A_105] : memref<10000x128xf32, #tpu.memory_space<hbm>> -> memref<10000x128xf32, #tpu.memory_space<hbm>>
      tpu.wait_indirect_dma semaphore(%arg13 : memref<!tpu.dma_semaphore, #tpu.memory_space<semaphore_mem>>) src(%dma_wait3A_106 : memref<10000x128xf32, #tpu.memory_space<hbm>>) dst(%arg10 : memref<128x128xf32, #tpu.memory_space<vmem>>)
      %dma_start3A_107 = arith.constant 5 : i32
      %dma_start3A_108 = arith.constant 0 : i32
      %dma_start3A_109 = tpu.memref_slice %arg6[%dma_start3A_107, %dma_start3A_108] : memref<8x128xi32, #tpu.memory_space<vmem>> -> memref<1x128xi32, #tpu.memory_space<vmem>>
      %dma_start3A_110 = tpu.memref_squeeze %dma_start3A_109 : memref<1x128xi32, #tpu.memory_space<vmem>> -> memref<128xi32, #tpu.memory_space<vmem>>
      %dma_start3A_111 = arith.constant 0 : i32
      %dma_start3A_112 = arith.constant 0 : i32
      %dma_start3A_113 = tpu.memref_slice %arg4[%dma_start3A_111, %dma_start3A_112] : memref<10000x128xf32, #tpu.memory_space<hbm>> -> memref<10000x128xf32, #tpu.memory_space<hbm>>
      tpu.enqueue_indirect_dma source(%dma_start3A_113 : memref<10000x128xf32, #tpu.memory_space<hbm>>) target(%arg11 : memref<128x128xf32, #tpu.memory_space<vmem>>) offsets(%dma_start3A_110 : memref<128xi32, #tpu.memory_space<vmem>>) semaphore(%arg14 : memref<!tpu.dma_semaphore, #tpu.memory_space<semaphore_mem>>)
      %run_scoped3A_114 = arith.constant 4 : i32
      "tpu.region"() ({
        %run_scoped3A_291 = tpu.sem_alloc : memref<!tpu.dma_semaphore, #tpu.memory_space<semaphore_mem>>
        %dma_start3A_292 = arith.constant 0 : i32
        %dma_start3A_293 = tpu.memref_slice %arg8[%run_scoped3A_114, %dma_start3A_292] : memref<8x128xi32, #tpu.memory_space<vmem>> -> memref<1x128xi32, #tpu.memory_space<vmem>>
        %dma_start3A_294 = tpu.memref_squeeze %dma_start3A_293 : memref<1x128xi32, #tpu.memory_space<vmem>> -> memref<128xi32, #tpu.memory_space<vmem>>
        %dma_start3A_295 = arith.constant 0 : i32
        %dma_start3A_296 = arith.constant 0 : i32
        %dma_start3A_297 = tpu.memref_slice %arg12[%dma_start3A_295, %dma_start3A_296] : memref<10240x128xf32, #tpu.memory_space<vmem_shared>> -> memref<10240x128xf32, #tpu.memory_space<vmem_shared>>
        tpu.enqueue_indirect_dma source(%arg10 : memref<128x128xf32, #tpu.memory_space<vmem>>) target(%dma_start3A_297 : memref<10240x128xf32, #tpu.memory_space<vmem_shared>>) offsets(%dma_start3A_294 : memref<128xi32, #tpu.memory_space<vmem>>) semaphore(%run_scoped3A_291 : memref<!tpu.dma_semaphore, #tpu.memory_space<semaphore_mem>>) {add = true}
        %dma_wait3A_298 = arith.constant 0 : i32
        %dma_wait3A_299 = tpu.memref_slice %arg8[%run_scoped3A_114, %dma_wait3A_298] : memref<8x128xi32, #tpu.memory_space<vmem>> -> memref<1x128xi32, #tpu.memory_space<vmem>>
        %dma_wait3A_300 = tpu.memref_squeeze %dma_wait3A_299 : memref<1x128xi32, #tpu.memory_space<vmem>> -> memref<128xi32, #tpu.memory_space<vmem>>
        %dma_wait3A_301 = arith.constant 0 : i32
        %dma_wait3A_302 = arith.constant 0 : i32
        %dma_wait3A_303 = tpu.memref_slice %arg12[%dma_wait3A_301, %dma_wait3A_302] : memref<10240x128xf32, #tpu.memory_space<vmem_shared>> -> memref<10240x128xf32, #tpu.memory_space<vmem_shared>>
        tpu.wait_indirect_dma semaphore(%run_scoped3A_291 : memref<!tpu.dma_semaphore, #tpu.memory_space<semaphore_mem>>) src(%arg10 : memref<128x128xf32, #tpu.memory_space<vmem>>) dst(%dma_wait3A_303 : memref<10240x128xf32, #tpu.memory_space<vmem_shared>>)
        tpu.yield
      }) : () -> ()
      %dma_wait3A_115 = arith.constant 5 : i32
      %dma_wait3A_116 = arith.constant 0 : i32
      %dma_wait3A_117 = tpu.memref_slice %arg6[%dma_wait3A_115, %dma_wait3A_116] : memref<8x128xi32, #tpu.memory_space<vmem>> -> memref<1x128xi32, #tpu.memory_space<vmem>>
      %dma_wait3A_118 = tpu.memref_squeeze %dma_wait3A_117 : memref<1x128xi32, #tpu.memory_space<vmem>> -> memref<128xi32, #tpu.memory_space<vmem>>
      %dma_wait3A_119 = arith.constant 0 : i32
      %dma_wait3A_120 = arith.constant 0 : i32
      %dma_wait3A_121 = tpu.memref_slice %arg4[%dma_wait3A_119, %dma_wait3A_120] : memref<10000x128xf32, #tpu.memory_space<hbm>> -> memref<10000x128xf32, #tpu.memory_space<hbm>>
      tpu.wait_indirect_dma semaphore(%arg14 : memref<!tpu.dma_semaphore, #tpu.memory_space<semaphore_mem>>) src(%dma_wait3A_121 : memref<10000x128xf32, #tpu.memory_space<hbm>>) dst(%arg11 : memref<128x128xf32, #tpu.memory_space<vmem>>)
      %dma_start3A_122 = arith.constant 6 : i32
      %dma_start3A_123 = arith.constant 0 : i32
      %dma_start3A_124 = tpu.memref_slice %arg6[%dma_start3A_122, %dma_start3A_123] : memref<8x128xi32, #tpu.memory_space<vmem>> -> memref<1x128xi32, #tpu.memory_space<vmem>>
      %dma_start3A_125 = tpu.memref_squeeze %dma_start3A_124 : memref<1x128xi32, #tpu.memory_space<vmem>> -> memref<128xi32, #tpu.memory_space<vmem>>
      %dma_start3A_126 = arith.constant 0 : i32
      %dma_start3A_127 = arith.constant 0 : i32
      %dma_start3A_128 = tpu.memref_slice %arg4[%dma_start3A_126, %dma_start3A_127] : memref<10000x128xf32, #tpu.memory_space<hbm>> -> memref<10000x128xf32, #tpu.memory_space<hbm>>
      tpu.enqueue_indirect_dma source(%dma_start3A_128 : memref<10000x128xf32, #tpu.memory_space<hbm>>) target(%arg10 : memref<128x128xf32, #tpu.memory_space<vmem>>) offsets(%dma_start3A_125 : memref<128xi32, #tpu.memory_space<vmem>>) semaphore(%arg13 : memref<!tpu.dma_semaphore, #tpu.memory_space<semaphore_mem>>)
      %run_scoped3A_129 = arith.constant 5 : i32
      "tpu.region"() ({
        %run_scoped3A_291 = tpu.sem_alloc : memref<!tpu.dma_semaphore, #tpu.memory_space<semaphore_mem>>
        %dma_start3A_292 = arith.constant 0 : i32
        %dma_start3A_293 = tpu.memref_slice %arg8[%run_scoped3A_129, %dma_start3A_292] : memref<8x128xi32, #tpu.memory_space<vmem>> -> memref<1x128xi32, #tpu.memory_space<vmem>>
        %dma_start3A_294 = tpu.memref_squeeze %dma_start3A_293 : memref<1x128xi32, #tpu.memory_space<vmem>> -> memref<128xi32, #tpu.memory_space<vmem>>
        %dma_start3A_295 = arith.constant 0 : i32
        %dma_start3A_296 = arith.constant 0 : i32
        %dma_start3A_297 = tpu.memref_slice %arg12[%dma_start3A_295, %dma_start3A_296] : memref<10240x128xf32, #tpu.memory_space<vmem_shared>> -> memref<10240x128xf32, #tpu.memory_space<vmem_shared>>
        tpu.enqueue_indirect_dma source(%arg11 : memref<128x128xf32, #tpu.memory_space<vmem>>) target(%dma_start3A_297 : memref<10240x128xf32, #tpu.memory_space<vmem_shared>>) offsets(%dma_start3A_294 : memref<128xi32, #tpu.memory_space<vmem>>) semaphore(%run_scoped3A_291 : memref<!tpu.dma_semaphore, #tpu.memory_space<semaphore_mem>>) {add = true}
        %dma_wait3A_298 = arith.constant 0 : i32
        %dma_wait3A_299 = tpu.memref_slice %arg8[%run_scoped3A_129, %dma_wait3A_298] : memref<8x128xi32, #tpu.memory_space<vmem>> -> memref<1x128xi32, #tpu.memory_space<vmem>>
        %dma_wait3A_300 = tpu.memref_squeeze %dma_wait3A_299 : memref<1x128xi32, #tpu.memory_space<vmem>> -> memref<128xi32, #tpu.memory_space<vmem>>
        %dma_wait3A_301 = arith.constant 0 : i32
        %dma_wait3A_302 = arith.constant 0 : i32
        %dma_wait3A_303 = tpu.memref_slice %arg12[%dma_wait3A_301, %dma_wait3A_302] : memref<10240x128xf32, #tpu.memory_space<vmem_shared>> -> memref<10240x128xf32, #tpu.memory_space<vmem_shared>>
        tpu.wait_indirect_dma semaphore(%run_scoped3A_291 : memref<!tpu.dma_semaphore, #tpu.memory_space<semaphore_mem>>) src(%arg11 : memref<128x128xf32, #tpu.memory_space<vmem>>) dst(%dma_wait3A_303 : memref<10240x128xf32, #tpu.memory_space<vmem_shared>>)
        tpu.yield
      }) : () -> ()
      %dma_wait3A_130 = arith.constant 6 : i32
      %dma_wait3A_131 = arith.constant 0 : i32
      %dma_wait3A_132 = tpu.memref_slice %arg6[%dma_wait3A_130, %dma_wait3A_131] : memref<8x128xi32, #tpu.memory_space<vmem>> -> memref<1x128xi32, #tpu.memory_space<vmem>>
      %dma_wait3A_133 = tpu.memref_squeeze %dma_wait3A_132 : memref<1x128xi32, #tpu.memory_space<vmem>> -> memref<128xi32, #tpu.memory_space<vmem>>
      %dma_wait3A_134 = arith.constant 0 : i32
      %dma_wait3A_135 = arith.constant 0 : i32
      %dma_wait3A_136 = tpu.memref_slice %arg4[%dma_wait3A_134, %dma_wait3A_135] : memref<10000x128xf32, #tpu.memory_space<hbm>> -> memref<10000x128xf32, #tpu.memory_space<hbm>>
      tpu.wait_indirect_dma semaphore(%arg13 : memref<!tpu.dma_semaphore, #tpu.memory_space<semaphore_mem>>) src(%dma_wait3A_136 : memref<10000x128xf32, #tpu.memory_space<hbm>>) dst(%arg10 : memref<128x128xf32, #tpu.memory_space<vmem>>)
      %dma_start3A_137 = arith.constant 7 : i32
      %dma_start3A_138 = arith.constant 0 : i32
      %dma_start3A_139 = tpu.memref_slice %arg6[%dma_start3A_137, %dma_start3A_138] : memref<8x128xi32, #tpu.memory_space<vmem>> -> memref<1x128xi32, #tpu.memory_space<vmem>>
      %dma_start3A_140 = tpu.memref_squeeze %dma_start3A_139 : memref<1x128xi32, #tpu.memory_space<vmem>> -> memref<128xi32, #tpu.memory_space<vmem>>
      %dma_start3A_141 = arith.constant 0 : i32
      %dma_start3A_142 = arith.constant 0 : i32
      %dma_start3A_143 = tpu.memref_slice %arg4[%dma_start3A_141, %dma_start3A_142] : memref<10000x128xf32, #tpu.memory_space<hbm>> -> memref<10000x128xf32, #tpu.memory_space<hbm>>
      tpu.enqueue_indirect_dma source(%dma_start3A_143 : memref<10000x128xf32, #tpu.memory_space<hbm>>) target(%arg11 : memref<128x128xf32, #tpu.memory_space<vmem>>) offsets(%dma_start3A_140 : memref<128xi32, #tpu.memory_space<vmem>>) semaphore(%arg14 : memref<!tpu.dma_semaphore, #tpu.memory_space<semaphore_mem>>)
      %run_scoped3A_144 = arith.constant 6 : i32
      "tpu.region"() ({
        %run_scoped3A_291 = tpu.sem_alloc : memref<!tpu.dma_semaphore, #tpu.memory_space<semaphore_mem>>
        %dma_start3A_292 = arith.constant 0 : i32
        %dma_start3A_293 = tpu.memref_slice %arg8[%run_scoped3A_144, %dma_start3A_292] : memref<8x128xi32, #tpu.memory_space<vmem>> -> memref<1x128xi32, #tpu.memory_space<vmem>>
        %dma_start3A_294 = tpu.memref_squeeze %dma_start3A_293 : memref<1x128xi32, #tpu.memory_space<vmem>> -> memref<128xi32, #tpu.memory_space<vmem>>
        %dma_start3A_295 = arith.constant 0 : i32
        %dma_start3A_296 = arith.constant 0 : i32
        %dma_start3A_297 = tpu.memref_slice %arg12[%dma_start3A_295, %dma_start3A_296] : memref<10240x128xf32, #tpu.memory_space<vmem_shared>> -> memref<10240x128xf32, #tpu.memory_space<vmem_shared>>
        tpu.enqueue_indirect_dma source(%arg10 : memref<128x128xf32, #tpu.memory_space<vmem>>) target(%dma_start3A_297 : memref<10240x128xf32, #tpu.memory_space<vmem_shared>>) offsets(%dma_start3A_294 : memref<128xi32, #tpu.memory_space<vmem>>) semaphore(%run_scoped3A_291 : memref<!tpu.dma_semaphore, #tpu.memory_space<semaphore_mem>>) {add = true}
        %dma_wait3A_298 = arith.constant 0 : i32
        %dma_wait3A_299 = tpu.memref_slice %arg8[%run_scoped3A_144, %dma_wait3A_298] : memref<8x128xi32, #tpu.memory_space<vmem>> -> memref<1x128xi32, #tpu.memory_space<vmem>>
        %dma_wait3A_300 = tpu.memref_squeeze %dma_wait3A_299 : memref<1x128xi32, #tpu.memory_space<vmem>> -> memref<128xi32, #tpu.memory_space<vmem>>
        %dma_wait3A_301 = arith.constant 0 : i32
        %dma_wait3A_302 = arith.constant 0 : i32
        %dma_wait3A_303 = tpu.memref_slice %arg12[%dma_wait3A_301, %dma_wait3A_302] : memref<10240x128xf32, #tpu.memory_space<vmem_shared>> -> memref<10240x128xf32, #tpu.memory_space<vmem_shared>>
        tpu.wait_indirect_dma semaphore(%run_scoped3A_291 : memref<!tpu.dma_semaphore, #tpu.memory_space<semaphore_mem>>) src(%arg10 : memref<128x128xf32, #tpu.memory_space<vmem>>) dst(%dma_wait3A_303 : memref<10240x128xf32, #tpu.memory_space<vmem_shared>>)
        tpu.yield
      }) : () -> ()
      %dma_wait3A_145 = arith.constant 7 : i32
      %dma_wait3A_146 = arith.constant 0 : i32
      %dma_wait3A_147 = tpu.memref_slice %arg6[%dma_wait3A_145, %dma_wait3A_146] : memref<8x128xi32, #tpu.memory_space<vmem>> -> memref<1x128xi32, #tpu.memory_space<vmem>>
      %dma_wait3A_148 = tpu.memref_squeeze %dma_wait3A_147 : memref<1x128xi32, #tpu.memory_space<vmem>> -> memref<128xi32, #tpu.memory_space<vmem>>
      %dma_wait3A_149 = arith.constant 0 : i32
      %dma_wait3A_150 = arith.constant 0 : i32
      %dma_wait3A_151 = tpu.memref_slice %arg4[%dma_wait3A_149, %dma_wait3A_150] : memref<10000x128xf32, #tpu.memory_space<hbm>> -> memref<10000x128xf32, #tpu.memory_space<hbm>>
      tpu.wait_indirect_dma semaphore(%arg14 : memref<!tpu.dma_semaphore, #tpu.memory_space<semaphore_mem>>) src(%dma_wait3A_151 : memref<10000x128xf32, #tpu.memory_space<hbm>>) dst(%arg11 : memref<128x128xf32, #tpu.memory_space<vmem>>)
      %add3A_152 = arith.constant 1 : i32
      %add3A_153 = arith.addi %mul3A_37, %add3A_152 : i32
      %lt3A_154 = arith.constant 10 : i32
      %lt3A_155 = arith.cmpi slt, %add3A_153, %lt3A_154 : i32
      %convert_element_type3A_156 = arith.extui %lt3A_155 : i1 to i32
      %cond3A_157 = arith.constant 0 : i32
      %cond3A_158 = arith.cmpi ne, %convert_element_type3A_156, %cond3A_157 : i32
      scf.if %cond3A_158 {
        %dma_start3A_291 = arith.constant 0 : i32
        %dma_start3A_292 = arith.constant 0 : i32
        %dma_start3A_293 = tpu.memref_slice %arg7[%dma_start3A_291, %dma_start3A_292] : memref<8x128xi32, #tpu.memory_space<vmem>> -> memref<1x128xi32, #tpu.memory_space<vmem>>
        %dma_start3A_294 = tpu.memref_squeeze %dma_start3A_293 : memref<1x128xi32, #tpu.memory_space<vmem>> -> memref<128xi32, #tpu.memory_space<vmem>>
        %dma_start3A_295 = arith.constant 0 : i32
        %dma_start3A_296 = arith.constant 0 : i32
        %dma_start3A_297 = tpu.memref_slice %arg4[%dma_start3A_295, %dma_start3A_296] : memref<10000x128xf32, #tpu.memory_space<hbm>> -> memref<10000x128xf32, #tpu.memory_space<hbm>>
        tpu.enqueue_indirect_dma source(%dma_start3A_297 : memref<10000x128xf32, #tpu.memory_space<hbm>>) target(%arg10 : memref<128x128xf32, #tpu.memory_space<vmem>>) offsets(%dma_start3A_294 : memref<128xi32, #tpu.memory_space<vmem>>) semaphore(%arg13 : memref<!tpu.dma_semaphore, #tpu.memory_space<semaphore_mem>>)
      } else {
      }
      %run_scoped3A_159 = arith.constant 7 : i32
      "tpu.region"() ({
        %run_scoped3A_291 = tpu.sem_alloc : memref<!tpu.dma_semaphore, #tpu.memory_space<semaphore_mem>>
        %dma_start3A_292 = arith.constant 0 : i32
        %dma_start3A_293 = tpu.memref_slice %arg8[%run_scoped3A_159, %dma_start3A_292] : memref<8x128xi32, #tpu.memory_space<vmem>> -> memref<1x128xi32, #tpu.memory_space<vmem>>
        %dma_start3A_294 = tpu.memref_squeeze %dma_start3A_293 : memref<1x128xi32, #tpu.memory_space<vmem>> -> memref<128xi32, #tpu.memory_space<vmem>>
        %dma_start3A_295 = arith.constant 0 : i32
        %dma_start3A_296 = arith.constant 0 : i32
        %dma_start3A_297 = tpu.memref_slice %arg12[%dma_start3A_295, %dma_start3A_296] : memref<10240x128xf32, #tpu.memory_space<vmem_shared>> -> memref<10240x128xf32, #tpu.memory_space<vmem_shared>>
        tpu.enqueue_indirect_dma source(%arg11 : memref<128x128xf32, #tpu.memory_space<vmem>>) target(%dma_start3A_297 : memref<10240x128xf32, #tpu.memory_space<vmem_shared>>) offsets(%dma_start3A_294 : memref<128xi32, #tpu.memory_space<vmem>>) semaphore(%run_scoped3A_291 : memref<!tpu.dma_semaphore, #tpu.memory_space<semaphore_mem>>) {add = true}
        %dma_wait3A_298 = arith.constant 0 : i32
        %dma_wait3A_299 = tpu.memref_slice %arg8[%run_scoped3A_159, %dma_wait3A_298] : memref<8x128xi32, #tpu.memory_space<vmem>> -> memref<1x128xi32, #tpu.memory_space<vmem>>
        %dma_wait3A_300 = tpu.memref_squeeze %dma_wait3A_299 : memref<1x128xi32, #tpu.memory_space<vmem>> -> memref<128xi32, #tpu.memory_space<vmem>>
        %dma_wait3A_301 = arith.constant 0 : i32
        %dma_wait3A_302 = arith.constant 0 : i32
        %dma_wait3A_303 = tpu.memref_slice %arg12[%dma_wait3A_301, %dma_wait3A_302] : memref<10240x128xf32, #tpu.memory_space<vmem_shared>> -> memref<10240x128xf32, #tpu.memory_space<vmem_shared>>
        tpu.wait_indirect_dma semaphore(%run_scoped3A_291 : memref<!tpu.dma_semaphore, #tpu.memory_space<semaphore_mem>>) src(%arg11 : memref<128x128xf32, #tpu.memory_space<vmem>>) dst(%dma_wait3A_303 : memref<10240x128xf32, #tpu.memory_space<vmem_shared>>)
        tpu.yield
      }) : () -> ()
      %mul3A_160 = arith.constant 2 : i32
      %mul3A_161 = arith.muli %mul3A_160, %scan3A_35 : i32
      %add3A_162 = arith.constant 1 : i32
      %add3A_163 = arith.addi %mul3A_161, %add3A_162 : i32
      %add3A_164 = arith.constant 1 : i32
      %add3A_165 = arith.addi %add3A_163, %add3A_164 : i32
      %lt3A_166 = arith.constant 10 : i32
      %lt3A_167 = arith.cmpi slt, %add3A_165, %lt3A_166 : i32
      %convert_element_type3A_168 = arith.extui %lt3A_167 : i1 to i32
      %cond3A_169 = arith.constant 0 : i32
      %cond3A_170 = arith.cmpi ne, %convert_element_type3A_168, %cond3A_169 : i32
      scf.if %cond3A_170 {
        %add3A_291 = arith.constant 1 : i32
        %add3A_292 = arith.addi %add3A_163, %add3A_291 : i32
        %mul3A_293 = arith.constant 8 : i32
        %mul3A_294 = arith.muli %add3A_292, %mul3A_293 : i32
        %add3A_295 = arith.addi %mul3A_2, %mul3A_294 : i32
        "tpu.region"() ({
          %run_scoped3A_296 = tpu.sem_alloc : memref<!tpu.dma_semaphore, #tpu.memory_space<semaphore_mem>>
          %dma_start3A_297 = arith.constant 0 : i32
          %dma_start3A_298 = tpu.memref_slice %arg2[%add3A_295, %dma_start3A_297] : memref<2560x128xi32, #tpu.memory_space<hbm>> -> memref<8x128xi32, #tpu.memory_space<hbm>>
          %dma_start3A_299 = arith.constant 0 : i32
          %dma_start3A_300 = tpu.memref_slice %arg2[%add3A_295, %dma_start3A_299] : memref<2560x128xi32, #tpu.memory_space<hbm>> -> memref<8x128xi32, #tpu.memory_space<hbm>>
          tpu.enqueue_dma source(%dma_start3A_300 : memref<8x128xi32, #tpu.memory_space<hbm>>) target(%arg6 : memref<8x128xi32, #tpu.memory_space<vmem>>) target_semaphore(%run_scoped3A_296 : memref<!tpu.dma_semaphore, #tpu.memory_space<semaphore_mem>>)
          %dma_wait3A_301 = arith.constant 0 : i32
          %dma_wait3A_302 = tpu.memref_slice %arg2[%add3A_295, %dma_wait3A_301] : memref<2560x128xi32, #tpu.memory_space<hbm>> -> memref<8x128xi32, #tpu.memory_space<hbm>>
          %dma_wait3A_303 = arith.constant 0 : i32
          %dma_wait3A_304 = tpu.memref_slice %arg2[%add3A_295, %dma_wait3A_303] : memref<2560x128xi32, #tpu.memory_space<hbm>> -> memref<8x128xi32, #tpu.memory_space<hbm>>
          tpu.wait_dma2 semaphore(%run_scoped3A_296 : memref<!tpu.dma_semaphore, #tpu.memory_space<semaphore_mem>>) src(%dma_wait3A_304 : memref<8x128xi32, #tpu.memory_space<hbm>>) dst(%arg6 : memref<8x128xi32, #tpu.memory_space<vmem>>)
          tpu.yield
        }) : () -> ()
        "tpu.region"() ({
          %run_scoped3A_296 = tpu.sem_alloc : memref<!tpu.dma_semaphore, #tpu.memory_space<semaphore_mem>>
          %dma_start3A_297 = arith.constant 0 : i32
          %dma_start3A_298 = tpu.memref_slice %arg3[%add3A_295, %dma_start3A_297] : memref<2560x128xi32, #tpu.memory_space<hbm>> -> memref<8x128xi32, #tpu.memory_space<hbm>>
          %dma_start3A_299 = arith.constant 0 : i32
          %dma_start3A_300 = tpu.memref_slice %arg3[%add3A_295, %dma_start3A_299] : memref<2560x128xi32, #tpu.memory_space<hbm>> -> memref<8x128xi32, #tpu.memory_space<hbm>>
          tpu.enqueue_dma source(%dma_start3A_300 : memref<8x128xi32, #tpu.memory_space<hbm>>) target(%arg8 : memref<8x128xi32, #tpu.memory_space<vmem>>) target_semaphore(%run_scoped3A_296 : memref<!tpu.dma_semaphore, #tpu.memory_space<semaphore_mem>>)
          %dma_wait3A_301 = arith.constant 0 : i32
          %dma_wait3A_302 = tpu.memref_slice %arg3[%add3A_295, %dma_wait3A_301] : memref<2560x128xi32, #tpu.memory_space<hbm>> -> memref<8x128xi32, #tpu.memory_space<hbm>>
          %dma_wait3A_303 = arith.constant 0 : i32
          %dma_wait3A_304 = tpu.memref_slice %arg3[%add3A_295, %dma_wait3A_303] : memref<2560x128xi32, #tpu.memory_space<hbm>> -> memref<8x128xi32, #tpu.memory_space<hbm>>
          tpu.wait_dma2 semaphore(%run_scoped3A_296 : memref<!tpu.dma_semaphore, #tpu.memory_space<semaphore_mem>>) src(%dma_wait3A_304 : memref<8x128xi32, #tpu.memory_space<hbm>>) dst(%arg8 : memref<8x128xi32, #tpu.memory_space<vmem>>)
          tpu.yield
        }) : () -> ()
      } else {
      }
      %dma_wait3A_171 = arith.constant 0 : i32
      %dma_wait3A_172 = arith.constant 0 : i32
      %dma_wait3A_173 = tpu.memref_slice %arg7[%dma_wait3A_171, %dma_wait3A_172] : memref<8x128xi32, #tpu.memory_space<vmem>> -> memref<1x128xi32, #tpu.memory_space<vmem>>
      %dma_wait3A_174 = tpu.memref_squeeze %dma_wait3A_173 : memref<1x128xi32, #tpu.memory_space<vmem>> -> memref<128xi32, #tpu.memory_space<vmem>>
      %dma_wait3A_175 = arith.constant 0 : i32
      %dma_wait3A_176 = arith.constant 0 : i32
      %dma_wait3A_177 = tpu.memref_slice %arg4[%dma_wait3A_175, %dma_wait3A_176] : memref<10000x128xf32, #tpu.memory_space<hbm>> -> memref<10000x128xf32, #tpu.memory_space<hbm>>
      tpu.wait_indirect_dma semaphore(%arg13 : memref<!tpu.dma_semaphore, #tpu.memory_space<semaphore_mem>>) src(%dma_wait3A_177 : memref<10000x128xf32, #tpu.memory_space<hbm>>) dst(%arg10 : memref<128x128xf32, #tpu.memory_space<vmem>>)
      %dma_start3A_178 = arith.constant 1 : i32
      %dma_start3A_179 = arith.constant 0 : i32
      %dma_start3A_180 = tpu.memref_slice %arg7[%dma_start3A_178, %dma_start3A_179] : memref<8x128xi32, #tpu.memory_space<vmem>> -> memref<1x128xi32, #tpu.memory_space<vmem>>
      %dma_start3A_181 = tpu.memref_squeeze %dma_start3A_180 : memref<1x128xi32, #tpu.memory_space<vmem>> -> memref<128xi32, #tpu.memory_space<vmem>>
      %dma_start3A_182 = arith.constant 0 : i32
      %dma_start3A_183 = arith.constant 0 : i32
      %dma_start3A_184 = tpu.memref_slice %arg4[%dma_start3A_182, %dma_start3A_183] : memref<10000x128xf32, #tpu.memory_space<hbm>> -> memref<10000x128xf32, #tpu.memory_space<hbm>>
      tpu.enqueue_indirect_dma source(%dma_start3A_184 : memref<10000x128xf32, #tpu.memory_space<hbm>>) target(%arg11 : memref<128x128xf32, #tpu.memory_space<vmem>>) offsets(%dma_start3A_181 : memref<128xi32, #tpu.memory_space<vmem>>) semaphore(%arg14 : memref<!tpu.dma_semaphore, #tpu.memory_space<semaphore_mem>>)
      %run_scoped3A_185 = arith.constant 0 : i32
      "tpu.region"() ({
        %run_scoped3A_291 = tpu.sem_alloc : memref<!tpu.dma_semaphore, #tpu.memory_space<semaphore_mem>>
        %dma_start3A_292 = arith.constant 0 : i32
        %dma_start3A_293 = tpu.memref_slice %arg9[%run_scoped3A_185, %dma_start3A_292] : memref<8x128xi32, #tpu.memory_space<vmem>> -> memref<1x128xi32, #tpu.memory_space<vmem>>
        %dma_start3A_294 = tpu.memref_squeeze %dma_start3A_293 : memref<1x128xi32, #tpu.memory_space<vmem>> -> memref<128xi32, #tpu.memory_space<vmem>>
        %dma_start3A_295 = arith.constant 0 : i32
        %dma_start3A_296 = arith.constant 0 : i32
        %dma_start3A_297 = tpu.memref_slice %arg12[%dma_start3A_295, %dma_start3A_296] : memref<10240x128xf32, #tpu.memory_space<vmem_shared>> -> memref<10240x128xf32, #tpu.memory_space<vmem_shared>>
        tpu.enqueue_indirect_dma source(%arg10 : memref<128x128xf32, #tpu.memory_space<vmem>>) target(%dma_start3A_297 : memref<10240x128xf32, #tpu.memory_space<vmem_shared>>) offsets(%dma_start3A_294 : memref<128xi32, #tpu.memory_space<vmem>>) semaphore(%run_scoped3A_291 : memref<!tpu.dma_semaphore, #tpu.memory_space<semaphore_mem>>) {add = true}
        %dma_wait3A_298 = arith.constant 0 : i32
        %dma_wait3A_299 = tpu.memref_slice %arg9[%run_scoped3A_185, %dma_wait3A_298] : memref<8x128xi32, #tpu.memory_space<vmem>> -> memref<1x128xi32, #tpu.memory_space<vmem>>
        %dma_wait3A_300 = tpu.memref_squeeze %dma_wait3A_299 : memref<1x128xi32, #tpu.memory_space<vmem>> -> memref<128xi32, #tpu.memory_space<vmem>>
        %dma_wait3A_301 = arith.constant 0 : i32
        %dma_wait3A_302 = arith.constant 0 : i32
        %dma_wait3A_303 = tpu.memref_slice %arg12[%dma_wait3A_301, %dma_wait3A_302] : memref<10240x128xf32, #tpu.memory_space<vmem_shared>> -> memref<10240x128xf32, #tpu.memory_space<vmem_shared>>
        tpu.wait_indirect_dma semaphore(%run_scoped3A_291 : memref<!tpu.dma_semaphore, #tpu.memory_space<semaphore_mem>>) src(%arg10 : memref<128x128xf32, #tpu.memory_space<vmem>>) dst(%dma_wait3A_303 : memref<10240x128xf32, #tpu.memory_space<vmem_shared>>)
        tpu.yield
      }) : () -> ()
      %dma_wait3A_186 = arith.constant 1 : i32
      %dma_wait3A_187 = arith.constant 0 : i32
      %dma_wait3A_188 = tpu.memref_slice %arg7[%dma_wait3A_186, %dma_wait3A_187] : memref<8x128xi32, #tpu.memory_space<vmem>> -> memref<1x128xi32, #tpu.memory_space<vmem>>
      %dma_wait3A_189 = tpu.memref_squeeze %dma_wait3A_188 : memref<1x128xi32, #tpu.memory_space<vmem>> -> memref<128xi32, #tpu.memory_space<vmem>>
      %dma_wait3A_190 = arith.constant 0 : i32
      %dma_wait3A_191 = arith.constant 0 : i32
      %dma_wait3A_192 = tpu.memref_slice %arg4[%dma_wait3A_190, %dma_wait3A_191] : memref<10000x128xf32, #tpu.memory_space<hbm>> -> memref<10000x128xf32, #tpu.memory_space<hbm>>
      tpu.wait_indirect_dma semaphore(%arg14 : memref<!tpu.dma_semaphore, #tpu.memory_space<semaphore_mem>>) src(%dma_wait3A_192 : memref<10000x128xf32, #tpu.memory_space<hbm>>) dst(%arg11 : memref<128x128xf32, #tpu.memory_space<vmem>>)
      %dma_start3A_193 = arith.constant 2 : i32
      %dma_start3A_194 = arith.constant 0 : i32
      %dma_start3A_195 = tpu.memref_slice %arg7[%dma_start3A_193, %dma_start3A_194] : memref<8x128xi32, #tpu.memory_space<vmem>> -> memref<1x128xi32, #tpu.memory_space<vmem>>
      %dma_start3A_196 = tpu.memref_squeeze %dma_start3A_195 : memref<1x128xi32, #tpu.memory_space<vmem>> -> memref<128xi32, #tpu.memory_space<vmem>>
      %dma_start3A_197 = arith.constant 0 : i32
      %dma_start3A_198 = arith.constant 0 : i32
      %dma_start3A_199 = tpu.memref_slice %arg4[%dma_start3A_197, %dma_start3A_198] : memref<10000x128xf32, #tpu.memory_space<hbm>> -> memref<10000x128xf32, #tpu.memory_space<hbm>>
      tpu.enqueue_indirect_dma source(%dma_start3A_199 : memref<10000x128xf32, #tpu.memory_space<hbm>>) target(%arg10 : memref<128x128xf32, #tpu.memory_space<vmem>>) offsets(%dma_start3A_196 : memref<128xi32, #tpu.memory_space<vmem>>) semaphore(%arg13 : memref<!tpu.dma_semaphore, #tpu.memory_space<semaphore_mem>>)
      %run_scoped3A_200 = arith.constant 1 : i32
      "tpu.region"() ({
        %run_scoped3A_291 = tpu.sem_alloc : memref<!tpu.dma_semaphore, #tpu.memory_space<semaphore_mem>>
        %dma_start3A_292 = arith.constant 0 : i32
        %dma_start3A_293 = tpu.memref_slice %arg9[%run_scoped3A_200, %dma_start3A_292] : memref<8x128xi32, #tpu.memory_space<vmem>> -> memref<1x128xi32, #tpu.memory_space<vmem>>
        %dma_start3A_294 = tpu.memref_squeeze %dma_start3A_293 : memref<1x128xi32, #tpu.memory_space<vmem>> -> memref<128xi32, #tpu.memory_space<vmem>>
        %dma_start3A_295 = arith.constant 0 : i32
        %dma_start3A_296 = arith.constant 0 : i32
        %dma_start3A_297 = tpu.memref_slice %arg12[%dma_start3A_295, %dma_start3A_296] : memref<10240x128xf32, #tpu.memory_space<vmem_shared>> -> memref<10240x128xf32, #tpu.memory_space<vmem_shared>>
        tpu.enqueue_indirect_dma source(%arg11 : memref<128x128xf32, #tpu.memory_space<vmem>>) target(%dma_start3A_297 : memref<10240x128xf32, #tpu.memory_space<vmem_shared>>) offsets(%dma_start3A_294 : memref<128xi32, #tpu.memory_space<vmem>>) semaphore(%run_scoped3A_291 : memref<!tpu.dma_semaphore, #tpu.memory_space<semaphore_mem>>) {add = true}
        %dma_wait3A_298 = arith.constant 0 : i32
        %dma_wait3A_299 = tpu.memref_slice %arg9[%run_scoped3A_200, %dma_wait3A_298] : memref<8x128xi32, #tpu.memory_space<vmem>> -> memref<1x128xi32, #tpu.memory_space<vmem>>
        %dma_wait3A_300 = tpu.memref_squeeze %dma_wait3A_299 : memref<1x128xi32, #tpu.memory_space<vmem>> -> memref<128xi32, #tpu.memory_space<vmem>>
        %dma_wait3A_301 = arith.constant 0 : i32
        %dma_wait3A_302 = arith.constant 0 : i32
        %dma_wait3A_303 = tpu.memref_slice %arg12[%dma_wait3A_301, %dma_wait3A_302] : memref<10240x128xf32, #tpu.memory_space<vmem_shared>> -> memref<10240x128xf32, #tpu.memory_space<vmem_shared>>
        tpu.wait_indirect_dma semaphore(%run_scoped3A_291 : memref<!tpu.dma_semaphore, #tpu.memory_space<semaphore_mem>>) src(%arg11 : memref<128x128xf32, #tpu.memory_space<vmem>>) dst(%dma_wait3A_303 : memref<10240x128xf32, #tpu.memory_space<vmem_shared>>)
        tpu.yield
      }) : () -> ()
      %dma_wait3A_201 = arith.constant 2 : i32
      %dma_wait3A_202 = arith.constant 0 : i32
      %dma_wait3A_203 = tpu.memref_slice %arg7[%dma_wait3A_201, %dma_wait3A_202] : memref<8x128xi32, #tpu.memory_space<vmem>> -> memref<1x128xi32, #tpu.memory_space<vmem>>
      %dma_wait3A_204 = tpu.memref_squeeze %dma_wait3A_203 : memref<1x128xi32, #tpu.memory_space<vmem>> -> memref<128xi32, #tpu.memory_space<vmem>>
      %dma_wait3A_205 = arith.constant 0 : i32
      %dma_wait3A_206 = arith.constant 0 : i32
      %dma_wait3A_207 = tpu.memref_slice %arg4[%dma_wait3A_205, %dma_wait3A_206] : memref<10000x128xf32, #tpu.memory_space<hbm>> -> memref<10000x128xf32, #tpu.memory_space<hbm>>
      tpu.wait_indirect_dma semaphore(%arg13 : memref<!tpu.dma_semaphore, #tpu.memory_space<semaphore_mem>>) src(%dma_wait3A_207 : memref<10000x128xf32, #tpu.memory_space<hbm>>) dst(%arg10 : memref<128x128xf32, #tpu.memory_space<vmem>>)
      %dma_start3A_208 = arith.constant 3 : i32
      %dma_start3A_209 = arith.constant 0 : i32
      %dma_start3A_210 = tpu.memref_slice %arg7[%dma_start3A_208, %dma_start3A_209] : memref<8x128xi32, #tpu.memory_space<vmem>> -> memref<1x128xi32, #tpu.memory_space<vmem>>
      %dma_start3A_211 = tpu.memref_squeeze %dma_start3A_210 : memref<1x128xi32, #tpu.memory_space<vmem>> -> memref<128xi32, #tpu.memory_space<vmem>>
      %dma_start3A_212 = arith.constant 0 : i32
      %dma_start3A_213 = arith.constant 0 : i32
      %dma_start3A_214 = tpu.memref_slice %arg4[%dma_start3A_212, %dma_start3A_213] : memref<10000x128xf32, #tpu.memory_space<hbm>> -> memref<10000x128xf32, #tpu.memory_space<hbm>>
      tpu.enqueue_indirect_dma source(%dma_start3A_214 : memref<10000x128xf32, #tpu.memory_space<hbm>>) target(%arg11 : memref<128x128xf32, #tpu.memory_space<vmem>>) offsets(%dma_start3A_211 : memref<128xi32, #tpu.memory_space<vmem>>) semaphore(%arg14 : memref<!tpu.dma_semaphore, #tpu.memory_space<semaphore_mem>>)
      %run_scoped3A_215 = arith.constant 2 : i32
      "tpu.region"() ({
        %run_scoped3A_291 = tpu.sem_alloc : memref<!tpu.dma_semaphore, #tpu.memory_space<semaphore_mem>>
        %dma_start3A_292 = arith.constant 0 : i32
        %dma_start3A_293 = tpu.memref_slice %arg9[%run_scoped3A_215, %dma_start3A_292] : memref<8x128xi32, #tpu.memory_space<vmem>> -> memref<1x128xi32, #tpu.memory_space<vmem>>
        %dma_start3A_294 = tpu.memref_squeeze %dma_start3A_293 : memref<1x128xi32, #tpu.memory_space<vmem>> -> memref<128xi32, #tpu.memory_space<vmem>>
        %dma_start3A_295 = arith.constant 0 : i32
        %dma_start3A_296 = arith.constant 0 : i32
        %dma_start3A_297 = tpu.memref_slice %arg12[%dma_start3A_295, %dma_start3A_296] : memref<10240x128xf32, #tpu.memory_space<vmem_shared>> -> memref<10240x128xf32, #tpu.memory_space<vmem_shared>>
        tpu.enqueue_indirect_dma source(%arg10 : memref<128x128xf32, #tpu.memory_space<vmem>>) target(%dma_start3A_297 : memref<10240x128xf32, #tpu.memory_space<vmem_shared>>) offsets(%dma_start3A_294 : memref<128xi32, #tpu.memory_space<vmem>>) semaphore(%run_scoped3A_291 : memref<!tpu.dma_semaphore, #tpu.memory_space<semaphore_mem>>) {add = true}
        %dma_wait3A_298 = arith.constant 0 : i32
        %dma_wait3A_299 = tpu.memref_slice %arg9[%run_scoped3A_215, %dma_wait3A_298] : memref<8x128xi32, #tpu.memory_space<vmem>> -> memref<1x128xi32, #tpu.memory_space<vmem>>
        %dma_wait3A_300 = tpu.memref_squeeze %dma_wait3A_299 : memref<1x128xi32, #tpu.memory_space<vmem>> -> memref<128xi32, #tpu.memory_space<vmem>>
        %dma_wait3A_301 = arith.constant 0 : i32
        %dma_wait3A_302 = arith.constant 0 : i32
        %dma_wait3A_303 = tpu.memref_slice %arg12[%dma_wait3A_301, %dma_wait3A_302] : memref<10240x128xf32, #tpu.memory_space<vmem_shared>> -> memref<10240x128xf32, #tpu.memory_space<vmem_shared>>
        tpu.wait_indirect_dma semaphore(%run_scoped3A_291 : memref<!tpu.dma_semaphore, #tpu.memory_space<semaphore_mem>>) src(%arg10 : memref<128x128xf32, #tpu.memory_space<vmem>>) dst(%dma_wait3A_303 : memref<10240x128xf32, #tpu.memory_space<vmem_shared>>)
        tpu.yield
      }) : () -> ()
      %dma_wait3A_216 = arith.constant 3 : i32
      %dma_wait3A_217 = arith.constant 0 : i32
      %dma_wait3A_218 = tpu.memref_slice %arg7[%dma_wait3A_216, %dma_wait3A_217] : memref<8x128xi32, #tpu.memory_space<vmem>> -> memref<1x128xi32, #tpu.memory_space<vmem>>
      %dma_wait3A_219 = tpu.memref_squeeze %dma_wait3A_218 : memref<1x128xi32, #tpu.memory_space<vmem>> -> memref<128xi32, #tpu.memory_space<vmem>>
      %dma_wait3A_220 = arith.constant 0 : i32
      %dma_wait3A_221 = arith.constant 0 : i32
      %dma_wait3A_222 = tpu.memref_slice %arg4[%dma_wait3A_220, %dma_wait3A_221] : memref<10000x128xf32, #tpu.memory_space<hbm>> -> memref<10000x128xf32, #tpu.memory_space<hbm>>
      tpu.wait_indirect_dma semaphore(%arg14 : memref<!tpu.dma_semaphore, #tpu.memory_space<semaphore_mem>>) src(%dma_wait3A_222 : memref<10000x128xf32, #tpu.memory_space<hbm>>) dst(%arg11 : memref<128x128xf32, #tpu.memory_space<vmem>>)
      %dma_start3A_223 = arith.constant 4 : i32
      %dma_start3A_224 = arith.constant 0 : i32
      %dma_start3A_225 = tpu.memref_slice %arg7[%dma_start3A_223, %dma_start3A_224] : memref<8x128xi32, #tpu.memory_space<vmem>> -> memref<1x128xi32, #tpu.memory_space<vmem>>
      %dma_start3A_226 = tpu.memref_squeeze %dma_start3A_225 : memref<1x128xi32, #tpu.memory_space<vmem>> -> memref<128xi32, #tpu.memory_space<vmem>>
      %dma_start3A_227 = arith.constant 0 : i32
      %dma_start3A_228 = arith.constant 0 : i32
      %dma_start3A_229 = tpu.memref_slice %arg4[%dma_start3A_227, %dma_start3A_228] : memref<10000x128xf32, #tpu.memory_space<hbm>> -> memref<10000x128xf32, #tpu.memory_space<hbm>>
      tpu.enqueue_indirect_dma source(%dma_start3A_229 : memref<10000x128xf32, #tpu.memory_space<hbm>>) target(%arg10 : memref<128x128xf32, #tpu.memory_space<vmem>>) offsets(%dma_start3A_226 : memref<128xi32, #tpu.memory_space<vmem>>) semaphore(%arg13 : memref<!tpu.dma_semaphore, #tpu.memory_space<semaphore_mem>>)
      %run_scoped3A_230 = arith.constant 3 : i32
      "tpu.region"() ({
        %run_scoped3A_291 = tpu.sem_alloc : memref<!tpu.dma_semaphore, #tpu.memory_space<semaphore_mem>>
        %dma_start3A_292 = arith.constant 0 : i32
        %dma_start3A_293 = tpu.memref_slice %arg9[%run_scoped3A_230, %dma_start3A_292] : memref<8x128xi32, #tpu.memory_space<vmem>> -> memref<1x128xi32, #tpu.memory_space<vmem>>
        %dma_start3A_294 = tpu.memref_squeeze %dma_start3A_293 : memref<1x128xi32, #tpu.memory_space<vmem>> -> memref<128xi32, #tpu.memory_space<vmem>>
        %dma_start3A_295 = arith.constant 0 : i32
        %dma_start3A_296 = arith.constant 0 : i32
        %dma_start3A_297 = tpu.memref_slice %arg12[%dma_start3A_295, %dma_start3A_296] : memref<10240x128xf32, #tpu.memory_space<vmem_shared>> -> memref<10240x128xf32, #tpu.memory_space<vmem_shared>>
        tpu.enqueue_indirect_dma source(%arg11 : memref<128x128xf32, #tpu.memory_space<vmem>>) target(%dma_start3A_297 : memref<10240x128xf32, #tpu.memory_space<vmem_shared>>) offsets(%dma_start3A_294 : memref<128xi32, #tpu.memory_space<vmem>>) semaphore(%run_scoped3A_291 : memref<!tpu.dma_semaphore, #tpu.memory_space<semaphore_mem>>) {add = true}
        %dma_wait3A_298 = arith.constant 0 : i32
        %dma_wait3A_299 = tpu.memref_slice %arg9[%run_scoped3A_230, %dma_wait3A_298] : memref<8x128xi32, #tpu.memory_space<vmem>> -> memref<1x128xi32, #tpu.memory_space<vmem>>
        %dma_wait3A_300 = tpu.memref_squeeze %dma_wait3A_299 : memref<1x128xi32, #tpu.memory_space<vmem>> -> memref<128xi32, #tpu.memory_space<vmem>>
        %dma_wait3A_301 = arith.constant 0 : i32
        %dma_wait3A_302 = arith.constant 0 : i32
        %dma_wait3A_303 = tpu.memref_slice %arg12[%dma_wait3A_301, %dma_wait3A_302] : memref<10240x128xf32, #tpu.memory_space<vmem_shared>> -> memref<10240x128xf32, #tpu.memory_space<vmem_shared>>
        tpu.wait_indirect_dma semaphore(%run_scoped3A_291 : memref<!tpu.dma_semaphore, #tpu.memory_space<semaphore_mem>>) src(%arg11 : memref<128x128xf32, #tpu.memory_space<vmem>>) dst(%dma_wait3A_303 : memref<10240x128xf32, #tpu.memory_space<vmem_shared>>)
        tpu.yield
      }) : () -> ()
      %dma_wait3A_231 = arith.constant 4 : i32
      %dma_wait3A_232 = arith.constant 0 : i32
      %dma_wait3A_233 = tpu.memref_slice %arg7[%dma_wait3A_231, %dma_wait3A_232] : memref<8x128xi32, #tpu.memory_space<vmem>> -> memref<1x128xi32, #tpu.memory_space<vmem>>
      %dma_wait3A_234 = tpu.memref_squeeze %dma_wait3A_233 : memref<1x128xi32, #tpu.memory_space<vmem>> -> memref<128xi32, #tpu.memory_space<vmem>>
      %dma_wait3A_235 = arith.constant 0 : i32
      %dma_wait3A_236 = arith.constant 0 : i32
      %dma_wait3A_237 = tpu.memref_slice %arg4[%dma_wait3A_235, %dma_wait3A_236] : memref<10000x128xf32, #tpu.memory_space<hbm>> -> memref<10000x128xf32, #tpu.memory_space<hbm>>
      tpu.wait_indirect_dma semaphore(%arg13 : memref<!tpu.dma_semaphore, #tpu.memory_space<semaphore_mem>>) src(%dma_wait3A_237 : memref<10000x128xf32, #tpu.memory_space<hbm>>) dst(%arg10 : memref<128x128xf32, #tpu.memory_space<vmem>>)
      %dma_start3A_238 = arith.constant 5 : i32
      %dma_start3A_239 = arith.constant 0 : i32
      %dma_start3A_240 = tpu.memref_slice %arg7[%dma_start3A_238, %dma_start3A_239] : memref<8x128xi32, #tpu.memory_space<vmem>> -> memref<1x128xi32, #tpu.memory_space<vmem>>
      %dma_start3A_241 = tpu.memref_squeeze %dma_start3A_240 : memref<1x128xi32, #tpu.memory_space<vmem>> -> memref<128xi32, #tpu.memory_space<vmem>>
      %dma_start3A_242 = arith.constant 0 : i32
      %dma_start3A_243 = arith.constant 0 : i32
      %dma_start3A_244 = tpu.memref_slice %arg4[%dma_start3A_242, %dma_start3A_243] : memref<10000x128xf32, #tpu.memory_space<hbm>> -> memref<10000x128xf32, #tpu.memory_space<hbm>>
      tpu.enqueue_indirect_dma source(%dma_start3A_244 : memref<10000x128xf32, #tpu.memory_space<hbm>>) target(%arg11 : memref<128x128xf32, #tpu.memory_space<vmem>>) offsets(%dma_start3A_241 : memref<128xi32, #tpu.memory_space<vmem>>) semaphore(%arg14 : memref<!tpu.dma_semaphore, #tpu.memory_space<semaphore_mem>>)
      %run_scoped3A_245 = arith.constant 4 : i32
      "tpu.region"() ({
        %run_scoped3A_291 = tpu.sem_alloc : memref<!tpu.dma_semaphore, #tpu.memory_space<semaphore_mem>>
        %dma_start3A_292 = arith.constant 0 : i32
        %dma_start3A_293 = tpu.memref_slice %arg9[%run_scoped3A_245, %dma_start3A_292] : memref<8x128xi32, #tpu.memory_space<vmem>> -> memref<1x128xi32, #tpu.memory_space<vmem>>
        %dma_start3A_294 = tpu.memref_squeeze %dma_start3A_293 : memref<1x128xi32, #tpu.memory_space<vmem>> -> memref<128xi32, #tpu.memory_space<vmem>>
        %dma_start3A_295 = arith.constant 0 : i32
        %dma_start3A_296 = arith.constant 0 : i32
        %dma_start3A_297 = tpu.memref_slice %arg12[%dma_start3A_295, %dma_start3A_296] : memref<10240x128xf32, #tpu.memory_space<vmem_shared>> -> memref<10240x128xf32, #tpu.memory_space<vmem_shared>>
        tpu.enqueue_indirect_dma source(%arg10 : memref<128x128xf32, #tpu.memory_space<vmem>>) target(%dma_start3A_297 : memref<10240x128xf32, #tpu.memory_space<vmem_shared>>) offsets(%dma_start3A_294 : memref<128xi32, #tpu.memory_space<vmem>>) semaphore(%run_scoped3A_291 : memref<!tpu.dma_semaphore, #tpu.memory_space<semaphore_mem>>) {add = true}
        %dma_wait3A_298 = arith.constant 0 : i32
        %dma_wait3A_299 = tpu.memref_slice %arg9[%run_scoped3A_245, %dma_wait3A_298] : memref<8x128xi32, #tpu.memory_space<vmem>> -> memref<1x128xi32, #tpu.memory_space<vmem>>
        %dma_wait3A_300 = tpu.memref_squeeze %dma_wait3A_299 : memref<1x128xi32, #tpu.memory_space<vmem>> -> memref<128xi32, #tpu.memory_space<vmem>>
        %dma_wait3A_301 = arith.constant 0 : i32
        %dma_wait3A_302 = arith.constant 0 : i32
        %dma_wait3A_303 = tpu.memref_slice %arg12[%dma_wait3A_301, %dma_wait3A_302] : memref<10240x128xf32, #tpu.memory_space<vmem_shared>> -> memref<10240x128xf32, #tpu.memory_space<vmem_shared>>
        tpu.wait_indirect_dma semaphore(%run_scoped3A_291 : memref<!tpu.dma_semaphore, #tpu.memory_space<semaphore_mem>>) src(%arg10 : memref<128x128xf32, #tpu.memory_space<vmem>>) dst(%dma_wait3A_303 : memref<10240x128xf32, #tpu.memory_space<vmem_shared>>)
        tpu.yield
      }) : () -> ()
      %dma_wait3A_246 = arith.constant 5 : i32
      %dma_wait3A_247 = arith.constant 0 : i32
      %dma_wait3A_248 = tpu.memref_slice %arg7[%dma_wait3A_246, %dma_wait3A_247] : memref<8x128xi32, #tpu.memory_space<vmem>> -> memref<1x128xi32, #tpu.memory_space<vmem>>
      %dma_wait3A_249 = tpu.memref_squeeze %dma_wait3A_248 : memref<1x128xi32, #tpu.memory_space<vmem>> -> memref<128xi32, #tpu.memory_space<vmem>>
      %dma_wait3A_250 = arith.constant 0 : i32
      %dma_wait3A_251 = arith.constant 0 : i32
      %dma_wait3A_252 = tpu.memref_slice %arg4[%dma_wait3A_250, %dma_wait3A_251] : memref<10000x128xf32, #tpu.memory_space<hbm>> -> memref<10000x128xf32, #tpu.memory_space<hbm>>
      tpu.wait_indirect_dma semaphore(%arg14 : memref<!tpu.dma_semaphore, #tpu.memory_space<semaphore_mem>>) src(%dma_wait3A_252 : memref<10000x128xf32, #tpu.memory_space<hbm>>) dst(%arg11 : memref<128x128xf32, #tpu.memory_space<vmem>>)
      %dma_start3A_253 = arith.constant 6 : i32
      %dma_start3A_254 = arith.constant 0 : i32
      %dma_start3A_255 = tpu.memref_slice %arg7[%dma_start3A_253, %dma_start3A_254] : memref<8x128xi32, #tpu.memory_space<vmem>> -> memref<1x128xi32, #tpu.memory_space<vmem>>
      %dma_start3A_256 = tpu.memref_squeeze %dma_start3A_255 : memref<1x128xi32, #tpu.memory_space<vmem>> -> memref<128xi32, #tpu.memory_space<vmem>>
      %dma_start3A_257 = arith.constant 0 : i32
      %dma_start3A_258 = arith.constant 0 : i32
      %dma_start3A_259 = tpu.memref_slice %arg4[%dma_start3A_257, %dma_start3A_258] : memref<10000x128xf32, #tpu.memory_space<hbm>> -> memref<10000x128xf32, #tpu.memory_space<hbm>>
      tpu.enqueue_indirect_dma source(%dma_start3A_259 : memref<10000x128xf32, #tpu.memory_space<hbm>>) target(%arg10 : memref<128x128xf32, #tpu.memory_space<vmem>>) offsets(%dma_start3A_256 : memref<128xi32, #tpu.memory_space<vmem>>) semaphore(%arg13 : memref<!tpu.dma_semaphore, #tpu.memory_space<semaphore_mem>>)
      %run_scoped3A_260 = arith.constant 5 : i32
      "tpu.region"() ({
        %run_scoped3A_291 = tpu.sem_alloc : memref<!tpu.dma_semaphore, #tpu.memory_space<semaphore_mem>>
        %dma_start3A_292 = arith.constant 0 : i32
        %dma_start3A_293 = tpu.memref_slice %arg9[%run_scoped3A_260, %dma_start3A_292] : memref<8x128xi32, #tpu.memory_space<vmem>> -> memref<1x128xi32, #tpu.memory_space<vmem>>
        %dma_start3A_294 = tpu.memref_squeeze %dma_start3A_293 : memref<1x128xi32, #tpu.memory_space<vmem>> -> memref<128xi32, #tpu.memory_space<vmem>>
        %dma_start3A_295 = arith.constant 0 : i32
        %dma_start3A_296 = arith.constant 0 : i32
        %dma_start3A_297 = tpu.memref_slice %arg12[%dma_start3A_295, %dma_start3A_296] : memref<10240x128xf32, #tpu.memory_space<vmem_shared>> -> memref<10240x128xf32, #tpu.memory_space<vmem_shared>>
        tpu.enqueue_indirect_dma source(%arg11 : memref<128x128xf32, #tpu.memory_space<vmem>>) target(%dma_start3A_297 : memref<10240x128xf32, #tpu.memory_space<vmem_shared>>) offsets(%dma_start3A_294 : memref<128xi32, #tpu.memory_space<vmem>>) semaphore(%run_scoped3A_291 : memref<!tpu.dma_semaphore, #tpu.memory_space<semaphore_mem>>) {add = true}
        %dma_wait3A_298 = arith.constant 0 : i32
        %dma_wait3A_299 = tpu.memref_slice %arg9[%run_scoped3A_260, %dma_wait3A_298] : memref<8x128xi32, #tpu.memory_space<vmem>> -> memref<1x128xi32, #tpu.memory_space<vmem>>
        %dma_wait3A_300 = tpu.memref_squeeze %dma_wait3A_299 : memref<1x128xi32, #tpu.memory_space<vmem>> -> memref<128xi32, #tpu.memory_space<vmem>>
        %dma_wait3A_301 = arith.constant 0 : i32
        %dma_wait3A_302 = arith.constant 0 : i32
        %dma_wait3A_303 = tpu.memref_slice %arg12[%dma_wait3A_301, %dma_wait3A_302] : memref<10240x128xf32, #tpu.memory_space<vmem_shared>> -> memref<10240x128xf32, #tpu.memory_space<vmem_shared>>
        tpu.wait_indirect_dma semaphore(%run_scoped3A_291 : memref<!tpu.dma_semaphore, #tpu.memory_space<semaphore_mem>>) src(%arg11 : memref<128x128xf32, #tpu.memory_space<vmem>>) dst(%dma_wait3A_303 : memref<10240x128xf32, #tpu.memory_space<vmem_shared>>)
        tpu.yield
      }) : () -> ()
      %dma_wait3A_261 = arith.constant 6 : i32
      %dma_wait3A_262 = arith.constant 0 : i32
      %dma_wait3A_263 = tpu.memref_slice %arg7[%dma_wait3A_261, %dma_wait3A_262] : memref<8x128xi32, #tpu.memory_space<vmem>> -> memref<1x128xi32, #tpu.memory_space<vmem>>
      %dma_wait3A_264 = tpu.memref_squeeze %dma_wait3A_263 : memref<1x128xi32, #tpu.memory_space<vmem>> -> memref<128xi32, #tpu.memory_space<vmem>>
      %dma_wait3A_265 = arith.constant 0 : i32
      %dma_wait3A_266 = arith.constant 0 : i32
      %dma_wait3A_267 = tpu.memref_slice %arg4[%dma_wait3A_265, %dma_wait3A_266] : memref<10000x128xf32, #tpu.memory_space<hbm>> -> memref<10000x128xf32, #tpu.memory_space<hbm>>
      tpu.wait_indirect_dma semaphore(%arg13 : memref<!tpu.dma_semaphore, #tpu.memory_space<semaphore_mem>>) src(%dma_wait3A_267 : memref<10000x128xf32, #tpu.memory_space<hbm>>) dst(%arg10 : memref<128x128xf32, #tpu.memory_space<vmem>>)
      %dma_start3A_268 = arith.constant 7 : i32
      %dma_start3A_269 = arith.constant 0 : i32
      %dma_start3A_270 = tpu.memref_slice %arg7[%dma_start3A_268, %dma_start3A_269] : memref<8x128xi32, #tpu.memory_space<vmem>> -> memref<1x128xi32, #tpu.memory_space<vmem>>
      %dma_start3A_271 = tpu.memref_squeeze %dma_start3A_270 : memref<1x128xi32, #tpu.memory_space<vmem>> -> memref<128xi32, #tpu.memory_space<vmem>>
      %dma_start3A_272 = arith.constant 0 : i32
      %dma_start3A_273 = arith.constant 0 : i32
      %dma_start3A_274 = tpu.memref_slice %arg4[%dma_start3A_272, %dma_start3A_273] : memref<10000x128xf32, #tpu.memory_space<hbm>> -> memref<10000x128xf32, #tpu.memory_space<hbm>>
      tpu.enqueue_indirect_dma source(%dma_start3A_274 : memref<10000x128xf32, #tpu.memory_space<hbm>>) target(%arg11 : memref<128x128xf32, #tpu.memory_space<vmem>>) offsets(%dma_start3A_271 : memref<128xi32, #tpu.memory_space<vmem>>) semaphore(%arg14 : memref<!tpu.dma_semaphore, #tpu.memory_space<semaphore_mem>>)
      %run_scoped3A_275 = arith.constant 6 : i32
      "tpu.region"() ({
        %run_scoped3A_291 = tpu.sem_alloc : memref<!tpu.dma_semaphore, #tpu.memory_space<semaphore_mem>>
        %dma_start3A_292 = arith.constant 0 : i32
        %dma_start3A_293 = tpu.memref_slice %arg9[%run_scoped3A_275, %dma_start3A_292] : memref<8x128xi32, #tpu.memory_space<vmem>> -> memref<1x128xi32, #tpu.memory_space<vmem>>
        %dma_start3A_294 = tpu.memref_squeeze %dma_start3A_293 : memref<1x128xi32, #tpu.memory_space<vmem>> -> memref<128xi32, #tpu.memory_space<vmem>>
        %dma_start3A_295 = arith.constant 0 : i32
        %dma_start3A_296 = arith.constant 0 : i32
        %dma_start3A_297 = tpu.memref_slice %arg12[%dma_start3A_295, %dma_start3A_296] : memref<10240x128xf32, #tpu.memory_space<vmem_shared>> -> memref<10240x128xf32, #tpu.memory_space<vmem_shared>>
        tpu.enqueue_indirect_dma source(%arg10 : memref<128x128xf32, #tpu.memory_space<vmem>>) target(%dma_start3A_297 : memref<10240x128xf32, #tpu.memory_space<vmem_shared>>) offsets(%dma_start3A_294 : memref<128xi32, #tpu.memory_space<vmem>>) semaphore(%run_scoped3A_291 : memref<!tpu.dma_semaphore, #tpu.memory_space<semaphore_mem>>) {add = true}
        %dma_wait3A_298 = arith.constant 0 : i32
        %dma_wait3A_299 = tpu.memref_slice %arg9[%run_scoped3A_275, %dma_wait3A_298] : memref<8x128xi32, #tpu.memory_space<vmem>> -> memref<1x128xi32, #tpu.memory_space<vmem>>
        %dma_wait3A_300 = tpu.memref_squeeze %dma_wait3A_299 : memref<1x128xi32, #tpu.memory_space<vmem>> -> memref<128xi32, #tpu.memory_space<vmem>>
        %dma_wait3A_301 = arith.constant 0 : i32
        %dma_wait3A_302 = arith.constant 0 : i32
        %dma_wait3A_303 = tpu.memref_slice %arg12[%dma_wait3A_301, %dma_wait3A_302] : memref<10240x128xf32, #tpu.memory_space<vmem_shared>> -> memref<10240x128xf32, #tpu.memory_space<vmem_shared>>
        tpu.wait_indirect_dma semaphore(%run_scoped3A_291 : memref<!tpu.dma_semaphore, #tpu.memory_space<semaphore_mem>>) src(%arg10 : memref<128x128xf32, #tpu.memory_space<vmem>>) dst(%dma_wait3A_303 : memref<10240x128xf32, #tpu.memory_space<vmem_shared>>)
        tpu.yield
      }) : () -> ()
      %dma_wait3A_276 = arith.constant 7 : i32
      %dma_wait3A_277 = arith.constant 0 : i32
      %dma_wait3A_278 = tpu.memref_slice %arg7[%dma_wait3A_276, %dma_wait3A_277] : memref<8x128xi32, #tpu.memory_space<vmem>> -> memref<1x128xi32, #tpu.memory_space<vmem>>
      %dma_wait3A_279 = tpu.memref_squeeze %dma_wait3A_278 : memref<1x128xi32, #tpu.memory_space<vmem>> -> memref<128xi32, #tpu.memory_space<vmem>>
      %dma_wait3A_280 = arith.constant 0 : i32
      %dma_wait3A_281 = arith.constant 0 : i32
      %dma_wait3A_282 = tpu.memref_slice %arg4[%dma_wait3A_280, %dma_wait3A_281] : memref<10000x128xf32, #tpu.memory_space<hbm>> -> memref<10000x128xf32, #tpu.memory_space<hbm>>
      tpu.wait_indirect_dma semaphore(%arg14 : memref<!tpu.dma_semaphore, #tpu.memory_space<semaphore_mem>>) src(%dma_wait3A_282 : memref<10000x128xf32, #tpu.memory_space<hbm>>) dst(%arg11 : memref<128x128xf32, #tpu.memory_space<vmem>>)
      %add3A_283 = arith.constant 1 : i32
      %add3A_284 = arith.addi %add3A_163, %add3A_283 : i32
      %lt3A_285 = arith.constant 10 : i32
      %lt3A_286 = arith.cmpi slt, %add3A_284, %lt3A_285 : i32
      %convert_element_type3A_287 = arith.extui %lt3A_286 : i1 to i32
      %cond3A_288 = arith.constant 0 : i32
      %cond3A_289 = arith.cmpi ne, %convert_element_type3A_287, %cond3A_288 : i32
      scf.if %cond3A_289 {
        %dma_start3A_291 = arith.constant 0 : i32
        %dma_start3A_292 = arith.constant 0 : i32
        %dma_start3A_293 = tpu.memref_slice %arg6[%dma_start3A_291, %dma_start3A_292] : memref<8x128xi32, #tpu.memory_space<vmem>> -> memref<1x128xi32, #tpu.memory_space<vmem>>
        %dma_start3A_294 = tpu.memref_squeeze %dma_start3A_293 : memref<1x128xi32, #tpu.memory_space<vmem>> -> memref<128xi32, #tpu.memory_space<vmem>>
        %dma_start3A_295 = arith.constant 0 : i32
        %dma_start3A_296 = arith.constant 0 : i32
        %dma_start3A_297 = tpu.memref_slice %arg4[%dma_start3A_295, %dma_start3A_296] : memref<10000x128xf32, #tpu.memory_space<hbm>> -> memref<10000x128xf32, #tpu.memory_space<hbm>>
        tpu.enqueue_indirect_dma source(%dma_start3A_297 : memref<10000x128xf32, #tpu.memory_space<hbm>>) target(%arg10 : memref<128x128xf32, #tpu.memory_space<vmem>>) offsets(%dma_start3A_294 : memref<128xi32, #tpu.memory_space<vmem>>) semaphore(%arg13 : memref<!tpu.dma_semaphore, #tpu.memory_space<semaphore_mem>>)
      } else {
      }
      %run_scoped3A_290 = arith.constant 7 : i32
      "tpu.region"() ({
        %run_scoped3A_291 = tpu.sem_alloc : memref<!tpu.dma_semaphore, #tpu.memory_space<semaphore_mem>>
        %dma_start3A_292 = arith.constant 0 : i32
        %dma_start3A_293 = tpu.memref_slice %arg9[%run_scoped3A_290, %dma_start3A_292] : memref<8x128xi32, #tpu.memory_space<vmem>> -> memref<1x128xi32, #tpu.memory_space<vmem>>
        %dma_start3A_294 = tpu.memref_squeeze %dma_start3A_293 : memref<1x128xi32, #tpu.memory_space<vmem>> -> memref<128xi32, #tpu.memory_space<vmem>>
        %dma_start3A_295 = arith.constant 0 : i32
        %dma_start3A_296 = arith.constant 0 : i32
        %dma_start3A_297 = tpu.memref_slice %arg12[%dma_start3A_295, %dma_start3A_296] : memref<10240x128xf32, #tpu.memory_space<vmem_shared>> -> memref<10240x128xf32, #tpu.memory_space<vmem_shared>>
        tpu.enqueue_indirect_dma source(%arg11 : memref<128x128xf32, #tpu.memory_space<vmem>>) target(%dma_start3A_297 : memref<10240x128xf32, #tpu.memory_space<vmem_shared>>) offsets(%dma_start3A_294 : memref<128xi32, #tpu.memory_space<vmem>>) semaphore(%run_scoped3A_291 : memref<!tpu.dma_semaphore, #tpu.memory_space<semaphore_mem>>) {add = true}
        %dma_wait3A_298 = arith.constant 0 : i32
        %dma_wait3A_299 = tpu.memref_slice %arg9[%run_scoped3A_290, %dma_wait3A_298] : memref<8x128xi32, #tpu.memory_space<vmem>> -> memref<1x128xi32, #tpu.memory_space<vmem>>
        %dma_wait3A_300 = tpu.memref_squeeze %dma_wait3A_299 : memref<1x128xi32, #tpu.memory_space<vmem>> -> memref<128xi32, #tpu.memory_space<vmem>>
        %dma_wait3A_301 = arith.constant 0 : i32
        %dma_wait3A_302 = arith.constant 0 : i32
        %dma_wait3A_303 = tpu.memref_slice %arg12[%dma_wait3A_301, %dma_wait3A_302] : memref<10240x128xf32, #tpu.memory_space<vmem_shared>> -> memref<10240x128xf32, #tpu.memory_space<vmem_shared>>
        tpu.wait_indirect_dma semaphore(%run_scoped3A_291 : memref<!tpu.dma_semaphore, #tpu.memory_space<semaphore_mem>>) src(%arg11 : memref<128x128xf32, #tpu.memory_space<vmem>>) dst(%dma_wait3A_303 : memref<10240x128xf32, #tpu.memory_space<vmem_shared>>)
        tpu.yield
      }) : () -> ()
    }
    %scan3A_27 = arith.constant 5 : i32
    %barrier3A_28 = arith.constant 0 : index
    tpu.barrier barrier_id(%barrier3A_28)
    %scan3A_29 = arith.constant 0 : i32
    %scan3A_30 = arith.constant 0 : i32
    %scan3A_31 = arith.constant 5 : i32
    %scan3A_32 = arith.addi %scan3A_30, %scan3A_31 : i32
    %scan3A_33 = arith.constant 1 : i32
    scf.for %scan3A_35 = %scan3A_30 to %scan3A_32 step %scan3A_33  : i32 {
      %mul3A_36 = arith.constant 640 : i32
      %mul3A_37 = arith.muli %arg1, %mul3A_36 : i32
      %mul3A_38 = arith.constant 128 : i32
      %mul3A_39 = arith.muli %scan3A_35, %mul3A_38 : i32
      %add3A_40 = arith.addi %mul3A_37, %mul3A_39 : i32
      "tpu.region"() ({
        %run_scoped3A = tpu.sem_alloc : memref<!tpu.dma_semaphore, #tpu.memory_space<semaphore_mem>>
        %dma_start3A_41 = arith.constant 0 : i32
        %dma_start3A_42 = tpu.memref_slice %arg12[%add3A_40, %dma_start3A_41] : memref<10240x128xf32, #tpu.memory_space<vmem_shared>> -> memref<128x128xf32, #tpu.memory_space<vmem_shared>>
        %dma_start3A_43 = arith.constant 0 : i32
        %dma_start3A_44 = tpu.memref_slice %arg12[%add3A_40, %dma_start3A_43] : memref<10240x128xf32, #tpu.memory_space<vmem_shared>> -> memref<128x128xf32, #tpu.memory_space<vmem_shared>>
        tpu.enqueue_dma source(%dma_start3A_44 : memref<128x128xf32, #tpu.memory_space<vmem_shared>>) target(%arg10 : memref<128x128xf32, #tpu.memory_space<vmem>>) target_semaphore(%run_scoped3A : memref<!tpu.dma_semaphore, #tpu.memory_space<semaphore_mem>>)
        %dma_wait3A = arith.constant 0 : i32
        %dma_wait3A_45 = tpu.memref_slice %arg12[%add3A_40, %dma_wait3A] : memref<10240x128xf32, #tpu.memory_space<vmem_shared>> -> memref<128x128xf32, #tpu.memory_space<vmem_shared>>
        %dma_wait3A_46 = arith.constant 0 : i32
        %dma_wait3A_47 = tpu.memref_slice %arg12[%add3A_40, %dma_wait3A_46] : memref<10240x128xf32, #tpu.memory_space<vmem_shared>> -> memref<128x128xf32, #tpu.memory_space<vmem_shared>>
        tpu.wait_dma2 semaphore(%run_scoped3A : memref<!tpu.dma_semaphore, #tpu.memory_space<semaphore_mem>>) src(%dma_wait3A_47 : memref<128x128xf32, #tpu.memory_space<vmem_shared>>) dst(%arg10 : memref<128x128xf32, #tpu.memory_space<vmem>>)
        tpu.yield
      }) : () -> ()
      "tpu.region"() ({
        %run_scoped3A = tpu.sem_alloc : memref<!tpu.dma_semaphore, #tpu.memory_space<semaphore_mem>>
        %dma_start3A_41 = arith.constant 0 : i32
        %dma_start3A_42 = tpu.memref_slice %arg5[%arg0, %add3A_40, %dma_start3A_41] : memref<2x10240x128xf32, #tpu.memory_space<hbm>> -> memref<1x128x128xf32, #tpu.memory_space<hbm>>
        %dma_start3A_43 = tpu.memref_squeeze %dma_start3A_42 : memref<1x128x128xf32, #tpu.memory_space<hbm>> -> memref<128x128xf32, #tpu.memory_space<hbm>>
        %dma_start3A_44 = arith.constant 0 : i32
        %dma_start3A_45 = tpu.memref_slice %arg5[%arg0, %add3A_40, %dma_start3A_44] : memref<2x10240x128xf32, #tpu.memory_space<hbm>> -> memref<1x128x128xf32, #tpu.memory_space<hbm>>
        %dma_start3A_46 = tpu.memref_squeeze %dma_start3A_45 : memref<1x128x128xf32, #tpu.memory_space<hbm>> -> memref<128x128xf32, #tpu.memory_space<hbm>>
        tpu.enqueue_dma source(%arg10 : memref<128x128xf32, #tpu.memory_space<vmem>>) target(%dma_start3A_46 : memref<128x128xf32, #tpu.memory_space<hbm>>) target_semaphore(%run_scoped3A : memref<!tpu.dma_semaphore, #tpu.memory_space<semaphore_mem>>)
        %dma_wait3A = arith.constant 0 : i32
        %dma_wait3A_47 = tpu.memref_slice %arg5[%arg0, %add3A_40, %dma_wait3A] : memref<2x10240x128xf32, #tpu.memory_space<hbm>> -> memref<1x128x128xf32, #tpu.memory_space<hbm>>
        %dma_wait3A_48 = tpu.memref_squeeze %dma_wait3A_47 : memref<1x128x128xf32, #tpu.memory_space<hbm>> -> memref<128x128xf32, #tpu.memory_space<hbm>>
        %dma_wait3A_49 = arith.constant 0 : i32
        %dma_wait3A_50 = tpu.memref_slice %arg5[%arg0, %add3A_40, %dma_wait3A_49] : memref<2x10240x128xf32, #tpu.memory_space<hbm>> -> memref<1x128x128xf32, #tpu.memory_space<hbm>>
        %dma_wait3A_51 = tpu.memref_squeeze %dma_wait3A_50 : memref<1x128x128xf32, #tpu.memory_space<hbm>> -> memref<128x128xf32, #tpu.memory_space<hbm>>
        tpu.wait_dma2 semaphore(%run_scoped3A : memref<!tpu.dma_semaphore, #tpu.memory_space<semaphore_mem>>) src(%arg10 : memref<128x128xf32, #tpu.memory_space<vmem>>) dst(%dma_wait3A_51 : memref<128x128xf32, #tpu.memory_space<hbm>>)
        tpu.yield
      }) : () -> ()
    }
    %scan3A_34 = arith.constant 5 : i32
    return
  }
}

#map = affine_map<(d0, d1) -> (0, 0)>
#map1 = affine_map<(d0, d1) -> (0, 0, 0)>
module attributes {stable_mosaic.version = 14 : i64} {
  func.func @kern(%arg0: i32, %arg1: i32, %arg2: memref<2560x128xi32, #tpu.memory_space<hbm>>, %arg3: memref<2560x128xi32, #tpu.memory_space<hbm>>, %arg4: memref<10000x128xf32, #tpu.memory_space<hbm>>, %arg5: memref<2x10240x128xf32, #tpu.memory_space<hbm>>, %arg6: memref<8x128xi32, #tpu.memory_space<vmem>>, %arg7: memref<8x128xi32, #tpu.memory_space<vmem>>, %arg8: memref<8x128xi32, #tpu.memory_space<vmem>>, %arg9: memref<8x128xi32, #tpu.memory_space<vmem>>, %arg10: memref<128x128xf32, #tpu.memory_space<vmem>>, %arg11: memref<128x128xf32, #tpu.memory_space<vmem>>, %arg12: memref<10240x128xf32, #tpu.memory_space<vmem_shared>>, %arg13: memref<!tpu.dma_semaphore, #tpu.memory_space<semaphore_mem>>, %arg14: memref<!tpu.dma_semaphore, #tpu.memory_space<semaphore_mem>>) attributes {dimension_semantics = [#tpu.dimension_semantics<core_parallel>, #tpu.dimension_semantics<subcore_parallel>], iteration_bounds = array<i64: 2, 16>, scalar_prefetch = 0 : i64, scratch_operands = 9 : i64, tpu.core_type = #tpu.core_type<sc_vector_subcore>, window_params = [{transform_indices = #map}, {transform_indices = #map}, {transform_indices = #map}, {transform_indices = #map1}]} {
    %mul3A = arith.constant 16 : i32
    %mul3A_0 = arith.muli %arg0, %mul3A : i32
    %add3A = arith.addi %mul3A_0, %arg1 : i32
    %mul3A_1 = arith.constant 80 : i32
    %mul3A_2 = arith.muli %add3A, %mul3A_1 : i32
    %scan3A = arith.constant 0 : i32
    %scan3A_3 = arith.constant 0 : i32
    %scan3A_4 = arith.constant 128 : i32
    %scan3A_5 = arith.addi %scan3A_3, %scan3A_4 : i32
    %scan3A_6 = arith.constant 1 : i32
    scf.for %scan3A_35 = %scan3A_3 to %scan3A_5 step %scan3A_6  : i32 {
      %scan3A_36 = arith.constant 0 : i32
      %scan3A_37 = arith.constant 8 : i32
      %scan3A_38 = arith.addi %scan3A_36, %scan3A_37 : i32
      %scan3A_39 = arith.constant 1 : i32
      scf.for %scan3A_41 = %scan3A_36 to %scan3A_38 step %scan3A_39  : i32 {
        %broadcast_in_dim3A = arith.constant 0.000000e+00 : f32
        %broadcast_in_dim3A_42 = vector.broadcast %broadcast_in_dim3A : f32 to vector<16xf32>
        %mul3A_43 = arith.constant 16 : i32
        %mul3A_44 = arith.muli %scan3A_41, %mul3A_43 : i32
        %swap3A = arith.index_cast %scan3A_35 : i32 to index
        %swap3A_45 = arith.index_cast %mul3A_44 : i32 to index
        %swap3A_46 = tpu.vector_load %arg10[%swap3A, %swap3A_45] {strides = array<i32>} : memref<128x128xf32, #tpu.memory_space<vmem>>, vector<1x16xf32>,
        %swap3A_47 = vector.shape_cast %swap3A_46 : vector<1x16xf32> to vector<16xf32>
        %swap3A_48 = vector.shape_cast %broadcast_in_dim3A_42 : vector<16xf32> to vector<1x16xf32>
        tpu.vector_store %arg10[%swap3A, %swap3A_45], %swap3A_48 {strides = array<i32>} : memref<128x128xf32, #tpu.memory_space<vmem>>, vector<1x16xf32>,
      }
      %scan3A_40 = arith.constant 8 : i32
    }
    %scan3A_7 = arith.constant 128 : i32
    %scan3A_8 = arith.constant 0 : i32
    %scan3A_9 = arith.constant 0 : i32
    %scan3A_10 = arith.constant 5 : i32
    %scan3A_11 = arith.addi %scan3A_9, %scan3A_10 : i32
    %scan3A_12 = arith.constant 1 : i32
    scf.for %scan3A_35 = %scan3A_9 to %scan3A_11 step %scan3A_12  : i32 {
      %mul3A_36 = arith.constant 640 : i32
      %mul3A_37 = arith.muli %arg1, %mul3A_36 : i32
      %mul3A_38 = arith.constant 128 : i32
      %mul3A_39 = arith.muli %scan3A_35, %mul3A_38 : i32
      %add3A_40 = arith.addi %mul3A_37, %mul3A_39 : i32
      "tpu.region"() ({
        %run_scoped3A = tpu.sem_alloc : memref<!tpu.dma_semaphore, #tpu.memory_space<semaphore_mem>>
        %dma_start3A_41 = arith.constant 0 : i32
        %dma_start3A_42 = tpu.memref_slice %arg12[%add3A_40, %dma_start3A_41] : memref<10240x128xf32, #tpu.memory_space<vmem_shared>> -> memref<128x128xf32, #tpu.memory_space<vmem_shared>>
        %dma_start3A_43 = arith.constant 0 : i32
        %dma_start3A_44 = tpu.memref_slice %arg12[%add3A_40, %dma_start3A_43] : memref<10240x128xf32, #tpu.memory_space<vmem_shared>> -> memref<128x128xf32, #tpu.memory_space<vmem_shared>>
        tpu.enqueue_dma source(%arg10 : memref<128x128xf32, #tpu.memory_space<vmem>>) target(%dma_start3A_44 : memref<128x128xf32, #tpu.memory_space<vmem_shared>>) target_semaphore(%run_scoped3A : memref<!tpu.dma_semaphore, #tpu.memory_space<semaphore_mem>>)
        %dma_wait3A = arith.constant 0 : i32
        %dma_wait3A_45 = tpu.memref_slice %arg12[%add3A_40, %dma_wait3A] : memref<10240x128xf32, #tpu.memory_space<vmem_shared>> -> memref<128x128xf32, #tpu.memory_space<vmem_shared>>
        %dma_wait3A_46 = arith.constant 0 : i32
        %dma_wait3A_47 = tpu.memref_slice %arg12[%add3A_40, %dma_wait3A_46] : memref<10240x128xf32, #tpu.memory_space<vmem_shared>> -> memref<128x128xf32, #tpu.memory_space<vmem_shared>>
        tpu.wait_dma2 semaphore(%run_scoped3A : memref<!tpu.dma_semaphore, #tpu.memory_space<semaphore_mem>>) src(%arg10 : memref<128x128xf32, #tpu.memory_space<vmem>>) dst(%dma_wait3A_47 : memref<128x128xf32, #tpu.memory_space<vmem_shared>>)
        tpu.yield
      }) : () -> ()
    }
    %scan3A_13 = arith.constant 5 : i32
    %barrier3A = arith.constant 0 : index
    tpu.barrier barrier_id(%barrier3A)
    %add3A_14 = arith.constant 0 : i32
    %add3A_15 = arith.addi %mul3A_2, %add3A_14 : i32
    "tpu.region"() ({
      %run_scoped3A = tpu.sem_alloc : memref<!tpu.dma_semaphore, #tpu.memory_space<semaphore_mem>>
      %dma_start3A_35 = arith.constant 0 : i32
      %dma_start3A_36 = tpu.memref_slice %arg2[%add3A_15, %dma_start3A_35] : memref<2560x128xi32, #tpu.memory_space<hbm>> -> memref<8x128xi32, #tpu.memory_space<hbm>>
      %dma_start3A_37 = arith.constant 0 : i32
      %dma_start3A_38 = tpu.memref_slice %arg2[%add3A_15, %dma_start3A_37] : memref<2560x128xi32, #tpu.memory_space<hbm>> -> memref<8x128xi32, #tpu.memory_space<hbm>>
      tpu.enqueue_dma source(%dma_start3A_38 : memref<8x128xi32, #tpu.memory_space<hbm>>) target(%arg6 : memref<8x128xi32, #tpu.memory_space<vmem>>) target_semaphore(%run_scoped3A : memref<!tpu.dma_semaphore, #tpu.memory_space<semaphore_mem>>)
      %dma_wait3A = arith.constant 0 : i32
      %dma_wait3A_39 = tpu.memref_slice %arg2[%add3A_15, %dma_wait3A] : memref<2560x128xi32, #tpu.memory_space<hbm>> -> memref<8x128xi32, #tpu.memory_space<hbm>>
      %dma_wait3A_40 = arith.constant 0 : i32
      %dma_wait3A_41 = tpu.memref_slice %arg2[%add3A_15, %dma_wait3A_40] : memref<2560x128xi32, #tpu.memory_space<hbm>> -> memref<8x128xi32, #tpu.memory_space<hbm>>
      tpu.wait_dma2 semaphore(%run_scoped3A : memref<!tpu.dma_semaphore, #tpu.memory_space<semaphore_mem>>) src(%dma_wait3A_41 : memref<8x128xi32, #tpu.memory_space<hbm>>) dst(%arg6 : memref<8x128xi32, #tpu.memory_space<vmem>>)
      tpu.yield
    }) : () -> ()
    "tpu.region"() ({
      %run_scoped3A = tpu.sem_alloc : memref<!tpu.dma_semaphore, #tpu.memory_space<semaphore_mem>>
      %dma_start3A_35 = arith.constant 0 : i32
      %dma_start3A_36 = tpu.memref_slice %arg3[%add3A_15, %dma_start3A_35] : memref<2560x128xi32, #tpu.memory_space<hbm>> -> memref<8x128xi32, #tpu.memory_space<hbm>>
      %dma_start3A_37 = arith.constant 0 : i32
      %dma_start3A_38 = tpu.memref_slice %arg3[%add3A_15, %dma_start3A_37] : memref<2560x128xi32, #tpu.memory_space<hbm>> -> memref<8x128xi32, #tpu.memory_space<hbm>>
      tpu.enqueue_dma source(%dma_start3A_38 : memref<8x128xi32, #tpu.memory_space<hbm>>) target(%arg8 : memref<8x128xi32, #tpu.memory_space<vmem>>) target_semaphore(%run_scoped3A : memref<!tpu.dma_semaphore, #tpu.memory_space<semaphore_mem>>)
      %dma_wait3A = arith.constant 0 : i32
      %dma_wait3A_39 = tpu.memref_slice %arg3[%add3A_15, %dma_wait3A] : memref<2560x128xi32, #tpu.memory_space<hbm>> -> memref<8x128xi32, #tpu.memory_space<hbm>>
      %dma_wait3A_40 = arith.constant 0 : i32
      %dma_wait3A_41 = tpu.memref_slice %arg3[%add3A_15, %dma_wait3A_40] : memref<2560x128xi32, #tpu.memory_space<hbm>> -> memref<8x128xi32, #tpu.memory_space<hbm>>
      tpu.wait_dma2 semaphore(%run_scoped3A : memref<!tpu.dma_semaphore, #tpu.memory_space<semaphore_mem>>) src(%dma_wait3A_41 : memref<8x128xi32, #tpu.memory_space<hbm>>) dst(%arg8 : memref<8x128xi32, #tpu.memory_space<vmem>>)
      tpu.yield
    }) : () -> ()
    %dma_start3A = arith.constant 0 : i32
    %dma_start3A_16 = arith.constant 0 : i32
    %dma_start3A_17 = tpu.memref_slice %arg6[%dma_start3A, %dma_start3A_16] : memref<8x128xi32, #tpu.memory_space<vmem>> -> memref<1x128xi32, #tpu.memory_space<vmem>>
    %dma_start3A_18 = tpu.memref_squeeze %dma_start3A_17 : memref<1x128xi32, #tpu.memory_space<vmem>> -> memref<128xi32, #tpu.memory_space<vmem>>
    %dma_start3A_19 = arith.constant 0 : i32
    %dma_start3A_20 = arith.constant 0 : i32
    %dma_start3A_21 = tpu.memref_slice %arg4[%dma_start3A_19, %dma_start3A_20] : memref<10000x128xf32, #tpu.memory_space<hbm>> -> memref<10000x128xf32, #tpu.memory_space<hbm>>
    tpu.enqueue_indirect_dma source(%dma_start3A_21 : memref<10000x128xf32, #tpu.memory_space<hbm>>) target(%arg10 : memref<128x128xf32, #tpu.memory_space<vmem>>) offsets(%dma_start3A_18 : memref<128xi32, #tpu.memory_space<vmem>>) semaphore(%arg13 : memref<!tpu.dma_semaphore, #tpu.memory_space<semaphore_mem>>)
    %scan3A_22 = arith.constant 0 : i32
    %scan3A_23 = arith.constant 0 : i32
    %scan3A_24 = arith.constant 5 : i32
    %scan3A_25 = arith.addi %scan3A_23, %scan3A_24 : i32
    %scan3A_26 = arith.constant 1 : i32
    scf.for %scan3A_35 = %scan3A_23 to %scan3A_25 step %scan3A_26  : i32 {
      %mul3A_36 = arith.constant 2 : i32
      %mul3A_37 = arith.muli %mul3A_36, %scan3A_35 : i32
      %add3A_38 = arith.constant 1 : i32
      %add3A_39 = arith.addi %mul3A_37, %add3A_38 : i32
      %lt3A = arith.constant 10 : i32
      %lt3A_40 = arith.cmpi slt, %add3A_39, %lt3A : i32
      %convert_element_type3A = arith.extui %lt3A_40 : i1 to i32
      %cond3A = arith.constant 0 : i32
      %cond3A_41 = arith.cmpi ne, %convert_element_type3A, %cond3A : i32
      scf.if %cond3A_41 {
        %add3A_291 = arith.constant 1 : i32
        %add3A_292 = arith.addi %mul3A_37, %add3A_291 : i32
        %mul3A_293 = arith.constant 8 : i32
        %mul3A_294 = arith.muli %add3A_292, %mul3A_293 : i32
        %add3A_295 = arith.addi %mul3A_2, %mul3A_294 : i32
        "tpu.region"() ({
          %run_scoped3A_296 = tpu.sem_alloc : memref<!tpu.dma_semaphore, #tpu.memory_space<semaphore_mem>>
          %dma_start3A_297 = arith.constant 0 : i32
          %dma_start3A_298 = tpu.memref_slice %arg2[%add3A_295, %dma_start3A_297] : memref<2560x128xi32, #tpu.memory_space<hbm>> -> memref<8x128xi32, #tpu.memory_space<hbm>>
          %dma_start3A_299 = arith.constant 0 : i32
          %dma_start3A_300 = tpu.memref_slice %arg2[%add3A_295, %dma_start3A_299] : memref<2560x128xi32, #tpu.memory_space<hbm>> -> memref<8x128xi32, #tpu.memory_space<hbm>>
          tpu.enqueue_dma source(%dma_start3A_300 : memref<8x128xi32, #tpu.memory_space<hbm>>) target(%arg7 : memref<8x128xi32, #tpu.memory_space<vmem>>) target_semaphore(%run_scoped3A_296 : memref<!tpu.dma_semaphore, #tpu.memory_space<semaphore_mem>>)
          %dma_wait3A_301 = arith.constant 0 : i32
          %dma_wait3A_302 = tpu.memref_slice %arg2[%add3A_295, %dma_wait3A_301] : memref<2560x128xi32, #tpu.memory_space<hbm>> -> memref<8x128xi32, #tpu.memory_space<hbm>>
          %dma_wait3A_303 = arith.constant 0 : i32
          %dma_wait3A_304 = tpu.memref_slice %arg2[%add3A_295, %dma_wait3A_303] : memref<2560x128xi32, #tpu.memory_space<hbm>> -> memref<8x128xi32, #tpu.memory_space<hbm>>
          tpu.wait_dma2 semaphore(%run_scoped3A_296 : memref<!tpu.dma_semaphore, #tpu.memory_space<semaphore_mem>>) src(%dma_wait3A_304 : memref<8x128xi32, #tpu.memory_space<hbm>>) dst(%arg7 : memref<8x128xi32, #tpu.memory_space<vmem>>)
          tpu.yield
        }) : () -> ()
        "tpu.region"() ({
          %run_scoped3A_296 = tpu.sem_alloc : memref<!tpu.dma_semaphore, #tpu.memory_space<semaphore_mem>>
          %dma_start3A_297 = arith.constant 0 : i32
          %dma_start3A_298 = tpu.memref_slice %arg3[%add3A_295, %dma_start3A_297] : memref<2560x128xi32, #tpu.memory_space<hbm>> -> memref<8x128xi32, #tpu.memory_space<hbm>>
          %dma_start3A_299 = arith.constant 0 : i32
          %dma_start3A_300 = tpu.memref_slice %arg3[%add3A_295, %dma_start3A_299] : memref<2560x128xi32, #tpu.memory_space<hbm>> -> memref<8x128xi32, #tpu.memory_space<hbm>>
          tpu.enqueue_dma source(%dma_start3A_300 : memref<8x128xi32, #tpu.memory_space<hbm>>) target(%arg9 : memref<8x128xi32, #tpu.memory_space<vmem>>) target_semaphore(%run_scoped3A_296 : memref<!tpu.dma_semaphore, #tpu.memory_space<semaphore_mem>>)
          %dma_wait3A_301 = arith.constant 0 : i32
          %dma_wait3A_302 = tpu.memref_slice %arg3[%add3A_295, %dma_wait3A_301] : memref<2560x128xi32, #tpu.memory_space<hbm>> -> memref<8x128xi32, #tpu.memory_space<hbm>>
          %dma_wait3A_303 = arith.constant 0 : i32
          %dma_wait3A_304 = tpu.memref_slice %arg3[%add3A_295, %dma_wait3A_303] : memref<2560x128xi32, #tpu.memory_space<hbm>> -> memref<8x128xi32, #tpu.memory_space<hbm>>
          tpu.wait_dma2 semaphore(%run_scoped3A_296 : memref<!tpu.dma_semaphore, #tpu.memory_space<semaphore_mem>>) src(%dma_wait3A_304 : memref<8x128xi32, #tpu.memory_space<hbm>>) dst(%arg9 : memref<8x128xi32, #tpu.memory_space<vmem>>)
          tpu.yield
        }) : () -> ()
      } else {
      }
      %dma_wait3A = arith.constant 0 : i32
      %dma_wait3A_42 = arith.constant 0 : i32
      %dma_wait3A_43 = tpu.memref_slice %arg6[%dma_wait3A, %dma_wait3A_42] : memref<8x128xi32, #tpu.memory_space<vmem>> -> memref<1x128xi32, #tpu.memory_space<vmem>>
      %dma_wait3A_44 = tpu.memref_squeeze %dma_wait3A_43 : memref<1x128xi32, #tpu.memory_space<vmem>> -> memref<128xi32, #tpu.memory_space<vmem>>
      %dma_wait3A_45 = arith.constant 0 : i32
      %dma_wait3A_46 = arith.constant 0 : i32
      %dma_wait3A_47 = tpu.memref_slice %arg4[%dma_wait3A_45, %dma_wait3A_46] : memref<10000x128xf32, #tpu.memory_space<hbm>> -> memref<10000x128xf32, #tpu.memory_space<hbm>>
      tpu.wait_indirect_dma semaphore(%arg13 : memref<!tpu.dma_semaphore, #tpu.memory_space<semaphore_mem>>) src(%dma_wait3A_47 : memref<10000x128xf32, #tpu.memory_space<hbm>>) dst(%arg10 : memref<128x128xf32, #tpu.memory_space<vmem>>)
      %dma_start3A_48 = arith.constant 1 : i32
      %dma_start3A_49 = arith.constant 0 : i32
      %dma_start3A_50 = tpu.memref_slice %arg6[%dma_start3A_48, %dma_start3A_49] : memref<8x128xi32, #tpu.memory_space<vmem>> -> memref<1x128xi32, #tpu.memory_space<vmem>>
      %dma_start3A_51 = tpu.memref_squeeze %dma_start3A_50 : memref<1x128xi32, #tpu.memory_space<vmem>> -> memref<128xi32, #tpu.memory_space<vmem>>
      %dma_start3A_52 = arith.constant 0 : i32
      %dma_start3A_53 = arith.constant 0 : i32
      %dma_start3A_54 = tpu.memref_slice %arg4[%dma_start3A_52, %dma_start3A_53] : memref<10000x128xf32, #tpu.memory_space<hbm>> -> memref<10000x128xf32, #tpu.memory_space<hbm>>
      tpu.enqueue_indirect_dma source(%dma_start3A_54 : memref<10000x128xf32, #tpu.memory_space<hbm>>) target(%arg11 : memref<128x128xf32, #tpu.memory_space<vmem>>) offsets(%dma_start3A_51 : memref<128xi32, #tpu.memory_space<vmem>>) semaphore(%arg14 : memref<!tpu.dma_semaphore, #tpu.memory_space<semaphore_mem>>)
      %run_scoped3A = arith.constant 0 : i32
      "tpu.region"() ({
        %run_scoped3A_291 = tpu.sem_alloc : memref<!tpu.dma_semaphore, #tpu.memory_space<semaphore_mem>>
        %dma_start3A_292 = arith.constant 0 : i32
        %dma_start3A_293 = tpu.memref_slice %arg8[%run_scoped3A, %dma_start3A_292] : memref<8x128xi32, #tpu.memory_space<vmem>> -> memref<1x128xi32, #tpu.memory_space<vmem>>
        %dma_start3A_294 = tpu.memref_squeeze %dma_start3A_293 : memref<1x128xi32, #tpu.memory_space<vmem>> -> memref<128xi32, #tpu.memory_space<vmem>>
        %dma_start3A_295 = arith.constant 0 : i32
        %dma_start3A_296 = arith.constant 0 : i32
        %dma_start3A_297 = tpu.memref_slice %arg12[%dma_start3A_295, %dma_start3A_296] : memref<10240x128xf32, #tpu.memory_space<vmem_shared>> -> memref<10240x128xf32, #tpu.memory_space<vmem_shared>>
        tpu.enqueue_indirect_dma source(%arg10 : memref<128x128xf32, #tpu.memory_space<vmem>>) target(%dma_start3A_297 : memref<10240x128xf32, #tpu.memory_space<vmem_shared>>) offsets(%dma_start3A_294 : memref<128xi32, #tpu.memory_space<vmem>>) semaphore(%run_scoped3A_291 : memref<!tpu.dma_semaphore, #tpu.memory_space<semaphore_mem>>) {add = true}
        %dma_wait3A_298 = arith.constant 0 : i32
        %dma_wait3A_299 = tpu.memref_slice %arg8[%run_scoped3A, %dma_wait3A_298] : memref<8x128xi32, #tpu.memory_space<vmem>> -> memref<1x128xi32, #tpu.memory_space<vmem>>
        %dma_wait3A_300 = tpu.memref_squeeze %dma_wait3A_299 : memref<1x128xi32, #tpu.memory_space<vmem>> -> memref<128xi32, #tpu.memory_space<vmem>>
        %dma_wait3A_301 = arith.constant 0 : i32
        %dma_wait3A_302 = arith.constant 0 : i32
        %dma_wait3A_303 = tpu.memref_slice %arg12[%dma_wait3A_301, %dma_wait3A_302] : memref<10240x128xf32, #tpu.memory_space<vmem_shared>> -> memref<10240x128xf32, #tpu.memory_space<vmem_shared>>
        tpu.wait_indirect_dma semaphore(%run_scoped3A_291 : memref<!tpu.dma_semaphore, #tpu.memory_space<semaphore_mem>>) src(%arg10 : memref<128x128xf32, #tpu.memory_space<vmem>>) dst(%dma_wait3A_303 : memref<10240x128xf32, #tpu.memory_space<vmem_shared>>)
        tpu.yield
      }) : () -> ()
      %dma_wait3A_55 = arith.constant 1 : i32
      %dma_wait3A_56 = arith.constant 0 : i32
      %dma_wait3A_57 = tpu.memref_slice %arg6[%dma_wait3A_55, %dma_wait3A_56] : memref<8x128xi32, #tpu.memory_space<vmem>> -> memref<1x128xi32, #tpu.memory_space<vmem>>
      %dma_wait3A_58 = tpu.memref_squeeze %dma_wait3A_57 : memref<1x128xi32, #tpu.memory_space<vmem>> -> memref<128xi32, #tpu.memory_space<vmem>>
      %dma_wait3A_59 = arith.constant 0 : i32
      %dma_wait3A_60 = arith.constant 0 : i32
      %dma_wait3A_61 = tpu.memref_slice %arg4[%dma_wait3A_59, %dma_wait3A_60] : memref<10000x128xf32, #tpu.memory_space<hbm>> -> memref<10000x128xf32, #tpu.memory_space<hbm>>
      tpu.wait_indirect_dma semaphore(%arg14 : memref<!tpu.dma_semaphore, #tpu.memory_space<semaphore_mem>>) src(%dma_wait3A_61 : memref<10000x128xf32, #tpu.memory_space<hbm>>) dst(%arg11 : memref<128x128xf32, #tpu.memory_space<vmem>>)
      %dma_start3A_62 = arith.constant 2 : i32
      %dma_start3A_63 = arith.constant 0 : i32
      %dma_start3A_64 = tpu.memref_slice %arg6[%dma_start3A_62, %dma_start3A_63] : memref<8x128xi32, #tpu.memory_space<vmem>> -> memref<1x128xi32, #tpu.memory_space<vmem>>
      %dma_start3A_65 = tpu.memref_squeeze %dma_start3A_64 : memref<1x128xi32, #tpu.memory_space<vmem>> -> memref<128xi32, #tpu.memory_space<vmem>>
      %dma_start3A_66 = arith.constant 0 : i32
      %dma_start3A_67 = arith.constant 0 : i32
      %dma_start3A_68 = tpu.memref_slice %arg4[%dma_start3A_66, %dma_start3A_67] : memref<10000x128xf32, #tpu.memory_space<hbm>> -> memref<10000x128xf32, #tpu.memory_space<hbm>>
      tpu.enqueue_indirect_dma source(%dma_start3A_68 : memref<10000x128xf32, #tpu.memory_space<hbm>>) target(%arg10 : memref<128x128xf32, #tpu.memory_space<vmem>>) offsets(%dma_start3A_65 : memref<128xi32, #tpu.memory_space<vmem>>) semaphore(%arg13 : memref<!tpu.dma_semaphore, #tpu.memory_space<semaphore_mem>>)
      %run_scoped3A_69 = arith.constant 1 : i32
      "tpu.region"() ({
        %run_scoped3A_291 = tpu.sem_alloc : memref<!tpu.dma_semaphore, #tpu.memory_space<semaphore_mem>>
        %dma_start3A_292 = arith.constant 0 : i32
        %dma_start3A_293 = tpu.memref_slice %arg8[%run_scoped3A_69, %dma_start3A_292] : memref<8x128xi32, #tpu.memory_space<vmem>> -> memref<1x128xi32, #tpu.memory_space<vmem>>
        %dma_start3A_294 = tpu.memref_squeeze %dma_start3A_293 : memref<1x128xi32, #tpu.memory_space<vmem>> -> memref<128xi32, #tpu.memory_space<vmem>>
        %dma_start3A_295 = arith.constant 0 : i32
        %dma_start3A_296 = arith.constant 0 : i32
        %dma_start3A_297 = tpu.memref_slice %arg12[%dma_start3A_295, %dma_start3A_296] : memref<10240x128xf32, #tpu.memory_space<vmem_shared>> -> memref<10240x128xf32, #tpu.memory_space<vmem_shared>>
        tpu.enqueue_indirect_dma source(%arg11 : memref<128x128xf32, #tpu.memory_space<vmem>>) target(%dma_start3A_297 : memref<10240x128xf32, #tpu.memory_space<vmem_shared>>) offsets(%dma_start3A_294 : memref<128xi32, #tpu.memory_space<vmem>>) semaphore(%run_scoped3A_291 : memref<!tpu.dma_semaphore, #tpu.memory_space<semaphore_mem>>) {add = true}
        %dma_wait3A_298 = arith.constant 0 : i32
        %dma_wait3A_299 = tpu.memref_slice %arg8[%run_scoped3A_69, %dma_wait3A_298] : memref<8x128xi32, #tpu.memory_space<vmem>> -> memref<1x128xi32, #tpu.memory_space<vmem>>
        %dma_wait3A_300 = tpu.memref_squeeze %dma_wait3A_299 : memref<1x128xi32, #tpu.memory_space<vmem>> -> memref<128xi32, #tpu.memory_space<vmem>>
        %dma_wait3A_301 = arith.constant 0 : i32
        %dma_wait3A_302 = arith.constant 0 : i32
        %dma_wait3A_303 = tpu.memref_slice %arg12[%dma_wait3A_301, %dma_wait3A_302] : memref<10240x128xf32, #tpu.memory_space<vmem_shared>> -> memref<10240x128xf32, #tpu.memory_space<vmem_shared>>
        tpu.wait_indirect_dma semaphore(%run_scoped3A_291 : memref<!tpu.dma_semaphore, #tpu.memory_space<semaphore_mem>>) src(%arg11 : memref<128x128xf32, #tpu.memory_space<vmem>>) dst(%dma_wait3A_303 : memref<10240x128xf32, #tpu.memory_space<vmem_shared>>)
        tpu.yield
      }) : () -> ()
      %dma_wait3A_70 = arith.constant 2 : i32
      %dma_wait3A_71 = arith.constant 0 : i32
      %dma_wait3A_72 = tpu.memref_slice %arg6[%dma_wait3A_70, %dma_wait3A_71] : memref<8x128xi32, #tpu.memory_space<vmem>> -> memref<1x128xi32, #tpu.memory_space<vmem>>
      %dma_wait3A_73 = tpu.memref_squeeze %dma_wait3A_72 : memref<1x128xi32, #tpu.memory_space<vmem>> -> memref<128xi32, #tpu.memory_space<vmem>>
      %dma_wait3A_74 = arith.constant 0 : i32
      %dma_wait3A_75 = arith.constant 0 : i32
      %dma_wait3A_76 = tpu.memref_slice %arg4[%dma_wait3A_74, %dma_wait3A_75] : memref<10000x128xf32, #tpu.memory_space<hbm>> -> memref<10000x128xf32, #tpu.memory_space<hbm>>
      tpu.wait_indirect_dma semaphore(%arg13 : memref<!tpu.dma_semaphore, #tpu.memory_space<semaphore_mem>>) src(%dma_wait3A_76 : memref<10000x128xf32, #tpu.memory_space<hbm>>) dst(%arg10 : memref<128x128xf32, #tpu.memory_space<vmem>>)
      %dma_start3A_77 = arith.constant 3 : i32
      %dma_start3A_78 = arith.constant 0 : i32
      %dma_start3A_79 = tpu.memref_slice %arg6[%dma_start3A_77, %dma_start3A_78] : memref<8x128xi32, #tpu.memory_space<vmem>> -> memref<1x128xi32, #tpu.memory_space<vmem>>
      %dma_start3A_80 = tpu.memref_squeeze %dma_start3A_79 : memref<1x128xi32, #tpu.memory_space<vmem>> -> memref<128xi32, #tpu.memory_space<vmem>>
      %dma_start3A_81 = arith.constant 0 : i32
      %dma_start3A_82 = arith.constant 0 : i32
      %dma_start3A_83 = tpu.memref_slice %arg4[%dma_start3A_81, %dma_start3A_82] : memref<10000x128xf32, #tpu.memory_space<hbm>> -> memref<10000x128xf32, #tpu.memory_space<hbm>>
      tpu.enqueue_indirect_dma source(%dma_start3A_83 : memref<10000x128xf32, #tpu.memory_space<hbm>>) target(%arg11 : memref<128x128xf32, #tpu.memory_space<vmem>>) offsets(%dma_start3A_80 : memref<128xi32, #tpu.memory_space<vmem>>) semaphore(%arg14 : memref<!tpu.dma_semaphore, #tpu.memory_space<semaphore_mem>>)
      %run_scoped3A_84 = arith.constant 2 : i32
      "tpu.region"() ({
        %run_scoped3A_291 = tpu.sem_alloc : memref<!tpu.dma_semaphore, #tpu.memory_space<semaphore_mem>>
        %dma_start3A_292 = arith.constant 0 : i32
        %dma_start3A_293 = tpu.memref_slice %arg8[%run_scoped3A_84, %dma_start3A_292] : memref<8x128xi32, #tpu.memory_space<vmem>> -> memref<1x128xi32, #tpu.memory_space<vmem>>
        %dma_start3A_294 = tpu.memref_squeeze %dma_start3A_293 : memref<1x128xi32, #tpu.memory_space<vmem>> -> memref<128xi32, #tpu.memory_space<vmem>>
        %dma_start3A_295 = arith.constant 0 : i32
        %dma_start3A_296 = arith.constant 0 : i32
        %dma_start3A_297 = tpu.memref_slice %arg12[%dma_start3A_295, %dma_start3A_296] : memref<10240x128xf32, #tpu.memory_space<vmem_shared>> -> memref<10240x128xf32, #tpu.memory_space<vmem_shared>>
        tpu.enqueue_indirect_dma source(%arg10 : memref<128x128xf32, #tpu.memory_space<vmem>>) target(%dma_start3A_297 : memref<10240x128xf32, #tpu.memory_space<vmem_shared>>) offsets(%dma_start3A_294 : memref<128xi32, #tpu.memory_space<vmem>>) semaphore(%run_scoped3A_291 : memref<!tpu.dma_semaphore, #tpu.memory_space<semaphore_mem>>) {add = true}
        %dma_wait3A_298 = arith.constant 0 : i32
        %dma_wait3A_299 = tpu.memref_slice %arg8[%run_scoped3A_84, %dma_wait3A_298] : memref<8x128xi32, #tpu.memory_space<vmem>> -> memref<1x128xi32, #tpu.memory_space<vmem>>
        %dma_wait3A_300 = tpu.memref_squeeze %dma_wait3A_299 : memref<1x128xi32, #tpu.memory_space<vmem>> -> memref<128xi32, #tpu.memory_space<vmem>>
        %dma_wait3A_301 = arith.constant 0 : i32
        %dma_wait3A_302 = arith.constant 0 : i32
        %dma_wait3A_303 = tpu.memref_slice %arg12[%dma_wait3A_301, %dma_wait3A_302] : memref<10240x128xf32, #tpu.memory_space<vmem_shared>> -> memref<10240x128xf32, #tpu.memory_space<vmem_shared>>
        tpu.wait_indirect_dma semaphore(%run_scoped3A_291 : memref<!tpu.dma_semaphore, #tpu.memory_space<semaphore_mem>>) src(%arg10 : memref<128x128xf32, #tpu.memory_space<vmem>>) dst(%dma_wait3A_303 : memref<10240x128xf32, #tpu.memory_space<vmem_shared>>)
        tpu.yield
      }) : () -> ()
      %dma_wait3A_85 = arith.constant 3 : i32
      %dma_wait3A_86 = arith.constant 0 : i32
      %dma_wait3A_87 = tpu.memref_slice %arg6[%dma_wait3A_85, %dma_wait3A_86] : memref<8x128xi32, #tpu.memory_space<vmem>> -> memref<1x128xi32, #tpu.memory_space<vmem>>
      %dma_wait3A_88 = tpu.memref_squeeze %dma_wait3A_87 : memref<1x128xi32, #tpu.memory_space<vmem>> -> memref<128xi32, #tpu.memory_space<vmem>>
      %dma_wait3A_89 = arith.constant 0 : i32
      %dma_wait3A_90 = arith.constant 0 : i32
      %dma_wait3A_91 = tpu.memref_slice %arg4[%dma_wait3A_89, %dma_wait3A_90] : memref<10000x128xf32, #tpu.memory_space<hbm>> -> memref<10000x128xf32, #tpu.memory_space<hbm>>
      tpu.wait_indirect_dma semaphore(%arg14 : memref<!tpu.dma_semaphore, #tpu.memory_space<semaphore_mem>>) src(%dma_wait3A_91 : memref<10000x128xf32, #tpu.memory_space<hbm>>) dst(%arg11 : memref<128x128xf32, #tpu.memory_space<vmem>>)
      %dma_start3A_92 = arith.constant 4 : i32
      %dma_start3A_93 = arith.constant 0 : i32
      %dma_start3A_94 = tpu.memref_slice %arg6[%dma_start3A_92, %dma_start3A_93] : memref<8x128xi32, #tpu.memory_space<vmem>> -> memref<1x128xi32, #tpu.memory_space<vmem>>
      %dma_start3A_95 = tpu.memref_squeeze %dma_start3A_94 : memref<1x128xi32, #tpu.memory_space<vmem>> -> memref<128xi32, #tpu.memory_space<vmem>>
      %dma_start3A_96 = arith.constant 0 : i32
      %dma_start3A_97 = arith.constant 0 : i32
      %dma_start3A_98 = tpu.memref_slice %arg4[%dma_start3A_96, %dma_start3A_97] : memref<10000x128xf32, #tpu.memory_space<hbm>> -> memref<10000x128xf32, #tpu.memory_space<hbm>>
      tpu.enqueue_indirect_dma source(%dma_start3A_98 : memref<10000x128xf32, #tpu.memory_space<hbm>>) target(%arg10 : memref<128x128xf32, #tpu.memory_space<vmem>>) offsets(%dma_start3A_95 : memref<128xi32, #tpu.memory_space<vmem>>) semaphore(%arg13 : memref<!tpu.dma_semaphore, #tpu.memory_space<semaphore_mem>>)
      %run_scoped3A_99 = arith.constant 3 : i32
      "tpu.region"() ({
        %run_scoped3A_291 = tpu.sem_alloc : memref<!tpu.dma_semaphore, #tpu.memory_space<semaphore_mem>>
        %dma_start3A_292 = arith.constant 0 : i32
        %dma_start3A_293 = tpu.memref_slice %arg8[%run_scoped3A_99, %dma_start3A_292] : memref<8x128xi32, #tpu.memory_space<vmem>> -> memref<1x128xi32, #tpu.memory_space<vmem>>
        %dma_start3A_294 = tpu.memref_squeeze %dma_start3A_293 : memref<1x128xi32, #tpu.memory_space<vmem>> -> memref<128xi32, #tpu.memory_space<vmem>>
        %dma_start3A_295 = arith.constant 0 : i32
        %dma_start3A_296 = arith.constant 0 : i32
        %dma_start3A_297 = tpu.memref_slice %arg12[%dma_start3A_295, %dma_start3A_296] : memref<10240x128xf32, #tpu.memory_space<vmem_shared>> -> memref<10240x128xf32, #tpu.memory_space<vmem_shared>>
        tpu.enqueue_indirect_dma source(%arg11 : memref<128x128xf32, #tpu.memory_space<vmem>>) target(%dma_start3A_297 : memref<10240x128xf32, #tpu.memory_space<vmem_shared>>) offsets(%dma_start3A_294 : memref<128xi32, #tpu.memory_space<vmem>>) semaphore(%run_scoped3A_291 : memref<!tpu.dma_semaphore, #tpu.memory_space<semaphore_mem>>) {add = true}
        %dma_wait3A_298 = arith.constant 0 : i32
        %dma_wait3A_299 = tpu.memref_slice %arg8[%run_scoped3A_99, %dma_wait3A_298] : memref<8x128xi32, #tpu.memory_space<vmem>> -> memref<1x128xi32, #tpu.memory_space<vmem>>
        %dma_wait3A_300 = tpu.memref_squeeze %dma_wait3A_299 : memref<1x128xi32, #tpu.memory_space<vmem>> -> memref<128xi32, #tpu.memory_space<vmem>>
        %dma_wait3A_301 = arith.constant 0 : i32
        %dma_wait3A_302 = arith.constant 0 : i32
        %dma_wait3A_303 = tpu.memref_slice %arg12[%dma_wait3A_301, %dma_wait3A_302] : memref<10240x128xf32, #tpu.memory_space<vmem_shared>> -> memref<10240x128xf32, #tpu.memory_space<vmem_shared>>
        tpu.wait_indirect_dma semaphore(%run_scoped3A_291 : memref<!tpu.dma_semaphore, #tpu.memory_space<semaphore_mem>>) src(%arg11 : memref<128x128xf32, #tpu.memory_space<vmem>>) dst(%dma_wait3A_303 : memref<10240x128xf32, #tpu.memory_space<vmem_shared>>)
        tpu.yield
      }) : () -> ()
      %dma_wait3A_100 = arith.constant 4 : i32
      %dma_wait3A_101 = arith.constant 0 : i32
      %dma_wait3A_102 = tpu.memref_slice %arg6[%dma_wait3A_100, %dma_wait3A_101] : memref<8x128xi32, #tpu.memory_space<vmem>> -> memref<1x128xi32, #tpu.memory_space<vmem>>
      %dma_wait3A_103 = tpu.memref_squeeze %dma_wait3A_102 : memref<1x128xi32, #tpu.memory_space<vmem>> -> memref<128xi32, #tpu.memory_space<vmem>>
      %dma_wait3A_104 = arith.constant 0 : i32
      %dma_wait3A_105 = arith.constant 0 : i32
      %dma_wait3A_106 = tpu.memref_slice %arg4[%dma_wait3A_104, %dma_wait3A_105] : memref<10000x128xf32, #tpu.memory_space<hbm>> -> memref<10000x128xf32, #tpu.memory_space<hbm>>
      tpu.wait_indirect_dma semaphore(%arg13 : memref<!tpu.dma_semaphore, #tpu.memory_space<semaphore_mem>>) src(%dma_wait3A_106 : memref<10000x128xf32, #tpu.memory_space<hbm>>) dst(%arg10 : memref<128x128xf32, #tpu.memory_space<vmem>>)
      %dma_start3A_107 = arith.constant 5 : i32
      %dma_start3A_108 = arith.constant 0 : i32
      %dma_start3A_109 = tpu.memref_slice %arg6[%dma_start3A_107, %dma_start3A_108] : memref<8x128xi32, #tpu.memory_space<vmem>> -> memref<1x128xi32, #tpu.memory_space<vmem>>
      %dma_start3A_110 = tpu.memref_squeeze %dma_start3A_109 : memref<1x128xi32, #tpu.memory_space<vmem>> -> memref<128xi32, #tpu.memory_space<vmem>>
      %dma_start3A_111 = arith.constant 0 : i32
      %dma_start3A_112 = arith.constant 0 : i32
      %dma_start3A_113 = tpu.memref_slice %arg4[%dma_start3A_111, %dma_start3A_112] : memref<10000x128xf32, #tpu.memory_space<hbm>> -> memref<10000x128xf32, #tpu.memory_space<hbm>>
      tpu.enqueue_indirect_dma source(%dma_start3A_113 : memref<10000x128xf32, #tpu.memory_space<hbm>>) target(%arg11 : memref<128x128xf32, #tpu.memory_space<vmem>>) offsets(%dma_start3A_110 : memref<128xi32, #tpu.memory_space<vmem>>) semaphore(%arg14 : memref<!tpu.dma_semaphore, #tpu.memory_space<semaphore_mem>>)
      %run_scoped3A_114 = arith.constant 4 : i32
      "tpu.region"() ({
        %run_scoped3A_291 = tpu.sem_alloc : memref<!tpu.dma_semaphore, #tpu.memory_space<semaphore_mem>>
        %dma_start3A_292 = arith.constant 0 : i32
        %dma_start3A_293 = tpu.memref_slice %arg8[%run_scoped3A_114, %dma_start3A_292] : memref<8x128xi32, #tpu.memory_space<vmem>> -> memref<1x128xi32, #tpu.memory_space<vmem>>
        %dma_start3A_294 = tpu.memref_squeeze %dma_start3A_293 : memref<1x128xi32, #tpu.memory_space<vmem>> -> memref<128xi32, #tpu.memory_space<vmem>>
        %dma_start3A_295 = arith.constant 0 : i32
        %dma_start3A_296 = arith.constant 0 : i32
        %dma_start3A_297 = tpu.memref_slice %arg12[%dma_start3A_295, %dma_start3A_296] : memref<10240x128xf32, #tpu.memory_space<vmem_shared>> -> memref<10240x128xf32, #tpu.memory_space<vmem_shared>>
        tpu.enqueue_indirect_dma source(%arg10 : memref<128x128xf32, #tpu.memory_space<vmem>>) target(%dma_start3A_297 : memref<10240x128xf32, #tpu.memory_space<vmem_shared>>) offsets(%dma_start3A_294 : memref<128xi32, #tpu.memory_space<vmem>>) semaphore(%run_scoped3A_291 : memref<!tpu.dma_semaphore, #tpu.memory_space<semaphore_mem>>) {add = true}
        %dma_wait3A_298 = arith.constant 0 : i32
        %dma_wait3A_299 = tpu.memref_slice %arg8[%run_scoped3A_114, %dma_wait3A_298] : memref<8x128xi32, #tpu.memory_space<vmem>> -> memref<1x128xi32, #tpu.memory_space<vmem>>
        %dma_wait3A_300 = tpu.memref_squeeze %dma_wait3A_299 : memref<1x128xi32, #tpu.memory_space<vmem>> -> memref<128xi32, #tpu.memory_space<vmem>>
        %dma_wait3A_301 = arith.constant 0 : i32
        %dma_wait3A_302 = arith.constant 0 : i32
        %dma_wait3A_303 = tpu.memref_slice %arg12[%dma_wait3A_301, %dma_wait3A_302] : memref<10240x128xf32, #tpu.memory_space<vmem_shared>> -> memref<10240x128xf32, #tpu.memory_space<vmem_shared>>
        tpu.wait_indirect_dma semaphore(%run_scoped3A_291 : memref<!tpu.dma_semaphore, #tpu.memory_space<semaphore_mem>>) src(%arg10 : memref<128x128xf32, #tpu.memory_space<vmem>>) dst(%dma_wait3A_303 : memref<10240x128xf32, #tpu.memory_space<vmem_shared>>)
        tpu.yield
      }) : () -> ()
      %dma_wait3A_115 = arith.constant 5 : i32
      %dma_wait3A_116 = arith.constant 0 : i32
      %dma_wait3A_117 = tpu.memref_slice %arg6[%dma_wait3A_115, %dma_wait3A_116] : memref<8x128xi32, #tpu.memory_space<vmem>> -> memref<1x128xi32, #tpu.memory_space<vmem>>
      %dma_wait3A_118 = tpu.memref_squeeze %dma_wait3A_117 : memref<1x128xi32, #tpu.memory_space<vmem>> -> memref<128xi32, #tpu.memory_space<vmem>>
      %dma_wait3A_119 = arith.constant 0 : i32
      %dma_wait3A_120 = arith.constant 0 : i32
      %dma_wait3A_121 = tpu.memref_slice %arg4[%dma_wait3A_119, %dma_wait3A_120] : memref<10000x128xf32, #tpu.memory_space<hbm>> -> memref<10000x128xf32, #tpu.memory_space<hbm>>
      tpu.wait_indirect_dma semaphore(%arg14 : memref<!tpu.dma_semaphore, #tpu.memory_space<semaphore_mem>>) src(%dma_wait3A_121 : memref<10000x128xf32, #tpu.memory_space<hbm>>) dst(%arg11 : memref<128x128xf32, #tpu.memory_space<vmem>>)
      %dma_start3A_122 = arith.constant 6 : i32
      %dma_start3A_123 = arith.constant 0 : i32
      %dma_start3A_124 = tpu.memref_slice %arg6[%dma_start3A_122, %dma_start3A_123] : memref<8x128xi32, #tpu.memory_space<vmem>> -> memref<1x128xi32, #tpu.memory_space<vmem>>
      %dma_start3A_125 = tpu.memref_squeeze %dma_start3A_124 : memref<1x128xi32, #tpu.memory_space<vmem>> -> memref<128xi32, #tpu.memory_space<vmem>>
      %dma_start3A_126 = arith.constant 0 : i32
      %dma_start3A_127 = arith.constant 0 : i32
      %dma_start3A_128 = tpu.memref_slice %arg4[%dma_start3A_126, %dma_start3A_127] : memref<10000x128xf32, #tpu.memory_space<hbm>> -> memref<10000x128xf32, #tpu.memory_space<hbm>>
      tpu.enqueue_indirect_dma source(%dma_start3A_128 : memref<10000x128xf32, #tpu.memory_space<hbm>>) target(%arg10 : memref<128x128xf32, #tpu.memory_space<vmem>>) offsets(%dma_start3A_125 : memref<128xi32, #tpu.memory_space<vmem>>) semaphore(%arg13 : memref<!tpu.dma_semaphore, #tpu.memory_space<semaphore_mem>>)
      %run_scoped3A_129 = arith.constant 5 : i32
      "tpu.region"() ({
        %run_scoped3A_291 = tpu.sem_alloc : memref<!tpu.dma_semaphore, #tpu.memory_space<semaphore_mem>>
        %dma_start3A_292 = arith.constant 0 : i32
        %dma_start3A_293 = tpu.memref_slice %arg8[%run_scoped3A_129, %dma_start3A_292] : memref<8x128xi32, #tpu.memory_space<vmem>> -> memref<1x128xi32, #tpu.memory_space<vmem>>
        %dma_start3A_294 = tpu.memref_squeeze %dma_start3A_293 : memref<1x128xi32, #tpu.memory_space<vmem>> -> memref<128xi32, #tpu.memory_space<vmem>>
        %dma_start3A_295 = arith.constant 0 : i32
        %dma_start3A_296 = arith.constant 0 : i32
        %dma_start3A_297 = tpu.memref_slice %arg12[%dma_start3A_295, %dma_start3A_296] : memref<10240x128xf32, #tpu.memory_space<vmem_shared>> -> memref<10240x128xf32, #tpu.memory_space<vmem_shared>>
        tpu.enqueue_indirect_dma source(%arg11 : memref<128x128xf32, #tpu.memory_space<vmem>>) target(%dma_start3A_297 : memref<10240x128xf32, #tpu.memory_space<vmem_shared>>) offsets(%dma_start3A_294 : memref<128xi32, #tpu.memory_space<vmem>>) semaphore(%run_scoped3A_291 : memref<!tpu.dma_semaphore, #tpu.memory_space<semaphore_mem>>) {add = true}
        %dma_wait3A_298 = arith.constant 0 : i32
        %dma_wait3A_299 = tpu.memref_slice %arg8[%run_scoped3A_129, %dma_wait3A_298] : memref<8x128xi32, #tpu.memory_space<vmem>> -> memref<1x128xi32, #tpu.memory_space<vmem>>
        %dma_wait3A_300 = tpu.memref_squeeze %dma_wait3A_299 : memref<1x128xi32, #tpu.memory_space<vmem>> -> memref<128xi32, #tpu.memory_space<vmem>>
        %dma_wait3A_301 = arith.constant 0 : i32
        %dma_wait3A_302 = arith.constant 0 : i32
        %dma_wait3A_303 = tpu.memref_slice %arg12[%dma_wait3A_301, %dma_wait3A_302] : memref<10240x128xf32, #tpu.memory_space<vmem_shared>> -> memref<10240x128xf32, #tpu.memory_space<vmem_shared>>
        tpu.wait_indirect_dma semaphore(%run_scoped3A_291 : memref<!tpu.dma_semaphore, #tpu.memory_space<semaphore_mem>>) src(%arg11 : memref<128x128xf32, #tpu.memory_space<vmem>>) dst(%dma_wait3A_303 : memref<10240x128xf32, #tpu.memory_space<vmem_shared>>)
        tpu.yield
      }) : () -> ()
      %dma_wait3A_130 = arith.constant 6 : i32
      %dma_wait3A_131 = arith.constant 0 : i32
      %dma_wait3A_132 = tpu.memref_slice %arg6[%dma_wait3A_130, %dma_wait3A_131] : memref<8x128xi32, #tpu.memory_space<vmem>> -> memref<1x128xi32, #tpu.memory_space<vmem>>
      %dma_wait3A_133 = tpu.memref_squeeze %dma_wait3A_132 : memref<1x128xi32, #tpu.memory_space<vmem>> -> memref<128xi32, #tpu.memory_space<vmem>>
      %dma_wait3A_134 = arith.constant 0 : i32
      %dma_wait3A_135 = arith.constant 0 : i32
      %dma_wait3A_136 = tpu.memref_slice %arg4[%dma_wait3A_134, %dma_wait3A_135] : memref<10000x128xf32, #tpu.memory_space<hbm>> -> memref<10000x128xf32, #tpu.memory_space<hbm>>
      tpu.wait_indirect_dma semaphore(%arg13 : memref<!tpu.dma_semaphore, #tpu.memory_space<semaphore_mem>>) src(%dma_wait3A_136 : memref<10000x128xf32, #tpu.memory_space<hbm>>) dst(%arg10 : memref<128x128xf32, #tpu.memory_space<vmem>>)
      %dma_start3A_137 = arith.constant 7 : i32
      %dma_start3A_138 = arith.constant 0 : i32
      %dma_start3A_139 = tpu.memref_slice %arg6[%dma_start3A_137, %dma_start3A_138] : memref<8x128xi32, #tpu.memory_space<vmem>> -> memref<1x128xi32, #tpu.memory_space<vmem>>
      %dma_start3A_140 = tpu.memref_squeeze %dma_start3A_139 : memref<1x128xi32, #tpu.memory_space<vmem>> -> memref<128xi32, #tpu.memory_space<vmem>>
      %dma_start3A_141 = arith.constant 0 : i32
      %dma_start3A_142 = arith.constant 0 : i32
      %dma_start3A_143 = tpu.memref_slice %arg4[%dma_start3A_141, %dma_start3A_142] : memref<10000x128xf32, #tpu.memory_space<hbm>> -> memref<10000x128xf32, #tpu.memory_space<hbm>>
      tpu.enqueue_indirect_dma source(%dma_start3A_143 : memref<10000x128xf32, #tpu.memory_space<hbm>>) target(%arg11 : memref<128x128xf32, #tpu.memory_space<vmem>>) offsets(%dma_start3A_140 : memref<128xi32, #tpu.memory_space<vmem>>) semaphore(%arg14 : memref<!tpu.dma_semaphore, #tpu.memory_space<semaphore_mem>>)
      %run_scoped3A_144 = arith.constant 6 : i32
      "tpu.region"() ({
        %run_scoped3A_291 = tpu.sem_alloc : memref<!tpu.dma_semaphore, #tpu.memory_space<semaphore_mem>>
        %dma_start3A_292 = arith.constant 0 : i32
        %dma_start3A_293 = tpu.memref_slice %arg8[%run_scoped3A_144, %dma_start3A_292] : memref<8x128xi32, #tpu.memory_space<vmem>> -> memref<1x128xi32, #tpu.memory_space<vmem>>
        %dma_start3A_294 = tpu.memref_squeeze %dma_start3A_293 : memref<1x128xi32, #tpu.memory_space<vmem>> -> memref<128xi32, #tpu.memory_space<vmem>>
        %dma_start3A_295 = arith.constant 0 : i32
        %dma_start3A_296 = arith.constant 0 : i32
        %dma_start3A_297 = tpu.memref_slice %arg12[%dma_start3A_295, %dma_start3A_296] : memref<10240x128xf32, #tpu.memory_space<vmem_shared>> -> memref<10240x128xf32, #tpu.memory_space<vmem_shared>>
        tpu.enqueue_indirect_dma source(%arg10 : memref<128x128xf32, #tpu.memory_space<vmem>>) target(%dma_start3A_297 : memref<10240x128xf32, #tpu.memory_space<vmem_shared>>) offsets(%dma_start3A_294 : memref<128xi32, #tpu.memory_space<vmem>>) semaphore(%run_scoped3A_291 : memref<!tpu.dma_semaphore, #tpu.memory_space<semaphore_mem>>) {add = true}
        %dma_wait3A_298 = arith.constant 0 : i32
        %dma_wait3A_299 = tpu.memref_slice %arg8[%run_scoped3A_144, %dma_wait3A_298] : memref<8x128xi32, #tpu.memory_space<vmem>> -> memref<1x128xi32, #tpu.memory_space<vmem>>
        %dma_wait3A_300 = tpu.memref_squeeze %dma_wait3A_299 : memref<1x128xi32, #tpu.memory_space<vmem>> -> memref<128xi32, #tpu.memory_space<vmem>>
        %dma_wait3A_301 = arith.constant 0 : i32
        %dma_wait3A_302 = arith.constant 0 : i32
        %dma_wait3A_303 = tpu.memref_slice %arg12[%dma_wait3A_301, %dma_wait3A_302] : memref<10240x128xf32, #tpu.memory_space<vmem_shared>> -> memref<10240x128xf32, #tpu.memory_space<vmem_shared>>
        tpu.wait_indirect_dma semaphore(%run_scoped3A_291 : memref<!tpu.dma_semaphore, #tpu.memory_space<semaphore_mem>>) src(%arg10 : memref<128x128xf32, #tpu.memory_space<vmem>>) dst(%dma_wait3A_303 : memref<10240x128xf32, #tpu.memory_space<vmem_shared>>)
        tpu.yield
      }) : () -> ()
      %dma_wait3A_145 = arith.constant 7 : i32
      %dma_wait3A_146 = arith.constant 0 : i32
      %dma_wait3A_147 = tpu.memref_slice %arg6[%dma_wait3A_145, %dma_wait3A_146] : memref<8x128xi32, #tpu.memory_space<vmem>> -> memref<1x128xi32, #tpu.memory_space<vmem>>
      %dma_wait3A_148 = tpu.memref_squeeze %dma_wait3A_147 : memref<1x128xi32, #tpu.memory_space<vmem>> -> memref<128xi32, #tpu.memory_space<vmem>>
      %dma_wait3A_149 = arith.constant 0 : i32
      %dma_wait3A_150 = arith.constant 0 : i32
      %dma_wait3A_151 = tpu.memref_slice %arg4[%dma_wait3A_149, %dma_wait3A_150] : memref<10000x128xf32, #tpu.memory_space<hbm>> -> memref<10000x128xf32, #tpu.memory_space<hbm>>
      tpu.wait_indirect_dma semaphore(%arg14 : memref<!tpu.dma_semaphore, #tpu.memory_space<semaphore_mem>>) src(%dma_wait3A_151 : memref<10000x128xf32, #tpu.memory_space<hbm>>) dst(%arg11 : memref<128x128xf32, #tpu.memory_space<vmem>>)
      %add3A_152 = arith.constant 1 : i32
      %add3A_153 = arith.addi %mul3A_37, %add3A_152 : i32
      %lt3A_154 = arith.constant 10 : i32
      %lt3A_155 = arith.cmpi slt, %add3A_153, %lt3A_154 : i32
      %convert_element_type3A_156 = arith.extui %lt3A_155 : i1 to i32
      %cond3A_157 = arith.constant 0 : i32
      %cond3A_158 = arith.cmpi ne, %convert_element_type3A_156, %cond3A_157 : i32
      scf.if %cond3A_158 {
        %dma_start3A_291 = arith.constant 0 : i32
        %dma_start3A_292 = arith.constant 0 : i32
        %dma_start3A_293 = tpu.memref_slice %arg7[%dma_start3A_291, %dma_start3A_292] : memref<8x128xi32, #tpu.memory_space<vmem>> -> memref<1x128xi32, #tpu.memory_space<vmem>>
        %dma_start3A_294 = tpu.memref_squeeze %dma_start3A_293 : memref<1x128xi32, #tpu.memory_space<vmem>> -> memref<128xi32, #tpu.memory_space<vmem>>
        %dma_start3A_295 = arith.constant 0 : i32
        %dma_start3A_296 = arith.constant 0 : i32
        %dma_start3A_297 = tpu.memref_slice %arg4[%dma_start3A_295, %dma_start3A_296] : memref<10000x128xf32, #tpu.memory_space<hbm>> -> memref<10000x128xf32, #tpu.memory_space<hbm>>
        tpu.enqueue_indirect_dma source(%dma_start3A_297 : memref<10000x128xf32, #tpu.memory_space<hbm>>) target(%arg10 : memref<128x128xf32, #tpu.memory_space<vmem>>) offsets(%dma_start3A_294 : memref<128xi32, #tpu.memory_space<vmem>>) semaphore(%arg13 : memref<!tpu.dma_semaphore, #tpu.memory_space<semaphore_mem>>)
      } else {
      }
      %run_scoped3A_159 = arith.constant 7 : i32
      "tpu.region"() ({
        %run_scoped3A_291 = tpu.sem_alloc : memref<!tpu.dma_semaphore, #tpu.memory_space<semaphore_mem>>
        %dma_start3A_292 = arith.constant 0 : i32
        %dma_start3A_293 = tpu.memref_slice %arg8[%run_scoped3A_159, %dma_start3A_292] : memref<8x128xi32, #tpu.memory_space<vmem>> -> memref<1x128xi32, #tpu.memory_space<vmem>>
        %dma_start3A_294 = tpu.memref_squeeze %dma_start3A_293 : memref<1x128xi32, #tpu.memory_space<vmem>> -> memref<128xi32, #tpu.memory_space<vmem>>
        %dma_start3A_295 = arith.constant 0 : i32
        %dma_start3A_296 = arith.constant 0 : i32
        %dma_start3A_297 = tpu.memref_slice %arg12[%dma_start3A_295, %dma_start3A_296] : memref<10240x128xf32, #tpu.memory_space<vmem_shared>> -> memref<10240x128xf32, #tpu.memory_space<vmem_shared>>
        tpu.enqueue_indirect_dma source(%arg11 : memref<128x128xf32, #tpu.memory_space<vmem>>) target(%dma_start3A_297 : memref<10240x128xf32, #tpu.memory_space<vmem_shared>>) offsets(%dma_start3A_294 : memref<128xi32, #tpu.memory_space<vmem>>) semaphore(%run_scoped3A_291 : memref<!tpu.dma_semaphore, #tpu.memory_space<semaphore_mem>>) {add = true}
        %dma_wait3A_298 = arith.constant 0 : i32
        %dma_wait3A_299 = tpu.memref_slice %arg8[%run_scoped3A_159, %dma_wait3A_298] : memref<8x128xi32, #tpu.memory_space<vmem>> -> memref<1x128xi32, #tpu.memory_space<vmem>>
        %dma_wait3A_300 = tpu.memref_squeeze %dma_wait3A_299 : memref<1x128xi32, #tpu.memory_space<vmem>> -> memref<128xi32, #tpu.memory_space<vmem>>
        %dma_wait3A_301 = arith.constant 0 : i32
        %dma_wait3A_302 = arith.constant 0 : i32
        %dma_wait3A_303 = tpu.memref_slice %arg12[%dma_wait3A_301, %dma_wait3A_302] : memref<10240x128xf32, #tpu.memory_space<vmem_shared>> -> memref<10240x128xf32, #tpu.memory_space<vmem_shared>>
        tpu.wait_indirect_dma semaphore(%run_scoped3A_291 : memref<!tpu.dma_semaphore, #tpu.memory_space<semaphore_mem>>) src(%arg11 : memref<128x128xf32, #tpu.memory_space<vmem>>) dst(%dma_wait3A_303 : memref<10240x128xf32, #tpu.memory_space<vmem_shared>>)
        tpu.yield
      }) : () -> ()
      %mul3A_160 = arith.constant 2 : i32
      %mul3A_161 = arith.muli %mul3A_160, %scan3A_35 : i32
      %add3A_162 = arith.constant 1 : i32
      %add3A_163 = arith.addi %mul3A_161, %add3A_162 : i32
      %add3A_164 = arith.constant 1 : i32
      %add3A_165 = arith.addi %add3A_163, %add3A_164 : i32
      %lt3A_166 = arith.constant 10 : i32
      %lt3A_167 = arith.cmpi slt, %add3A_165, %lt3A_166 : i32
      %convert_element_type3A_168 = arith.extui %lt3A_167 : i1 to i32
      %cond3A_169 = arith.constant 0 : i32
      %cond3A_170 = arith.cmpi ne, %convert_element_type3A_168, %cond3A_169 : i32
      scf.if %cond3A_170 {
        %add3A_291 = arith.constant 1 : i32
        %add3A_292 = arith.addi %add3A_163, %add3A_291 : i32
        %mul3A_293 = arith.constant 8 : i32
        %mul3A_294 = arith.muli %add3A_292, %mul3A_293 : i32
        %add3A_295 = arith.addi %mul3A_2, %mul3A_294 : i32
        "tpu.region"() ({
          %run_scoped3A_296 = tpu.sem_alloc : memref<!tpu.dma_semaphore, #tpu.memory_space<semaphore_mem>>
          %dma_start3A_297 = arith.constant 0 : i32
          %dma_start3A_298 = tpu.memref_slice %arg2[%add3A_295, %dma_start3A_297] : memref<2560x128xi32, #tpu.memory_space<hbm>> -> memref<8x128xi32, #tpu.memory_space<hbm>>
          %dma_start3A_299 = arith.constant 0 : i32
          %dma_start3A_300 = tpu.memref_slice %arg2[%add3A_295, %dma_start3A_299] : memref<2560x128xi32, #tpu.memory_space<hbm>> -> memref<8x128xi32, #tpu.memory_space<hbm>>
          tpu.enqueue_dma source(%dma_start3A_300 : memref<8x128xi32, #tpu.memory_space<hbm>>) target(%arg6 : memref<8x128xi32, #tpu.memory_space<vmem>>) target_semaphore(%run_scoped3A_296 : memref<!tpu.dma_semaphore, #tpu.memory_space<semaphore_mem>>)
          %dma_wait3A_301 = arith.constant 0 : i32
          %dma_wait3A_302 = tpu.memref_slice %arg2[%add3A_295, %dma_wait3A_301] : memref<2560x128xi32, #tpu.memory_space<hbm>> -> memref<8x128xi32, #tpu.memory_space<hbm>>
          %dma_wait3A_303 = arith.constant 0 : i32
          %dma_wait3A_304 = tpu.memref_slice %arg2[%add3A_295, %dma_wait3A_303] : memref<2560x128xi32, #tpu.memory_space<hbm>> -> memref<8x128xi32, #tpu.memory_space<hbm>>
          tpu.wait_dma2 semaphore(%run_scoped3A_296 : memref<!tpu.dma_semaphore, #tpu.memory_space<semaphore_mem>>) src(%dma_wait3A_304 : memref<8x128xi32, #tpu.memory_space<hbm>>) dst(%arg6 : memref<8x128xi32, #tpu.memory_space<vmem>>)
          tpu.yield
        }) : () -> ()
        "tpu.region"() ({
          %run_scoped3A_296 = tpu.sem_alloc : memref<!tpu.dma_semaphore, #tpu.memory_space<semaphore_mem>>
          %dma_start3A_297 = arith.constant 0 : i32
          %dma_start3A_298 = tpu.memref_slice %arg3[%add3A_295, %dma_start3A_297] : memref<2560x128xi32, #tpu.memory_space<hbm>> -> memref<8x128xi32, #tpu.memory_space<hbm>>
          %dma_start3A_299 = arith.constant 0 : i32
          %dma_start3A_300 = tpu.memref_slice %arg3[%add3A_295, %dma_start3A_299] : memref<2560x128xi32, #tpu.memory_space<hbm>> -> memref<8x128xi32, #tpu.memory_space<hbm>>
          tpu.enqueue_dma source(%dma_start3A_300 : memref<8x128xi32, #tpu.memory_space<hbm>>) target(%arg8 : memref<8x128xi32, #tpu.memory_space<vmem>>) target_semaphore(%run_scoped3A_296 : memref<!tpu.dma_semaphore, #tpu.memory_space<semaphore_mem>>)
          %dma_wait3A_301 = arith.constant 0 : i32
          %dma_wait3A_302 = tpu.memref_slice %arg3[%add3A_295, %dma_wait3A_301] : memref<2560x128xi32, #tpu.memory_space<hbm>> -> memref<8x128xi32, #tpu.memory_space<hbm>>
          %dma_wait3A_303 = arith.constant 0 : i32
          %dma_wait3A_304 = tpu.memref_slice %arg3[%add3A_295, %dma_wait3A_303] : memref<2560x128xi32, #tpu.memory_space<hbm>> -> memref<8x128xi32, #tpu.memory_space<hbm>>
          tpu.wait_dma2 semaphore(%run_scoped3A_296 : memref<!tpu.dma_semaphore, #tpu.memory_space<semaphore_mem>>) src(%dma_wait3A_304 : memref<8x128xi32, #tpu.memory_space<hbm>>) dst(%arg8 : memref<8x128xi32, #tpu.memory_space<vmem>>)
          tpu.yield
        }) : () -> ()
      } else {
      }
      %dma_wait3A_171 = arith.constant 0 : i32
      %dma_wait3A_172 = arith.constant 0 : i32
      %dma_wait3A_173 = tpu.memref_slice %arg7[%dma_wait3A_171, %dma_wait3A_172] : memref<8x128xi32, #tpu.memory_space<vmem>> -> memref<1x128xi32, #tpu.memory_space<vmem>>
      %dma_wait3A_174 = tpu.memref_squeeze %dma_wait3A_173 : memref<1x128xi32, #tpu.memory_space<vmem>> -> memref<128xi32, #tpu.memory_space<vmem>>
      %dma_wait3A_175 = arith.constant 0 : i32
      %dma_wait3A_176 = arith.constant 0 : i32
      %dma_wait3A_177 = tpu.memref_slice %arg4[%dma_wait3A_175, %dma_wait3A_176] : memref<10000x128xf32, #tpu.memory_space<hbm>> -> memref<10000x128xf32, #tpu.memory_space<hbm>>
      tpu.wait_indirect_dma semaphore(%arg13 : memref<!tpu.dma_semaphore, #tpu.memory_space<semaphore_mem>>) src(%dma_wait3A_177 : memref<10000x128xf32, #tpu.memory_space<hbm>>) dst(%arg10 : memref<128x128xf32, #tpu.memory_space<vmem>>)
      %dma_start3A_178 = arith.constant 1 : i32
      %dma_start3A_179 = arith.constant 0 : i32
      %dma_start3A_180 = tpu.memref_slice %arg7[%dma_start3A_178, %dma_start3A_179] : memref<8x128xi32, #tpu.memory_space<vmem>> -> memref<1x128xi32, #tpu.memory_space<vmem>>
      %dma_start3A_181 = tpu.memref_squeeze %dma_start3A_180 : memref<1x128xi32, #tpu.memory_space<vmem>> -> memref<128xi32, #tpu.memory_space<vmem>>
      %dma_start3A_182 = arith.constant 0 : i32
      %dma_start3A_183 = arith.constant 0 : i32
      %dma_start3A_184 = tpu.memref_slice %arg4[%dma_start3A_182, %dma_start3A_183] : memref<10000x128xf32, #tpu.memory_space<hbm>> -> memref<10000x128xf32, #tpu.memory_space<hbm>>
      tpu.enqueue_indirect_dma source(%dma_start3A_184 : memref<10000x128xf32, #tpu.memory_space<hbm>>) target(%arg11 : memref<128x128xf32, #tpu.memory_space<vmem>>) offsets(%dma_start3A_181 : memref<128xi32, #tpu.memory_space<vmem>>) semaphore(%arg14 : memref<!tpu.dma_semaphore, #tpu.memory_space<semaphore_mem>>)
      %run_scoped3A_185 = arith.constant 0 : i32
      "tpu.region"() ({
        %run_scoped3A_291 = tpu.sem_alloc : memref<!tpu.dma_semaphore, #tpu.memory_space<semaphore_mem>>
        %dma_start3A_292 = arith.constant 0 : i32
        %dma_start3A_293 = tpu.memref_slice %arg9[%run_scoped3A_185, %dma_start3A_292] : memref<8x128xi32, #tpu.memory_space<vmem>> -> memref<1x128xi32, #tpu.memory_space<vmem>>
        %dma_start3A_294 = tpu.memref_squeeze %dma_start3A_293 : memref<1x128xi32, #tpu.memory_space<vmem>> -> memref<128xi32, #tpu.memory_space<vmem>>
        %dma_start3A_295 = arith.constant 0 : i32
        %dma_start3A_296 = arith.constant 0 : i32
        %dma_start3A_297 = tpu.memref_slice %arg12[%dma_start3A_295, %dma_start3A_296] : memref<10240x128xf32, #tpu.memory_space<vmem_shared>> -> memref<10240x128xf32, #tpu.memory_space<vmem_shared>>
        tpu.enqueue_indirect_dma source(%arg10 : memref<128x128xf32, #tpu.memory_space<vmem>>) target(%dma_start3A_297 : memref<10240x128xf32, #tpu.memory_space<vmem_shared>>) offsets(%dma_start3A_294 : memref<128xi32, #tpu.memory_space<vmem>>) semaphore(%run_scoped3A_291 : memref<!tpu.dma_semaphore, #tpu.memory_space<semaphore_mem>>) {add = true}
        %dma_wait3A_298 = arith.constant 0 : i32
        %dma_wait3A_299 = tpu.memref_slice %arg9[%run_scoped3A_185, %dma_wait3A_298] : memref<8x128xi32, #tpu.memory_space<vmem>> -> memref<1x128xi32, #tpu.memory_space<vmem>>
        %dma_wait3A_300 = tpu.memref_squeeze %dma_wait3A_299 : memref<1x128xi32, #tpu.memory_space<vmem>> -> memref<128xi32, #tpu.memory_space<vmem>>
        %dma_wait3A_301 = arith.constant 0 : i32
        %dma_wait3A_302 = arith.constant 0 : i32
        %dma_wait3A_303 = tpu.memref_slice %arg12[%dma_wait3A_301, %dma_wait3A_302] : memref<10240x128xf32, #tpu.memory_space<vmem_shared>> -> memref<10240x128xf32, #tpu.memory_space<vmem_shared>>
        tpu.wait_indirect_dma semaphore(%run_scoped3A_291 : memref<!tpu.dma_semaphore, #tpu.memory_space<semaphore_mem>>) src(%arg10 : memref<128x128xf32, #tpu.memory_space<vmem>>) dst(%dma_wait3A_303 : memref<10240x128xf32, #tpu.memory_space<vmem_shared>>)
        tpu.yield
      }) : () -> ()
      %dma_wait3A_186 = arith.constant 1 : i32
      %dma_wait3A_187 = arith.constant 0 : i32
      %dma_wait3A_188 = tpu.memref_slice %arg7[%dma_wait3A_186, %dma_wait3A_187] : memref<8x128xi32, #tpu.memory_space<vmem>> -> memref<1x128xi32, #tpu.memory_space<vmem>>
      %dma_wait3A_189 = tpu.memref_squeeze %dma_wait3A_188 : memref<1x128xi32, #tpu.memory_space<vmem>> -> memref<128xi32, #tpu.memory_space<vmem>>
      %dma_wait3A_190 = arith.constant 0 : i32
      %dma_wait3A_191 = arith.constant 0 : i32
      %dma_wait3A_192 = tpu.memref_slice %arg4[%dma_wait3A_190, %dma_wait3A_191] : memref<10000x128xf32, #tpu.memory_space<hbm>> -> memref<10000x128xf32, #tpu.memory_space<hbm>>
      tpu.wait_indirect_dma semaphore(%arg14 : memref<!tpu.dma_semaphore, #tpu.memory_space<semaphore_mem>>) src(%dma_wait3A_192 : memref<10000x128xf32, #tpu.memory_space<hbm>>) dst(%arg11 : memref<128x128xf32, #tpu.memory_space<vmem>>)
      %dma_start3A_193 = arith.constant 2 : i32
      %dma_start3A_194 = arith.constant 0 : i32
      %dma_start3A_195 = tpu.memref_slice %arg7[%dma_start3A_193, %dma_start3A_194] : memref<8x128xi32, #tpu.memory_space<vmem>> -> memref<1x128xi32, #tpu.memory_space<vmem>>
      %dma_start3A_196 = tpu.memref_squeeze %dma_start3A_195 : memref<1x128xi32, #tpu.memory_space<vmem>> -> memref<128xi32, #tpu.memory_space<vmem>>
      %dma_start3A_197 = arith.constant 0 : i32
      %dma_start3A_198 = arith.constant 0 : i32
      %dma_start3A_199 = tpu.memref_slice %arg4[%dma_start3A_197, %dma_start3A_198] : memref<10000x128xf32, #tpu.memory_space<hbm>> -> memref<10000x128xf32, #tpu.memory_space<hbm>>
      tpu.enqueue_indirect_dma source(%dma_start3A_199 : memref<10000x128xf32, #tpu.memory_space<hbm>>) target(%arg10 : memref<128x128xf32, #tpu.memory_space<vmem>>) offsets(%dma_start3A_196 : memref<128xi32, #tpu.memory_space<vmem>>) semaphore(%arg13 : memref<!tpu.dma_semaphore, #tpu.memory_space<semaphore_mem>>)
      %run_scoped3A_200 = arith.constant 1 : i32
      "tpu.region"() ({
        %run_scoped3A_291 = tpu.sem_alloc : memref<!tpu.dma_semaphore, #tpu.memory_space<semaphore_mem>>
        %dma_start3A_292 = arith.constant 0 : i32
        %dma_start3A_293 = tpu.memref_slice %arg9[%run_scoped3A_200, %dma_start3A_292] : memref<8x128xi32, #tpu.memory_space<vmem>> -> memref<1x128xi32, #tpu.memory_space<vmem>>
        %dma_start3A_294 = tpu.memref_squeeze %dma_start3A_293 : memref<1x128xi32, #tpu.memory_space<vmem>> -> memref<128xi32, #tpu.memory_space<vmem>>
        %dma_start3A_295 = arith.constant 0 : i32
        %dma_start3A_296 = arith.constant 0 : i32
        %dma_start3A_297 = tpu.memref_slice %arg12[%dma_start3A_295, %dma_start3A_296] : memref<10240x128xf32, #tpu.memory_space<vmem_shared>> -> memref<10240x128xf32, #tpu.memory_space<vmem_shared>>
        tpu.enqueue_indirect_dma source(%arg11 : memref<128x128xf32, #tpu.memory_space<vmem>>) target(%dma_start3A_297 : memref<10240x128xf32, #tpu.memory_space<vmem_shared>>) offsets(%dma_start3A_294 : memref<128xi32, #tpu.memory_space<vmem>>) semaphore(%run_scoped3A_291 : memref<!tpu.dma_semaphore, #tpu.memory_space<semaphore_mem>>) {add = true}
        %dma_wait3A_298 = arith.constant 0 : i32
        %dma_wait3A_299 = tpu.memref_slice %arg9[%run_scoped3A_200, %dma_wait3A_298] : memref<8x128xi32, #tpu.memory_space<vmem>> -> memref<1x128xi32, #tpu.memory_space<vmem>>
        %dma_wait3A_300 = tpu.memref_squeeze %dma_wait3A_299 : memref<1x128xi32, #tpu.memory_space<vmem>> -> memref<128xi32, #tpu.memory_space<vmem>>
        %dma_wait3A_301 = arith.constant 0 : i32
        %dma_wait3A_302 = arith.constant 0 : i32
        %dma_wait3A_303 = tpu.memref_slice %arg12[%dma_wait3A_301, %dma_wait3A_302] : memref<10240x128xf32, #tpu.memory_space<vmem_shared>> -> memref<10240x128xf32, #tpu.memory_space<vmem_shared>>
        tpu.wait_indirect_dma semaphore(%run_scoped3A_291 : memref<!tpu.dma_semaphore, #tpu.memory_space<semaphore_mem>>) src(%arg11 : memref<128x128xf32, #tpu.memory_space<vmem>>) dst(%dma_wait3A_303 : memref<10240x128xf32, #tpu.memory_space<vmem_shared>>)
        tpu.yield
      }) : () -> ()
      %dma_wait3A_201 = arith.constant 2 : i32
      %dma_wait3A_202 = arith.constant 0 : i32
      %dma_wait3A_203 = tpu.memref_slice %arg7[%dma_wait3A_201, %dma_wait3A_202] : memref<8x128xi32, #tpu.memory_space<vmem>> -> memref<1x128xi32, #tpu.memory_space<vmem>>
      %dma_wait3A_204 = tpu.memref_squeeze %dma_wait3A_203 : memref<1x128xi32, #tpu.memory_space<vmem>> -> memref<128xi32, #tpu.memory_space<vmem>>
      %dma_wait3A_205 = arith.constant 0 : i32
      %dma_wait3A_206 = arith.constant 0 : i32
      %dma_wait3A_207 = tpu.memref_slice %arg4[%dma_wait3A_205, %dma_wait3A_206] : memref<10000x128xf32, #tpu.memory_space<hbm>> -> memref<10000x128xf32, #tpu.memory_space<hbm>>
      tpu.wait_indirect_dma semaphore(%arg13 : memref<!tpu.dma_semaphore, #tpu.memory_space<semaphore_mem>>) src(%dma_wait3A_207 : memref<10000x128xf32, #tpu.memory_space<hbm>>) dst(%arg10 : memref<128x128xf32, #tpu.memory_space<vmem>>)
      %dma_start3A_208 = arith.constant 3 : i32
      %dma_start3A_209 = arith.constant 0 : i32
      %dma_start3A_210 = tpu.memref_slice %arg7[%dma_start3A_208, %dma_start3A_209] : memref<8x128xi32, #tpu.memory_space<vmem>> -> memref<1x128xi32, #tpu.memory_space<vmem>>
      %dma_start3A_211 = tpu.memref_squeeze %dma_start3A_210 : memref<1x128xi32, #tpu.memory_space<vmem>> -> memref<128xi32, #tpu.memory_space<vmem>>
      %dma_start3A_212 = arith.constant 0 : i32
      %dma_start3A_213 = arith.constant 0 : i32
      %dma_start3A_214 = tpu.memref_slice %arg4[%dma_start3A_212, %dma_start3A_213] : memref<10000x128xf32, #tpu.memory_space<hbm>> -> memref<10000x128xf32, #tpu.memory_space<hbm>>
      tpu.enqueue_indirect_dma source(%dma_start3A_214 : memref<10000x128xf32, #tpu.memory_space<hbm>>) target(%arg11 : memref<128x128xf32, #tpu.memory_space<vmem>>) offsets(%dma_start3A_211 : memref<128xi32, #tpu.memory_space<vmem>>) semaphore(%arg14 : memref<!tpu.dma_semaphore, #tpu.memory_space<semaphore_mem>>)
      %run_scoped3A_215 = arith.constant 2 : i32
      "tpu.region"() ({
        %run_scoped3A_291 = tpu.sem_alloc : memref<!tpu.dma_semaphore, #tpu.memory_space<semaphore_mem>>
        %dma_start3A_292 = arith.constant 0 : i32
        %dma_start3A_293 = tpu.memref_slice %arg9[%run_scoped3A_215, %dma_start3A_292] : memref<8x128xi32, #tpu.memory_space<vmem>> -> memref<1x128xi32, #tpu.memory_space<vmem>>
        %dma_start3A_294 = tpu.memref_squeeze %dma_start3A_293 : memref<1x128xi32, #tpu.memory_space<vmem>> -> memref<128xi32, #tpu.memory_space<vmem>>
        %dma_start3A_295 = arith.constant 0 : i32
        %dma_start3A_296 = arith.constant 0 : i32
        %dma_start3A_297 = tpu.memref_slice %arg12[%dma_start3A_295, %dma_start3A_296] : memref<10240x128xf32, #tpu.memory_space<vmem_shared>> -> memref<10240x128xf32, #tpu.memory_space<vmem_shared>>
        tpu.enqueue_indirect_dma source(%arg10 : memref<128x128xf32, #tpu.memory_space<vmem>>) target(%dma_start3A_297 : memref<10240x128xf32, #tpu.memory_space<vmem_shared>>) offsets(%dma_start3A_294 : memref<128xi32, #tpu.memory_space<vmem>>) semaphore(%run_scoped3A_291 : memref<!tpu.dma_semaphore, #tpu.memory_space<semaphore_mem>>) {add = true}
        %dma_wait3A_298 = arith.constant 0 : i32
        %dma_wait3A_299 = tpu.memref_slice %arg9[%run_scoped3A_215, %dma_wait3A_298] : memref<8x128xi32, #tpu.memory_space<vmem>> -> memref<1x128xi32, #tpu.memory_space<vmem>>
        %dma_wait3A_300 = tpu.memref_squeeze %dma_wait3A_299 : memref<1x128xi32, #tpu.memory_space<vmem>> -> memref<128xi32, #tpu.memory_space<vmem>>
        %dma_wait3A_301 = arith.constant 0 : i32
        %dma_wait3A_302 = arith.constant 0 : i32
        %dma_wait3A_303 = tpu.memref_slice %arg12[%dma_wait3A_301, %dma_wait3A_302] : memref<10240x128xf32, #tpu.memory_space<vmem_shared>> -> memref<10240x128xf32, #tpu.memory_space<vmem_shared>>
        tpu.wait_indirect_dma semaphore(%run_scoped3A_291 : memref<!tpu.dma_semaphore, #tpu.memory_space<semaphore_mem>>) src(%arg10 : memref<128x128xf32, #tpu.memory_space<vmem>>) dst(%dma_wait3A_303 : memref<10240x128xf32, #tpu.memory_space<vmem_shared>>)
        tpu.yield
      }) : () -> ()
      %dma_wait3A_216 = arith.constant 3 : i32
      %dma_wait3A_217 = arith.constant 0 : i32
      %dma_wait3A_218 = tpu.memref_slice %arg7[%dma_wait3A_216, %dma_wait3A_217] : memref<8x128xi32, #tpu.memory_space<vmem>> -> memref<1x128xi32, #tpu.memory_space<vmem>>
      %dma_wait3A_219 = tpu.memref_squeeze %dma_wait3A_218 : memref<1x128xi32, #tpu.memory_space<vmem>> -> memref<128xi32, #tpu.memory_space<vmem>>
      %dma_wait3A_220 = arith.constant 0 : i32
      %dma_wait3A_221 = arith.constant 0 : i32
      %dma_wait3A_222 = tpu.memref_slice %arg4[%dma_wait3A_220, %dma_wait3A_221] : memref<10000x128xf32, #tpu.memory_space<hbm>> -> memref<10000x128xf32, #tpu.memory_space<hbm>>
      tpu.wait_indirect_dma semaphore(%arg14 : memref<!tpu.dma_semaphore, #tpu.memory_space<semaphore_mem>>) src(%dma_wait3A_222 : memref<10000x128xf32, #tpu.memory_space<hbm>>) dst(%arg11 : memref<128x128xf32, #tpu.memory_space<vmem>>)
      %dma_start3A_223 = arith.constant 4 : i32
      %dma_start3A_224 = arith.constant 0 : i32
      %dma_start3A_225 = tpu.memref_slice %arg7[%dma_start3A_223, %dma_start3A_224] : memref<8x128xi32, #tpu.memory_space<vmem>> -> memref<1x128xi32, #tpu.memory_space<vmem>>
      %dma_start3A_226 = tpu.memref_squeeze %dma_start3A_225 : memref<1x128xi32, #tpu.memory_space<vmem>> -> memref<128xi32, #tpu.memory_space<vmem>>
      %dma_start3A_227 = arith.constant 0 : i32
      %dma_start3A_228 = arith.constant 0 : i32
      %dma_start3A_229 = tpu.memref_slice %arg4[%dma_start3A_227, %dma_start3A_228] : memref<10000x128xf32, #tpu.memory_space<hbm>> -> memref<10000x128xf32, #tpu.memory_space<hbm>>
      tpu.enqueue_indirect_dma source(%dma_start3A_229 : memref<10000x128xf32, #tpu.memory_space<hbm>>) target(%arg10 : memref<128x128xf32, #tpu.memory_space<vmem>>) offsets(%dma_start3A_226 : memref<128xi32, #tpu.memory_space<vmem>>) semaphore(%arg13 : memref<!tpu.dma_semaphore, #tpu.memory_space<semaphore_mem>>)
      %run_scoped3A_230 = arith.constant 3 : i32
      "tpu.region"() ({
        %run_scoped3A_291 = tpu.sem_alloc : memref<!tpu.dma_semaphore, #tpu.memory_space<semaphore_mem>>
        %dma_start3A_292 = arith.constant 0 : i32
        %dma_start3A_293 = tpu.memref_slice %arg9[%run_scoped3A_230, %dma_start3A_292] : memref<8x128xi32, #tpu.memory_space<vmem>> -> memref<1x128xi32, #tpu.memory_space<vmem>>
        %dma_start3A_294 = tpu.memref_squeeze %dma_start3A_293 : memref<1x128xi32, #tpu.memory_space<vmem>> -> memref<128xi32, #tpu.memory_space<vmem>>
        %dma_start3A_295 = arith.constant 0 : i32
        %dma_start3A_296 = arith.constant 0 : i32
        %dma_start3A_297 = tpu.memref_slice %arg12[%dma_start3A_295, %dma_start3A_296] : memref<10240x128xf32, #tpu.memory_space<vmem_shared>> -> memref<10240x128xf32, #tpu.memory_space<vmem_shared>>
        tpu.enqueue_indirect_dma source(%arg11 : memref<128x128xf32, #tpu.memory_space<vmem>>) target(%dma_start3A_297 : memref<10240x128xf32, #tpu.memory_space<vmem_shared>>) offsets(%dma_start3A_294 : memref<128xi32, #tpu.memory_space<vmem>>) semaphore(%run_scoped3A_291 : memref<!tpu.dma_semaphore, #tpu.memory_space<semaphore_mem>>) {add = true}
        %dma_wait3A_298 = arith.constant 0 : i32
        %dma_wait3A_299 = tpu.memref_slice %arg9[%run_scoped3A_230, %dma_wait3A_298] : memref<8x128xi32, #tpu.memory_space<vmem>> -> memref<1x128xi32, #tpu.memory_space<vmem>>
        %dma_wait3A_300 = tpu.memref_squeeze %dma_wait3A_299 : memref<1x128xi32, #tpu.memory_space<vmem>> -> memref<128xi32, #tpu.memory_space<vmem>>
        %dma_wait3A_301 = arith.constant 0 : i32
        %dma_wait3A_302 = arith.constant 0 : i32
        %dma_wait3A_303 = tpu.memref_slice %arg12[%dma_wait3A_301, %dma_wait3A_302] : memref<10240x128xf32, #tpu.memory_space<vmem_shared>> -> memref<10240x128xf32, #tpu.memory_space<vmem_shared>>
        tpu.wait_indirect_dma semaphore(%run_scoped3A_291 : memref<!tpu.dma_semaphore, #tpu.memory_space<semaphore_mem>>) src(%arg11 : memref<128x128xf32, #tpu.memory_space<vmem>>) dst(%dma_wait3A_303 : memref<10240x128xf32, #tpu.memory_space<vmem_shared>>)
        tpu.yield
      }) : () -> ()
      %dma_wait3A_231 = arith.constant 4 : i32
      %dma_wait3A_232 = arith.constant 0 : i32
      %dma_wait3A_233 = tpu.memref_slice %arg7[%dma_wait3A_231, %dma_wait3A_232] : memref<8x128xi32, #tpu.memory_space<vmem>> -> memref<1x128xi32, #tpu.memory_space<vmem>>
      %dma_wait3A_234 = tpu.memref_squeeze %dma_wait3A_233 : memref<1x128xi32, #tpu.memory_space<vmem>> -> memref<128xi32, #tpu.memory_space<vmem>>
      %dma_wait3A_235 = arith.constant 0 : i32
      %dma_wait3A_236 = arith.constant 0 : i32
      %dma_wait3A_237 = tpu.memref_slice %arg4[%dma_wait3A_235, %dma_wait3A_236] : memref<10000x128xf32, #tpu.memory_space<hbm>> -> memref<10000x128xf32, #tpu.memory_space<hbm>>
      tpu.wait_indirect_dma semaphore(%arg13 : memref<!tpu.dma_semaphore, #tpu.memory_space<semaphore_mem>>) src(%dma_wait3A_237 : memref<10000x128xf32, #tpu.memory_space<hbm>>) dst(%arg10 : memref<128x128xf32, #tpu.memory_space<vmem>>)
      %dma_start3A_238 = arith.constant 5 : i32
      %dma_start3A_239 = arith.constant 0 : i32
      %dma_start3A_240 = tpu.memref_slice %arg7[%dma_start3A_238, %dma_start3A_239] : memref<8x128xi32, #tpu.memory_space<vmem>> -> memref<1x128xi32, #tpu.memory_space<vmem>>
      %dma_start3A_241 = tpu.memref_squeeze %dma_start3A_240 : memref<1x128xi32, #tpu.memory_space<vmem>> -> memref<128xi32, #tpu.memory_space<vmem>>
      %dma_start3A_242 = arith.constant 0 : i32
      %dma_start3A_243 = arith.constant 0 : i32
      %dma_start3A_244 = tpu.memref_slice %arg4[%dma_start3A_242, %dma_start3A_243] : memref<10000x128xf32, #tpu.memory_space<hbm>> -> memref<10000x128xf32, #tpu.memory_space<hbm>>
      tpu.enqueue_indirect_dma source(%dma_start3A_244 : memref<10000x128xf32, #tpu.memory_space<hbm>>) target(%arg11 : memref<128x128xf32, #tpu.memory_space<vmem>>) offsets(%dma_start3A_241 : memref<128xi32, #tpu.memory_space<vmem>>) semaphore(%arg14 : memref<!tpu.dma_semaphore, #tpu.memory_space<semaphore_mem>>)
      %run_scoped3A_245 = arith.constant 4 : i32
      "tpu.region"() ({
        %run_scoped3A_291 = tpu.sem_alloc : memref<!tpu.dma_semaphore, #tpu.memory_space<semaphore_mem>>
        %dma_start3A_292 = arith.constant 0 : i32
        %dma_start3A_293 = tpu.memref_slice %arg9[%run_scoped3A_245, %dma_start3A_292] : memref<8x128xi32, #tpu.memory_space<vmem>> -> memref<1x128xi32, #tpu.memory_space<vmem>>
        %dma_start3A_294 = tpu.memref_squeeze %dma_start3A_293 : memref<1x128xi32, #tpu.memory_space<vmem>> -> memref<128xi32, #tpu.memory_space<vmem>>
        %dma_start3A_295 = arith.constant 0 : i32
        %dma_start3A_296 = arith.constant 0 : i32
        %dma_start3A_297 = tpu.memref_slice %arg12[%dma_start3A_295, %dma_start3A_296] : memref<10240x128xf32, #tpu.memory_space<vmem_shared>> -> memref<10240x128xf32, #tpu.memory_space<vmem_shared>>
        tpu.enqueue_indirect_dma source(%arg10 : memref<128x128xf32, #tpu.memory_space<vmem>>) target(%dma_start3A_297 : memref<10240x128xf32, #tpu.memory_space<vmem_shared>>) offsets(%dma_start3A_294 : memref<128xi32, #tpu.memory_space<vmem>>) semaphore(%run_scoped3A_291 : memref<!tpu.dma_semaphore, #tpu.memory_space<semaphore_mem>>) {add = true}
        %dma_wait3A_298 = arith.constant 0 : i32
        %dma_wait3A_299 = tpu.memref_slice %arg9[%run_scoped3A_245, %dma_wait3A_298] : memref<8x128xi32, #tpu.memory_space<vmem>> -> memref<1x128xi32, #tpu.memory_space<vmem>>
        %dma_wait3A_300 = tpu.memref_squeeze %dma_wait3A_299 : memref<1x128xi32, #tpu.memory_space<vmem>> -> memref<128xi32, #tpu.memory_space<vmem>>
        %dma_wait3A_301 = arith.constant 0 : i32
        %dma_wait3A_302 = arith.constant 0 : i32
        %dma_wait3A_303 = tpu.memref_slice %arg12[%dma_wait3A_301, %dma_wait3A_302] : memref<10240x128xf32, #tpu.memory_space<vmem_shared>> -> memref<10240x128xf32, #tpu.memory_space<vmem_shared>>
        tpu.wait_indirect_dma semaphore(%run_scoped3A_291 : memref<!tpu.dma_semaphore, #tpu.memory_space<semaphore_mem>>) src(%arg10 : memref<128x128xf32, #tpu.memory_space<vmem>>) dst(%dma_wait3A_303 : memref<10240x128xf32, #tpu.memory_space<vmem_shared>>)
        tpu.yield
      }) : () -> ()
      %dma_wait3A_246 = arith.constant 5 : i32
      %dma_wait3A_247 = arith.constant 0 : i32
      %dma_wait3A_248 = tpu.memref_slice %arg7[%dma_wait3A_246, %dma_wait3A_247] : memref<8x128xi32, #tpu.memory_space<vmem>> -> memref<1x128xi32, #tpu.memory_space<vmem>>
      %dma_wait3A_249 = tpu.memref_squeeze %dma_wait3A_248 : memref<1x128xi32, #tpu.memory_space<vmem>> -> memref<128xi32, #tpu.memory_space<vmem>>
      %dma_wait3A_250 = arith.constant 0 : i32
      %dma_wait3A_251 = arith.constant 0 : i32
      %dma_wait3A_252 = tpu.memref_slice %arg4[%dma_wait3A_250, %dma_wait3A_251] : memref<10000x128xf32, #tpu.memory_space<hbm>> -> memref<10000x128xf32, #tpu.memory_space<hbm>>
      tpu.wait_indirect_dma semaphore(%arg14 : memref<!tpu.dma_semaphore, #tpu.memory_space<semaphore_mem>>) src(%dma_wait3A_252 : memref<10000x128xf32, #tpu.memory_space<hbm>>) dst(%arg11 : memref<128x128xf32, #tpu.memory_space<vmem>>)
      %dma_start3A_253 = arith.constant 6 : i32
      %dma_start3A_254 = arith.constant 0 : i32
      %dma_start3A_255 = tpu.memref_slice %arg7[%dma_start3A_253, %dma_start3A_254] : memref<8x128xi32, #tpu.memory_space<vmem>> -> memref<1x128xi32, #tpu.memory_space<vmem>>
      %dma_start3A_256 = tpu.memref_squeeze %dma_start3A_255 : memref<1x128xi32, #tpu.memory_space<vmem>> -> memref<128xi32, #tpu.memory_space<vmem>>
      %dma_start3A_257 = arith.constant 0 : i32
      %dma_start3A_258 = arith.constant 0 : i32
      %dma_start3A_259 = tpu.memref_slice %arg4[%dma_start3A_257, %dma_start3A_258] : memref<10000x128xf32, #tpu.memory_space<hbm>> -> memref<10000x128xf32, #tpu.memory_space<hbm>>
      tpu.enqueue_indirect_dma source(%dma_start3A_259 : memref<10000x128xf32, #tpu.memory_space<hbm>>) target(%arg10 : memref<128x128xf32, #tpu.memory_space<vmem>>) offsets(%dma_start3A_256 : memref<128xi32, #tpu.memory_space<vmem>>) semaphore(%arg13 : memref<!tpu.dma_semaphore, #tpu.memory_space<semaphore_mem>>)
      %run_scoped3A_260 = arith.constant 5 : i32
      "tpu.region"() ({
        %run_scoped3A_291 = tpu.sem_alloc : memref<!tpu.dma_semaphore, #tpu.memory_space<semaphore_mem>>
        %dma_start3A_292 = arith.constant 0 : i32
        %dma_start3A_293 = tpu.memref_slice %arg9[%run_scoped3A_260, %dma_start3A_292] : memref<8x128xi32, #tpu.memory_space<vmem>> -> memref<1x128xi32, #tpu.memory_space<vmem>>
        %dma_start3A_294 = tpu.memref_squeeze %dma_start3A_293 : memref<1x128xi32, #tpu.memory_space<vmem>> -> memref<128xi32, #tpu.memory_space<vmem>>
        %dma_start3A_295 = arith.constant 0 : i32
        %dma_start3A_296 = arith.constant 0 : i32
        %dma_start3A_297 = tpu.memref_slice %arg12[%dma_start3A_295, %dma_start3A_296] : memref<10240x128xf32, #tpu.memory_space<vmem_shared>> -> memref<10240x128xf32, #tpu.memory_space<vmem_shared>>
        tpu.enqueue_indirect_dma source(%arg11 : memref<128x128xf32, #tpu.memory_space<vmem>>) target(%dma_start3A_297 : memref<10240x128xf32, #tpu.memory_space<vmem_shared>>) offsets(%dma_start3A_294 : memref<128xi32, #tpu.memory_space<vmem>>) semaphore(%run_scoped3A_291 : memref<!tpu.dma_semaphore, #tpu.memory_space<semaphore_mem>>) {add = true}
        %dma_wait3A_298 = arith.constant 0 : i32
        %dma_wait3A_299 = tpu.memref_slice %arg9[%run_scoped3A_260, %dma_wait3A_298] : memref<8x128xi32, #tpu.memory_space<vmem>> -> memref<1x128xi32, #tpu.memory_space<vmem>>
        %dma_wait3A_300 = tpu.memref_squeeze %dma_wait3A_299 : memref<1x128xi32, #tpu.memory_space<vmem>> -> memref<128xi32, #tpu.memory_space<vmem>>
        %dma_wait3A_301 = arith.constant 0 : i32
        %dma_wait3A_302 = arith.constant 0 : i32
        %dma_wait3A_303 = tpu.memref_slice %arg12[%dma_wait3A_301, %dma_wait3A_302] : memref<10240x128xf32, #tpu.memory_space<vmem_shared>> -> memref<10240x128xf32, #tpu.memory_space<vmem_shared>>
        tpu.wait_indirect_dma semaphore(%run_scoped3A_291 : memref<!tpu.dma_semaphore, #tpu.memory_space<semaphore_mem>>) src(%arg11 : memref<128x128xf32, #tpu.memory_space<vmem>>) dst(%dma_wait3A_303 : memref<10240x128xf32, #tpu.memory_space<vmem_shared>>)
        tpu.yield
      }) : () -> ()
      %dma_wait3A_261 = arith.constant 6 : i32
      %dma_wait3A_262 = arith.constant 0 : i32
      %dma_wait3A_263 = tpu.memref_slice %arg7[%dma_wait3A_261, %dma_wait3A_262] : memref<8x128xi32, #tpu.memory_space<vmem>> -> memref<1x128xi32, #tpu.memory_space<vmem>>
      %dma_wait3A_264 = tpu.memref_squeeze %dma_wait3A_263 : memref<1x128xi32, #tpu.memory_space<vmem>> -> memref<128xi32, #tpu.memory_space<vmem>>
      %dma_wait3A_265 = arith.constant 0 : i32
      %dma_wait3A_266 = arith.constant 0 : i32
      %dma_wait3A_267 = tpu.memref_slice %arg4[%dma_wait3A_265, %dma_wait3A_266] : memref<10000x128xf32, #tpu.memory_space<hbm>> -> memref<10000x128xf32, #tpu.memory_space<hbm>>
      tpu.wait_indirect_dma semaphore(%arg13 : memref<!tpu.dma_semaphore, #tpu.memory_space<semaphore_mem>>) src(%dma_wait3A_267 : memref<10000x128xf32, #tpu.memory_space<hbm>>) dst(%arg10 : memref<128x128xf32, #tpu.memory_space<vmem>>)
      %dma_start3A_268 = arith.constant 7 : i32
      %dma_start3A_269 = arith.constant 0 : i32
      %dma_start3A_270 = tpu.memref_slice %arg7[%dma_start3A_268, %dma_start3A_269] : memref<8x128xi32, #tpu.memory_space<vmem>> -> memref<1x128xi32, #tpu.memory_space<vmem>>
      %dma_start3A_271 = tpu.memref_squeeze %dma_start3A_270 : memref<1x128xi32, #tpu.memory_space<vmem>> -> memref<128xi32, #tpu.memory_space<vmem>>
      %dma_start3A_272 = arith.constant 0 : i32
      %dma_start3A_273 = arith.constant 0 : i32
      %dma_start3A_274 = tpu.memref_slice %arg4[%dma_start3A_272, %dma_start3A_273] : memref<10000x128xf32, #tpu.memory_space<hbm>> -> memref<10000x128xf32, #tpu.memory_space<hbm>>
      tpu.enqueue_indirect_dma source(%dma_start3A_274 : memref<10000x128xf32, #tpu.memory_space<hbm>>) target(%arg11 : memref<128x128xf32, #tpu.memory_space<vmem>>) offsets(%dma_start3A_271 : memref<128xi32, #tpu.memory_space<vmem>>) semaphore(%arg14 : memref<!tpu.dma_semaphore, #tpu.memory_space<semaphore_mem>>)
      %run_scoped3A_275 = arith.constant 6 : i32
      "tpu.region"() ({
        %run_scoped3A_291 = tpu.sem_alloc : memref<!tpu.dma_semaphore, #tpu.memory_space<semaphore_mem>>
        %dma_start3A_292 = arith.constant 0 : i32
        %dma_start3A_293 = tpu.memref_slice %arg9[%run_scoped3A_275, %dma_start3A_292] : memref<8x128xi32, #tpu.memory_space<vmem>> -> memref<1x128xi32, #tpu.memory_space<vmem>>
        %dma_start3A_294 = tpu.memref_squeeze %dma_start3A_293 : memref<1x128xi32, #tpu.memory_space<vmem>> -> memref<128xi32, #tpu.memory_space<vmem>>
        %dma_start3A_295 = arith.constant 0 : i32
        %dma_start3A_296 = arith.constant 0 : i32
        %dma_start3A_297 = tpu.memref_slice %arg12[%dma_start3A_295, %dma_start3A_296] : memref<10240x128xf32, #tpu.memory_space<vmem_shared>> -> memref<10240x128xf32, #tpu.memory_space<vmem_shared>>
        tpu.enqueue_indirect_dma source(%arg10 : memref<128x128xf32, #tpu.memory_space<vmem>>) target(%dma_start3A_297 : memref<10240x128xf32, #tpu.memory_space<vmem_shared>>) offsets(%dma_start3A_294 : memref<128xi32, #tpu.memory_space<vmem>>) semaphore(%run_scoped3A_291 : memref<!tpu.dma_semaphore, #tpu.memory_space<semaphore_mem>>) {add = true}
        %dma_wait3A_298 = arith.constant 0 : i32
        %dma_wait3A_299 = tpu.memref_slice %arg9[%run_scoped3A_275, %dma_wait3A_298] : memref<8x128xi32, #tpu.memory_space<vmem>> -> memref<1x128xi32, #tpu.memory_space<vmem>>
        %dma_wait3A_300 = tpu.memref_squeeze %dma_wait3A_299 : memref<1x128xi32, #tpu.memory_space<vmem>> -> memref<128xi32, #tpu.memory_space<vmem>>
        %dma_wait3A_301 = arith.constant 0 : i32
        %dma_wait3A_302 = arith.constant 0 : i32
        %dma_wait3A_303 = tpu.memref_slice %arg12[%dma_wait3A_301, %dma_wait3A_302] : memref<10240x128xf32, #tpu.memory_space<vmem_shared>> -> memref<10240x128xf32, #tpu.memory_space<vmem_shared>>
        tpu.wait_indirect_dma semaphore(%run_scoped3A_291 : memref<!tpu.dma_semaphore, #tpu.memory_space<semaphore_mem>>) src(%arg10 : memref<128x128xf32, #tpu.memory_space<vmem>>) dst(%dma_wait3A_303 : memref<10240x128xf32, #tpu.memory_space<vmem_shared>>)
        tpu.yield
      }) : () -> ()
      %dma_wait3A_276 = arith.constant 7 : i32
      %dma_wait3A_277 = arith.constant 0 : i32
      %dma_wait3A_278 = tpu.memref_slice %arg7[%dma_wait3A_276, %dma_wait3A_277] : memref<8x128xi32, #tpu.memory_space<vmem>> -> memref<1x128xi32, #tpu.memory_space<vmem>>
      %dma_wait3A_279 = tpu.memref_squeeze %dma_wait3A_278 : memref<1x128xi32, #tpu.memory_space<vmem>> -> memref<128xi32, #tpu.memory_space<vmem>>
      %dma_wait3A_280 = arith.constant 0 : i32
      %dma_wait3A_281 = arith.constant 0 : i32
      %dma_wait3A_282 = tpu.memref_slice %arg4[%dma_wait3A_280, %dma_wait3A_281] : memref<10000x128xf32, #tpu.memory_space<hbm>> -> memref<10000x128xf32, #tpu.memory_space<hbm>>
      tpu.wait_indirect_dma semaphore(%arg14 : memref<!tpu.dma_semaphore, #tpu.memory_space<semaphore_mem>>) src(%dma_wait3A_282 : memref<10000x128xf32, #tpu.memory_space<hbm>>) dst(%arg11 : memref<128x128xf32, #tpu.memory_space<vmem>>)
      %add3A_283 = arith.constant 1 : i32
      %add3A_284 = arith.addi %add3A_163, %add3A_283 : i32
      %lt3A_285 = arith.constant 10 : i32
      %lt3A_286 = arith.cmpi slt, %add3A_284, %lt3A_285 : i32
      %convert_element_type3A_287 = arith.extui %lt3A_286 : i1 to i32
      %cond3A_288 = arith.constant 0 : i32
      %cond3A_289 = arith.cmpi ne, %convert_element_type3A_287, %cond3A_288 : i32
      scf.if %cond3A_289 {
        %dma_start3A_291 = arith.constant 0 : i32
        %dma_start3A_292 = arith.constant 0 : i32
        %dma_start3A_293 = tpu.memref_slice %arg6[%dma_start3A_291, %dma_start3A_292] : memref<8x128xi32, #tpu.memory_space<vmem>> -> memref<1x128xi32, #tpu.memory_space<vmem>>
        %dma_start3A_294 = tpu.memref_squeeze %dma_start3A_293 : memref<1x128xi32, #tpu.memory_space<vmem>> -> memref<128xi32, #tpu.memory_space<vmem>>
        %dma_start3A_295 = arith.constant 0 : i32
        %dma_start3A_296 = arith.constant 0 : i32
        %dma_start3A_297 = tpu.memref_slice %arg4[%dma_start3A_295, %dma_start3A_296] : memref<10000x128xf32, #tpu.memory_space<hbm>> -> memref<10000x128xf32, #tpu.memory_space<hbm>>
        tpu.enqueue_indirect_dma source(%dma_start3A_297 : memref<10000x128xf32, #tpu.memory_space<hbm>>) target(%arg10 : memref<128x128xf32, #tpu.memory_space<vmem>>) offsets(%dma_start3A_294 : memref<128xi32, #tpu.memory_space<vmem>>) semaphore(%arg13 : memref<!tpu.dma_semaphore, #tpu.memory_space<semaphore_mem>>)
      } else {
      }
      %run_scoped3A_290 = arith.constant 7 : i32
      "tpu.region"() ({
        %run_scoped3A_291 = tpu.sem_alloc : memref<!tpu.dma_semaphore, #tpu.memory_space<semaphore_mem>>
        %dma_start3A_292 = arith.constant 0 : i32
        %dma_start3A_293 = tpu.memref_slice %arg9[%run_scoped3A_290, %dma_start3A_292] : memref<8x128xi32, #tpu.memory_space<vmem>> -> memref<1x128xi32, #tpu.memory_space<vmem>>
        %dma_start3A_294 = tpu.memref_squeeze %dma_start3A_293 : memref<1x128xi32, #tpu.memory_space<vmem>> -> memref<128xi32, #tpu.memory_space<vmem>>
        %dma_start3A_295 = arith.constant 0 : i32
        %dma_start3A_296 = arith.constant 0 : i32
        %dma_start3A_297 = tpu.memref_slice %arg12[%dma_start3A_295, %dma_start3A_296] : memref<10240x128xf32, #tpu.memory_space<vmem_shared>> -> memref<10240x128xf32, #tpu.memory_space<vmem_shared>>
        tpu.enqueue_indirect_dma source(%arg11 : memref<128x128xf32, #tpu.memory_space<vmem>>) target(%dma_start3A_297 : memref<10240x128xf32, #tpu.memory_space<vmem_shared>>) offsets(%dma_start3A_294 : memref<128xi32, #tpu.memory_space<vmem>>) semaphore(%run_scoped3A_291 : memref<!tpu.dma_semaphore, #tpu.memory_space<semaphore_mem>>) {add = true}
        %dma_wait3A_298 = arith.constant 0 : i32
        %dma_wait3A_299 = tpu.memref_slice %arg9[%run_scoped3A_290, %dma_wait3A_298] : memref<8x128xi32, #tpu.memory_space<vmem>> -> memref<1x128xi32, #tpu.memory_space<vmem>>
        %dma_wait3A_300 = tpu.memref_squeeze %dma_wait3A_299 : memref<1x128xi32, #tpu.memory_space<vmem>> -> memref<128xi32, #tpu.memory_space<vmem>>
        %dma_wait3A_301 = arith.constant 0 : i32
        %dma_wait3A_302 = arith.constant 0 : i32
        %dma_wait3A_303 = tpu.memref_slice %arg12[%dma_wait3A_301, %dma_wait3A_302] : memref<10240x128xf32, #tpu.memory_space<vmem_shared>> -> memref<10240x128xf32, #tpu.memory_space<vmem_shared>>
        tpu.wait_indirect_dma semaphore(%run_scoped3A_291 : memref<!tpu.dma_semaphore, #tpu.memory_space<semaphore_mem>>) src(%arg11 : memref<128x128xf32, #tpu.memory_space<vmem>>) dst(%dma_wait3A_303 : memref<10240x128xf32, #tpu.memory_space<vmem_shared>>)
        tpu.yield
      }) : () -> ()
    }
    %scan3A_27 = arith.constant 5 : i32
    %barrier3A_28 = arith.constant 0 : index
    tpu.barrier barrier_id(%barrier3A_28)
    %scan3A_29 = arith.constant 0 : i32
    %scan3A_30 = arith.constant 0 : i32
    %scan3A_31 = arith.constant 5 : i32
    %scan3A_32 = arith.addi %scan3A_30, %scan3A_31 : i32
    %scan3A_33 = arith.constant 1 : i32
    scf.for %scan3A_35 = %scan3A_30 to %scan3A_32 step %scan3A_33  : i32 {
      %mul3A_36 = arith.constant 640 : i32
      %mul3A_37 = arith.muli %arg1, %mul3A_36 : i32
      %mul3A_38 = arith.constant 128 : i32
      %mul3A_39 = arith.muli %scan3A_35, %mul3A_38 : i32
      %add3A_40 = arith.addi %mul3A_37, %mul3A_39 : i32
      "tpu.region"() ({
        %run_scoped3A = tpu.sem_alloc : memref<!tpu.dma_semaphore, #tpu.memory_space<semaphore_mem>>
        %dma_start3A_41 = arith.constant 0 : i32
        %dma_start3A_42 = tpu.memref_slice %arg12[%add3A_40, %dma_start3A_41] : memref<10240x128xf32, #tpu.memory_space<vmem_shared>> -> memref<128x128xf32, #tpu.memory_space<vmem_shared>>
        %dma_start3A_43 = arith.constant 0 : i32
        %dma_start3A_44 = tpu.memref_slice %arg12[%add3A_40, %dma_start3A_43] : memref<10240x128xf32, #tpu.memory_space<vmem_shared>> -> memref<128x128xf32, #tpu.memory_space<vmem_shared>>
        tpu.enqueue_dma source(%dma_start3A_44 : memref<128x128xf32, #tpu.memory_space<vmem_shared>>) target(%arg10 : memref<128x128xf32, #tpu.memory_space<vmem>>) target_semaphore(%run_scoped3A : memref<!tpu.dma_semaphore, #tpu.memory_space<semaphore_mem>>)
        %dma_wait3A = arith.constant 0 : i32
        %dma_wait3A_45 = tpu.memref_slice %arg12[%add3A_40, %dma_wait3A] : memref<10240x128xf32, #tpu.memory_space<vmem_shared>> -> memref<128x128xf32, #tpu.memory_space<vmem_shared>>
        %dma_wait3A_46 = arith.constant 0 : i32
        %dma_wait3A_47 = tpu.memref_slice %arg12[%add3A_40, %dma_wait3A_46] : memref<10240x128xf32, #tpu.memory_space<vmem_shared>> -> memref<128x128xf32, #tpu.memory_space<vmem_shared>>
        tpu.wait_dma2 semaphore(%run_scoped3A : memref<!tpu.dma_semaphore, #tpu.memory_space<semaphore_mem>>) src(%dma_wait3A_47 : memref<128x128xf32, #tpu.memory_space<vmem_shared>>) dst(%arg10 : memref<128x128xf32, #tpu.memory_space<vmem>>)
        tpu.yield
      }) : () -> ()
      "tpu.region"() ({
        %run_scoped3A = tpu.sem_alloc : memref<!tpu.dma_semaphore, #tpu.memory_space<semaphore_mem>>
        %dma_start3A_41 = arith.constant 0 : i32
        %dma_start3A_42 = tpu.memref_slice %arg5[%arg0, %add3A_40, %dma_start3A_41] : memref<2x10240x128xf32, #tpu.memory_space<hbm>> -> memref<1x128x128xf32, #tpu.memory_space<hbm>>
        %dma_start3A_43 = tpu.memref_squeeze %dma_start3A_42 : memref<1x128x128xf32, #tpu.memory_space<hbm>> -> memref<128x128xf32, #tpu.memory_space<hbm>>
        %dma_start3A_44 = arith.constant 0 : i32
        %dma_start3A_45 = tpu.memref_slice %arg5[%arg0, %add3A_40, %dma_start3A_44] : memref<2x10240x128xf32, #tpu.memory_space<hbm>> -> memref<1x128x128xf32, #tpu.memory_space<hbm>>
        %dma_start3A_46 = tpu.memref_squeeze %dma_start3A_45 : memref<1x128x128xf32, #tpu.memory_space<hbm>> -> memref<128x128xf32, #tpu.memory_space<hbm>>
        tpu.enqueue_dma source(%arg10 : memref<128x128xf32, #tpu.memory_space<vmem>>) target(%dma_start3A_46 : memref<128x128xf32, #tpu.memory_space<hbm>>) target_semaphore(%run_scoped3A : memref<!tpu.dma_semaphore, #tpu.memory_space<semaphore_mem>>)
        %dma_wait3A = arith.constant 0 : i32
        %dma_wait3A_47 = tpu.memref_slice %arg5[%arg0, %add3A_40, %dma_wait3A] : memref<2x10240x128xf32, #tpu.memory_space<hbm>> -> memref<1x128x128xf32, #tpu.memory_space<hbm>>
        %dma_wait3A_48 = tpu.memref_squeeze %dma_wait3A_47 : memref<1x128x128xf32, #tpu.memory_space<hbm>> -> memref<128x128xf32, #tpu.memory_space<hbm>>
        %dma_wait3A_49 = arith.constant 0 : i32
        %dma_wait3A_50 = tpu.memref_slice %arg5[%arg0, %add3A_40, %dma_wait3A_49] : memref<2x10240x128xf32, #tpu.memory_space<hbm>> -> memref<1x128x128xf32, #tpu.memory_space<hbm>>
        %dma_wait3A_51 = tpu.memref_squeeze %dma_wait3A_50 : memref<1x128x128xf32, #tpu.memory_space<hbm>> -> memref<128x128xf32, #tpu.memory_space<hbm>>
        tpu.wait_dma2 semaphore(%run_scoped3A : memref<!tpu.dma_semaphore, #tpu.memory_space<semaphore_mem>>) src(%arg10 : memref<128x128xf32, #tpu.memory_space<vmem>>) dst(%dma_wait3A_51 : memref<128x128xf32, #tpu.memory_space<hbm>>)
        tpu.yield
      }) : () -> ()
    }
    %scan3A_34 = arith.constant 5 : i32
    return
  }
}

#map = affine_map<(d0, d1) -> (0, 0)>
#map1 = affine_map<(d0, d1) -> (0, 0, 0)>
module attributes {stable_mosaic.version = 14 : i64} {
  func.func @kern(%arg0: i32, %arg1: i32, %arg2: memref<2560x128xi32, #tpu.memory_space<hbm>>, %arg3: memref<2560x128xi32, #tpu.memory_space<hbm>>, %arg4: memref<10000x128xf32, #tpu.memory_space<hbm>>, %arg5: memref<2x10240x128xf32, #tpu.memory_space<hbm>>, %arg6: memref<8x128xi32, #tpu.memory_space<vmem>>, %arg7: memref<8x128xi32, #tpu.memory_space<vmem>>, %arg8: memref<8x128xi32, #tpu.memory_space<vmem>>, %arg9: memref<8x128xi32, #tpu.memory_space<vmem>>, %arg10: memref<128x128xf32, #tpu.memory_space<vmem>>, %arg11: memref<128x128xf32, #tpu.memory_space<vmem>>, %arg12: memref<10240x128xf32, #tpu.memory_space<vmem_shared>>, %arg13: memref<!tpu.dma_semaphore, #tpu.memory_space<semaphore_mem>>, %arg14: memref<!tpu.dma_semaphore, #tpu.memory_space<semaphore_mem>>) attributes {dimension_semantics = [#tpu.dimension_semantics<core_parallel>, #tpu.dimension_semantics<subcore_parallel>], iteration_bounds = array<i64: 2, 16>, scalar_prefetch = 0 : i64, scratch_operands = 9 : i64, tpu.core_type = #tpu.core_type<sc_vector_subcore>, window_params = [{transform_indices = #map}, {transform_indices = #map}, {transform_indices = #map}, {transform_indices = #map1}]} {
    %mul3A = arith.constant 16 : i32
    %mul3A_0 = arith.muli %arg0, %mul3A : i32
    %add3A = arith.addi %mul3A_0, %arg1 : i32
    %mul3A_1 = arith.constant 80 : i32
    %mul3A_2 = arith.muli %add3A, %mul3A_1 : i32
    %scan3A = arith.constant 0 : i32
    %scan3A_3 = arith.constant 0 : i32
    %scan3A_4 = arith.constant 128 : i32
    %scan3A_5 = arith.addi %scan3A_3, %scan3A_4 : i32
    %scan3A_6 = arith.constant 1 : i32
    scf.for %scan3A_35 = %scan3A_3 to %scan3A_5 step %scan3A_6  : i32 {
      %scan3A_36 = arith.constant 0 : i32
      %scan3A_37 = arith.constant 8 : i32
      %scan3A_38 = arith.addi %scan3A_36, %scan3A_37 : i32
      %scan3A_39 = arith.constant 1 : i32
      scf.for %scan3A_41 = %scan3A_36 to %scan3A_38 step %scan3A_39  : i32 {
        %broadcast_in_dim3A = arith.constant 0.000000e+00 : f32
        %broadcast_in_dim3A_42 = vector.broadcast %broadcast_in_dim3A : f32 to vector<16xf32>
        %mul3A_43 = arith.constant 16 : i32
        %mul3A_44 = arith.muli %scan3A_41, %mul3A_43 : i32
        %swap3A = arith.index_cast %scan3A_35 : i32 to index
        %swap3A_45 = arith.index_cast %mul3A_44 : i32 to index
        %swap3A_46 = tpu.vector_load %arg10[%swap3A, %swap3A_45] {strides = array<i32>} : memref<128x128xf32, #tpu.memory_space<vmem>>, vector<1x16xf32>,
        %swap3A_47 = vector.shape_cast %swap3A_46 : vector<1x16xf32> to vector<16xf32>
        %swap3A_48 = vector.shape_cast %broadcast_in_dim3A_42 : vector<16xf32> to vector<1x16xf32>
        tpu.vector_store %arg10[%swap3A, %swap3A_45], %swap3A_48 {strides = array<i32>} : memref<128x128xf32, #tpu.memory_space<vmem>>, vector<1x16xf32>,
      }
      %scan3A_40 = arith.constant 8 : i32
    }
    %scan3A_7 = arith.constant 128 : i32
    %scan3A_8 = arith.constant 0 : i32
    %scan3A_9 = arith.constant 0 : i32
    %scan3A_10 = arith.constant 5 : i32
    %scan3A_11 = arith.addi %scan3A_9, %scan3A_10 : i32
    %scan3A_12 = arith.constant 1 : i32
    scf.for %scan3A_35 = %scan3A_9 to %scan3A_11 step %scan3A_12  : i32 {
      %mul3A_36 = arith.constant 640 : i32
      %mul3A_37 = arith.muli %arg1, %mul3A_36 : i32
      %mul3A_38 = arith.constant 128 : i32
      %mul3A_39 = arith.muli %scan3A_35, %mul3A_38 : i32
      %add3A_40 = arith.addi %mul3A_37, %mul3A_39 : i32
      "tpu.region"() ({
        %run_scoped3A = tpu.sem_alloc : memref<!tpu.dma_semaphore, #tpu.memory_space<semaphore_mem>>
        %dma_start3A_41 = arith.constant 0 : i32
        %dma_start3A_42 = tpu.memref_slice %arg12[%add3A_40, %dma_start3A_41] : memref<10240x128xf32, #tpu.memory_space<vmem_shared>> -> memref<128x128xf32, #tpu.memory_space<vmem_shared>>
        %dma_start3A_43 = arith.constant 0 : i32
        %dma_start3A_44 = tpu.memref_slice %arg12[%add3A_40, %dma_start3A_43] : memref<10240x128xf32, #tpu.memory_space<vmem_shared>> -> memref<128x128xf32, #tpu.memory_space<vmem_shared>>
        tpu.enqueue_dma source(%arg10 : memref<128x128xf32, #tpu.memory_space<vmem>>) target(%dma_start3A_44 : memref<128x128xf32, #tpu.memory_space<vmem_shared>>) target_semaphore(%run_scoped3A : memref<!tpu.dma_semaphore, #tpu.memory_space<semaphore_mem>>)
        %dma_wait3A = arith.constant 0 : i32
        %dma_wait3A_45 = tpu.memref_slice %arg12[%add3A_40, %dma_wait3A] : memref<10240x128xf32, #tpu.memory_space<vmem_shared>> -> memref<128x128xf32, #tpu.memory_space<vmem_shared>>
        %dma_wait3A_46 = arith.constant 0 : i32
        %dma_wait3A_47 = tpu.memref_slice %arg12[%add3A_40, %dma_wait3A_46] : memref<10240x128xf32, #tpu.memory_space<vmem_shared>> -> memref<128x128xf32, #tpu.memory_space<vmem_shared>>
        tpu.wait_dma2 semaphore(%run_scoped3A : memref<!tpu.dma_semaphore, #tpu.memory_space<semaphore_mem>>) src(%arg10 : memref<128x128xf32, #tpu.memory_space<vmem>>) dst(%dma_wait3A_47 : memref<128x128xf32, #tpu.memory_space<vmem_shared>>)
        tpu.yield
      }) : () -> ()
    }
    %scan3A_13 = arith.constant 5 : i32
    %barrier3A = arith.constant 0 : index
    tpu.barrier barrier_id(%barrier3A)
    %add3A_14 = arith.constant 0 : i32
    %add3A_15 = arith.addi %mul3A_2, %add3A_14 : i32
    "tpu.region"() ({
      %run_scoped3A = tpu.sem_alloc : memref<!tpu.dma_semaphore, #tpu.memory_space<semaphore_mem>>
      %dma_start3A_35 = arith.constant 0 : i32
      %dma_start3A_36 = tpu.memref_slice %arg2[%add3A_15, %dma_start3A_35] : memref<2560x128xi32, #tpu.memory_space<hbm>> -> memref<8x128xi32, #tpu.memory_space<hbm>>
      %dma_start3A_37 = arith.constant 0 : i32
      %dma_start3A_38 = tpu.memref_slice %arg2[%add3A_15, %dma_start3A_37] : memref<2560x128xi32, #tpu.memory_space<hbm>> -> memref<8x128xi32, #tpu.memory_space<hbm>>
      tpu.enqueue_dma source(%dma_start3A_38 : memref<8x128xi32, #tpu.memory_space<hbm>>) target(%arg6 : memref<8x128xi32, #tpu.memory_space<vmem>>) target_semaphore(%run_scoped3A : memref<!tpu.dma_semaphore, #tpu.memory_space<semaphore_mem>>)
      %dma_wait3A = arith.constant 0 : i32
      %dma_wait3A_39 = tpu.memref_slice %arg2[%add3A_15, %dma_wait3A] : memref<2560x128xi32, #tpu.memory_space<hbm>> -> memref<8x128xi32, #tpu.memory_space<hbm>>
      %dma_wait3A_40 = arith.constant 0 : i32
      %dma_wait3A_41 = tpu.memref_slice %arg2[%add3A_15, %dma_wait3A_40] : memref<2560x128xi32, #tpu.memory_space<hbm>> -> memref<8x128xi32, #tpu.memory_space<hbm>>
      tpu.wait_dma2 semaphore(%run_scoped3A : memref<!tpu.dma_semaphore, #tpu.memory_space<semaphore_mem>>) src(%dma_wait3A_41 : memref<8x128xi32, #tpu.memory_space<hbm>>) dst(%arg6 : memref<8x128xi32, #tpu.memory_space<vmem>>)
      tpu.yield
    }) : () -> ()
    "tpu.region"() ({
      %run_scoped3A = tpu.sem_alloc : memref<!tpu.dma_semaphore, #tpu.memory_space<semaphore_mem>>
      %dma_start3A_35 = arith.constant 0 : i32
      %dma_start3A_36 = tpu.memref_slice %arg3[%add3A_15, %dma_start3A_35] : memref<2560x128xi32, #tpu.memory_space<hbm>> -> memref<8x128xi32, #tpu.memory_space<hbm>>
      %dma_start3A_37 = arith.constant 0 : i32
      %dma_start3A_38 = tpu.memref_slice %arg3[%add3A_15, %dma_start3A_37] : memref<2560x128xi32, #tpu.memory_space<hbm>> -> memref<8x128xi32, #tpu.memory_space<hbm>>
      tpu.enqueue_dma source(%dma_start3A_38 : memref<8x128xi32, #tpu.memory_space<hbm>>) target(%arg8 : memref<8x128xi32, #tpu.memory_space<vmem>>) target_semaphore(%run_scoped3A : memref<!tpu.dma_semaphore, #tpu.memory_space<semaphore_mem>>)
      %dma_wait3A = arith.constant 0 : i32
      %dma_wait3A_39 = tpu.memref_slice %arg3[%add3A_15, %dma_wait3A] : memref<2560x128xi32, #tpu.memory_space<hbm>> -> memref<8x128xi32, #tpu.memory_space<hbm>>
      %dma_wait3A_40 = arith.constant 0 : i32
      %dma_wait3A_41 = tpu.memref_slice %arg3[%add3A_15, %dma_wait3A_40] : memref<2560x128xi32, #tpu.memory_space<hbm>> -> memref<8x128xi32, #tpu.memory_space<hbm>>
      tpu.wait_dma2 semaphore(%run_scoped3A : memref<!tpu.dma_semaphore, #tpu.memory_space<semaphore_mem>>) src(%dma_wait3A_41 : memref<8x128xi32, #tpu.memory_space<hbm>>) dst(%arg8 : memref<8x128xi32, #tpu.memory_space<vmem>>)
      tpu.yield
    }) : () -> ()
    %dma_start3A = arith.constant 0 : i32
    %dma_start3A_16 = arith.constant 0 : i32
    %dma_start3A_17 = tpu.memref_slice %arg6[%dma_start3A, %dma_start3A_16] : memref<8x128xi32, #tpu.memory_space<vmem>> -> memref<1x128xi32, #tpu.memory_space<vmem>>
    %dma_start3A_18 = tpu.memref_squeeze %dma_start3A_17 : memref<1x128xi32, #tpu.memory_space<vmem>> -> memref<128xi32, #tpu.memory_space<vmem>>
    %dma_start3A_19 = arith.constant 0 : i32
    %dma_start3A_20 = arith.constant 0 : i32
    %dma_start3A_21 = tpu.memref_slice %arg4[%dma_start3A_19, %dma_start3A_20] : memref<10000x128xf32, #tpu.memory_space<hbm>> -> memref<10000x128xf32, #tpu.memory_space<hbm>>
    tpu.enqueue_indirect_dma source(%dma_start3A_21 : memref<10000x128xf32, #tpu.memory_space<hbm>>) target(%arg10 : memref<128x128xf32, #tpu.memory_space<vmem>>) offsets(%dma_start3A_18 : memref<128xi32, #tpu.memory_space<vmem>>) semaphore(%arg13 : memref<!tpu.dma_semaphore, #tpu.memory_space<semaphore_mem>>)
    %scan3A_22 = arith.constant 0 : i32
    %scan3A_23 = arith.constant 0 : i32
    %scan3A_24 = arith.constant 5 : i32
    %scan3A_25 = arith.addi %scan3A_23, %scan3A_24 : i32
    %scan3A_26 = arith.constant 1 : i32
    scf.for %scan3A_35 = %scan3A_23 to %scan3A_25 step %scan3A_26  : i32 {
      %mul3A_36 = arith.constant 2 : i32
      %mul3A_37 = arith.muli %mul3A_36, %scan3A_35 : i32
      %add3A_38 = arith.constant 1 : i32
      %add3A_39 = arith.addi %mul3A_37, %add3A_38 : i32
      %lt3A = arith.constant 10 : i32
      %lt3A_40 = arith.cmpi slt, %add3A_39, %lt3A : i32
      %convert_element_type3A = arith.extui %lt3A_40 : i1 to i32
      %cond3A = arith.constant 0 : i32
      %cond3A_41 = arith.cmpi ne, %convert_element_type3A, %cond3A : i32
      scf.if %cond3A_41 {
        %add3A_291 = arith.constant 1 : i32
        %add3A_292 = arith.addi %mul3A_37, %add3A_291 : i32
        %mul3A_293 = arith.constant 8 : i32
        %mul3A_294 = arith.muli %add3A_292, %mul3A_293 : i32
        %add3A_295 = arith.addi %mul3A_2, %mul3A_294 : i32
        "tpu.region"() ({
          %run_scoped3A_296 = tpu.sem_alloc : memref<!tpu.dma_semaphore, #tpu.memory_space<semaphore_mem>>
          %dma_start3A_297 = arith.constant 0 : i32
          %dma_start3A_298 = tpu.memref_slice %arg2[%add3A_295, %dma_start3A_297] : memref<2560x128xi32, #tpu.memory_space<hbm>> -> memref<8x128xi32, #tpu.memory_space<hbm>>
          %dma_start3A_299 = arith.constant 0 : i32
          %dma_start3A_300 = tpu.memref_slice %arg2[%add3A_295, %dma_start3A_299] : memref<2560x128xi32, #tpu.memory_space<hbm>> -> memref<8x128xi32, #tpu.memory_space<hbm>>
          tpu.enqueue_dma source(%dma_start3A_300 : memref<8x128xi32, #tpu.memory_space<hbm>>) target(%arg7 : memref<8x128xi32, #tpu.memory_space<vmem>>) target_semaphore(%run_scoped3A_296 : memref<!tpu.dma_semaphore, #tpu.memory_space<semaphore_mem>>)
          %dma_wait3A_301 = arith.constant 0 : i32
          %dma_wait3A_302 = tpu.memref_slice %arg2[%add3A_295, %dma_wait3A_301] : memref<2560x128xi32, #tpu.memory_space<hbm>> -> memref<8x128xi32, #tpu.memory_space<hbm>>
          %dma_wait3A_303 = arith.constant 0 : i32
          %dma_wait3A_304 = tpu.memref_slice %arg2[%add3A_295, %dma_wait3A_303] : memref<2560x128xi32, #tpu.memory_space<hbm>> -> memref<8x128xi32, #tpu.memory_space<hbm>>
          tpu.wait_dma2 semaphore(%run_scoped3A_296 : memref<!tpu.dma_semaphore, #tpu.memory_space<semaphore_mem>>) src(%dma_wait3A_304 : memref<8x128xi32, #tpu.memory_space<hbm>>) dst(%arg7 : memref<8x128xi32, #tpu.memory_space<vmem>>)
          tpu.yield
        }) : () -> ()
        "tpu.region"() ({
          %run_scoped3A_296 = tpu.sem_alloc : memref<!tpu.dma_semaphore, #tpu.memory_space<semaphore_mem>>
          %dma_start3A_297 = arith.constant 0 : i32
          %dma_start3A_298 = tpu.memref_slice %arg3[%add3A_295, %dma_start3A_297] : memref<2560x128xi32, #tpu.memory_space<hbm>> -> memref<8x128xi32, #tpu.memory_space<hbm>>
          %dma_start3A_299 = arith.constant 0 : i32
          %dma_start3A_300 = tpu.memref_slice %arg3[%add3A_295, %dma_start3A_299] : memref<2560x128xi32, #tpu.memory_space<hbm>> -> memref<8x128xi32, #tpu.memory_space<hbm>>
          tpu.enqueue_dma source(%dma_start3A_300 : memref<8x128xi32, #tpu.memory_space<hbm>>) target(%arg9 : memref<8x128xi32, #tpu.memory_space<vmem>>) target_semaphore(%run_scoped3A_296 : memref<!tpu.dma_semaphore, #tpu.memory_space<semaphore_mem>>)
          %dma_wait3A_301 = arith.constant 0 : i32
          %dma_wait3A_302 = tpu.memref_slice %arg3[%add3A_295, %dma_wait3A_301] : memref<2560x128xi32, #tpu.memory_space<hbm>> -> memref<8x128xi32, #tpu.memory_space<hbm>>
          %dma_wait3A_303 = arith.constant 0 : i32
          %dma_wait3A_304 = tpu.memref_slice %arg3[%add3A_295, %dma_wait3A_303] : memref<2560x128xi32, #tpu.memory_space<hbm>> -> memref<8x128xi32, #tpu.memory_space<hbm>>
          tpu.wait_dma2 semaphore(%run_scoped3A_296 : memref<!tpu.dma_semaphore, #tpu.memory_space<semaphore_mem>>) src(%dma_wait3A_304 : memref<8x128xi32, #tpu.memory_space<hbm>>) dst(%arg9 : memref<8x128xi32, #tpu.memory_space<vmem>>)
          tpu.yield
        }) : () -> ()
      } else {
      }
      %dma_wait3A = arith.constant 0 : i32
      %dma_wait3A_42 = arith.constant 0 : i32
      %dma_wait3A_43 = tpu.memref_slice %arg6[%dma_wait3A, %dma_wait3A_42] : memref<8x128xi32, #tpu.memory_space<vmem>> -> memref<1x128xi32, #tpu.memory_space<vmem>>
      %dma_wait3A_44 = tpu.memref_squeeze %dma_wait3A_43 : memref<1x128xi32, #tpu.memory_space<vmem>> -> memref<128xi32, #tpu.memory_space<vmem>>
      %dma_wait3A_45 = arith.constant 0 : i32
      %dma_wait3A_46 = arith.constant 0 : i32
      %dma_wait3A_47 = tpu.memref_slice %arg4[%dma_wait3A_45, %dma_wait3A_46] : memref<10000x128xf32, #tpu.memory_space<hbm>> -> memref<10000x128xf32, #tpu.memory_space<hbm>>
      tpu.wait_indirect_dma semaphore(%arg13 : memref<!tpu.dma_semaphore, #tpu.memory_space<semaphore_mem>>) src(%dma_wait3A_47 : memref<10000x128xf32, #tpu.memory_space<hbm>>) dst(%arg10 : memref<128x128xf32, #tpu.memory_space<vmem>>)
      %dma_start3A_48 = arith.constant 1 : i32
      %dma_start3A_49 = arith.constant 0 : i32
      %dma_start3A_50 = tpu.memref_slice %arg6[%dma_start3A_48, %dma_start3A_49] : memref<8x128xi32, #tpu.memory_space<vmem>> -> memref<1x128xi32, #tpu.memory_space<vmem>>
      %dma_start3A_51 = tpu.memref_squeeze %dma_start3A_50 : memref<1x128xi32, #tpu.memory_space<vmem>> -> memref<128xi32, #tpu.memory_space<vmem>>
      %dma_start3A_52 = arith.constant 0 : i32
      %dma_start3A_53 = arith.constant 0 : i32
      %dma_start3A_54 = tpu.memref_slice %arg4[%dma_start3A_52, %dma_start3A_53] : memref<10000x128xf32, #tpu.memory_space<hbm>> -> memref<10000x128xf32, #tpu.memory_space<hbm>>
      tpu.enqueue_indirect_dma source(%dma_start3A_54 : memref<10000x128xf32, #tpu.memory_space<hbm>>) target(%arg11 : memref<128x128xf32, #tpu.memory_space<vmem>>) offsets(%dma_start3A_51 : memref<128xi32, #tpu.memory_space<vmem>>) semaphore(%arg14 : memref<!tpu.dma_semaphore, #tpu.memory_space<semaphore_mem>>)
      %run_scoped3A = arith.constant 0 : i32
      "tpu.region"() ({
        %run_scoped3A_291 = tpu.sem_alloc : memref<!tpu.dma_semaphore, #tpu.memory_space<semaphore_mem>>
        %dma_start3A_292 = arith.constant 0 : i32
        %dma_start3A_293 = tpu.memref_slice %arg8[%run_scoped3A, %dma_start3A_292] : memref<8x128xi32, #tpu.memory_space<vmem>> -> memref<1x128xi32, #tpu.memory_space<vmem>>
        %dma_start3A_294 = tpu.memref_squeeze %dma_start3A_293 : memref<1x128xi32, #tpu.memory_space<vmem>> -> memref<128xi32, #tpu.memory_space<vmem>>
        %dma_start3A_295 = arith.constant 0 : i32
        %dma_start3A_296 = arith.constant 0 : i32
        %dma_start3A_297 = tpu.memref_slice %arg12[%dma_start3A_295, %dma_start3A_296] : memref<10240x128xf32, #tpu.memory_space<vmem_shared>> -> memref<10240x128xf32, #tpu.memory_space<vmem_shared>>
        tpu.enqueue_indirect_dma source(%arg10 : memref<128x128xf32, #tpu.memory_space<vmem>>) target(%dma_start3A_297 : memref<10240x128xf32, #tpu.memory_space<vmem_shared>>) offsets(%dma_start3A_294 : memref<128xi32, #tpu.memory_space<vmem>>) semaphore(%run_scoped3A_291 : memref<!tpu.dma_semaphore, #tpu.memory_space<semaphore_mem>>) {add = true}
        %dma_wait3A_298 = arith.constant 0 : i32
        %dma_wait3A_299 = tpu.memref_slice %arg8[%run_scoped3A, %dma_wait3A_298] : memref<8x128xi32, #tpu.memory_space<vmem>> -> memref<1x128xi32, #tpu.memory_space<vmem>>
        %dma_wait3A_300 = tpu.memref_squeeze %dma_wait3A_299 : memref<1x128xi32, #tpu.memory_space<vmem>> -> memref<128xi32, #tpu.memory_space<vmem>>
        %dma_wait3A_301 = arith.constant 0 : i32
        %dma_wait3A_302 = arith.constant 0 : i32
        %dma_wait3A_303 = tpu.memref_slice %arg12[%dma_wait3A_301, %dma_wait3A_302] : memref<10240x128xf32, #tpu.memory_space<vmem_shared>> -> memref<10240x128xf32, #tpu.memory_space<vmem_shared>>
        tpu.wait_indirect_dma semaphore(%run_scoped3A_291 : memref<!tpu.dma_semaphore, #tpu.memory_space<semaphore_mem>>) src(%arg10 : memref<128x128xf32, #tpu.memory_space<vmem>>) dst(%dma_wait3A_303 : memref<10240x128xf32, #tpu.memory_space<vmem_shared>>)
        tpu.yield
      }) : () -> ()
      %dma_wait3A_55 = arith.constant 1 : i32
      %dma_wait3A_56 = arith.constant 0 : i32
      %dma_wait3A_57 = tpu.memref_slice %arg6[%dma_wait3A_55, %dma_wait3A_56] : memref<8x128xi32, #tpu.memory_space<vmem>> -> memref<1x128xi32, #tpu.memory_space<vmem>>
      %dma_wait3A_58 = tpu.memref_squeeze %dma_wait3A_57 : memref<1x128xi32, #tpu.memory_space<vmem>> -> memref<128xi32, #tpu.memory_space<vmem>>
      %dma_wait3A_59 = arith.constant 0 : i32
      %dma_wait3A_60 = arith.constant 0 : i32
      %dma_wait3A_61 = tpu.memref_slice %arg4[%dma_wait3A_59, %dma_wait3A_60] : memref<10000x128xf32, #tpu.memory_space<hbm>> -> memref<10000x128xf32, #tpu.memory_space<hbm>>
      tpu.wait_indirect_dma semaphore(%arg14 : memref<!tpu.dma_semaphore, #tpu.memory_space<semaphore_mem>>) src(%dma_wait3A_61 : memref<10000x128xf32, #tpu.memory_space<hbm>>) dst(%arg11 : memref<128x128xf32, #tpu.memory_space<vmem>>)
      %dma_start3A_62 = arith.constant 2 : i32
      %dma_start3A_63 = arith.constant 0 : i32
      %dma_start3A_64 = tpu.memref_slice %arg6[%dma_start3A_62, %dma_start3A_63] : memref<8x128xi32, #tpu.memory_space<vmem>> -> memref<1x128xi32, #tpu.memory_space<vmem>>
      %dma_start3A_65 = tpu.memref_squeeze %dma_start3A_64 : memref<1x128xi32, #tpu.memory_space<vmem>> -> memref<128xi32, #tpu.memory_space<vmem>>
      %dma_start3A_66 = arith.constant 0 : i32
      %dma_start3A_67 = arith.constant 0 : i32
      %dma_start3A_68 = tpu.memref_slice %arg4[%dma_start3A_66, %dma_start3A_67] : memref<10000x128xf32, #tpu.memory_space<hbm>> -> memref<10000x128xf32, #tpu.memory_space<hbm>>
      tpu.enqueue_indirect_dma source(%dma_start3A_68 : memref<10000x128xf32, #tpu.memory_space<hbm>>) target(%arg10 : memref<128x128xf32, #tpu.memory_space<vmem>>) offsets(%dma_start3A_65 : memref<128xi32, #tpu.memory_space<vmem>>) semaphore(%arg13 : memref<!tpu.dma_semaphore, #tpu.memory_space<semaphore_mem>>)
      %run_scoped3A_69 = arith.constant 1 : i32
      "tpu.region"() ({
        %run_scoped3A_291 = tpu.sem_alloc : memref<!tpu.dma_semaphore, #tpu.memory_space<semaphore_mem>>
        %dma_start3A_292 = arith.constant 0 : i32
        %dma_start3A_293 = tpu.memref_slice %arg8[%run_scoped3A_69, %dma_start3A_292] : memref<8x128xi32, #tpu.memory_space<vmem>> -> memref<1x128xi32, #tpu.memory_space<vmem>>
        %dma_start3A_294 = tpu.memref_squeeze %dma_start3A_293 : memref<1x128xi32, #tpu.memory_space<vmem>> -> memref<128xi32, #tpu.memory_space<vmem>>
        %dma_start3A_295 = arith.constant 0 : i32
        %dma_start3A_296 = arith.constant 0 : i32
        %dma_start3A_297 = tpu.memref_slice %arg12[%dma_start3A_295, %dma_start3A_296] : memref<10240x128xf32, #tpu.memory_space<vmem_shared>> -> memref<10240x128xf32, #tpu.memory_space<vmem_shared>>
        tpu.enqueue_indirect_dma source(%arg11 : memref<128x128xf32, #tpu.memory_space<vmem>>) target(%dma_start3A_297 : memref<10240x128xf32, #tpu.memory_space<vmem_shared>>) offsets(%dma_start3A_294 : memref<128xi32, #tpu.memory_space<vmem>>) semaphore(%run_scoped3A_291 : memref<!tpu.dma_semaphore, #tpu.memory_space<semaphore_mem>>) {add = true}
        %dma_wait3A_298 = arith.constant 0 : i32
        %dma_wait3A_299 = tpu.memref_slice %arg8[%run_scoped3A_69, %dma_wait3A_298] : memref<8x128xi32, #tpu.memory_space<vmem>> -> memref<1x128xi32, #tpu.memory_space<vmem>>
        %dma_wait3A_300 = tpu.memref_squeeze %dma_wait3A_299 : memref<1x128xi32, #tpu.memory_space<vmem>> -> memref<128xi32, #tpu.memory_space<vmem>>
        %dma_wait3A_301 = arith.constant 0 : i32
        %dma_wait3A_302 = arith.constant 0 : i32
        %dma_wait3A_303 = tpu.memref_slice %arg12[%dma_wait3A_301, %dma_wait3A_302] : memref<10240x128xf32, #tpu.memory_space<vmem_shared>> -> memref<10240x128xf32, #tpu.memory_space<vmem_shared>>
        tpu.wait_indirect_dma semaphore(%run_scoped3A_291 : memref<!tpu.dma_semaphore, #tpu.memory_space<semaphore_mem>>) src(%arg11 : memref<128x128xf32, #tpu.memory_space<vmem>>) dst(%dma_wait3A_303 : memref<10240x128xf32, #tpu.memory_space<vmem_shared>>)
        tpu.yield
      }) : () -> ()
      %dma_wait3A_70 = arith.constant 2 : i32
      %dma_wait3A_71 = arith.constant 0 : i32
      %dma_wait3A_72 = tpu.memref_slice %arg6[%dma_wait3A_70, %dma_wait3A_71] : memref<8x128xi32, #tpu.memory_space<vmem>> -> memref<1x128xi32, #tpu.memory_space<vmem>>
      %dma_wait3A_73 = tpu.memref_squeeze %dma_wait3A_72 : memref<1x128xi32, #tpu.memory_space<vmem>> -> memref<128xi32, #tpu.memory_space<vmem>>
      %dma_wait3A_74 = arith.constant 0 : i32
      %dma_wait3A_75 = arith.constant 0 : i32
      %dma_wait3A_76 = tpu.memref_slice %arg4[%dma_wait3A_74, %dma_wait3A_75] : memref<10000x128xf32, #tpu.memory_space<hbm>> -> memref<10000x128xf32, #tpu.memory_space<hbm>>
      tpu.wait_indirect_dma semaphore(%arg13 : memref<!tpu.dma_semaphore, #tpu.memory_space<semaphore_mem>>) src(%dma_wait3A_76 : memref<10000x128xf32, #tpu.memory_space<hbm>>) dst(%arg10 : memref<128x128xf32, #tpu.memory_space<vmem>>)
      %dma_start3A_77 = arith.constant 3 : i32
      %dma_start3A_78 = arith.constant 0 : i32
      %dma_start3A_79 = tpu.memref_slice %arg6[%dma_start3A_77, %dma_start3A_78] : memref<8x128xi32, #tpu.memory_space<vmem>> -> memref<1x128xi32, #tpu.memory_space<vmem>>
      %dma_start3A_80 = tpu.memref_squeeze %dma_start3A_79 : memref<1x128xi32, #tpu.memory_space<vmem>> -> memref<128xi32, #tpu.memory_space<vmem>>
      %dma_start3A_81 = arith.constant 0 : i32
      %dma_start3A_82 = arith.constant 0 : i32
      %dma_start3A_83 = tpu.memref_slice %arg4[%dma_start3A_81, %dma_start3A_82] : memref<10000x128xf32, #tpu.memory_space<hbm>> -> memref<10000x128xf32, #tpu.memory_space<hbm>>
      tpu.enqueue_indirect_dma source(%dma_start3A_83 : memref<10000x128xf32, #tpu.memory_space<hbm>>) target(%arg11 : memref<128x128xf32, #tpu.memory_space<vmem>>) offsets(%dma_start3A_80 : memref<128xi32, #tpu.memory_space<vmem>>) semaphore(%arg14 : memref<!tpu.dma_semaphore, #tpu.memory_space<semaphore_mem>>)
      %run_scoped3A_84 = arith.constant 2 : i32
      "tpu.region"() ({
        %run_scoped3A_291 = tpu.sem_alloc : memref<!tpu.dma_semaphore, #tpu.memory_space<semaphore_mem>>
        %dma_start3A_292 = arith.constant 0 : i32
        %dma_start3A_293 = tpu.memref_slice %arg8[%run_scoped3A_84, %dma_start3A_292] : memref<8x128xi32, #tpu.memory_space<vmem>> -> memref<1x128xi32, #tpu.memory_space<vmem>>
        %dma_start3A_294 = tpu.memref_squeeze %dma_start3A_293 : memref<1x128xi32, #tpu.memory_space<vmem>> -> memref<128xi32, #tpu.memory_space<vmem>>
        %dma_start3A_295 = arith.constant 0 : i32
        %dma_start3A_296 = arith.constant 0 : i32
        %dma_start3A_297 = tpu.memref_slice %arg12[%dma_start3A_295, %dma_start3A_296] : memref<10240x128xf32, #tpu.memory_space<vmem_shared>> -> memref<10240x128xf32, #tpu.memory_space<vmem_shared>>
        tpu.enqueue_indirect_dma source(%arg10 : memref<128x128xf32, #tpu.memory_space<vmem>>) target(%dma_start3A_297 : memref<10240x128xf32, #tpu.memory_space<vmem_shared>>) offsets(%dma_start3A_294 : memref<128xi32, #tpu.memory_space<vmem>>) semaphore(%run_scoped3A_291 : memref<!tpu.dma_semaphore, #tpu.memory_space<semaphore_mem>>) {add = true}
        %dma_wait3A_298 = arith.constant 0 : i32
        %dma_wait3A_299 = tpu.memref_slice %arg8[%run_scoped3A_84, %dma_wait3A_298] : memref<8x128xi32, #tpu.memory_space<vmem>> -> memref<1x128xi32, #tpu.memory_space<vmem>>
        %dma_wait3A_300 = tpu.memref_squeeze %dma_wait3A_299 : memref<1x128xi32, #tpu.memory_space<vmem>> -> memref<128xi32, #tpu.memory_space<vmem>>
        %dma_wait3A_301 = arith.constant 0 : i32
        %dma_wait3A_302 = arith.constant 0 : i32
        %dma_wait3A_303 = tpu.memref_slice %arg12[%dma_wait3A_301, %dma_wait3A_302] : memref<10240x128xf32, #tpu.memory_space<vmem_shared>> -> memref<10240x128xf32, #tpu.memory_space<vmem_shared>>
        tpu.wait_indirect_dma semaphore(%run_scoped3A_291 : memref<!tpu.dma_semaphore, #tpu.memory_space<semaphore_mem>>) src(%arg10 : memref<128x128xf32, #tpu.memory_space<vmem>>) dst(%dma_wait3A_303 : memref<10240x128xf32, #tpu.memory_space<vmem_shared>>)
        tpu.yield
      }) : () -> ()
      %dma_wait3A_85 = arith.constant 3 : i32
      %dma_wait3A_86 = arith.constant 0 : i32
      %dma_wait3A_87 = tpu.memref_slice %arg6[%dma_wait3A_85, %dma_wait3A_86] : memref<8x128xi32, #tpu.memory_space<vmem>> -> memref<1x128xi32, #tpu.memory_space<vmem>>
      %dma_wait3A_88 = tpu.memref_squeeze %dma_wait3A_87 : memref<1x128xi32, #tpu.memory_space<vmem>> -> memref<128xi32, #tpu.memory_space<vmem>>
      %dma_wait3A_89 = arith.constant 0 : i32
      %dma_wait3A_90 = arith.constant 0 : i32
      %dma_wait3A_91 = tpu.memref_slice %arg4[%dma_wait3A_89, %dma_wait3A_90] : memref<10000x128xf32, #tpu.memory_space<hbm>> -> memref<10000x128xf32, #tpu.memory_space<hbm>>
      tpu.wait_indirect_dma semaphore(%arg14 : memref<!tpu.dma_semaphore, #tpu.memory_space<semaphore_mem>>) src(%dma_wait3A_91 : memref<10000x128xf32, #tpu.memory_space<hbm>>) dst(%arg11 : memref<128x128xf32, #tpu.memory_space<vmem>>)
      %dma_start3A_92 = arith.constant 4 : i32
      %dma_start3A_93 = arith.constant 0 : i32
      %dma_start3A_94 = tpu.memref_slice %arg6[%dma_start3A_92, %dma_start3A_93] : memref<8x128xi32, #tpu.memory_space<vmem>> -> memref<1x128xi32, #tpu.memory_space<vmem>>
      %dma_start3A_95 = tpu.memref_squeeze %dma_start3A_94 : memref<1x128xi32, #tpu.memory_space<vmem>> -> memref<128xi32, #tpu.memory_space<vmem>>
      %dma_start3A_96 = arith.constant 0 : i32
      %dma_start3A_97 = arith.constant 0 : i32
      %dma_start3A_98 = tpu.memref_slice %arg4[%dma_start3A_96, %dma_start3A_97] : memref<10000x128xf32, #tpu.memory_space<hbm>> -> memref<10000x128xf32, #tpu.memory_space<hbm>>
      tpu.enqueue_indirect_dma source(%dma_start3A_98 : memref<10000x128xf32, #tpu.memory_space<hbm>>) target(%arg10 : memref<128x128xf32, #tpu.memory_space<vmem>>) offsets(%dma_start3A_95 : memref<128xi32, #tpu.memory_space<vmem>>) semaphore(%arg13 : memref<!tpu.dma_semaphore, #tpu.memory_space<semaphore_mem>>)
      %run_scoped3A_99 = arith.constant 3 : i32
      "tpu.region"() ({
        %run_scoped3A_291 = tpu.sem_alloc : memref<!tpu.dma_semaphore, #tpu.memory_space<semaphore_mem>>
        %dma_start3A_292 = arith.constant 0 : i32
        %dma_start3A_293 = tpu.memref_slice %arg8[%run_scoped3A_99, %dma_start3A_292] : memref<8x128xi32, #tpu.memory_space<vmem>> -> memref<1x128xi32, #tpu.memory_space<vmem>>
        %dma_start3A_294 = tpu.memref_squeeze %dma_start3A_293 : memref<1x128xi32, #tpu.memory_space<vmem>> -> memref<128xi32, #tpu.memory_space<vmem>>
        %dma_start3A_295 = arith.constant 0 : i32
        %dma_start3A_296 = arith.constant 0 : i32
        %dma_start3A_297 = tpu.memref_slice %arg12[%dma_start3A_295, %dma_start3A_296] : memref<10240x128xf32, #tpu.memory_space<vmem_shared>> -> memref<10240x128xf32, #tpu.memory_space<vmem_shared>>
        tpu.enqueue_indirect_dma source(%arg11 : memref<128x128xf32, #tpu.memory_space<vmem>>) target(%dma_start3A_297 : memref<10240x128xf32, #tpu.memory_space<vmem_shared>>) offsets(%dma_start3A_294 : memref<128xi32, #tpu.memory_space<vmem>>) semaphore(%run_scoped3A_291 : memref<!tpu.dma_semaphore, #tpu.memory_space<semaphore_mem>>) {add = true}
        %dma_wait3A_298 = arith.constant 0 : i32
        %dma_wait3A_299 = tpu.memref_slice %arg8[%run_scoped3A_99, %dma_wait3A_298] : memref<8x128xi32, #tpu.memory_space<vmem>> -> memref<1x128xi32, #tpu.memory_space<vmem>>
        %dma_wait3A_300 = tpu.memref_squeeze %dma_wait3A_299 : memref<1x128xi32, #tpu.memory_space<vmem>> -> memref<128xi32, #tpu.memory_space<vmem>>
        %dma_wait3A_301 = arith.constant 0 : i32
        %dma_wait3A_302 = arith.constant 0 : i32
        %dma_wait3A_303 = tpu.memref_slice %arg12[%dma_wait3A_301, %dma_wait3A_302] : memref<10240x128xf32, #tpu.memory_space<vmem_shared>> -> memref<10240x128xf32, #tpu.memory_space<vmem_shared>>
        tpu.wait_indirect_dma semaphore(%run_scoped3A_291 : memref<!tpu.dma_semaphore, #tpu.memory_space<semaphore_mem>>) src(%arg11 : memref<128x128xf32, #tpu.memory_space<vmem>>) dst(%dma_wait3A_303 : memref<10240x128xf32, #tpu.memory_space<vmem_shared>>)
        tpu.yield
      }) : () -> ()
      %dma_wait3A_100 = arith.constant 4 : i32
      %dma_wait3A_101 = arith.constant 0 : i32
      %dma_wait3A_102 = tpu.memref_slice %arg6[%dma_wait3A_100, %dma_wait3A_101] : memref<8x128xi32, #tpu.memory_space<vmem>> -> memref<1x128xi32, #tpu.memory_space<vmem>>
      %dma_wait3A_103 = tpu.memref_squeeze %dma_wait3A_102 : memref<1x128xi32, #tpu.memory_space<vmem>> -> memref<128xi32, #tpu.memory_space<vmem>>
      %dma_wait3A_104 = arith.constant 0 : i32
      %dma_wait3A_105 = arith.constant 0 : i32
      %dma_wait3A_106 = tpu.memref_slice %arg4[%dma_wait3A_104, %dma_wait3A_105] : memref<10000x128xf32, #tpu.memory_space<hbm>> -> memref<10000x128xf32, #tpu.memory_space<hbm>>
      tpu.wait_indirect_dma semaphore(%arg13 : memref<!tpu.dma_semaphore, #tpu.memory_space<semaphore_mem>>) src(%dma_wait3A_106 : memref<10000x128xf32, #tpu.memory_space<hbm>>) dst(%arg10 : memref<128x128xf32, #tpu.memory_space<vmem>>)
      %dma_start3A_107 = arith.constant 5 : i32
      %dma_start3A_108 = arith.constant 0 : i32
      %dma_start3A_109 = tpu.memref_slice %arg6[%dma_start3A_107, %dma_start3A_108] : memref<8x128xi32, #tpu.memory_space<vmem>> -> memref<1x128xi32, #tpu.memory_space<vmem>>
      %dma_start3A_110 = tpu.memref_squeeze %dma_start3A_109 : memref<1x128xi32, #tpu.memory_space<vmem>> -> memref<128xi32, #tpu.memory_space<vmem>>
      %dma_start3A_111 = arith.constant 0 : i32
      %dma_start3A_112 = arith.constant 0 : i32
      %dma_start3A_113 = tpu.memref_slice %arg4[%dma_start3A_111, %dma_start3A_112] : memref<10000x128xf32, #tpu.memory_space<hbm>> -> memref<10000x128xf32, #tpu.memory_space<hbm>>
      tpu.enqueue_indirect_dma source(%dma_start3A_113 : memref<10000x128xf32, #tpu.memory_space<hbm>>) target(%arg11 : memref<128x128xf32, #tpu.memory_space<vmem>>) offsets(%dma_start3A_110 : memref<128xi32, #tpu.memory_space<vmem>>) semaphore(%arg14 : memref<!tpu.dma_semaphore, #tpu.memory_space<semaphore_mem>>)
      %run_scoped3A_114 = arith.constant 4 : i32
      "tpu.region"() ({
        %run_scoped3A_291 = tpu.sem_alloc : memref<!tpu.dma_semaphore, #tpu.memory_space<semaphore_mem>>
        %dma_start3A_292 = arith.constant 0 : i32
        %dma_start3A_293 = tpu.memref_slice %arg8[%run_scoped3A_114, %dma_start3A_292] : memref<8x128xi32, #tpu.memory_space<vmem>> -> memref<1x128xi32, #tpu.memory_space<vmem>>
        %dma_start3A_294 = tpu.memref_squeeze %dma_start3A_293 : memref<1x128xi32, #tpu.memory_space<vmem>> -> memref<128xi32, #tpu.memory_space<vmem>>
        %dma_start3A_295 = arith.constant 0 : i32
        %dma_start3A_296 = arith.constant 0 : i32
        %dma_start3A_297 = tpu.memref_slice %arg12[%dma_start3A_295, %dma_start3A_296] : memref<10240x128xf32, #tpu.memory_space<vmem_shared>> -> memref<10240x128xf32, #tpu.memory_space<vmem_shared>>
        tpu.enqueue_indirect_dma source(%arg10 : memref<128x128xf32, #tpu.memory_space<vmem>>) target(%dma_start3A_297 : memref<10240x128xf32, #tpu.memory_space<vmem_shared>>) offsets(%dma_start3A_294 : memref<128xi32, #tpu.memory_space<vmem>>) semaphore(%run_scoped3A_291 : memref<!tpu.dma_semaphore, #tpu.memory_space<semaphore_mem>>) {add = true}
        %dma_wait3A_298 = arith.constant 0 : i32
        %dma_wait3A_299 = tpu.memref_slice %arg8[%run_scoped3A_114, %dma_wait3A_298] : memref<8x128xi32, #tpu.memory_space<vmem>> -> memref<1x128xi32, #tpu.memory_space<vmem>>
        %dma_wait3A_300 = tpu.memref_squeeze %dma_wait3A_299 : memref<1x128xi32, #tpu.memory_space<vmem>> -> memref<128xi32, #tpu.memory_space<vmem>>
        %dma_wait3A_301 = arith.constant 0 : i32
        %dma_wait3A_302 = arith.constant 0 : i32
        %dma_wait3A_303 = tpu.memref_slice %arg12[%dma_wait3A_301, %dma_wait3A_302] : memref<10240x128xf32, #tpu.memory_space<vmem_shared>> -> memref<10240x128xf32, #tpu.memory_space<vmem_shared>>
        tpu.wait_indirect_dma semaphore(%run_scoped3A_291 : memref<!tpu.dma_semaphore, #tpu.memory_space<semaphore_mem>>) src(%arg10 : memref<128x128xf32, #tpu.memory_space<vmem>>) dst(%dma_wait3A_303 : memref<10240x128xf32, #tpu.memory_space<vmem_shared>>)
        tpu.yield
      }) : () -> ()
      %dma_wait3A_115 = arith.constant 5 : i32
      %dma_wait3A_116 = arith.constant 0 : i32
      %dma_wait3A_117 = tpu.memref_slice %arg6[%dma_wait3A_115, %dma_wait3A_116] : memref<8x128xi32, #tpu.memory_space<vmem>> -> memref<1x128xi32, #tpu.memory_space<vmem>>
      %dma_wait3A_118 = tpu.memref_squeeze %dma_wait3A_117 : memref<1x128xi32, #tpu.memory_space<vmem>> -> memref<128xi32, #tpu.memory_space<vmem>>
      %dma_wait3A_119 = arith.constant 0 : i32
      %dma_wait3A_120 = arith.constant 0 : i32
      %dma_wait3A_121 = tpu.memref_slice %arg4[%dma_wait3A_119, %dma_wait3A_120] : memref<10000x128xf32, #tpu.memory_space<hbm>> -> memref<10000x128xf32, #tpu.memory_space<hbm>>
      tpu.wait_indirect_dma semaphore(%arg14 : memref<!tpu.dma_semaphore, #tpu.memory_space<semaphore_mem>>) src(%dma_wait3A_121 : memref<10000x128xf32, #tpu.memory_space<hbm>>) dst(%arg11 : memref<128x128xf32, #tpu.memory_space<vmem>>)
      %dma_start3A_122 = arith.constant 6 : i32
      %dma_start3A_123 = arith.constant 0 : i32
      %dma_start3A_124 = tpu.memref_slice %arg6[%dma_start3A_122, %dma_start3A_123] : memref<8x128xi32, #tpu.memory_space<vmem>> -> memref<1x128xi32, #tpu.memory_space<vmem>>
      %dma_start3A_125 = tpu.memref_squeeze %dma_start3A_124 : memref<1x128xi32, #tpu.memory_space<vmem>> -> memref<128xi32, #tpu.memory_space<vmem>>
      %dma_start3A_126 = arith.constant 0 : i32
      %dma_start3A_127 = arith.constant 0 : i32
      %dma_start3A_128 = tpu.memref_slice %arg4[%dma_start3A_126, %dma_start3A_127] : memref<10000x128xf32, #tpu.memory_space<hbm>> -> memref<10000x128xf32, #tpu.memory_space<hbm>>
      tpu.enqueue_indirect_dma source(%dma_start3A_128 : memref<10000x128xf32, #tpu.memory_space<hbm>>) target(%arg10 : memref<128x128xf32, #tpu.memory_space<vmem>>) offsets(%dma_start3A_125 : memref<128xi32, #tpu.memory_space<vmem>>) semaphore(%arg13 : memref<!tpu.dma_semaphore, #tpu.memory_space<semaphore_mem>>)
      %run_scoped3A_129 = arith.constant 5 : i32
      "tpu.region"() ({
        %run_scoped3A_291 = tpu.sem_alloc : memref<!tpu.dma_semaphore, #tpu.memory_space<semaphore_mem>>
        %dma_start3A_292 = arith.constant 0 : i32
        %dma_start3A_293 = tpu.memref_slice %arg8[%run_scoped3A_129, %dma_start3A_292] : memref<8x128xi32, #tpu.memory_space<vmem>> -> memref<1x128xi32, #tpu.memory_space<vmem>>
        %dma_start3A_294 = tpu.memref_squeeze %dma_start3A_293 : memref<1x128xi32, #tpu.memory_space<vmem>> -> memref<128xi32, #tpu.memory_space<vmem>>
        %dma_start3A_295 = arith.constant 0 : i32
        %dma_start3A_296 = arith.constant 0 : i32
        %dma_start3A_297 = tpu.memref_slice %arg12[%dma_start3A_295, %dma_start3A_296] : memref<10240x128xf32, #tpu.memory_space<vmem_shared>> -> memref<10240x128xf32, #tpu.memory_space<vmem_shared>>
        tpu.enqueue_indirect_dma source(%arg11 : memref<128x128xf32, #tpu.memory_space<vmem>>) target(%dma_start3A_297 : memref<10240x128xf32, #tpu.memory_space<vmem_shared>>) offsets(%dma_start3A_294 : memref<128xi32, #tpu.memory_space<vmem>>) semaphore(%run_scoped3A_291 : memref<!tpu.dma_semaphore, #tpu.memory_space<semaphore_mem>>) {add = true}
        %dma_wait3A_298 = arith.constant 0 : i32
        %dma_wait3A_299 = tpu.memref_slice %arg8[%run_scoped3A_129, %dma_wait3A_298] : memref<8x128xi32, #tpu.memory_space<vmem>> -> memref<1x128xi32, #tpu.memory_space<vmem>>
        %dma_wait3A_300 = tpu.memref_squeeze %dma_wait3A_299 : memref<1x128xi32, #tpu.memory_space<vmem>> -> memref<128xi32, #tpu.memory_space<vmem>>
        %dma_wait3A_301 = arith.constant 0 : i32
        %dma_wait3A_302 = arith.constant 0 : i32
        %dma_wait3A_303 = tpu.memref_slice %arg12[%dma_wait3A_301, %dma_wait3A_302] : memref<10240x128xf32, #tpu.memory_space<vmem_shared>> -> memref<10240x128xf32, #tpu.memory_space<vmem_shared>>
        tpu.wait_indirect_dma semaphore(%run_scoped3A_291 : memref<!tpu.dma_semaphore, #tpu.memory_space<semaphore_mem>>) src(%arg11 : memref<128x128xf32, #tpu.memory_space<vmem>>) dst(%dma_wait3A_303 : memref<10240x128xf32, #tpu.memory_space<vmem_shared>>)
        tpu.yield
      }) : () -> ()
      %dma_wait3A_130 = arith.constant 6 : i32
      %dma_wait3A_131 = arith.constant 0 : i32
      %dma_wait3A_132 = tpu.memref_slice %arg6[%dma_wait3A_130, %dma_wait3A_131] : memref<8x128xi32, #tpu.memory_space<vmem>> -> memref<1x128xi32, #tpu.memory_space<vmem>>
      %dma_wait3A_133 = tpu.memref_squeeze %dma_wait3A_132 : memref<1x128xi32, #tpu.memory_space<vmem>> -> memref<128xi32, #tpu.memory_space<vmem>>
      %dma_wait3A_134 = arith.constant 0 : i32
      %dma_wait3A_135 = arith.constant 0 : i32
      %dma_wait3A_136 = tpu.memref_slice %arg4[%dma_wait3A_134, %dma_wait3A_135] : memref<10000x128xf32, #tpu.memory_space<hbm>> -> memref<10000x128xf32, #tpu.memory_space<hbm>>
      tpu.wait_indirect_dma semaphore(%arg13 : memref<!tpu.dma_semaphore, #tpu.memory_space<semaphore_mem>>) src(%dma_wait3A_136 : memref<10000x128xf32, #tpu.memory_space<hbm>>) dst(%arg10 : memref<128x128xf32, #tpu.memory_space<vmem>>)
      %dma_start3A_137 = arith.constant 7 : i32
      %dma_start3A_138 = arith.constant 0 : i32
      %dma_start3A_139 = tpu.memref_slice %arg6[%dma_start3A_137, %dma_start3A_138] : memref<8x128xi32, #tpu.memory_space<vmem>> -> memref<1x128xi32, #tpu.memory_space<vmem>>
      %dma_start3A_140 = tpu.memref_squeeze %dma_start3A_139 : memref<1x128xi32, #tpu.memory_space<vmem>> -> memref<128xi32, #tpu.memory_space<vmem>>
      %dma_start3A_141 = arith.constant 0 : i32
      %dma_start3A_142 = arith.constant 0 : i32
      %dma_start3A_143 = tpu.memref_slice %arg4[%dma_start3A_141, %dma_start3A_142] : memref<10000x128xf32, #tpu.memory_space<hbm>> -> memref<10000x128xf32, #tpu.memory_space<hbm>>
      tpu.enqueue_indirect_dma source(%dma_start3A_143 : memref<10000x128xf32, #tpu.memory_space<hbm>>) target(%arg11 : memref<128x128xf32, #tpu.memory_space<vmem>>) offsets(%dma_start3A_140 : memref<128xi32, #tpu.memory_space<vmem>>) semaphore(%arg14 : memref<!tpu.dma_semaphore, #tpu.memory_space<semaphore_mem>>)
      %run_scoped3A_144 = arith.constant 6 : i32
      "tpu.region"() ({
        %run_scoped3A_291 = tpu.sem_alloc : memref<!tpu.dma_semaphore, #tpu.memory_space<semaphore_mem>>
        %dma_start3A_292 = arith.constant 0 : i32
        %dma_start3A_293 = tpu.memref_slice %arg8[%run_scoped3A_144, %dma_start3A_292] : memref<8x128xi32, #tpu.memory_space<vmem>> -> memref<1x128xi32, #tpu.memory_space<vmem>>
        %dma_start3A_294 = tpu.memref_squeeze %dma_start3A_293 : memref<1x128xi32, #tpu.memory_space<vmem>> -> memref<128xi32, #tpu.memory_space<vmem>>
        %dma_start3A_295 = arith.constant 0 : i32
        %dma_start3A_296 = arith.constant 0 : i32
        %dma_start3A_297 = tpu.memref_slice %arg12[%dma_start3A_295, %dma_start3A_296] : memref<10240x128xf32, #tpu.memory_space<vmem_shared>> -> memref<10240x128xf32, #tpu.memory_space<vmem_shared>>
        tpu.enqueue_indirect_dma source(%arg10 : memref<128x128xf32, #tpu.memory_space<vmem>>) target(%dma_start3A_297 : memref<10240x128xf32, #tpu.memory_space<vmem_shared>>) offsets(%dma_start3A_294 : memref<128xi32, #tpu.memory_space<vmem>>) semaphore(%run_scoped3A_291 : memref<!tpu.dma_semaphore, #tpu.memory_space<semaphore_mem>>) {add = true}
        %dma_wait3A_298 = arith.constant 0 : i32
        %dma_wait3A_299 = tpu.memref_slice %arg8[%run_scoped3A_144, %dma_wait3A_298] : memref<8x128xi32, #tpu.memory_space<vmem>> -> memref<1x128xi32, #tpu.memory_space<vmem>>
        %dma_wait3A_300 = tpu.memref_squeeze %dma_wait3A_299 : memref<1x128xi32, #tpu.memory_space<vmem>> -> memref<128xi32, #tpu.memory_space<vmem>>
        %dma_wait3A_301 = arith.constant 0 : i32
        %dma_wait3A_302 = arith.constant 0 : i32
        %dma_wait3A_303 = tpu.memref_slice %arg12[%dma_wait3A_301, %dma_wait3A_302] : memref<10240x128xf32, #tpu.memory_space<vmem_shared>> -> memref<10240x128xf32, #tpu.memory_space<vmem_shared>>
        tpu.wait_indirect_dma semaphore(%run_scoped3A_291 : memref<!tpu.dma_semaphore, #tpu.memory_space<semaphore_mem>>) src(%arg10 : memref<128x128xf32, #tpu.memory_space<vmem>>) dst(%dma_wait3A_303 : memref<10240x128xf32, #tpu.memory_space<vmem_shared>>)
        tpu.yield
      }) : () -> ()
      %dma_wait3A_145 = arith.constant 7 : i32
      %dma_wait3A_146 = arith.constant 0 : i32
      %dma_wait3A_147 = tpu.memref_slice %arg6[%dma_wait3A_145, %dma_wait3A_146] : memref<8x128xi32, #tpu.memory_space<vmem>> -> memref<1x128xi32, #tpu.memory_space<vmem>>
      %dma_wait3A_148 = tpu.memref_squeeze %dma_wait3A_147 : memref<1x128xi32, #tpu.memory_space<vmem>> -> memref<128xi32, #tpu.memory_space<vmem>>
      %dma_wait3A_149 = arith.constant 0 : i32
      %dma_wait3A_150 = arith.constant 0 : i32
      %dma_wait3A_151 = tpu.memref_slice %arg4[%dma_wait3A_149, %dma_wait3A_150] : memref<10000x128xf32, #tpu.memory_space<hbm>> -> memref<10000x128xf32, #tpu.memory_space<hbm>>
      tpu.wait_indirect_dma semaphore(%arg14 : memref<!tpu.dma_semaphore, #tpu.memory_space<semaphore_mem>>) src(%dma_wait3A_151 : memref<10000x128xf32, #tpu.memory_space<hbm>>) dst(%arg11 : memref<128x128xf32, #tpu.memory_space<vmem>>)
      %add3A_152 = arith.constant 1 : i32
      %add3A_153 = arith.addi %mul3A_37, %add3A_152 : i32
      %lt3A_154 = arith.constant 10 : i32
      %lt3A_155 = arith.cmpi slt, %add3A_153, %lt3A_154 : i32
      %convert_element_type3A_156 = arith.extui %lt3A_155 : i1 to i32
      %cond3A_157 = arith.constant 0 : i32
      %cond3A_158 = arith.cmpi ne, %convert_element_type3A_156, %cond3A_157 : i32
      scf.if %cond3A_158 {
        %dma_start3A_291 = arith.constant 0 : i32
        %dma_start3A_292 = arith.constant 0 : i32
        %dma_start3A_293 = tpu.memref_slice %arg7[%dma_start3A_291, %dma_start3A_292] : memref<8x128xi32, #tpu.memory_space<vmem>> -> memref<1x128xi32, #tpu.memory_space<vmem>>
        %dma_start3A_294 = tpu.memref_squeeze %dma_start3A_293 : memref<1x128xi32, #tpu.memory_space<vmem>> -> memref<128xi32, #tpu.memory_space<vmem>>
        %dma_start3A_295 = arith.constant 0 : i32
        %dma_start3A_296 = arith.constant 0 : i32
        %dma_start3A_297 = tpu.memref_slice %arg4[%dma_start3A_295, %dma_start3A_296] : memref<10000x128xf32, #tpu.memory_space<hbm>> -> memref<10000x128xf32, #tpu.memory_space<hbm>>
        tpu.enqueue_indirect_dma source(%dma_start3A_297 : memref<10000x128xf32, #tpu.memory_space<hbm>>) target(%arg10 : memref<128x128xf32, #tpu.memory_space<vmem>>) offsets(%dma_start3A_294 : memref<128xi32, #tpu.memory_space<vmem>>) semaphore(%arg13 : memref<!tpu.dma_semaphore, #tpu.memory_space<semaphore_mem>>)
      } else {
      }
      %run_scoped3A_159 = arith.constant 7 : i32
      "tpu.region"() ({
        %run_scoped3A_291 = tpu.sem_alloc : memref<!tpu.dma_semaphore, #tpu.memory_space<semaphore_mem>>
        %dma_start3A_292 = arith.constant 0 : i32
        %dma_start3A_293 = tpu.memref_slice %arg8[%run_scoped3A_159, %dma_start3A_292] : memref<8x128xi32, #tpu.memory_space<vmem>> -> memref<1x128xi32, #tpu.memory_space<vmem>>
        %dma_start3A_294 = tpu.memref_squeeze %dma_start3A_293 : memref<1x128xi32, #tpu.memory_space<vmem>> -> memref<128xi32, #tpu.memory_space<vmem>>
        %dma_start3A_295 = arith.constant 0 : i32
        %dma_start3A_296 = arith.constant 0 : i32
        %dma_start3A_297 = tpu.memref_slice %arg12[%dma_start3A_295, %dma_start3A_296] : memref<10240x128xf32, #tpu.memory_space<vmem_shared>> -> memref<10240x128xf32, #tpu.memory_space<vmem_shared>>
        tpu.enqueue_indirect_dma source(%arg11 : memref<128x128xf32, #tpu.memory_space<vmem>>) target(%dma_start3A_297 : memref<10240x128xf32, #tpu.memory_space<vmem_shared>>) offsets(%dma_start3A_294 : memref<128xi32, #tpu.memory_space<vmem>>) semaphore(%run_scoped3A_291 : memref<!tpu.dma_semaphore, #tpu.memory_space<semaphore_mem>>) {add = true}
        %dma_wait3A_298 = arith.constant 0 : i32
        %dma_wait3A_299 = tpu.memref_slice %arg8[%run_scoped3A_159, %dma_wait3A_298] : memref<8x128xi32, #tpu.memory_space<vmem>> -> memref<1x128xi32, #tpu.memory_space<vmem>>
        %dma_wait3A_300 = tpu.memref_squeeze %dma_wait3A_299 : memref<1x128xi32, #tpu.memory_space<vmem>> -> memref<128xi32, #tpu.memory_space<vmem>>
        %dma_wait3A_301 = arith.constant 0 : i32
        %dma_wait3A_302 = arith.constant 0 : i32
        %dma_wait3A_303 = tpu.memref_slice %arg12[%dma_wait3A_301, %dma_wait3A_302] : memref<10240x128xf32, #tpu.memory_space<vmem_shared>> -> memref<10240x128xf32, #tpu.memory_space<vmem_shared>>
        tpu.wait_indirect_dma semaphore(%run_scoped3A_291 : memref<!tpu.dma_semaphore, #tpu.memory_space<semaphore_mem>>) src(%arg11 : memref<128x128xf32, #tpu.memory_space<vmem>>) dst(%dma_wait3A_303 : memref<10240x128xf32, #tpu.memory_space<vmem_shared>>)
        tpu.yield
      }) : () -> ()
      %mul3A_160 = arith.constant 2 : i32
      %mul3A_161 = arith.muli %mul3A_160, %scan3A_35 : i32
      %add3A_162 = arith.constant 1 : i32
      %add3A_163 = arith.addi %mul3A_161, %add3A_162 : i32
      %add3A_164 = arith.constant 1 : i32
      %add3A_165 = arith.addi %add3A_163, %add3A_164 : i32
      %lt3A_166 = arith.constant 10 : i32
      %lt3A_167 = arith.cmpi slt, %add3A_165, %lt3A_166 : i32
      %convert_element_type3A_168 = arith.extui %lt3A_167 : i1 to i32
      %cond3A_169 = arith.constant 0 : i32
      %cond3A_170 = arith.cmpi ne, %convert_element_type3A_168, %cond3A_169 : i32
      scf.if %cond3A_170 {
        %add3A_291 = arith.constant 1 : i32
        %add3A_292 = arith.addi %add3A_163, %add3A_291 : i32
        %mul3A_293 = arith.constant 8 : i32
        %mul3A_294 = arith.muli %add3A_292, %mul3A_293 : i32
        %add3A_295 = arith.addi %mul3A_2, %mul3A_294 : i32
        "tpu.region"() ({
          %run_scoped3A_296 = tpu.sem_alloc : memref<!tpu.dma_semaphore, #tpu.memory_space<semaphore_mem>>
          %dma_start3A_297 = arith.constant 0 : i32
          %dma_start3A_298 = tpu.memref_slice %arg2[%add3A_295, %dma_start3A_297] : memref<2560x128xi32, #tpu.memory_space<hbm>> -> memref<8x128xi32, #tpu.memory_space<hbm>>
          %dma_start3A_299 = arith.constant 0 : i32
          %dma_start3A_300 = tpu.memref_slice %arg2[%add3A_295, %dma_start3A_299] : memref<2560x128xi32, #tpu.memory_space<hbm>> -> memref<8x128xi32, #tpu.memory_space<hbm>>
          tpu.enqueue_dma source(%dma_start3A_300 : memref<8x128xi32, #tpu.memory_space<hbm>>) target(%arg6 : memref<8x128xi32, #tpu.memory_space<vmem>>) target_semaphore(%run_scoped3A_296 : memref<!tpu.dma_semaphore, #tpu.memory_space<semaphore_mem>>)
          %dma_wait3A_301 = arith.constant 0 : i32
          %dma_wait3A_302 = tpu.memref_slice %arg2[%add3A_295, %dma_wait3A_301] : memref<2560x128xi32, #tpu.memory_space<hbm>> -> memref<8x128xi32, #tpu.memory_space<hbm>>
          %dma_wait3A_303 = arith.constant 0 : i32
          %dma_wait3A_304 = tpu.memref_slice %arg2[%add3A_295, %dma_wait3A_303] : memref<2560x128xi32, #tpu.memory_space<hbm>> -> memref<8x128xi32, #tpu.memory_space<hbm>>
          tpu.wait_dma2 semaphore(%run_scoped3A_296 : memref<!tpu.dma_semaphore, #tpu.memory_space<semaphore_mem>>) src(%dma_wait3A_304 : memref<8x128xi32, #tpu.memory_space<hbm>>) dst(%arg6 : memref<8x128xi32, #tpu.memory_space<vmem>>)
          tpu.yield
        }) : () -> ()
        "tpu.region"() ({
          %run_scoped3A_296 = tpu.sem_alloc : memref<!tpu.dma_semaphore, #tpu.memory_space<semaphore_mem>>
          %dma_start3A_297 = arith.constant 0 : i32
          %dma_start3A_298 = tpu.memref_slice %arg3[%add3A_295, %dma_start3A_297] : memref<2560x128xi32, #tpu.memory_space<hbm>> -> memref<8x128xi32, #tpu.memory_space<hbm>>
          %dma_start3A_299 = arith.constant 0 : i32
          %dma_start3A_300 = tpu.memref_slice %arg3[%add3A_295, %dma_start3A_299] : memref<2560x128xi32, #tpu.memory_space<hbm>> -> memref<8x128xi32, #tpu.memory_space<hbm>>
          tpu.enqueue_dma source(%dma_start3A_300 : memref<8x128xi32, #tpu.memory_space<hbm>>) target(%arg8 : memref<8x128xi32, #tpu.memory_space<vmem>>) target_semaphore(%run_scoped3A_296 : memref<!tpu.dma_semaphore, #tpu.memory_space<semaphore_mem>>)
          %dma_wait3A_301 = arith.constant 0 : i32
          %dma_wait3A_302 = tpu.memref_slice %arg3[%add3A_295, %dma_wait3A_301] : memref<2560x128xi32, #tpu.memory_space<hbm>> -> memref<8x128xi32, #tpu.memory_space<hbm>>
          %dma_wait3A_303 = arith.constant 0 : i32
          %dma_wait3A_304 = tpu.memref_slice %arg3[%add3A_295, %dma_wait3A_303] : memref<2560x128xi32, #tpu.memory_space<hbm>> -> memref<8x128xi32, #tpu.memory_space<hbm>>
          tpu.wait_dma2 semaphore(%run_scoped3A_296 : memref<!tpu.dma_semaphore, #tpu.memory_space<semaphore_mem>>) src(%dma_wait3A_304 : memref<8x128xi32, #tpu.memory_space<hbm>>) dst(%arg8 : memref<8x128xi32, #tpu.memory_space<vmem>>)
          tpu.yield
        }) : () -> ()
      } else {
      }
      %dma_wait3A_171 = arith.constant 0 : i32
      %dma_wait3A_172 = arith.constant 0 : i32
      %dma_wait3A_173 = tpu.memref_slice %arg7[%dma_wait3A_171, %dma_wait3A_172] : memref<8x128xi32, #tpu.memory_space<vmem>> -> memref<1x128xi32, #tpu.memory_space<vmem>>
      %dma_wait3A_174 = tpu.memref_squeeze %dma_wait3A_173 : memref<1x128xi32, #tpu.memory_space<vmem>> -> memref<128xi32, #tpu.memory_space<vmem>>
      %dma_wait3A_175 = arith.constant 0 : i32
      %dma_wait3A_176 = arith.constant 0 : i32
      %dma_wait3A_177 = tpu.memref_slice %arg4[%dma_wait3A_175, %dma_wait3A_176] : memref<10000x128xf32, #tpu.memory_space<hbm>> -> memref<10000x128xf32, #tpu.memory_space<hbm>>
      tpu.wait_indirect_dma semaphore(%arg13 : memref<!tpu.dma_semaphore, #tpu.memory_space<semaphore_mem>>) src(%dma_wait3A_177 : memref<10000x128xf32, #tpu.memory_space<hbm>>) dst(%arg10 : memref<128x128xf32, #tpu.memory_space<vmem>>)
      %dma_start3A_178 = arith.constant 1 : i32
      %dma_start3A_179 = arith.constant 0 : i32
      %dma_start3A_180 = tpu.memref_slice %arg7[%dma_start3A_178, %dma_start3A_179] : memref<8x128xi32, #tpu.memory_space<vmem>> -> memref<1x128xi32, #tpu.memory_space<vmem>>
      %dma_start3A_181 = tpu.memref_squeeze %dma_start3A_180 : memref<1x128xi32, #tpu.memory_space<vmem>> -> memref<128xi32, #tpu.memory_space<vmem>>
      %dma_start3A_182 = arith.constant 0 : i32
      %dma_start3A_183 = arith.constant 0 : i32
      %dma_start3A_184 = tpu.memref_slice %arg4[%dma_start3A_182, %dma_start3A_183] : memref<10000x128xf32, #tpu.memory_space<hbm>> -> memref<10000x128xf32, #tpu.memory_space<hbm>>
      tpu.enqueue_indirect_dma source(%dma_start3A_184 : memref<10000x128xf32, #tpu.memory_space<hbm>>) target(%arg11 : memref<128x128xf32, #tpu.memory_space<vmem>>) offsets(%dma_start3A_181 : memref<128xi32, #tpu.memory_space<vmem>>) semaphore(%arg14 : memref<!tpu.dma_semaphore, #tpu.memory_space<semaphore_mem>>)
      %run_scoped3A_185 = arith.constant 0 : i32
      "tpu.region"() ({
        %run_scoped3A_291 = tpu.sem_alloc : memref<!tpu.dma_semaphore, #tpu.memory_space<semaphore_mem>>
        %dma_start3A_292 = arith.constant 0 : i32
        %dma_start3A_293 = tpu.memref_slice %arg9[%run_scoped3A_185, %dma_start3A_292] : memref<8x128xi32, #tpu.memory_space<vmem>> -> memref<1x128xi32, #tpu.memory_space<vmem>>
        %dma_start3A_294 = tpu.memref_squeeze %dma_start3A_293 : memref<1x128xi32, #tpu.memory_space<vmem>> -> memref<128xi32, #tpu.memory_space<vmem>>
        %dma_start3A_295 = arith.constant 0 : i32
        %dma_start3A_296 = arith.constant 0 : i32
        %dma_start3A_297 = tpu.memref_slice %arg12[%dma_start3A_295, %dma_start3A_296] : memref<10240x128xf32, #tpu.memory_space<vmem_shared>> -> memref<10240x128xf32, #tpu.memory_space<vmem_shared>>
        tpu.enqueue_indirect_dma source(%arg10 : memref<128x128xf32, #tpu.memory_space<vmem>>) target(%dma_start3A_297 : memref<10240x128xf32, #tpu.memory_space<vmem_shared>>) offsets(%dma_start3A_294 : memref<128xi32, #tpu.memory_space<vmem>>) semaphore(%run_scoped3A_291 : memref<!tpu.dma_semaphore, #tpu.memory_space<semaphore_mem>>) {add = true}
        %dma_wait3A_298 = arith.constant 0 : i32
        %dma_wait3A_299 = tpu.memref_slice %arg9[%run_scoped3A_185, %dma_wait3A_298] : memref<8x128xi32, #tpu.memory_space<vmem>> -> memref<1x128xi32, #tpu.memory_space<vmem>>
        %dma_wait3A_300 = tpu.memref_squeeze %dma_wait3A_299 : memref<1x128xi32, #tpu.memory_space<vmem>> -> memref<128xi32, #tpu.memory_space<vmem>>
        %dma_wait3A_301 = arith.constant 0 : i32
        %dma_wait3A_302 = arith.constant 0 : i32
        %dma_wait3A_303 = tpu.memref_slice %arg12[%dma_wait3A_301, %dma_wait3A_302] : memref<10240x128xf32, #tpu.memory_space<vmem_shared>> -> memref<10240x128xf32, #tpu.memory_space<vmem_shared>>
        tpu.wait_indirect_dma semaphore(%run_scoped3A_291 : memref<!tpu.dma_semaphore, #tpu.memory_space<semaphore_mem>>) src(%arg10 : memref<128x128xf32, #tpu.memory_space<vmem>>) dst(%dma_wait3A_303 : memref<10240x128xf32, #tpu.memory_space<vmem_shared>>)
        tpu.yield
      }) : () -> ()
      %dma_wait3A_186 = arith.constant 1 : i32
      %dma_wait3A_187 = arith.constant 0 : i32
      %dma_wait3A_188 = tpu.memref_slice %arg7[%dma_wait3A_186, %dma_wait3A_187] : memref<8x128xi32, #tpu.memory_space<vmem>> -> memref<1x128xi32, #tpu.memory_space<vmem>>
      %dma_wait3A_189 = tpu.memref_squeeze %dma_wait3A_188 : memref<1x128xi32, #tpu.memory_space<vmem>> -> memref<128xi32, #tpu.memory_space<vmem>>
      %dma_wait3A_190 = arith.constant 0 : i32
      %dma_wait3A_191 = arith.constant 0 : i32
      %dma_wait3A_192 = tpu.memref_slice %arg4[%dma_wait3A_190, %dma_wait3A_191] : memref<10000x128xf32, #tpu.memory_space<hbm>> -> memref<10000x128xf32, #tpu.memory_space<hbm>>
      tpu.wait_indirect_dma semaphore(%arg14 : memref<!tpu.dma_semaphore, #tpu.memory_space<semaphore_mem>>) src(%dma_wait3A_192 : memref<10000x128xf32, #tpu.memory_space<hbm>>) dst(%arg11 : memref<128x128xf32, #tpu.memory_space<vmem>>)
      %dma_start3A_193 = arith.constant 2 : i32
      %dma_start3A_194 = arith.constant 0 : i32
      %dma_start3A_195 = tpu.memref_slice %arg7[%dma_start3A_193, %dma_start3A_194] : memref<8x128xi32, #tpu.memory_space<vmem>> -> memref<1x128xi32, #tpu.memory_space<vmem>>
      %dma_start3A_196 = tpu.memref_squeeze %dma_start3A_195 : memref<1x128xi32, #tpu.memory_space<vmem>> -> memref<128xi32, #tpu.memory_space<vmem>>
      %dma_start3A_197 = arith.constant 0 : i32
      %dma_start3A_198 = arith.constant 0 : i32
      %dma_start3A_199 = tpu.memref_slice %arg4[%dma_start3A_197, %dma_start3A_198] : memref<10000x128xf32, #tpu.memory_space<hbm>> -> memref<10000x128xf32, #tpu.memory_space<hbm>>
      tpu.enqueue_indirect_dma source(%dma_start3A_199 : memref<10000x128xf32, #tpu.memory_space<hbm>>) target(%arg10 : memref<128x128xf32, #tpu.memory_space<vmem>>) offsets(%dma_start3A_196 : memref<128xi32, #tpu.memory_space<vmem>>) semaphore(%arg13 : memref<!tpu.dma_semaphore, #tpu.memory_space<semaphore_mem>>)
      %run_scoped3A_200 = arith.constant 1 : i32
      "tpu.region"() ({
        %run_scoped3A_291 = tpu.sem_alloc : memref<!tpu.dma_semaphore, #tpu.memory_space<semaphore_mem>>
        %dma_start3A_292 = arith.constant 0 : i32
        %dma_start3A_293 = tpu.memref_slice %arg9[%run_scoped3A_200, %dma_start3A_292] : memref<8x128xi32, #tpu.memory_space<vmem>> -> memref<1x128xi32, #tpu.memory_space<vmem>>
        %dma_start3A_294 = tpu.memref_squeeze %dma_start3A_293 : memref<1x128xi32, #tpu.memory_space<vmem>> -> memref<128xi32, #tpu.memory_space<vmem>>
        %dma_start3A_295 = arith.constant 0 : i32
        %dma_start3A_296 = arith.constant 0 : i32
        %dma_start3A_297 = tpu.memref_slice %arg12[%dma_start3A_295, %dma_start3A_296] : memref<10240x128xf32, #tpu.memory_space<vmem_shared>> -> memref<10240x128xf32, #tpu.memory_space<vmem_shared>>
        tpu.enqueue_indirect_dma source(%arg11 : memref<128x128xf32, #tpu.memory_space<vmem>>) target(%dma_start3A_297 : memref<10240x128xf32, #tpu.memory_space<vmem_shared>>) offsets(%dma_start3A_294 : memref<128xi32, #tpu.memory_space<vmem>>) semaphore(%run_scoped3A_291 : memref<!tpu.dma_semaphore, #tpu.memory_space<semaphore_mem>>) {add = true}
        %dma_wait3A_298 = arith.constant 0 : i32
        %dma_wait3A_299 = tpu.memref_slice %arg9[%run_scoped3A_200, %dma_wait3A_298] : memref<8x128xi32, #tpu.memory_space<vmem>> -> memref<1x128xi32, #tpu.memory_space<vmem>>
        %dma_wait3A_300 = tpu.memref_squeeze %dma_wait3A_299 : memref<1x128xi32, #tpu.memory_space<vmem>> -> memref<128xi32, #tpu.memory_space<vmem>>
        %dma_wait3A_301 = arith.constant 0 : i32
        %dma_wait3A_302 = arith.constant 0 : i32
        %dma_wait3A_303 = tpu.memref_slice %arg12[%dma_wait3A_301, %dma_wait3A_302] : memref<10240x128xf32, #tpu.memory_space<vmem_shared>> -> memref<10240x128xf32, #tpu.memory_space<vmem_shared>>
        tpu.wait_indirect_dma semaphore(%run_scoped3A_291 : memref<!tpu.dma_semaphore, #tpu.memory_space<semaphore_mem>>) src(%arg11 : memref<128x128xf32, #tpu.memory_space<vmem>>) dst(%dma_wait3A_303 : memref<10240x128xf32, #tpu.memory_space<vmem_shared>>)
        tpu.yield
      }) : () -> ()
      %dma_wait3A_201 = arith.constant 2 : i32
      %dma_wait3A_202 = arith.constant 0 : i32
      %dma_wait3A_203 = tpu.memref_slice %arg7[%dma_wait3A_201, %dma_wait3A_202] : memref<8x128xi32, #tpu.memory_space<vmem>> -> memref<1x128xi32, #tpu.memory_space<vmem>>
      %dma_wait3A_204 = tpu.memref_squeeze %dma_wait3A_203 : memref<1x128xi32, #tpu.memory_space<vmem>> -> memref<128xi32, #tpu.memory_space<vmem>>
      %dma_wait3A_205 = arith.constant 0 : i32
      %dma_wait3A_206 = arith.constant 0 : i32
      %dma_wait3A_207 = tpu.memref_slice %arg4[%dma_wait3A_205, %dma_wait3A_206] : memref<10000x128xf32, #tpu.memory_space<hbm>> -> memref<10000x128xf32, #tpu.memory_space<hbm>>
      tpu.wait_indirect_dma semaphore(%arg13 : memref<!tpu.dma_semaphore, #tpu.memory_space<semaphore_mem>>) src(%dma_wait3A_207 : memref<10000x128xf32, #tpu.memory_space<hbm>>) dst(%arg10 : memref<128x128xf32, #tpu.memory_space<vmem>>)
      %dma_start3A_208 = arith.constant 3 : i32
      %dma_start3A_209 = arith.constant 0 : i32
      %dma_start3A_210 = tpu.memref_slice %arg7[%dma_start3A_208, %dma_start3A_209] : memref<8x128xi32, #tpu.memory_space<vmem>> -> memref<1x128xi32, #tpu.memory_space<vmem>>
      %dma_start3A_211 = tpu.memref_squeeze %dma_start3A_210 : memref<1x128xi32, #tpu.memory_space<vmem>> -> memref<128xi32, #tpu.memory_space<vmem>>
      %dma_start3A_212 = arith.constant 0 : i32
      %dma_start3A_213 = arith.constant 0 : i32
      %dma_start3A_214 = tpu.memref_slice %arg4[%dma_start3A_212, %dma_start3A_213] : memref<10000x128xf32, #tpu.memory_space<hbm>> -> memref<10000x128xf32, #tpu.memory_space<hbm>>
      tpu.enqueue_indirect_dma source(%dma_start3A_214 : memref<10000x128xf32, #tpu.memory_space<hbm>>) target(%arg11 : memref<128x128xf32, #tpu.memory_space<vmem>>) offsets(%dma_start3A_211 : memref<128xi32, #tpu.memory_space<vmem>>) semaphore(%arg14 : memref<!tpu.dma_semaphore, #tpu.memory_space<semaphore_mem>>)
      %run_scoped3A_215 = arith.constant 2 : i32
      "tpu.region"() ({
        %run_scoped3A_291 = tpu.sem_alloc : memref<!tpu.dma_semaphore, #tpu.memory_space<semaphore_mem>>
        %dma_start3A_292 = arith.constant 0 : i32
        %dma_start3A_293 = tpu.memref_slice %arg9[%run_scoped3A_215, %dma_start3A_292] : memref<8x128xi32, #tpu.memory_space<vmem>> -> memref<1x128xi32, #tpu.memory_space<vmem>>
        %dma_start3A_294 = tpu.memref_squeeze %dma_start3A_293 : memref<1x128xi32, #tpu.memory_space<vmem>> -> memref<128xi32, #tpu.memory_space<vmem>>
        %dma_start3A_295 = arith.constant 0 : i32
        %dma_start3A_296 = arith.constant 0 : i32
        %dma_start3A_297 = tpu.memref_slice %arg12[%dma_start3A_295, %dma_start3A_296] : memref<10240x128xf32, #tpu.memory_space<vmem_shared>> -> memref<10240x128xf32, #tpu.memory_space<vmem_shared>>
        tpu.enqueue_indirect_dma source(%arg10 : memref<128x128xf32, #tpu.memory_space<vmem>>) target(%dma_start3A_297 : memref<10240x128xf32, #tpu.memory_space<vmem_shared>>) offsets(%dma_start3A_294 : memref<128xi32, #tpu.memory_space<vmem>>) semaphore(%run_scoped3A_291 : memref<!tpu.dma_semaphore, #tpu.memory_space<semaphore_mem>>) {add = true}
        %dma_wait3A_298 = arith.constant 0 : i32
        %dma_wait3A_299 = tpu.memref_slice %arg9[%run_scoped3A_215, %dma_wait3A_298] : memref<8x128xi32, #tpu.memory_space<vmem>> -> memref<1x128xi32, #tpu.memory_space<vmem>>
        %dma_wait3A_300 = tpu.memref_squeeze %dma_wait3A_299 : memref<1x128xi32, #tpu.memory_space<vmem>> -> memref<128xi32, #tpu.memory_space<vmem>>
        %dma_wait3A_301 = arith.constant 0 : i32
        %dma_wait3A_302 = arith.constant 0 : i32
        %dma_wait3A_303 = tpu.memref_slice %arg12[%dma_wait3A_301, %dma_wait3A_302] : memref<10240x128xf32, #tpu.memory_space<vmem_shared>> -> memref<10240x128xf32, #tpu.memory_space<vmem_shared>>
        tpu.wait_indirect_dma semaphore(%run_scoped3A_291 : memref<!tpu.dma_semaphore, #tpu.memory_space<semaphore_mem>>) src(%arg10 : memref<128x128xf32, #tpu.memory_space<vmem>>) dst(%dma_wait3A_303 : memref<10240x128xf32, #tpu.memory_space<vmem_shared>>)
        tpu.yield
      }) : () -> ()
      %dma_wait3A_216 = arith.constant 3 : i32
      %dma_wait3A_217 = arith.constant 0 : i32
      %dma_wait3A_218 = tpu.memref_slice %arg7[%dma_wait3A_216, %dma_wait3A_217] : memref<8x128xi32, #tpu.memory_space<vmem>> -> memref<1x128xi32, #tpu.memory_space<vmem>>
      %dma_wait3A_219 = tpu.memref_squeeze %dma_wait3A_218 : memref<1x128xi32, #tpu.memory_space<vmem>> -> memref<128xi32, #tpu.memory_space<vmem>>
      %dma_wait3A_220 = arith.constant 0 : i32
      %dma_wait3A_221 = arith.constant 0 : i32
      %dma_wait3A_222 = tpu.memref_slice %arg4[%dma_wait3A_220, %dma_wait3A_221] : memref<10000x128xf32, #tpu.memory_space<hbm>> -> memref<10000x128xf32, #tpu.memory_space<hbm>>
      tpu.wait_indirect_dma semaphore(%arg14 : memref<!tpu.dma_semaphore, #tpu.memory_space<semaphore_mem>>) src(%dma_wait3A_222 : memref<10000x128xf32, #tpu.memory_space<hbm>>) dst(%arg11 : memref<128x128xf32, #tpu.memory_space<vmem>>)
      %dma_start3A_223 = arith.constant 4 : i32
      %dma_start3A_224 = arith.constant 0 : i32
      %dma_start3A_225 = tpu.memref_slice %arg7[%dma_start3A_223, %dma_start3A_224] : memref<8x128xi32, #tpu.memory_space<vmem>> -> memref<1x128xi32, #tpu.memory_space<vmem>>
      %dma_start3A_226 = tpu.memref_squeeze %dma_start3A_225 : memref<1x128xi32, #tpu.memory_space<vmem>> -> memref<128xi32, #tpu.memory_space<vmem>>
      %dma_start3A_227 = arith.constant 0 : i32
      %dma_start3A_228 = arith.constant 0 : i32
      %dma_start3A_229 = tpu.memref_slice %arg4[%dma_start3A_227, %dma_start3A_228] : memref<10000x128xf32, #tpu.memory_space<hbm>> -> memref<10000x128xf32, #tpu.memory_space<hbm>>
      tpu.enqueue_indirect_dma source(%dma_start3A_229 : memref<10000x128xf32, #tpu.memory_space<hbm>>) target(%arg10 : memref<128x128xf32, #tpu.memory_space<vmem>>) offsets(%dma_start3A_226 : memref<128xi32, #tpu.memory_space<vmem>>) semaphore(%arg13 : memref<!tpu.dma_semaphore, #tpu.memory_space<semaphore_mem>>)
      %run_scoped3A_230 = arith.constant 3 : i32
      "tpu.region"() ({
        %run_scoped3A_291 = tpu.sem_alloc : memref<!tpu.dma_semaphore, #tpu.memory_space<semaphore_mem>>
        %dma_start3A_292 = arith.constant 0 : i32
        %dma_start3A_293 = tpu.memref_slice %arg9[%run_scoped3A_230, %dma_start3A_292] : memref<8x128xi32, #tpu.memory_space<vmem>> -> memref<1x128xi32, #tpu.memory_space<vmem>>
        %dma_start3A_294 = tpu.memref_squeeze %dma_start3A_293 : memref<1x128xi32, #tpu.memory_space<vmem>> -> memref<128xi32, #tpu.memory_space<vmem>>
        %dma_start3A_295 = arith.constant 0 : i32
        %dma_start3A_296 = arith.constant 0 : i32
        %dma_start3A_297 = tpu.memref_slice %arg12[%dma_start3A_295, %dma_start3A_296] : memref<10240x128xf32, #tpu.memory_space<vmem_shared>> -> memref<10240x128xf32, #tpu.memory_space<vmem_shared>>
        tpu.enqueue_indirect_dma source(%arg11 : memref<128x128xf32, #tpu.memory_space<vmem>>) target(%dma_start3A_297 : memref<10240x128xf32, #tpu.memory_space<vmem_shared>>) offsets(%dma_start3A_294 : memref<128xi32, #tpu.memory_space<vmem>>) semaphore(%run_scoped3A_291 : memref<!tpu.dma_semaphore, #tpu.memory_space<semaphore_mem>>) {add = true}
        %dma_wait3A_298 = arith.constant 0 : i32
        %dma_wait3A_299 = tpu.memref_slice %arg9[%run_scoped3A_230, %dma_wait3A_298] : memref<8x128xi32, #tpu.memory_space<vmem>> -> memref<1x128xi32, #tpu.memory_space<vmem>>
        %dma_wait3A_300 = tpu.memref_squeeze %dma_wait3A_299 : memref<1x128xi32, #tpu.memory_space<vmem>> -> memref<128xi32, #tpu.memory_space<vmem>>
        %dma_wait3A_301 = arith.constant 0 : i32
        %dma_wait3A_302 = arith.constant 0 : i32
        %dma_wait3A_303 = tpu.memref_slice %arg12[%dma_wait3A_301, %dma_wait3A_302] : memref<10240x128xf32, #tpu.memory_space<vmem_shared>> -> memref<10240x128xf32, #tpu.memory_space<vmem_shared>>
        tpu.wait_indirect_dma semaphore(%run_scoped3A_291 : memref<!tpu.dma_semaphore, #tpu.memory_space<semaphore_mem>>) src(%arg11 : memref<128x128xf32, #tpu.memory_space<vmem>>) dst(%dma_wait3A_303 : memref<10240x128xf32, #tpu.memory_space<vmem_shared>>)
        tpu.yield
      }) : () -> ()
      %dma_wait3A_231 = arith.constant 4 : i32
      %dma_wait3A_232 = arith.constant 0 : i32
      %dma_wait3A_233 = tpu.memref_slice %arg7[%dma_wait3A_231, %dma_wait3A_232] : memref<8x128xi32, #tpu.memory_space<vmem>> -> memref<1x128xi32, #tpu.memory_space<vmem>>
      %dma_wait3A_234 = tpu.memref_squeeze %dma_wait3A_233 : memref<1x128xi32, #tpu.memory_space<vmem>> -> memref<128xi32, #tpu.memory_space<vmem>>
      %dma_wait3A_235 = arith.constant 0 : i32
      %dma_wait3A_236 = arith.constant 0 : i32
      %dma_wait3A_237 = tpu.memref_slice %arg4[%dma_wait3A_235, %dma_wait3A_236] : memref<10000x128xf32, #tpu.memory_space<hbm>> -> memref<10000x128xf32, #tpu.memory_space<hbm>>
      tpu.wait_indirect_dma semaphore(%arg13 : memref<!tpu.dma_semaphore, #tpu.memory_space<semaphore_mem>>) src(%dma_wait3A_237 : memref<10000x128xf32, #tpu.memory_space<hbm>>) dst(%arg10 : memref<128x128xf32, #tpu.memory_space<vmem>>)
      %dma_start3A_238 = arith.constant 5 : i32
      %dma_start3A_239 = arith.constant 0 : i32
      %dma_start3A_240 = tpu.memref_slice %arg7[%dma_start3A_238, %dma_start3A_239] : memref<8x128xi32, #tpu.memory_space<vmem>> -> memref<1x128xi32, #tpu.memory_space<vmem>>
      %dma_start3A_241 = tpu.memref_squeeze %dma_start3A_240 : memref<1x128xi32, #tpu.memory_space<vmem>> -> memref<128xi32, #tpu.memory_space<vmem>>
      %dma_start3A_242 = arith.constant 0 : i32
      %dma_start3A_243 = arith.constant 0 : i32
      %dma_start3A_244 = tpu.memref_slice %arg4[%dma_start3A_242, %dma_start3A_243] : memref<10000x128xf32, #tpu.memory_space<hbm>> -> memref<10000x128xf32, #tpu.memory_space<hbm>>
      tpu.enqueue_indirect_dma source(%dma_start3A_244 : memref<10000x128xf32, #tpu.memory_space<hbm>>) target(%arg11 : memref<128x128xf32, #tpu.memory_space<vmem>>) offsets(%dma_start3A_241 : memref<128xi32, #tpu.memory_space<vmem>>) semaphore(%arg14 : memref<!tpu.dma_semaphore, #tpu.memory_space<semaphore_mem>>)
      %run_scoped3A_245 = arith.constant 4 : i32
      "tpu.region"() ({
        %run_scoped3A_291 = tpu.sem_alloc : memref<!tpu.dma_semaphore, #tpu.memory_space<semaphore_mem>>
        %dma_start3A_292 = arith.constant 0 : i32
        %dma_start3A_293 = tpu.memref_slice %arg9[%run_scoped3A_245, %dma_start3A_292] : memref<8x128xi32, #tpu.memory_space<vmem>> -> memref<1x128xi32, #tpu.memory_space<vmem>>
        %dma_start3A_294 = tpu.memref_squeeze %dma_start3A_293 : memref<1x128xi32, #tpu.memory_space<vmem>> -> memref<128xi32, #tpu.memory_space<vmem>>
        %dma_start3A_295 = arith.constant 0 : i32
        %dma_start3A_296 = arith.constant 0 : i32
        %dma_start3A_297 = tpu.memref_slice %arg12[%dma_start3A_295, %dma_start3A_296] : memref<10240x128xf32, #tpu.memory_space<vmem_shared>> -> memref<10240x128xf32, #tpu.memory_space<vmem_shared>>
        tpu.enqueue_indirect_dma source(%arg10 : memref<128x128xf32, #tpu.memory_space<vmem>>) target(%dma_start3A_297 : memref<10240x128xf32, #tpu.memory_space<vmem_shared>>) offsets(%dma_start3A_294 : memref<128xi32, #tpu.memory_space<vmem>>) semaphore(%run_scoped3A_291 : memref<!tpu.dma_semaphore, #tpu.memory_space<semaphore_mem>>) {add = true}
        %dma_wait3A_298 = arith.constant 0 : i32
        %dma_wait3A_299 = tpu.memref_slice %arg9[%run_scoped3A_245, %dma_wait3A_298] : memref<8x128xi32, #tpu.memory_space<vmem>> -> memref<1x128xi32, #tpu.memory_space<vmem>>
        %dma_wait3A_300 = tpu.memref_squeeze %dma_wait3A_299 : memref<1x128xi32, #tpu.memory_space<vmem>> -> memref<128xi32, #tpu.memory_space<vmem>>
        %dma_wait3A_301 = arith.constant 0 : i32
        %dma_wait3A_302 = arith.constant 0 : i32
        %dma_wait3A_303 = tpu.memref_slice %arg12[%dma_wait3A_301, %dma_wait3A_302] : memref<10240x128xf32, #tpu.memory_space<vmem_shared>> -> memref<10240x128xf32, #tpu.memory_space<vmem_shared>>
        tpu.wait_indirect_dma semaphore(%run_scoped3A_291 : memref<!tpu.dma_semaphore, #tpu.memory_space<semaphore_mem>>) src(%arg10 : memref<128x128xf32, #tpu.memory_space<vmem>>) dst(%dma_wait3A_303 : memref<10240x128xf32, #tpu.memory_space<vmem_shared>>)
        tpu.yield
      }) : () -> ()
      %dma_wait3A_246 = arith.constant 5 : i32
      %dma_wait3A_247 = arith.constant 0 : i32
      %dma_wait3A_248 = tpu.memref_slice %arg7[%dma_wait3A_246, %dma_wait3A_247] : memref<8x128xi32, #tpu.memory_space<vmem>> -> memref<1x128xi32, #tpu.memory_space<vmem>>
      %dma_wait3A_249 = tpu.memref_squeeze %dma_wait3A_248 : memref<1x128xi32, #tpu.memory_space<vmem>> -> memref<128xi32, #tpu.memory_space<vmem>>
      %dma_wait3A_250 = arith.constant 0 : i32
      %dma_wait3A_251 = arith.constant 0 : i32
      %dma_wait3A_252 = tpu.memref_slice %arg4[%dma_wait3A_250, %dma_wait3A_251] : memref<10000x128xf32, #tpu.memory_space<hbm>> -> memref<10000x128xf32, #tpu.memory_space<hbm>>
      tpu.wait_indirect_dma semaphore(%arg14 : memref<!tpu.dma_semaphore, #tpu.memory_space<semaphore_mem>>) src(%dma_wait3A_252 : memref<10000x128xf32, #tpu.memory_space<hbm>>) dst(%arg11 : memref<128x128xf32, #tpu.memory_space<vmem>>)
      %dma_start3A_253 = arith.constant 6 : i32
      %dma_start3A_254 = arith.constant 0 : i32
      %dma_start3A_255 = tpu.memref_slice %arg7[%dma_start3A_253, %dma_start3A_254] : memref<8x128xi32, #tpu.memory_space<vmem>> -> memref<1x128xi32, #tpu.memory_space<vmem>>
      %dma_start3A_256 = tpu.memref_squeeze %dma_start3A_255 : memref<1x128xi32, #tpu.memory_space<vmem>> -> memref<128xi32, #tpu.memory_space<vmem>>
      %dma_start3A_257 = arith.constant 0 : i32
      %dma_start3A_258 = arith.constant 0 : i32
      %dma_start3A_259 = tpu.memref_slice %arg4[%dma_start3A_257, %dma_start3A_258] : memref<10000x128xf32, #tpu.memory_space<hbm>> -> memref<10000x128xf32, #tpu.memory_space<hbm>>
      tpu.enqueue_indirect_dma source(%dma_start3A_259 : memref<10000x128xf32, #tpu.memory_space<hbm>>) target(%arg10 : memref<128x128xf32, #tpu.memory_space<vmem>>) offsets(%dma_start3A_256 : memref<128xi32, #tpu.memory_space<vmem>>) semaphore(%arg13 : memref<!tpu.dma_semaphore, #tpu.memory_space<semaphore_mem>>)
      %run_scoped3A_260 = arith.constant 5 : i32
      "tpu.region"() ({
        %run_scoped3A_291 = tpu.sem_alloc : memref<!tpu.dma_semaphore, #tpu.memory_space<semaphore_mem>>
        %dma_start3A_292 = arith.constant 0 : i32
        %dma_start3A_293 = tpu.memref_slice %arg9[%run_scoped3A_260, %dma_start3A_292] : memref<8x128xi32, #tpu.memory_space<vmem>> -> memref<1x128xi32, #tpu.memory_space<vmem>>
        %dma_start3A_294 = tpu.memref_squeeze %dma_start3A_293 : memref<1x128xi32, #tpu.memory_space<vmem>> -> memref<128xi32, #tpu.memory_space<vmem>>
        %dma_start3A_295 = arith.constant 0 : i32
        %dma_start3A_296 = arith.constant 0 : i32
        %dma_start3A_297 = tpu.memref_slice %arg12[%dma_start3A_295, %dma_start3A_296] : memref<10240x128xf32, #tpu.memory_space<vmem_shared>> -> memref<10240x128xf32, #tpu.memory_space<vmem_shared>>
        tpu.enqueue_indirect_dma source(%arg11 : memref<128x128xf32, #tpu.memory_space<vmem>>) target(%dma_start3A_297 : memref<10240x128xf32, #tpu.memory_space<vmem_shared>>) offsets(%dma_start3A_294 : memref<128xi32, #tpu.memory_space<vmem>>) semaphore(%run_scoped3A_291 : memref<!tpu.dma_semaphore, #tpu.memory_space<semaphore_mem>>) {add = true}
        %dma_wait3A_298 = arith.constant 0 : i32
        %dma_wait3A_299 = tpu.memref_slice %arg9[%run_scoped3A_260, %dma_wait3A_298] : memref<8x128xi32, #tpu.memory_space<vmem>> -> memref<1x128xi32, #tpu.memory_space<vmem>>
        %dma_wait3A_300 = tpu.memref_squeeze %dma_wait3A_299 : memref<1x128xi32, #tpu.memory_space<vmem>> -> memref<128xi32, #tpu.memory_space<vmem>>
        %dma_wait3A_301 = arith.constant 0 : i32
        %dma_wait3A_302 = arith.constant 0 : i32
        %dma_wait3A_303 = tpu.memref_slice %arg12[%dma_wait3A_301, %dma_wait3A_302] : memref<10240x128xf32, #tpu.memory_space<vmem_shared>> -> memref<10240x128xf32, #tpu.memory_space<vmem_shared>>
        tpu.wait_indirect_dma semaphore(%run_scoped3A_291 : memref<!tpu.dma_semaphore, #tpu.memory_space<semaphore_mem>>) src(%arg11 : memref<128x128xf32, #tpu.memory_space<vmem>>) dst(%dma_wait3A_303 : memref<10240x128xf32, #tpu.memory_space<vmem_shared>>)
        tpu.yield
      }) : () -> ()
      %dma_wait3A_261 = arith.constant 6 : i32
      %dma_wait3A_262 = arith.constant 0 : i32
      %dma_wait3A_263 = tpu.memref_slice %arg7[%dma_wait3A_261, %dma_wait3A_262] : memref<8x128xi32, #tpu.memory_space<vmem>> -> memref<1x128xi32, #tpu.memory_space<vmem>>
      %dma_wait3A_264 = tpu.memref_squeeze %dma_wait3A_263 : memref<1x128xi32, #tpu.memory_space<vmem>> -> memref<128xi32, #tpu.memory_space<vmem>>
      %dma_wait3A_265 = arith.constant 0 : i32
      %dma_wait3A_266 = arith.constant 0 : i32
      %dma_wait3A_267 = tpu.memref_slice %arg4[%dma_wait3A_265, %dma_wait3A_266] : memref<10000x128xf32, #tpu.memory_space<hbm>> -> memref<10000x128xf32, #tpu.memory_space<hbm>>
      tpu.wait_indirect_dma semaphore(%arg13 : memref<!tpu.dma_semaphore, #tpu.memory_space<semaphore_mem>>) src(%dma_wait3A_267 : memref<10000x128xf32, #tpu.memory_space<hbm>>) dst(%arg10 : memref<128x128xf32, #tpu.memory_space<vmem>>)
      %dma_start3A_268 = arith.constant 7 : i32
      %dma_start3A_269 = arith.constant 0 : i32
      %dma_start3A_270 = tpu.memref_slice %arg7[%dma_start3A_268, %dma_start3A_269] : memref<8x128xi32, #tpu.memory_space<vmem>> -> memref<1x128xi32, #tpu.memory_space<vmem>>
      %dma_start3A_271 = tpu.memref_squeeze %dma_start3A_270 : memref<1x128xi32, #tpu.memory_space<vmem>> -> memref<128xi32, #tpu.memory_space<vmem>>
      %dma_start3A_272 = arith.constant 0 : i32
      %dma_start3A_273 = arith.constant 0 : i32
      %dma_start3A_274 = tpu.memref_slice %arg4[%dma_start3A_272, %dma_start3A_273] : memref<10000x128xf32, #tpu.memory_space<hbm>> -> memref<10000x128xf32, #tpu.memory_space<hbm>>
      tpu.enqueue_indirect_dma source(%dma_start3A_274 : memref<10000x128xf32, #tpu.memory_space<hbm>>) target(%arg11 : memref<128x128xf32, #tpu.memory_space<vmem>>) offsets(%dma_start3A_271 : memref<128xi32, #tpu.memory_space<vmem>>) semaphore(%arg14 : memref<!tpu.dma_semaphore, #tpu.memory_space<semaphore_mem>>)
      %run_scoped3A_275 = arith.constant 6 : i32
      "tpu.region"() ({
        %run_scoped3A_291 = tpu.sem_alloc : memref<!tpu.dma_semaphore, #tpu.memory_space<semaphore_mem>>
        %dma_start3A_292 = arith.constant 0 : i32
        %dma_start3A_293 = tpu.memref_slice %arg9[%run_scoped3A_275, %dma_start3A_292] : memref<8x128xi32, #tpu.memory_space<vmem>> -> memref<1x128xi32, #tpu.memory_space<vmem>>
        %dma_start3A_294 = tpu.memref_squeeze %dma_start3A_293 : memref<1x128xi32, #tpu.memory_space<vmem>> -> memref<128xi32, #tpu.memory_space<vmem>>
        %dma_start3A_295 = arith.constant 0 : i32
        %dma_start3A_296 = arith.constant 0 : i32
        %dma_start3A_297 = tpu.memref_slice %arg12[%dma_start3A_295, %dma_start3A_296] : memref<10240x128xf32, #tpu.memory_space<vmem_shared>> -> memref<10240x128xf32, #tpu.memory_space<vmem_shared>>
        tpu.enqueue_indirect_dma source(%arg10 : memref<128x128xf32, #tpu.memory_space<vmem>>) target(%dma_start3A_297 : memref<10240x128xf32, #tpu.memory_space<vmem_shared>>) offsets(%dma_start3A_294 : memref<128xi32, #tpu.memory_space<vmem>>) semaphore(%run_scoped3A_291 : memref<!tpu.dma_semaphore, #tpu.memory_space<semaphore_mem>>) {add = true}
        %dma_wait3A_298 = arith.constant 0 : i32
        %dma_wait3A_299 = tpu.memref_slice %arg9[%run_scoped3A_275, %dma_wait3A_298] : memref<8x128xi32, #tpu.memory_space<vmem>> -> memref<1x128xi32, #tpu.memory_space<vmem>>
        %dma_wait3A_300 = tpu.memref_squeeze %dma_wait3A_299 : memref<1x128xi32, #tpu.memory_space<vmem>> -> memref<128xi32, #tpu.memory_space<vmem>>
        %dma_wait3A_301 = arith.constant 0 : i32
        %dma_wait3A_302 = arith.constant 0 : i32
        %dma_wait3A_303 = tpu.memref_slice %arg12[%dma_wait3A_301, %dma_wait3A_302] : memref<10240x128xf32, #tpu.memory_space<vmem_shared>> -> memref<10240x128xf32, #tpu.memory_space<vmem_shared>>
        tpu.wait_indirect_dma semaphore(%run_scoped3A_291 : memref<!tpu.dma_semaphore, #tpu.memory_space<semaphore_mem>>) src(%arg10 : memref<128x128xf32, #tpu.memory_space<vmem>>) dst(%dma_wait3A_303 : memref<10240x128xf32, #tpu.memory_space<vmem_shared>>)
        tpu.yield
      }) : () -> ()
      %dma_wait3A_276 = arith.constant 7 : i32
      %dma_wait3A_277 = arith.constant 0 : i32
      %dma_wait3A_278 = tpu.memref_slice %arg7[%dma_wait3A_276, %dma_wait3A_277] : memref<8x128xi32, #tpu.memory_space<vmem>> -> memref<1x128xi32, #tpu.memory_space<vmem>>
      %dma_wait3A_279 = tpu.memref_squeeze %dma_wait3A_278 : memref<1x128xi32, #tpu.memory_space<vmem>> -> memref<128xi32, #tpu.memory_space<vmem>>
      %dma_wait3A_280 = arith.constant 0 : i32
      %dma_wait3A_281 = arith.constant 0 : i32
      %dma_wait3A_282 = tpu.memref_slice %arg4[%dma_wait3A_280, %dma_wait3A_281] : memref<10000x128xf32, #tpu.memory_space<hbm>> -> memref<10000x128xf32, #tpu.memory_space<hbm>>
      tpu.wait_indirect_dma semaphore(%arg14 : memref<!tpu.dma_semaphore, #tpu.memory_space<semaphore_mem>>) src(%dma_wait3A_282 : memref<10000x128xf32, #tpu.memory_space<hbm>>) dst(%arg11 : memref<128x128xf32, #tpu.memory_space<vmem>>)
      %add3A_283 = arith.constant 1 : i32
      %add3A_284 = arith.addi %add3A_163, %add3A_283 : i32
      %lt3A_285 = arith.constant 10 : i32
      %lt3A_286 = arith.cmpi slt, %add3A_284, %lt3A_285 : i32
      %convert_element_type3A_287 = arith.extui %lt3A_286 : i1 to i32
      %cond3A_288 = arith.constant 0 : i32
      %cond3A_289 = arith.cmpi ne, %convert_element_type3A_287, %cond3A_288 : i32
      scf.if %cond3A_289 {
        %dma_start3A_291 = arith.constant 0 : i32
        %dma_start3A_292 = arith.constant 0 : i32
        %dma_start3A_293 = tpu.memref_slice %arg6[%dma_start3A_291, %dma_start3A_292] : memref<8x128xi32, #tpu.memory_space<vmem>> -> memref<1x128xi32, #tpu.memory_space<vmem>>
        %dma_start3A_294 = tpu.memref_squeeze %dma_start3A_293 : memref<1x128xi32, #tpu.memory_space<vmem>> -> memref<128xi32, #tpu.memory_space<vmem>>
        %dma_start3A_295 = arith.constant 0 : i32
        %dma_start3A_296 = arith.constant 0 : i32
        %dma_start3A_297 = tpu.memref_slice %arg4[%dma_start3A_295, %dma_start3A_296] : memref<10000x128xf32, #tpu.memory_space<hbm>> -> memref<10000x128xf32, #tpu.memory_space<hbm>>
        tpu.enqueue_indirect_dma source(%dma_start3A_297 : memref<10000x128xf32, #tpu.memory_space<hbm>>) target(%arg10 : memref<128x128xf32, #tpu.memory_space<vmem>>) offsets(%dma_start3A_294 : memref<128xi32, #tpu.memory_space<vmem>>) semaphore(%arg13 : memref<!tpu.dma_semaphore, #tpu.memory_space<semaphore_mem>>)
      } else {
      }
      %run_scoped3A_290 = arith.constant 7 : i32
      "tpu.region"() ({
        %run_scoped3A_291 = tpu.sem_alloc : memref<!tpu.dma_semaphore, #tpu.memory_space<semaphore_mem>>
        %dma_start3A_292 = arith.constant 0 : i32
        %dma_start3A_293 = tpu.memref_slice %arg9[%run_scoped3A_290, %dma_start3A_292] : memref<8x128xi32, #tpu.memory_space<vmem>> -> memref<1x128xi32, #tpu.memory_space<vmem>>
        %dma_start3A_294 = tpu.memref_squeeze %dma_start3A_293 : memref<1x128xi32, #tpu.memory_space<vmem>> -> memref<128xi32, #tpu.memory_space<vmem>>
        %dma_start3A_295 = arith.constant 0 : i32
        %dma_start3A_296 = arith.constant 0 : i32
        %dma_start3A_297 = tpu.memref_slice %arg12[%dma_start3A_295, %dma_start3A_296] : memref<10240x128xf32, #tpu.memory_space<vmem_shared>> -> memref<10240x128xf32, #tpu.memory_space<vmem_shared>>
        tpu.enqueue_indirect_dma source(%arg11 : memref<128x128xf32, #tpu.memory_space<vmem>>) target(%dma_start3A_297 : memref<10240x128xf32, #tpu.memory_space<vmem_shared>>) offsets(%dma_start3A_294 : memref<128xi32, #tpu.memory_space<vmem>>) semaphore(%run_scoped3A_291 : memref<!tpu.dma_semaphore, #tpu.memory_space<semaphore_mem>>) {add = true}
        %dma_wait3A_298 = arith.constant 0 : i32
        %dma_wait3A_299 = tpu.memref_slice %arg9[%run_scoped3A_290, %dma_wait3A_298] : memref<8x128xi32, #tpu.memory_space<vmem>> -> memref<1x128xi32, #tpu.memory_space<vmem>>
        %dma_wait3A_300 = tpu.memref_squeeze %dma_wait3A_299 : memref<1x128xi32, #tpu.memory_space<vmem>> -> memref<128xi32, #tpu.memory_space<vmem>>
        %dma_wait3A_301 = arith.constant 0 : i32
        %dma_wait3A_302 = arith.constant 0 : i32
        %dma_wait3A_303 = tpu.memref_slice %arg12[%dma_wait3A_301, %dma_wait3A_302] : memref<10240x128xf32, #tpu.memory_space<vmem_shared>> -> memref<10240x128xf32, #tpu.memory_space<vmem_shared>>
        tpu.wait_indirect_dma semaphore(%run_scoped3A_291 : memref<!tpu.dma_semaphore, #tpu.memory_space<semaphore_mem>>) src(%arg11 : memref<128x128xf32, #tpu.memory_space<vmem>>) dst(%dma_wait3A_303 : memref<10240x128xf32, #tpu.memory_space<vmem_shared>>)
        tpu.yield
      }) : () -> ()
    }
    %scan3A_27 = arith.constant 5 : i32
    %barrier3A_28 = arith.constant 0 : index
    tpu.barrier barrier_id(%barrier3A_28)
    %scan3A_29 = arith.constant 0 : i32
    %scan3A_30 = arith.constant 0 : i32
    %scan3A_31 = arith.constant 5 : i32
    %scan3A_32 = arith.addi %scan3A_30, %scan3A_31 : i32
    %scan3A_33 = arith.constant 1 : i32
    scf.for %scan3A_35 = %scan3A_30 to %scan3A_32 step %scan3A_33  : i32 {
      %mul3A_36 = arith.constant 640 : i32
      %mul3A_37 = arith.muli %arg1, %mul3A_36 : i32
      %mul3A_38 = arith.constant 128 : i32
      %mul3A_39 = arith.muli %scan3A_35, %mul3A_38 : i32
      %add3A_40 = arith.addi %mul3A_37, %mul3A_39 : i32
      "tpu.region"() ({
        %run_scoped3A = tpu.sem_alloc : memref<!tpu.dma_semaphore, #tpu.memory_space<semaphore_mem>>
        %dma_start3A_41 = arith.constant 0 : i32
        %dma_start3A_42 = tpu.memref_slice %arg12[%add3A_40, %dma_start3A_41] : memref<10240x128xf32, #tpu.memory_space<vmem_shared>> -> memref<128x128xf32, #tpu.memory_space<vmem_shared>>
        %dma_start3A_43 = arith.constant 0 : i32
        %dma_start3A_44 = tpu.memref_slice %arg12[%add3A_40, %dma_start3A_43] : memref<10240x128xf32, #tpu.memory_space<vmem_shared>> -> memref<128x128xf32, #tpu.memory_space<vmem_shared>>
        tpu.enqueue_dma source(%dma_start3A_44 : memref<128x128xf32, #tpu.memory_space<vmem_shared>>) target(%arg10 : memref<128x128xf32, #tpu.memory_space<vmem>>) target_semaphore(%run_scoped3A : memref<!tpu.dma_semaphore, #tpu.memory_space<semaphore_mem>>)
        %dma_wait3A = arith.constant 0 : i32
        %dma_wait3A_45 = tpu.memref_slice %arg12[%add3A_40, %dma_wait3A] : memref<10240x128xf32, #tpu.memory_space<vmem_shared>> -> memref<128x128xf32, #tpu.memory_space<vmem_shared>>
        %dma_wait3A_46 = arith.constant 0 : i32
        %dma_wait3A_47 = tpu.memref_slice %arg12[%add3A_40, %dma_wait3A_46] : memref<10240x128xf32, #tpu.memory_space<vmem_shared>> -> memref<128x128xf32, #tpu.memory_space<vmem_shared>>
        tpu.wait_dma2 semaphore(%run_scoped3A : memref<!tpu.dma_semaphore, #tpu.memory_space<semaphore_mem>>) src(%dma_wait3A_47 : memref<128x128xf32, #tpu.memory_space<vmem_shared>>) dst(%arg10 : memref<128x128xf32, #tpu.memory_space<vmem>>)
        tpu.yield
      }) : () -> ()
      "tpu.region"() ({
        %run_scoped3A = tpu.sem_alloc : memref<!tpu.dma_semaphore, #tpu.memory_space<semaphore_mem>>
        %dma_start3A_41 = arith.constant 0 : i32
        %dma_start3A_42 = tpu.memref_slice %arg5[%arg0, %add3A_40, %dma_start3A_41] : memref<2x10240x128xf32, #tpu.memory_space<hbm>> -> memref<1x128x128xf32, #tpu.memory_space<hbm>>
        %dma_start3A_43 = tpu.memref_squeeze %dma_start3A_42 : memref<1x128x128xf32, #tpu.memory_space<hbm>> -> memref<128x128xf32, #tpu.memory_space<hbm>>
        %dma_start3A_44 = arith.constant 0 : i32
        %dma_start3A_45 = tpu.memref_slice %arg5[%arg0, %add3A_40, %dma_start3A_44] : memref<2x10240x128xf32, #tpu.memory_space<hbm>> -> memref<1x128x128xf32, #tpu.memory_space<hbm>>
        %dma_start3A_46 = tpu.memref_squeeze %dma_start3A_45 : memref<1x128x128xf32, #tpu.memory_space<hbm>> -> memref<128x128xf32, #tpu.memory_space<hbm>>
        tpu.enqueue_dma source(%arg10 : memref<128x128xf32, #tpu.memory_space<vmem>>) target(%dma_start3A_46 : memref<128x128xf32, #tpu.memory_space<hbm>>) target_semaphore(%run_scoped3A : memref<!tpu.dma_semaphore, #tpu.memory_space<semaphore_mem>>)
        %dma_wait3A = arith.constant 0 : i32
        %dma_wait3A_47 = tpu.memref_slice %arg5[%arg0, %add3A_40, %dma_wait3A] : memref<2x10240x128xf32, #tpu.memory_space<hbm>> -> memref<1x128x128xf32, #tpu.memory_space<hbm>>
        %dma_wait3A_48 = tpu.memref_squeeze %dma_wait3A_47 : memref<1x128x128xf32, #tpu.memory_space<hbm>> -> memref<128x128xf32, #tpu.memory_space<hbm>>
        %dma_wait3A_49 = arith.constant 0 : i32
        %dma_wait3A_50 = tpu.memref_slice %arg5[%arg0, %add3A_40, %dma_wait3A_49] : memref<2x10240x128xf32, #tpu.memory_space<hbm>> -> memref<1x128x128xf32, #tpu.memory_space<hbm>>
        %dma_wait3A_51 = tpu.memref_squeeze %dma_wait3A_50 : memref<1x128x128xf32, #tpu.memory_space<hbm>> -> memref<128x128xf32, #tpu.memory_space<hbm>>
        tpu.wait_dma2 semaphore(%run_scoped3A : memref<!tpu.dma_semaphore, #tpu.memory_space<semaphore_mem>>) src(%arg10 : memref<128x128xf32, #tpu.memory_space<vmem>>) dst(%dma_wait3A_51 : memref<128x128xf32, #tpu.memory_space<hbm>>)
        tpu.yield
      }) : () -> ()
    }
    %scan3A_34 = arith.constant 5 : i32
    return
  }
}

module attributes {stable_mosaic.version = 14 : i64} {
  func.func @_dense_in_body(%arg0: i32, %arg1: memref<1000x128xf32, #tpu.memory_space<vmem>>, %arg2: memref<128x128xf32, #tpu.memory_space<vmem>>, %arg3: memref<1000x1xf32, #tpu.memory_space<vmem>>, %arg4: memref<1000x128xf32, #tpu.memory_space<vmem>>) attributes {dimension_semantics = [#tpu.dimension_semantics<arbitrary>], iteration_bounds = array<i64: 10>, scalar_prefetch = 0 : i64, scratch_operands = 0 : i64, tpu.core_type = #tpu.core_type<tc>, window_params = [{transform_indices = @transform_0, window_bounds = array<i64: 1000, 128>}, {pipeline_mode = #tpu.pipeline_mode<synchronous>, transform_indices = @transform_1, window_bounds = array<i64: 128, 128>}, {transform_indices = @transform_2, window_bounds = array<i64: 1000, 1>}, {transform_indices = @transform_3, window_bounds = array<i64: 1000, 128>}]} {
    %get3A = arith.constant 0 : index
    %get3A_0 = arith.constant 0 : index
    %get3A_1 = vector.load %arg1[%get3A, %get3A_0] : memref<1000x128xf32, #tpu.memory_space<vmem>>, vector<1000x128xf32>
    %get3A_2 = arith.constant 0 : index
    %get3A_3 = arith.constant 0 : index
    %get3A_4 = vector.load %arg2[%get3A_2, %get3A_3] : memref<128x128xf32, #tpu.memory_space<vmem>>, vector<128x128xf32>
    %dot_general3A = arith.constant dense<0.000000e+00> : vector<1000x128xf32>
    %dot_general3A_5 = tpu.matmul %get3A_1, %get3A_4, %dot_general3A {dimension_numbers = #tpu.dot_dimension_numbers<[1], [0], [0], [1], [0, 0, 1, 1], [], []>, transpose_lhs_hint = false} : vector<1000x128xf32>, vector<128x128xf32>, vector<1000x128xf32> -> vector<1000x128xf32>
    %get3A_6 = arith.constant 0 : index
    %get3A_7 = arith.constant 0 : index
    %get3A_8 = vector.load %arg3[%get3A_6, %get3A_7] : memref<1000x1xf32, #tpu.memory_space<vmem>>, vector<1000x1xf32>
    %mul3A = vector.broadcast %get3A_8 : vector<1000x1xf32> to vector<1000x128xf32>
    %mul3A_9 = arith.mulf %dot_general3A_5, %mul3A : vector<1000x128xf32>
    %swap3A = arith.constant 0 : index
    %swap3A_10 = arith.constant 0 : index
    %swap3A_11 = vector.load %arg4[%swap3A, %swap3A_10] : memref<1000x128xf32, #tpu.memory_space<vmem>>, vector<1000x128xf32>
    tpu.vector_store %arg4[%swap3A, %swap3A_10], %mul3A_9 {strides = array<i32>} : memref<1000x128xf32, #tpu.memory_space<vmem>>, vector<1000x128xf32>,
    return
  }
  func.func @transform_0(%arg0: i32) -> (i32, i32) {
    %c0_i32 = arith.constant 0 : i32
    %c0_i32_0 = arith.constant 0 : i32
    return %arg0, %c0_i32 : i32, i32
  }
  func.func @transform_1(%arg0: i32) -> (i32, i32) {
    %c0_i32 = arith.constant 0 : i32
    %c0_i32_0 = arith.constant 0 : i32
    %c0_i32_1 = arith.constant 0 : i32
    return %c0_i32, %c0_i32_0 : i32, i32
  }
  func.func @transform_2(%arg0: i32) -> (i32, i32) {
    %c0_i32 = arith.constant 0 : i32
    %c0_i32_0 = arith.constant 0 : i32
    return %arg0, %c0_i32 : i32, i32
  }
  func.func @transform_3(%arg0: i32) -> (i32, i32) {
    %c0_i32 = arith.constant 0 : i32
    %c0_i32_0 = arith.constant 0 : i32
    return %arg0, %c0_i32 : i32, i32
  }
}

module attributes {stable_mosaic.version = 14 : i64} {
  func.func @_dense_mid_body(%arg0: i32, %arg1: memref<1000x128xf32, #tpu.memory_space<vmem>>, %arg2: memref<1000x128xf32, #tpu.memory_space<vmem>>, %arg3: memref<1000x128xf32, #tpu.memory_space<vmem>>, %arg4: memref<1000x1xf32, #tpu.memory_space<vmem>>, %arg5: memref<1x128xf32, #tpu.memory_space<vmem>>, %arg6: memref<128x128xf32, #tpu.memory_space<vmem>>, %arg7: memref<1000x128xf32, #tpu.memory_space<vmem>>) attributes {dimension_semantics = [#tpu.dimension_semantics<arbitrary>], iteration_bounds = array<i64: 10>, scalar_prefetch = 0 : i64, scratch_operands = 0 : i64, tpu.core_type = #tpu.core_type<tc>, window_params = [{transform_indices = @transform_0, window_bounds = array<i64: 1000, 128>}, {transform_indices = @transform_1, window_bounds = array<i64: 1000, 128>}, {transform_indices = @transform_2, window_bounds = array<i64: 1000, 128>}, {transform_indices = @transform_3, window_bounds = array<i64: 1000, 1>}, {pipeline_mode = #tpu.pipeline_mode<synchronous>, transform_indices = @transform_4, window_bounds = array<i64: 1, 128>}, {pipeline_mode = #tpu.pipeline_mode<synchronous>, transform_indices = @transform_5, window_bounds = array<i64: 128, 128>}, {transform_indices = @transform_6, window_bounds = array<i64: 1000, 128>}]} {
    %get3A = arith.constant 0 : index
    %get3A_0 = arith.constant 0 : index
    %get3A_1 = vector.load %arg1[%get3A, %get3A_0] : memref<1000x128xf32, #tpu.memory_space<vmem>>, vector<1000x128xf32>
    %get3A_2 = arith.constant 0 : index
    %get3A_3 = arith.constant 0 : index
    %get3A_4 = vector.load %arg2[%get3A_2, %get3A_3] : memref<1000x128xf32, #tpu.memory_space<vmem>>, vector<1000x128xf32>
    %add3A = arith.addf %get3A_1, %get3A_4 : vector<1000x128xf32>
    %get3A_5 = arith.constant 0 : index
    %get3A_6 = arith.constant 0 : index
    %get3A_7 = vector.load %arg3[%get3A_5, %get3A_6] : memref<1000x128xf32, #tpu.memory_space<vmem>>, vector<1000x128xf32>
    %add3A_8 = arith.addf %add3A, %get3A_7 : vector<1000x128xf32>
    %get3A_9 = arith.constant 0 : index
    %get3A_10 = arith.constant 0 : index
    %get3A_11 = vector.load %arg5[%get3A_9, %get3A_10] : memref<1x128xf32, #tpu.memory_space<vmem>>, vector<1x128xf32>
    %get3A_12 = arith.constant 0 : index
    %get3A_13 = arith.constant 0 : index
    %get3A_14 = vector.load %arg4[%get3A_12, %get3A_13] : memref<1000x1xf32, #tpu.memory_space<vmem>>, vector<1000x1xf32>
    %mul3A = vector.broadcast %get3A_14 : vector<1000x1xf32> to vector<1000x128xf32>
    %mul3A_15 = arith.mulf %mul3A, %add3A_8 : vector<1000x128xf32>
    %add3A_16 = vector.broadcast %get3A_11 : vector<1x128xf32> to vector<1000x128xf32>
    %add3A_17 = arith.addf %add3A_16, %mul3A_15 : vector<1000x128xf32>
    %max3A = arith.constant 0.000000e+00 : f32
    %max3A_18 = vector.broadcast %max3A : f32 to vector<1000x128xf32>
    %max3A_19 = arith.maximumf %add3A_17, %max3A_18 : vector<1000x128xf32>
    %get3A_20 = arith.constant 0 : index
    %get3A_21 = arith.constant 0 : index
    %get3A_22 = vector.load %arg6[%get3A_20, %get3A_21] : memref<128x128xf32, #tpu.memory_space<vmem>>, vector<128x128xf32>
    %dot_general3A = arith.constant dense<0.000000e+00> : vector<1000x128xf32>
    %dot_general3A_23 = tpu.matmul %max3A_19, %get3A_22, %dot_general3A {dimension_numbers = #tpu.dot_dimension_numbers<[1], [0], [0], [1], [0, 0, 1, 1], [], []>, transpose_lhs_hint = false} : vector<1000x128xf32>, vector<128x128xf32>, vector<1000x128xf32> -> vector<1000x128xf32>
    %get3A_24 = arith.constant 0 : index
    %get3A_25 = arith.constant 0 : index
    %get3A_26 = vector.load %arg4[%get3A_24, %get3A_25] : memref<1000x1xf32, #tpu.memory_space<vmem>>, vector<1000x1xf32>
    %mul3A_27 = vector.broadcast %get3A_26 : vector<1000x1xf32> to vector<1000x128xf32>
    %mul3A_28 = arith.mulf %dot_general3A_23, %mul3A_27 : vector<1000x128xf32>
    %swap3A = arith.constant 0 : index
    %swap3A_29 = arith.constant 0 : index
    %swap3A_30 = vector.load %arg7[%swap3A, %swap3A_29] : memref<1000x128xf32, #tpu.memory_space<vmem>>, vector<1000x128xf32>
    tpu.vector_store %arg7[%swap3A, %swap3A_29], %mul3A_28 {strides = array<i32>} : memref<1000x128xf32, #tpu.memory_space<vmem>>, vector<1000x128xf32>,
    return
  }
  func.func @transform_0(%arg0: i32) -> (i32, i32) {
    %c0_i32 = arith.constant 0 : i32
    %c0_i32_0 = arith.constant 0 : i32
    return %arg0, %c0_i32 : i32, i32
  }
  func.func @transform_1(%arg0: i32) -> (i32, i32) {
    %c0_i32 = arith.constant 0 : i32
    %c0_i32_0 = arith.constant 0 : i32
    return %arg0, %c0_i32 : i32, i32
  }
  func.func @transform_2(%arg0: i32) -> (i32, i32) {
    %c0_i32 = arith.constant 0 : i32
    %c0_i32_0 = arith.constant 0 : i32
    return %arg0, %c0_i32 : i32, i32
  }
  func.func @transform_3(%arg0: i32) -> (i32, i32) {
    %c0_i32 = arith.constant 0 : i32
    %c0_i32_0 = arith.constant 0 : i32
    return %arg0, %c0_i32 : i32, i32
  }
  func.func @transform_4(%arg0: i32) -> (i32, i32) {
    %c0_i32 = arith.constant 0 : i32
    %c0_i32_0 = arith.constant 0 : i32
    %c0_i32_1 = arith.constant 0 : i32
    return %c0_i32, %c0_i32_0 : i32, i32
  }
  func.func @transform_5(%arg0: i32) -> (i32, i32) {
    %c0_i32 = arith.constant 0 : i32
    %c0_i32_0 = arith.constant 0 : i32
    %c0_i32_1 = arith.constant 0 : i32
    return %c0_i32, %c0_i32_0 : i32, i32
  }
  func.func @transform_6(%arg0: i32) -> (i32, i32) {
    %c0_i32 = arith.constant 0 : i32
    %c0_i32_0 = arith.constant 0 : i32
    return %arg0, %c0_i32 : i32, i32
  }
}

module attributes {stable_mosaic.version = 14 : i64} {
  func.func @_dense_out_body(%arg0: i32, %arg1: memref<1000x128xf32, #tpu.memory_space<vmem>>, %arg2: memref<1000x128xf32, #tpu.memory_space<vmem>>, %arg3: memref<1000x128xf32, #tpu.memory_space<vmem>>, %arg4: memref<1000x1xf32, #tpu.memory_space<vmem>>, %arg5: memref<1x128xf32, #tpu.memory_space<vmem>>, %arg6: memref<128x128xf32, #tpu.memory_space<vmem>>, %arg7: memref<1x128xf32, #tpu.memory_space<vmem>>, %arg8: memref<1000x128xf32, #tpu.memory_space<vmem>>) attributes {dimension_semantics = [#tpu.dimension_semantics<arbitrary>], iteration_bounds = array<i64: 10>, scalar_prefetch = 0 : i64, scratch_operands = 0 : i64, tpu.core_type = #tpu.core_type<tc>, window_params = [{transform_indices = @transform_0, window_bounds = array<i64: 1000, 128>}, {transform_indices = @transform_1, window_bounds = array<i64: 1000, 128>}, {transform_indices = @transform_2, window_bounds = array<i64: 1000, 128>}, {transform_indices = @transform_3, window_bounds = array<i64: 1000, 1>}, {pipeline_mode = #tpu.pipeline_mode<synchronous>, transform_indices = @transform_4, window_bounds = array<i64: 1, 128>}, {pipeline_mode = #tpu.pipeline_mode<synchronous>, transform_indices = @transform_5, window_bounds = array<i64: 128, 128>}, {pipeline_mode = #tpu.pipeline_mode<synchronous>, transform_indices = @transform_6, window_bounds = array<i64: 1, 128>}, {transform_indices = @transform_7, window_bounds = array<i64: 1000, 128>}]} {
    %get3A = arith.constant 0 : index
    %get3A_0 = arith.constant 0 : index
    %get3A_1 = vector.load %arg1[%get3A, %get3A_0] : memref<1000x128xf32, #tpu.memory_space<vmem>>, vector<1000x128xf32>
    %get3A_2 = arith.constant 0 : index
    %get3A_3 = arith.constant 0 : index
    %get3A_4 = vector.load %arg2[%get3A_2, %get3A_3] : memref<1000x128xf32, #tpu.memory_space<vmem>>, vector<1000x128xf32>
    %add3A = arith.addf %get3A_1, %get3A_4 : vector<1000x128xf32>
    %get3A_5 = arith.constant 0 : index
    %get3A_6 = arith.constant 0 : index
    %get3A_7 = vector.load %arg3[%get3A_5, %get3A_6] : memref<1000x128xf32, #tpu.memory_space<vmem>>, vector<1000x128xf32>
    %add3A_8 = arith.addf %add3A, %get3A_7 : vector<1000x128xf32>
    %get3A_9 = arith.constant 0 : index
    %get3A_10 = arith.constant 0 : index
    %get3A_11 = vector.load %arg5[%get3A_9, %get3A_10] : memref<1x128xf32, #tpu.memory_space<vmem>>, vector<1x128xf32>
    %get3A_12 = arith.constant 0 : index
    %get3A_13 = arith.constant 0 : index
    %get3A_14 = vector.load %arg4[%get3A_12, %get3A_13] : memref<1000x1xf32, #tpu.memory_space<vmem>>, vector<1000x1xf32>
    %mul3A = vector.broadcast %get3A_14 : vector<1000x1xf32> to vector<1000x128xf32>
    %mul3A_15 = arith.mulf %mul3A, %add3A_8 : vector<1000x128xf32>
    %add3A_16 = vector.broadcast %get3A_11 : vector<1x128xf32> to vector<1000x128xf32>
    %add3A_17 = arith.addf %add3A_16, %mul3A_15 : vector<1000x128xf32>
    %max3A = arith.constant 0.000000e+00 : f32
    %max3A_18 = vector.broadcast %max3A : f32 to vector<1000x128xf32>
    %max3A_19 = arith.maximumf %add3A_17, %max3A_18 : vector<1000x128xf32>
    %get3A_20 = arith.constant 0 : index
    %get3A_21 = arith.constant 0 : index
    %get3A_22 = vector.load %arg6[%get3A_20, %get3A_21] : memref<128x128xf32, #tpu.memory_space<vmem>>, vector<128x128xf32>
    %dot_general3A = arith.constant dense<0.000000e+00> : vector<1000x128xf32>
    %dot_general3A_23 = tpu.matmul %max3A_19, %get3A_22, %dot_general3A {dimension_numbers = #tpu.dot_dimension_numbers<[1], [0], [0], [1], [0, 0, 1, 1], [], []>, transpose_lhs_hint = false} : vector<1000x128xf32>, vector<128x128xf32>, vector<1000x128xf32> -> vector<1000x128xf32>
    %get3A_24 = arith.constant 0 : index
    %get3A_25 = arith.constant 0 : index
    %get3A_26 = vector.load %arg7[%get3A_24, %get3A_25] : memref<1x128xf32, #tpu.memory_space<vmem>>, vector<1x128xf32>
    %add3A_27 = vector.broadcast %get3A_26 : vector<1x128xf32> to vector<1000x128xf32>
    %add3A_28 = arith.addf %dot_general3A_23, %add3A_27 : vector<1000x128xf32>
    %swap3A = arith.constant 0 : index
    %swap3A_29 = arith.constant 0 : index
    %swap3A_30 = vector.load %arg8[%swap3A, %swap3A_29] : memref<1000x128xf32, #tpu.memory_space<vmem>>, vector<1000x128xf32>
    tpu.vector_store %arg8[%swap3A, %swap3A_29], %add3A_28 {strides = array<i32>} : memref<1000x128xf32, #tpu.memory_space<vmem>>, vector<1000x128xf32>,
    return
  }
  func.func @transform_0(%arg0: i32) -> (i32, i32) {
    %c0_i32 = arith.constant 0 : i32
    %c0_i32_0 = arith.constant 0 : i32
    return %arg0, %c0_i32 : i32, i32
  }
  func.func @transform_1(%arg0: i32) -> (i32, i32) {
    %c0_i32 = arith.constant 0 : i32
    %c0_i32_0 = arith.constant 0 : i32
    return %arg0, %c0_i32 : i32, i32
  }
  func.func @transform_2(%arg0: i32) -> (i32, i32) {
    %c0_i32 = arith.constant 0 : i32
    %c0_i32_0 = arith.constant 0 : i32
    return %arg0, %c0_i32 : i32, i32
  }
  func.func @transform_3(%arg0: i32) -> (i32, i32) {
    %c0_i32 = arith.constant 0 : i32
    %c0_i32_0 = arith.constant 0 : i32
    return %arg0, %c0_i32 : i32, i32
  }
  func.func @transform_4(%arg0: i32) -> (i32, i32) {
    %c0_i32 = arith.constant 0 : i32
    %c0_i32_0 = arith.constant 0 : i32
    %c0_i32_1 = arith.constant 0 : i32
    return %c0_i32, %c0_i32_0 : i32, i32
  }
  func.func @transform_5(%arg0: i32) -> (i32, i32) {
    %c0_i32 = arith.constant 0 : i32
    %c0_i32_0 = arith.constant 0 : i32
    %c0_i32_1 = arith.constant 0 : i32
    return %c0_i32, %c0_i32_0 : i32, i32
  }
  func.func @transform_6(%arg0: i32) -> (i32, i32) {
    %c0_i32 = arith.constant 0 : i32
    %c0_i32_0 = arith.constant 0 : i32
    %c0_i32_1 = arith.constant 0 : i32
    return %c0_i32, %c0_i32_0 : i32, i32
  }
  func.func @transform_7(%arg0: i32) -> (i32, i32) {
    %c0_i32 = arith.constant 0 : i32
    %c0_i32_0 = arith.constant 0 : i32
    return %arg0, %c0_i32 : i32, i32
  }
}

</mosaic_0001>

<sc_bundles>
// kernel: kernel.10.cloned.1.call-start
scs
__scs_entry_jumppad:
0x0: {  	(pc) =	sbr.rel $0x88, $3  }
0x1: {  	(tag) =	ssettag $0x0;
	lr =	simm.s32 $0x1  }
0x2: {  	[smem:$0x3F97] =	sst lr;
	_ =	strace $0xD0000000  }
0x3: {  	_ = 	snop  }
0x4: {  	_ = 	snop  }
0x5: {  	_ = 	snop  }
0x6: {  	_ = 	snop  }
0x7: {  	_ = 	snop  }
__scs_overlays_trampoline_lowered:
0x8: {  	[smem:$0x3FA6] =	sst s0  }
0x9: {  	[smem:$0x3FA7] =	sst s1  }
0xa: {  	[smem:$0x3FA8] =	sst s2  }
0xb: {  	[smem:$0x3FA9] =	sst s3  }
0xc: {  	[smem:$0x3FAA] =	sst s4  }
0xd: {  	[smem:$0x3FAB] =	sst s5  }
0xe: {  	[smem:$0x3FAC] =	sst s6  }
0xf: {  	[smem:$0x3FAD] =	sst s7  }
0x10: {  	[smem:$0x3FAE] =	sst s8  }
0x11: {  	[smem:$0x3FAF] =	sst s9;
	s0 =	simm.s32 @!p0 $0x0  }
0x12: {  	s1 =	sld [smem:$0x3F95];
	s0 =	simm.s32 @p0 $0x1  }
0x13: {  	[smem:$0x3FB0] =	sst s0;
	s0 =	simm.s32 @!p1 $0x0  }
0x14: {  	s2 =	sld [smem:$0x3F94];
	s0 =	simm.s32 @p1 $0x1  }
0x15: {  	[smem:$0x3FB1] =	sst s0;
	s0 =	simm.s32 @!p2 $0x0  }
0x16: {  	s3 =	sld [smem:$0x3FDB];
	s0 =	simm.s32 @p2 $0x1  }
0x17: {  	s4 =	simm.s32 $0x1BF5;
	[smem:$0x3FB3] =	sst s0  }
0x18: {  	s0 =	sld [smem:$0x3F96];
	_ =	swait.ge [sflag:s4], $0x0  }
0x19: {  	s7 =	sld [smem:$0x3F97]  }
0x1a: {  	s8 =	sadd.s32 $0xFFFFE003, lr  }
0x1b: {  	s9 =	sadd.s32 $0xFFFFFEF7, lr;
	s5 =	simm.s32 $0xFFFFFFFF;
	p2 =	slt.u32 s8, $0xFFFFF086  }
0x1c: {  	p1 =	slt.u32 s9, $0xF7A;
	s5 =	simm.s32 @!p2 $0x0  }
0x1d: {  	s5 =	simm.s32 @p1 $0x1;
	p0 =	seq.s32 s7, s2  }
0x1e: {  	s7 =	smul.u32 @!p0 $0xF7A, s2;
	p2 =	seq.s32 @!p0 s5, $0x0  }
0x1f: {  	s9 =	smul.u32 $0xF7A, s1;
	s8 =	simm.s32 @!p0 $0x1BF5;
	p2 =	por !p2, p0  }
0x20: {  	[sflag:s8] =	ssyncset.s32 @!p0 $0xFFFFF086;
	s6 =	sadd.s32 @!p0 s3, s7;
	s7 =	simm.s32 @!p0 $0x108  }
0x21: {  	s3 =	sadd.s32 s3, s9;
	s6 =	sadd.s32 @!p0 $0x88, s6;
	s7 =	simm.s32 @p2 $0x1082  }
0x22: {  	[simem:s7], [sflag:s8] =	dma.local @!p0 [hbm:s6], $0xF7A  }
0x23: {  	s9 =	sor.u32 $0xD0000000, s2;
	s6 =	simm.s32 $0x108;
	_ =	swait.ge @!p0 [sflag:s8], $0x0  }
0x24: {  	s3 =	sadd.s32 $0x88, s3;
	s6 =	simm.s32 @!p1 $0x1082;
	[sflag:s4] =	ssyncset.s32 $0xFFFFF086  }
0x25: {  	[simem:s6], [sflag:s4] =	dma.local [hbm:s3], $0xF7A  }
0x26: {  	[smem:$0x3F97] =	sst s1;
	(tag) =	ssettag s2;
	_ =	strace s9  }
0x27: {  	s1 =	sld [smem:$0x3FA7]  }
0x28: {  	s2 =	sld [smem:$0x3FA8]  }
0x29: {  	s4 =	sld [smem:$0x3FAA]  }
0x2a: {  	p0 =	seq.s32 s5, $0x0;
	s5 =	sld [smem:$0x3FAB]  }
0x2b: {  	s6 =	sld [smem:$0x3FAC]  }
0x2c: {  	s7 =	sld [smem:$0x3FAD]  }
0x2d: {  	s3 =	simm.s32 $0x108;
	s8 =	sld [smem:$0x3FAE]  }
0x2e: {  	s3 =	simm.s32 @!p0 $0x1082;
	s9 =	sld [smem:$0x3FAF]  }
0x2f: {  	lr =	sadd.s32 s0, s3;
	s0 =	sld [smem:$0x3FA6]  }
0x30: {  	s3 =	sld [smem:$0x3FA9]  }
0x31: {  	[smem:$0x3FB2] =	sst s10  }
0x32: {  	s10 =	sld [smem:$0x3FB0];
	_ =	sdelay $0x3  }
0x33: {  	p0 =	seq.s32 s10, $0x1;
	s10 =	sld [smem:$0x3FB2];
	_ =	sdelay $0x3  }
0x34: {  	[smem:$0x3FB2] =	sst s10  }
0x35: {  	s10 =	sld [smem:$0x3FB1];
	_ =	sdelay $0x3  }
0x36: {  	p1 =	seq.s32 s10, $0x1;
	s10 =	sld [smem:$0x3FB2];
	_ =	sdelay $0x3  }
0x37: {  	[smem:$0x3FB2] =	sst s10  }
0x38: {  	s10 =	sld [smem:$0x3FB3]  }
0x39: {  	_ = 	snop;
	(pc) =	sbr.ind lr, $3  }
0x3a: {  	_ = 	snop  }
0x3b: {  	_ = 	snop  }
0x3c: {  	p2 =	seq.s32 s10, $0x1;
	s10 =	sld [smem:$0x3FB2]  }
0x3d: {  	_ =	shalt  }
0x3e: {  	_ =	shalt  }
0x3f: {  	_ =	shalt  }
0x40: {  	_ =	shalt  }
0x41: {  	_ =	shalt  }
0x42: {  	_ =	shalt  }
0x43: {  	_ =	shalt  }
0x44: {  	_ =	shalt  }
0x45: {  	_ =	shalt  }
0x46: {  	_ =	shalt  }
0x47: {  	_ =	shalt  }
0x48: {  	_ =	shalt  }
0x49: {  	_ =	shalt  }
0x4a: {  	_ =	shalt  }
0x4b: {  	_ =	shalt  }
0x4c: {  	_ =	shalt  }
0x4d: {  	_ =	shalt  }
0x4e: {  	_ =	shalt  }
0x4f: {  	_ =	shalt  }
0x50: {  	_ =	shalt  }
0x51: {  	_ =	shalt  }
0x52: {  	_ =	shalt  }
0x53: {  	_ =	shalt  }
0x54: {  	_ =	shalt  }
0x55: {  	_ =	shalt  }
0x56: {  	_ =	shalt  }
0x57: {  	_ =	shalt  }
0x58: {  	_ =	shalt  }
0x59: {  	_ =	shalt  }
0x5a: {  	_ =	shalt  }
0x5b: {  	_ =	shalt  }
0x5c: {  	_ =	shalt  }
0x5d: {  	_ =	shalt  }
0x5e: {  	_ =	shalt  }
0x5f: {  	_ =	shalt  }
0x60: {  	_ =	shalt  }
0x61: {  	_ =	shalt  }
0x62: {  	_ =	shalt  }
0x63: {  	_ =	shalt  }
0x64: {  	_ =	shalt  }
0x65: {  	_ =	shalt  }
0x66: {  	_ =	shalt  }
0x67: {  	_ =	shalt  }
0x68: {  	_ =	shalt  }
0x69: {  	_ =	shalt  }
0x6a: {  	_ =	shalt  }
0x6b: {  	_ =	shalt  }
0x6c: {  	_ =	shalt  }
0x6d: {  	_ =	shalt  }
0x6e: {  	_ =	shalt  }
0x6f: {  	_ =	shalt  }
0x70: {  	_ =	shalt  }
0x71: {  	_ =	shalt  }
0x72: {  	_ =	shalt  }
0x73: {  	_ =	shalt  }
0x74: {  	_ =	shalt  }
0x75: {  	_ =	shalt  }
0x76: {  	_ =	shalt  }
0x77: {  	_ =	shalt  }
0x78: {  	_ =	shalt  }
0x79: {  	_ =	shalt  }
0x7a: {  	_ =	shalt  }
0x7b: {  	_ =	shalt  }
0x7c: {  	_ =	shalt  }
0x7d: {  	_ =	shalt  }
0x7e: {  	_ =	shalt  }
0x7f: {  	_ =	shalt  }
0x80: {  	_ =	shalt  }
0x81: {  	_ =	shalt  }
0x82: {  	_ =	shalt  }
0x83: {  	_ =	shalt  }
0x84: {  	_ =	shalt  }
0x85: {  	_ =	shalt  }
0x86: {  	_ =	shalt  }
0x87: {  	_ =	shalt  }
.Lfunc_end0:
.L_simem_size_0:
called_computation_lowered:
.L_overlay_start_0:
0x88: {  	s2 =	sld [smem:$0x3FD9]  }
0x89: {  	s3 =	sld [smem:$0x3FFE];
	_ =	sdelay $0x1  }
0x8a: {  	s1 =	srdreg.scid  }
0x8b: {  	s0 =	sand.u32 $0x1, s1  }
0x8c: {  	s17 =	sshll.u32 s0, $0xA;
	s2 =	sadd.s32 s3, s2  }
0x8d: {  	s2 =	sadd.s32 s2, s17  }
0x8e: {  	[smem:$0x3FBE] =	sst s2  }
0x8f: {  	_ = 	snop  }
0x90: {  	s2 =	sld [smem:$0x3FD0];
	(tm) =	ssettm $0x1  }
0x91: {  	s18 =	sld [smem:$0x3FFB];
	_ =	sdelay $0x3  }
0x92: {  	_ =	strace s18  }
0x93: {  	s3 =	sld [smem:$0x3FFC];
	_ =	sdelay $0x3  }
0x94: {  	_ =	strace s3  }
0x95: {  	s3 =	sld [smem:$0x3FFD];
	_ =	sdelay $0x3  }
0x96: {  	_ =	strace s3  }
0x97: {  	_ =	strace $0x8FFFFFFF  }
0x98: {  	s19 =	sld [smem:$0x3FDB];
	_ =	sdelay $0x1  }
0x99: {  	s4 =	simm.s32 $_scs_section_size  }
0x9a: {  	s5 =	simm.s32 $_size__tile_overlayer_lowered;
	s6 =	simm.s32 $_tile_overlayer_lowered  }
0x9b: {  	s22 =	simm.s32 $0x1BFF;
	s21 =	sshll.u32 s6, $0x1;
	s3 =	sadd.s32 s4, s19  }
0x9c: {  	s7 =	simm.s32 $0x0;
	s20 =	sshll.u32 s5, $0x1;
	s5 =	sadd.s32 s21, s3  }
0x9d: {  	[timem:s7], [sflag:s22] =	dma.local [hbm:s5], s20  }
0x9e: {  	_ =	swait.ge [sflag:s22], s20  }
0x9f: {  	s4 =	ssub.s32 $0x0, s20;
	[sflag:s22] =	ssyncset.done $0x0  }
0xa0: {  	[sflag:s22] =	ssyncadd.s32 s4;
	_ =	sdelay $0x1  }
0xa1: {  	s23 =	simm.s32 $0x1B8B  }
0xa2: {  	_ =	swait.ge [sflag:s23], $0x1  }
0xa3: {  	[sflag:s23] =	ssyncset.done $0x0  }
0xa4: {  	s25 =	simm.s32 $0x1B8E;
	s24 =	sld [smem:$0x3FFE];
	[sflag:s23] =	ssyncadd.s32 $0xFFFFFFFF  }
0xa5: {  	s26 =	simm.s32 $execute0_lowered;
	[smem:$0x3FD2] =	sst s25  }
0xa6: {  	s5 =	sshll.u32 s26, $0x1;
	_ =	strace $0x80000046;
	[dreg:$0x1] =	wrdreg $0xFFFFFFFF  }
0xa7: {  	s28 =	simm.s32 $_size_execute0_lowered;
	s3 =	sadd.s32 s3, s5;
	[dreg:$0x0] =	wrdreg $0x0  }
0xa8: {  	s5 =	sshll.u32 s28, $0x1;
	[dreg:$0x2] =	wrdreg s3  }
0xa9: {  	[dreg:$0x3] =	wrdreg s5  }
0xaa: {  	[dreg:$0x4] =	wrdreg $0xC0  }
0xab: {  	_ =	task [dreg:s7], $0x5FFFF  }
0xac: {  	[dreg:$0x1] =	wrdreg $0xFFFFFFFF  }
0xad: {  	[dreg:$0x0] =	wrdreg $0x60  }
0xae: {  	[dreg:$0x2] =	wrdreg s2  }
0xaf: {  	[dreg:$0x3] =	wrdreg s24  }
0xb0: {  	[dreg:$0x4] =	wrdreg $0x68000  }
0xb1: {  	[dreg:$0x5] =	wrdreg $0x9  }
0xb2: {  	_ =	task.clear_ibuf [dreg:s7], $0x6FFFF;
	_ =	strace $0x90000046  }
0xb3: {  	s29 =	simm.s32 $0x9;
	_ =	strace $0x80000048  }
0xb4: {  	_ =	swait.ge [sflag:s29], $0x1  }
0xb5: {  	[sflag:s29] =	ssyncadd.s32 $0xFFFFFFFF  }
0xb6: {  	_ =	strace $0x90000048  }
0xb7: {  	_ =	sfence  }
0xb8: {  	s30 =	sld [smem:$0x0];
	_ =	sdelay $0x2  }
0xb9: {  	s31 =	sshll.u32 s1, $0xD;
	s1 =	sshrl.u32 s1, $0x2  }
0xba: {  	s3 =	sand.u32 $0x4000, s31;
	s1 =	sadd.s32 s1, s30  }
0xbb: {  	s0 =	sor.u32 s3, s0;
	s1 =	sshll.u32 s1, $0x11  }
0xbc: {  	s0 =	sor.u32 s1, s0  }
0xbd: {  	s0 =	sadd.s32 $0x8F2B, s0  }
0xbe: {  	[sflag:s0] =	ssyncadd.remote.s32 $0x1  }
0xbf: {  	_ =	sfence.sel $0xFFFF  }
0xc0: {  	[dreg:$0x0] =	wrdreg $0xFFFFFFFF;
	(pc) =	sbr.abs _section_cstart, $3  }
0xc1: {  	[dreg:$0x1] =	wrdreg $0xFFFFFFFF  }
0xc2: {  	_ =	task.clear_ibuf [dreg:s7], $0x2FFFF;
	_ =	strace $0x9FFFFFFF  }
0xc3: {  	(tm) =	ssettm $0x7FFFFFFF  }
tec
execute0_lowered:
.L_overlay_start_1:
0x0: {  	(tag) =	ssettag $0x1  }
0x1: {  	s5 =	rddreg [dreg:$0x0]  }
0x2: {  	s4 =	rddreg [dreg:$0x1]  }
0x3: {  	s1 =	rddreg [dreg:$0x2];
	s2 =	srdreg.scid  }
0x4: {  	s0 =	rddreg [dreg:$0x3];
	s3 =	simm.s32 $0x0;
	s22 =	simm.s32 $0x80  }
0x5: {  	s23 =	simm.s32 $0x0;
	s6 =	sand.u32 $0x1, s2;
	s2 =	stileid.u32  }
0x6: {  	[smem:$0x7FF] =	sst s3;
	s19 =	sadd.s32 $0xE200, s4;
	s8 =	smul.u32 $0x50000, s2  }
0x7: {  	s7 =	sshll.u32 s6, $0x4;
	_ =	strace $0x80000047;
	s16 =	smul.u32 $0x140000, s6  }
0x8: {  	s28 =	ssub.s32 $0x2, s6;
	s15 =	smul.u32 $0x14000, s2;
	s7 =	sor.u32 s2, s7  }
0x9: {  	s9 =	sshrl.u32 s28, $0x1;
	s7 =	smul.u32 $0x500, s7;
	s8 =	sshrl.u32 s8, $0x2  }
0xa: {  	s29 =	ssub.s32 s28, s9;
	s10 =	sadd.s32 s16, s15;
	s12 =	sadd.s32 $0x4000, s15  }
0xb: {  	s17 =	sadd.s32 $0x8000, s15;
	s18 =	sadd.s32 $0xC000, s15;
	s21 =	sadd.s32 $0x10000, s15  }
0xc: {  	s4 =	sadd.s32 s8, s1;
	s6 =	smax.u32 s29, $0x1;
	s11 =	sshrl.u32 s10, $0x3  }
0xd: {  	s13 =	sadd.s32 s16, s12;
	s12 =	sadd.s32 s12, s1;
	s14 =	sadd.s32 s17, s1  }
0xe: {  	s17 =	sadd.s32 s16, s17;
	s20 =	sadd.s32 s16, s18;
	s31 =	sadd.s32 s16, s21  }
0xf: {  	s16 =	sadd.s32 s18, s1;
	s18 =	sadd.s32 s21, s1;
	s21 =	simm.s32 $0x1  }
0x10: {  	s5 =	sadd.s32 s5, s7;
	s7 =	sadd.s32 $0x4000, s4;
	s8 =	sadd.s32 $0x8000, s4  }
0x11: {  	s9 =	sadd.s32 $0xC000, s4;
	s10 =	sadd.s32 $0x10000, s4;
	s11 =	sadd.s32 s19, s11  }
0x12: {  	s13 =	sshrl.u32 s13, $0x3;
	s17 =	sshrl.u32 s17, $0x3;
	s30 =	sshrl.u32 s20, $0x3  }
0x13: {  	s20 =	sshrl.u32 s31, $0x3;
	s13 =	sadd.s32 s19, s13;
	s15 =	sadd.s32 s19, s17  }
0x14: {  	v0 =	vimm.f32 $0.0e+00;
	v1 =	vimm.f32 $1.000000000e+00;
	s17 =	sadd.s32 s19, s30;
	s19 =	sadd.s32 s19, s20;
	s20 =	simm.s32 $0x2800  }
.LBB2_1:
0x15: {  	s24 =	simm.s32 $0x200;
	s25 =	simm.s32 $0x0  }
.LBB2_2:
0x16: {  	p0 =	sne.s32 s24, $0xFE00;
	[tilespmem:s25+$0x2800] =	vst v0;
	s25 =	smov.u32 s24;
	s24 =	sadd.s32 $0x200, s24  }
.Ltmp0:
0x17: {  	(pc) =	sbr.rel @p0 .LBB2_2-.Ltmp0, $2  }
0x18: {  	_ =	sdelay $0x2  }
0x19: {  	s25 =	sshra.s32 s25, $0x2  }
0x1a: {  	[tilespmem:s25+$0x2800] =	vst v0  }
0x1b: {  	[spmem:s4] =	stream.linear.scatter [tilespmem:s20], [sflag:$0x1], $0x4000, $0x38;
	[tilespmem:$0x9000] =	vst v63  }
0x1c: {  	_ =	swait.ge [sflag:s21], $0x4000  }
0x1d: {  	[sflag:s21] =	ssyncset.done $0x0  }
0x1e: {  	[sflag:s21] =	ssyncadd.s32 $0xFFFFC000  }
0x1f: {  	[spmem:s7] =	stream.linear.scatter [tilespmem:s20], [sflag:$0x1], $0x4000, $0x38;
	[tilespmem:$0x9000] =	vst v63  }
0x20: {  	_ =	swait.ge [sflag:s21], $0x4000  }
0x21: {  	[sflag:s21] =	ssyncset.done $0x0  }
0x22: {  	[sflag:s21] =	ssyncadd.s32 $0xFFFFC000  }
0x23: {  	[spmem:s8] =	stream.linear.scatter [tilespmem:s20], [sflag:$0x1], $0x4000, $0x38;
	[tilespmem:$0x9000] =	vst v63  }
0x24: {  	_ =	swait.ge [sflag:s21], $0x4000  }
0x25: {  	[sflag:s21] =	ssyncset.done $0x0  }
0x26: {  	[sflag:s21] =	ssyncadd.s32 $0xFFFFC000  }
0x27: {  	[spmem:s9] =	stream.linear.scatter [tilespmem:s20], [sflag:$0x1], $0x4000, $0x38;
	[tilespmem:$0x9000] =	vst v63  }
0x28: {  	_ =	swait.ge [sflag:s21], $0x4000  }
0x29: {  	[sflag:s21] =	ssyncset.done $0x0  }
0x2a: {  	[sflag:s21] =	ssyncadd.s32 $0xFFFFC000  }
0x2b: {  	[spmem:s10] =	stream.linear.scatter [tilespmem:s20], [sflag:$0x1], $0x4000, $0x38;
	[tilespmem:$0x9000] =	vst v63  }
0x2c: {  	_ =	swait.ge [sflag:s21], $0x4000  }
0x2d: {  	[sflag:s21] =	ssyncset.done $0x0  }
0x2e: {  	[sflag:s21] =	ssyncadd.s32 $0xFFFFC000  }
0x2f: {  	s24 =	simm.s32 $0x0;
	[bflag:$0x0] =	sbarrier.arrive $0xFFFF  }
0x30: {  	[tilespmem:s24], [sflag:$0x1] =	stream.linear.gather [hbm4b:s5+s24], $0x2800, $0x38;
	[tilespmem:$0x9000] =	vst v63  }
0x31: {  	_ =	swait.ge [sflag:s21], $0x2800  }
0x32: {  	[sflag:s21] =	ssyncset.done $0x0  }
0x33: {  	s25 =	simm.s32 $0x0;
	s24 =	simm.s32 $0x200;
	[sflag:s21] =	ssyncadd.s32 $0xFFFFD800  }
.LBB2_4:
0x34: {  	p0 =	sne.s32 s24, $0xFE00;
	[tilespmem:s25+$0x2800] =	vst v1;
	s25 =	smov.u32 s24;
	s24 =	sadd.s32 $0x200, s24  }
.Ltmp1:
0x35: {  	(pc) =	sbr.rel @p0 .LBB2_4-.Ltmp1, $2  }
0x36: {  	_ =	sdelay $0x2  }
0x37: {  	s25 =	sshra.s32 s25, $0x2  }
0x38: {  	[tilespmem:s25+$0x2800] =	vst v1;
	s24 =	simm.s32 $0x0  }
0x39: {  	[spmem:s1] =	stream.indirect.scatter.add.f32 [tilespmem:s20], [sflag:$0x1], $0x10, s24, s22, $0xb8;
	[tilespmem:$0x9000] =	vst v63  }
0x3a: {  	_ =	swait.ge [sflag:s21], $0x800  }
0x3b: {  	s24 =	simm.s32 $0x200;
	[sflag:s21] =	ssyncset.done $0x0  }
.LBB2_6:
0x3c: {  	s25 =	sshra.s32 s24, $0x2;
	[sflag:s21] =	ssyncadd.s32 $0xFFFFF800;
	p0 =	sne.s32 s24, $0x9E00  }
0x3d: {  	[spmem:s1] =	stream.indirect.scatter.add.f32 [tilespmem:s20], [sflag:$0x1], $0x10, s25, s22, $0xb8;
	[tilespmem:$0x9000] =	vst v63  }
.Ltmp2:
0x3e: {  	_ = 	snop;
	(pc) =	sbr.rel @p0 .LBB2_6-.Ltmp2, $4  }
0x3f: {  	_ = 	snop  }
0x40: {  	s24 =	sadd.s32 $0x200, s24  }
0x41: {  	_ =	swait.ge [sflag:s21], $0x800  }
0x42: {  	[sflag:s21] =	ssyncset.done $0x0  }
0x43: {  	[sflag:s21] =	ssyncadd.s32 $0xFFFFF800  }
0x44: {  	[bflag:$0x0] =	sbarrier.arrive $0xFFFF  }
0x45: {  	[tilespmem:s20], [sflag:$0x1] =	stream.linear.gather [spmem:s4], $0x4000, $0x38;
	[tilespmem:$0x9000] =	vst v63  }
0x46: {  	_ =	swait.ge [sflag:s21], $0x4000  }
0x47: {  	[sflag:s21] =	ssyncset.done $0x0  }
0x48: {  	[sflag:s21] =	ssyncadd.s32 $0xFFFFC000  }
0x49: {  	[hbm4b:s11+s3] =	stream.linear.scatter [tilespmem:s20], [sflag:$0x1], $0x4000, $0x38;
	[tilespmem:$0x9000] =	vst v63  }
0x4a: {  	_ =	swait.ge [sflag:s21], $0x4000  }
0x4b: {  	[sflag:s21] =	ssyncset.done $0x0  }
0x4c: {  	[sflag:s21] =	ssyncadd.s32 $0xFFFFC000  }
0x4d: {  	[tilespmem:s20], [sflag:$0x1] =	stream.linear.gather [spmem:s12], $0x4000, $0x38;
	[tilespmem:$0x9000] =	vst v63  }
0x4e: {  	_ =	swait.ge [sflag:s21], $0x4000  }
0x4f: {  	[sflag:s21] =	ssyncset.done $0x0  }
0x50: {  	[sflag:s21] =	ssyncadd.s32 $0xFFFFC000  }
0x51: {  	[hbm4b:s13+s3] =	stream.linear.scatter [tilespmem:s20], [sflag:$0x1], $0x4000, $0x38;
	[tilespmem:$0x9000] =	vst v63  }
0x52: {  	_ =	swait.ge [sflag:s21], $0x4000  }
0x53: {  	[sflag:s21] =	ssyncset.done $0x0  }
0x54: {  	[sflag:s21] =	ssyncadd.s32 $0xFFFFC000  }
0x55: {  	[tilespmem:s20], [sflag:$0x1] =	stream.linear.gather [spmem:s14], $0x4000, $0x38;
	[tilespmem:$0x9000] =	vst v63  }
0x56: {  	_ =	swait.ge [sflag:s21], $0x4000  }
0x57: {  	[sflag:s21] =	ssyncset.done $0x0  }
0x58: {  	[sflag:s21] =	ssyncadd.s32 $0xFFFFC000  }
0x59: {  	[hbm4b:s15+s3] =	stream.linear.scatter [tilespmem:s20], [sflag:$0x1], $0x4000, $0x38;
	[tilespmem:$0x9000] =	vst v63  }
0x5a: {  	_ =	swait.ge [sflag:s21], $0x4000  }
0x5b: {  	[sflag:s21] =	ssyncset.done $0x0  }
0x5c: {  	[sflag:s21] =	ssyncadd.s32 $0xFFFFC000  }
0x5d: {  	[tilespmem:s20], [sflag:$0x1] =	stream.linear.gather [spmem:s16], $0x4000, $0x38;
	[tilespmem:$0x9000] =	vst v63  }
0x5e: {  	_ =	swait.ge [sflag:s21], $0x4000  }
0x5f: {  	[sflag:s21] =	ssyncset.done $0x0  }
0x60: {  	[sflag:s21] =	ssyncadd.s32 $0xFFFFC000  }
0x61: {  	[hbm4b:s17+s3] =	stream.linear.scatter [tilespmem:s20], [sflag:$0x1], $0x4000, $0x38;
	[tilespmem:$0x9000] =	vst v63  }
0x62: {  	_ =	swait.ge [sflag:s21], $0x4000  }
0x63: {  	[sflag:s21] =	ssyncset.done $0x0  }
0x64: {  	[sflag:s21] =	ssyncadd.s32 $0xFFFFC000  }
0x65: {  	[tilespmem:s20], [sflag:$0x1] =	stream.linear.gather [spmem:s18], $0x4000, $0x38;
	[tilespmem:$0x9000] =	vst v63  }
0x66: {  	s23 =	sadd.s32 $0x1, s23;
	_ =	swait.ge [sflag:s21], $0x4000  }
0x67: {  	p0 =	sne.s32 s23, s6;
	[sflag:s21] =	ssyncset.done $0x0  }
.Ltmp3:
0x68: {  	[sflag:s21] =	ssyncadd.s32 $0xFFFFC000;
	(pc) =	sbr.rel @p0 .LBB2_1-.Ltmp3, $4  }
0x69: {  	[hbm4b:s19+s3] =	stream.linear.scatter [tilespmem:s20], [sflag:$0x1], $0x4000, $0x38;
	[tilespmem:$0x9000] =	vst v63  }
0x6a: {  	_ =	swait.ge [sflag:s21], $0x4000  }
0x6b: {  	[sflag:s21] =	ssyncset.done $0x0  }
0x6c: {  	[sflag:s21] =	ssyncadd.s32 $0xFFFFC000  }
0x6d: {  	_ =	sfence.sel $0x180000  }
0x6e: {  	[bflag:$0x0] =	sbarrier.arrive $0xFFFF  }
0x6f: {  	p0 =	sne.s32 s2, $0x0;
	_ =	strace $0x90000047  }
0x70: {  	s0 =	sadd.s32 @!p0 $0x100000, s0;
	[bflag:$0x2] =	sbarrier.arrive $0xFFFF  }
0x71: {  	[sflag:s0] =	ssyncadd.tile.s32 @!p0 $0x1;
	_ =	shalt  }
.Lfunc_end2:
_tile_overlayer_lowered:
.L_overlay_start_2:
0x72: {  	(tag) =	ssettag $0x2  }
0x73: {  	s0 =	rddreg [dreg:$0x0];
	s2 =	stileid.u32  }
0x74: {  	s1 =	rddreg [dreg:$0x1];
	p0 =	sne.s32 s2, $0x0  }
0x75: {  	s3 =	rddreg [dreg:$0x2];
	[bflag:$0x3] =	sbarrier.arrive $0xFFFF;
	s2 =	simm.s32 @!p0 $0x1C01  }
0x76: {  	[timem:s3], [sflag:s2] =	dma.local @!p0 [hbm:s0], s1  }
0x77: {  	s0 =	simm.s32 @!p0 $0x1  }
0x78: {  	_ =	swait.ge @!p0 [sflag:s0], s1  }
0x79: {  	s1 =	ssub.s32 @!p0 $0x0, s1;
	[sflag:s0] =	ssyncset.done @!p0 $0x0  }
0x7a: {  	[sflag:s0] =	ssyncadd.s32 @!p0 s1  }
0x7b: {  	[bflag:$0x3] =	sbarrier.arrive $0xFFFF  }
0x7c: {  	_ =	shalt  }

// kernel: kernel.13.cloned.1.call-start
scs
__scs_entry_jumppad:
0x0: {  	(pc) =	sbr.rel $0x88, $3  }
0x1: {  	(tag) =	ssettag $0x0;
	lr =	simm.s32 $0x1  }
0x2: {  	[smem:$0x3F97] =	sst lr;
	_ =	strace $0xD0000000  }
0x3: {  	_ = 	snop  }
0x4: {  	_ = 	snop  }
0x5: {  	_ = 	snop  }
0x6: {  	_ = 	snop  }
0x7: {  	_ = 	snop  }
__scs_overlays_trampoline_lowered:
0x8: {  	[smem:$0x3FA6] =	sst s0  }
0x9: {  	[smem:$0x3FA7] =	sst s1  }
0xa: {  	[smem:$0x3FA8] =	sst s2  }
0xb: {  	[smem:$0x3FA9] =	sst s3  }
0xc: {  	[smem:$0x3FAA] =	sst s4  }
0xd: {  	[smem:$0x3FAB] =	sst s5  }
0xe: {  	[smem:$0x3FAC] =	sst s6  }
0xf: {  	[smem:$0x3FAD] =	sst s7  }
0x10: {  	[smem:$0x3FAE] =	sst s8  }
0x11: {  	[smem:$0x3FAF] =	sst s9;
	s0 =	simm.s32 @!p0 $0x0  }
0x12: {  	s1 =	sld [smem:$0x3F95];
	s0 =	simm.s32 @p0 $0x1  }
0x13: {  	[smem:$0x3FB0] =	sst s0;
	s0 =	simm.s32 @!p1 $0x0  }
0x14: {  	s2 =	sld [smem:$0x3F94];
	s0 =	simm.s32 @p1 $0x1  }
0x15: {  	[smem:$0x3FB1] =	sst s0;
	s0 =	simm.s32 @!p2 $0x0  }
0x16: {  	s3 =	sld [smem:$0x3FDB];
	s0 =	simm.s32 @p2 $0x1  }
0x17: {  	s4 =	simm.s32 $0x1BF5;
	[smem:$0x3FB3] =	sst s0  }
0x18: {  	s0 =	sld [smem:$0x3F96];
	_ =	swait.ge [sflag:s4], $0x0  }
0x19: {  	s7 =	sld [smem:$0x3F97]  }
0x1a: {  	s8 =	sadd.s32 $0xFFFFE003, lr  }
0x1b: {  	s9 =	sadd.s32 $0xFFFFFEF7, lr;
	s5 =	simm.s32 $0xFFFFFFFF;
	p2 =	slt.u32 s8, $0xFFFFF086  }
0x1c: {  	p1 =	slt.u32 s9, $0xF7A;
	s5 =	simm.s32 @!p2 $0x0  }
0x1d: {  	s5 =	simm.s32 @p1 $0x1;
	p0 =	seq.s32 s7, s2  }
0x1e: {  	s7 =	smul.u32 @!p0 $0xF7A, s2;
	p2 =	seq.s32 @!p0 s5, $0x0  }
0x1f: {  	s9 =	smul.u32 $0xF7A, s1;
	s8 =	simm.s32 @!p0 $0x1BF5;
	p2 =	por !p2, p0  }
0x20: {  	[sflag:s8] =	ssyncset.s32 @!p0 $0xFFFFF086;
	s6 =	sadd.s32 @!p0 s3, s7;
	s7 =	simm.s32 @!p0 $0x108  }
0x21: {  	s3 =	sadd.s32 s3, s9;
	s6 =	sadd.s32 @!p0 $0x88, s6;
	s7 =	simm.s32 @p2 $0x1082  }
0x22: {  	[simem:s7], [sflag:s8] =	dma.local @!p0 [hbm:s6], $0xF7A  }
0x23: {  	s9 =	sor.u32 $0xD0000000, s2;
	s6 =	simm.s32 $0x108;
	_ =	swait.ge @!p0 [sflag:s8], $0x0  }
0x24: {  	s3 =	sadd.s32 $0x88, s3;
	s6 =	simm.s32 @!p1 $0x1082;
	[sflag:s4] =	ssyncset.s32 $0xFFFFF086  }
0x25: {  	[simem:s6], [sflag:s4] =	dma.local [hbm:s3], $0xF7A  }
0x26: {  	[smem:$0x3F97] =	sst s1;
	(tag) =	ssettag s2;
	_ =	strace s9  }
0x27: {  	s1 =	sld [smem:$0x3FA7]  }
0x28: {  	s2 =	sld [smem:$0x3FA8]  }
0x29: {  	s4 =	sld [smem:$0x3FAA]  }
0x2a: {  	p0 =	seq.s32 s5, $0x0;
	s5 =	sld [smem:$0x3FAB]  }
0x2b: {  	s6 =	sld [smem:$0x3FAC]  }
0x2c: {  	s7 =	sld [smem:$0x3FAD]  }
0x2d: {  	s3 =	simm.s32 $0x108;
	s8 =	sld [smem:$0x3FAE]  }
0x2e: {  	s3 =	simm.s32 @!p0 $0x1082;
	s9 =	sld [smem:$0x3FAF]  }
0x2f: {  	lr =	sadd.s32 s0, s3;
	s0 =	sld [smem:$0x3FA6]  }
0x30: {  	s3 =	sld [smem:$0x3FA9]  }
0x31: {  	[smem:$0x3FB2] =	sst s10  }
0x32: {  	s10 =	sld [smem:$0x3FB0];
	_ =	sdelay $0x3  }
0x33: {  	p0 =	seq.s32 s10, $0x1;
	s10 =	sld [smem:$0x3FB2];
	_ =	sdelay $0x3  }
0x34: {  	[smem:$0x3FB2] =	sst s10  }
0x35: {  	s10 =	sld [smem:$0x3FB1];
	_ =	sdelay $0x3  }
0x36: {  	p1 =	seq.s32 s10, $0x1;
	s10 =	sld [smem:$0x3FB2];
	_ =	sdelay $0x3  }
0x37: {  	[smem:$0x3FB2] =	sst s10  }
0x38: {  	s10 =	sld [smem:$0x3FB3]  }
0x39: {  	_ = 	snop;
	(pc) =	sbr.ind lr, $3  }
0x3a: {  	_ = 	snop  }
0x3b: {  	_ = 	snop  }
0x3c: {  	p2 =	seq.s32 s10, $0x1;
	s10 =	sld [smem:$0x3FB2]  }
0x3d: {  	_ =	shalt  }
0x3e: {  	_ =	shalt  }
0x3f: {  	_ =	shalt  }
0x40: {  	_ =	shalt  }
0x41: {  	_ =	shalt  }
0x42: {  	_ =	shalt  }
0x43: {  	_ =	shalt  }
0x44: {  	_ =	shalt  }
0x45: {  	_ =	shalt  }
0x46: {  	_ =	shalt  }
0x47: {  	_ =	shalt  }
0x48: {  	_ =	shalt  }
0x49: {  	_ =	shalt  }
0x4a: {  	_ =	shalt  }
0x4b: {  	_ =	shalt  }
0x4c: {  	_ =	shalt  }
0x4d: {  	_ =	shalt  }
0x4e: {  	_ =	shalt  }
0x4f: {  	_ =	shalt  }
0x50: {  	_ =	shalt  }
0x51: {  	_ =	shalt  }
0x52: {  	_ =	shalt  }
0x53: {  	_ =	shalt  }
0x54: {  	_ =	shalt  }
0x55: {  	_ =	shalt  }
0x56: {  	_ =	shalt  }
0x57: {  	_ =	shalt  }
0x58: {  	_ =	shalt  }
0x59: {  	_ =	shalt  }
0x5a: {  	_ =	shalt  }
0x5b: {  	_ =	shalt  }
0x5c: {  	_ =	shalt  }
0x5d: {  	_ =	shalt  }
0x5e: {  	_ =	shalt  }
0x5f: {  	_ =	shalt  }
0x60: {  	_ =	shalt  }
0x61: {  	_ =	shalt  }
0x62: {  	_ =	shalt  }
0x63: {  	_ =	shalt  }
0x64: {  	_ =	shalt  }
0x65: {  	_ =	shalt  }
0x66: {  	_ =	shalt  }
0x67: {  	_ =	shalt  }
0x68: {  	_ =	shalt  }
0x69: {  	_ =	shalt  }
0x6a: {  	_ =	shalt  }
0x6b: {  	_ =	shalt  }
0x6c: {  	_ =	shalt  }
0x6d: {  	_ =	shalt  }
0x6e: {  	_ =	shalt  }
0x6f: {  	_ =	shalt  }
0x70: {  	_ =	shalt  }
0x71: {  	_ =	shalt  }
0x72: {  	_ =	shalt  }
0x73: {  	_ =	shalt  }
0x74: {  	_ =	shalt  }
0x75: {  	_ =	shalt  }
0x76: {  	_ =	shalt  }
0x77: {  	_ =	shalt  }
0x78: {  	_ =	shalt  }
0x79: {  	_ =	shalt  }
0x7a: {  	_ =	shalt  }
0x7b: {  	_ =	shalt  }
0x7c: {  	_ =	shalt  }
0x7d: {  	_ =	shalt  }
0x7e: {  	_ =	shalt  }
0x7f: {  	_ =	shalt  }
0x80: {  	_ =	shalt  }
0x81: {  	_ =	shalt  }
0x82: {  	_ =	shalt  }
0x83: {  	_ =	shalt  }
0x84: {  	_ =	shalt  }
0x85: {  	_ =	shalt  }
0x86: {  	_ =	shalt  }
0x87: {  	_ =	shalt  }
.Lfunc_end0:
.L_simem_size_0:
called_computation.1_lowered:
.L_overlay_start_0:
0x88: {  	s2 =	sld [smem:$0x3FD9]  }
0x89: {  	s3 =	sld [smem:$0x3FFE];
	_ =	sdelay $0x1  }
0x8a: {  	s1 =	srdreg.scid  }
0x8b: {  	s0 =	sand.u32 $0x1, s1  }
0x8c: {  	s17 =	sshll.u32 s0, $0xA;
	s2 =	sadd.s32 s3, s2  }
0x8d: {  	s2 =	sadd.s32 s2, s17  }
0x8e: {  	[smem:$0x3FBE] =	sst s2  }
0x8f: {  	_ = 	snop  }
0x90: {  	s2 =	sld [smem:$0x3FD0];
	(tm) =	ssettm $0x1  }
0x91: {  	s18 =	sld [smem:$0x3FFB];
	_ =	sdelay $0x3  }
0x92: {  	_ =	strace s18  }
0x93: {  	s3 =	sld [smem:$0x3FFC];
	_ =	sdelay $0x3  }
0x94: {  	_ =	strace s3  }
0x95: {  	s3 =	sld [smem:$0x3FFD];
	_ =	sdelay $0x3  }
0x96: {  	_ =	strace s3  }
0x97: {  	_ =	strace $0x8FFFFFFF  }
0x98: {  	s19 =	sld [smem:$0x3FDB];
	_ =	sdelay $0x1  }
0x99: {  	s4 =	simm.s32 $_scs_section_size  }
0x9a: {  	s5 =	simm.s32 $_size__tile_overlayer_lowered;
	s6 =	simm.s32 $_tile_overlayer_lowered  }
0x9b: {  	s22 =	simm.s32 $0x1BFF;
	s21 =	sshll.u32 s6, $0x1;
	s3 =	sadd.s32 s4, s19  }
0x9c: {  	s7 =	simm.s32 $0x0;
	s20 =	sshll.u32 s5, $0x1;
	s5 =	sadd.s32 s21, s3  }
0x9d: {  	[timem:s7], [sflag:s22] =	dma.local [hbm:s5], s20  }
0x9e: {  	_ =	swait.ge [sflag:s22], s20  }
0x9f: {  	s4 =	ssub.s32 $0x0, s20;
	[sflag:s22] =	ssyncset.done $0x0  }
0xa0: {  	[sflag:s22] =	ssyncadd.s32 s4;
	_ =	sdelay $0x1  }
0xa1: {  	s23 =	simm.s32 $0x1B8B  }
0xa2: {  	_ =	swait.ge [sflag:s23], $0x1  }
0xa3: {  	[sflag:s23] =	ssyncset.done $0x0  }
0xa4: {  	s25 =	simm.s32 $0x1B8E;
	s24 =	sld [smem:$0x3FFE];
	[sflag:s23] =	ssyncadd.s32 $0xFFFFFFFF  }
0xa5: {  	s26 =	simm.s32 $execute0_lowered;
	[smem:$0x3FD2] =	sst s25  }
0xa6: {  	s5 =	sshll.u32 s26, $0x1;
	_ =	strace $0x80000049;
	[dreg:$0x1] =	wrdreg $0xFFFFFFFF  }
0xa7: {  	s28 =	simm.s32 $_size_execute0_lowered;
	s3 =	sadd.s32 s3, s5;
	[dreg:$0x0] =	wrdreg $0x0  }
0xa8: {  	s5 =	sshll.u32 s28, $0x1;
	[dreg:$0x2] =	wrdreg s3  }
0xa9: {  	[dreg:$0x3] =	wrdreg s5  }
0xaa: {  	[dreg:$0x4] =	wrdreg $0xC0  }
0xab: {  	_ =	task [dreg:s7], $0x5FFFF  }
0xac: {  	[dreg:$0x1] =	wrdreg $0xFFFFFFFF  }
0xad: {  	[dreg:$0x0] =	wrdreg $0x60  }
0xae: {  	[dreg:$0x2] =	wrdreg s24  }
0xaf: {  	[dreg:$0x3] =	wrdreg s2  }
0xb0: {  	[dreg:$0x4] =	wrdreg $0x90000  }
0xb1: {  	[dreg:$0x5] =	wrdreg $0x9  }
0xb2: {  	_ =	task.clear_ibuf [dreg:s7], $0x6FFFF;
	_ =	strace $0x90000049  }
0xb3: {  	s29 =	simm.s32 $0x9;
	_ =	strace $0x8000004B  }
0xb4: {  	_ =	swait.ge [sflag:s29], $0x1  }
0xb5: {  	[sflag:s29] =	ssyncadd.s32 $0xFFFFFFFF  }
0xb6: {  	_ =	strace $0x9000004B  }
0xb7: {  	_ =	sfence  }
0xb8: {  	s30 =	sld [smem:$0x0];
	_ =	sdelay $0x2  }
0xb9: {  	s31 =	sshll.u32 s1, $0xD;
	s1 =	sshrl.u32 s1, $0x2  }
0xba: {  	s3 =	sand.u32 $0x4000, s31;
	s1 =	sadd.s32 s1, s30  }
0xbb: {  	s0 =	sor.u32 s3, s0;
	s1 =	sshll.u32 s1, $0x11  }
0xbc: {  	s0 =	sor.u32 s1, s0  }
0xbd: {  	s0 =	sadd.s32 $0x8F2B, s0  }
0xbe: {  	[sflag:s0] =	ssyncadd.remote.s32 $0x1  }
0xbf: {  	_ =	sfence.sel $0xFFFF  }
0xc0: {  	[dreg:$0x0] =	wrdreg $0xFFFFFFFF;
	(pc) =	sbr.abs _section_cstart, $3  }
0xc1: {  	[dreg:$0x1] =	wrdreg $0xFFFFFFFF  }
0xc2: {  	_ =	task.clear_ibuf [dreg:s7], $0x2FFFF;
	_ =	strace $0x9FFFFFFF  }
0xc3: {  	(tm) =	ssettm $0x7FFFFFFF  }
tec
execute0_lowered:
.L_overlay_start_1:
0x0: {  	(tag) =	ssettag $0x1  }
0x1: {  	s0 =	rddreg [dreg:$0x0]  }
0x2: {  	s7 =	rddreg [dreg:$0x1]  }
0x3: {  	s1 =	rddreg [dreg:$0x2]  }
0x4: {  	s2 =	srdreg.scid;
	s3 =	simm.s32 $0x0;
	s13 =	stileid.u32  }
0x5: {  	s22 =	simm.s32 $0x100;
	s28 =	simm.s32 $0xC00;
	s29 =	simm.s32 $0x1  }
0x6: {  	s8 =	sand.u32 $0x1, s2;
	[smem:$0x7FF] =	sst s3;
	s5 =	smul.u32 $0x50000, s13  }
0x7: {  	s9 =	sadd.s32 $0x4200, s0;
	s6 =	smul.u32 $0x14000, s13;
	_ =	strace $0x8000004A  }
0x8: {  	s11 =	ssub.s32 $0x2, s8;
	[dreg:$0x8] =	wrdreg s22;
	s22 =	simm.s32 $0x480  }
0x9: {  	s12 =	sshrl.u32 s11, $0x1;
	s5 =	sshrl.u32 s5, $0x2;
	s17 =	sadd.s32 $0x4000, s6  }
0xa: {  	[dreg:$0x15] =	wrdreg s22;
	s11 =	ssub.s32 s11, s12;
	s19 =	sadd.s32 s17, s1  }
0xb: {  	s5 =	sadd.s32 s5, s1;
	s11 =	smax.u32 s11, $0x1;
	[smem:$0x7F7] =	sst s19  }
0xc: {  	s25 =	smul.u32 $0xA, s13;
	s26 =	sadd.s32 $0x4000, s5;
	[dreg:$0x1c] =	wrdreg s11  }
0xd: {  	s2 =	sshll.u32 s8, $0x4;
	s12 =	sadd.s32 $0x8000, s5;
	[dreg:$0x1d] =	wrdreg s26  }
0xe: {  	s2 =	sor.u32 s13, s2;
	s13 =	sadd.s32 $0xC000, s5;
	[dreg:$0x1e] =	wrdreg s12  }
0xf: {  	s10 =	smul.u32 $0x500, s2;
	s15 =	sadd.s32 $0x10000, s5;
	[dreg:$0x1f] =	wrdreg s13  }
0x10: {  	s2 =	smul.u32 $0x140000, s8;
	s19 =	simm.s32 $0xB00;
	[smem:$0x7F5] =	sst s15  }
0x11: {  	s8 =	smul.u32 $0xA0, s8;
	s24 =	sadd.s32 s9, s10;
	[dreg:$0x13] =	wrdreg s19  }
0x12: {  	s23 =	sadd.s32 $0x8000, s6;
	s10 =	sadd.s32 s7, s10;
	[dreg:$0x1a] =	wrdreg s24  }
0x13: {  	s8 =	sadd.s32 s25, s8;
	s25 =	sadd.s32 s23, s1;
	[dreg:$0x1b] =	wrdreg s10  }
0x14: {  	s30 =	simm.s32 $0x5000;
	s26 =	simm.s32 $0x180;
	[smem:$0x7F9] =	sst s25  }
0x15: {  	s31 =	simm.s32 $0x2;
	s13 =	simm.s32 $0x280;
	[dreg:$0xa] =	wrdreg s26  }
0x16: {  	s14 =	sadd.s32 s2, s6;
	s15 =	simm.s32 $0xA00;
	[dreg:$0xe] =	wrdreg s13  }
0x17: {  	s12 =	sadd.s32 $0xC000, s6;
	s24 =	simm.s32 $0x880;
	[dreg:$0xf] =	wrdreg s15  }
0x18: {  	s16 =	sshrl.u32 s14, $0x3;
	s14 =	sadd.s32 s12, s1;
	[dreg:$0x9] =	wrdreg s24  }
0x19: {  	s4 =	sadd.s32 $0x35400, s0;
	s25 =	simm.s32 $0x580;
	[smem:$0x7FB] =	sst s14  }
0x1a: {  	s0 =	sadd.s32 $0x5C600, s0;
	s26 =	simm.s32 $0xD00;
	[dreg:$0x18] =	wrdreg s25  }
0x1b: {  	s22 =	simm.s32 $0x1000;
	s10 =	sadd.s32 s0, s16;
	[dreg:$0x19] =	wrdreg s26  }
0x1c: {  	s8 =	sshll.u32 s8, $0x7;
	s16 =	simm.s32 $0x300;
	[smem:$0x7F6] =	sst s10  }
0x1d: {  	s18 =	sadd.s32 $0x100, s8;
	s24 =	simm.s32 $0xC80;
	[dreg:$0x10] =	wrdreg s16  }
0x1e: {  	s6 =	sadd.s32 $0x10000, s6;
	s20 =	sadd.s32 s18, s9;
	[dreg:$0x17] =	wrdreg s24  }
0x1f: {  	s13 =	simm.s32 $0x0;
	s11 =	sadd.s32 s18, s7;
	[dreg:$0x4] =	wrdreg s20  }
0x20: {  	s10 =	sadd.s32 s2, s17;
	s17 =	simm.s32 $0xA80;
	[dreg:$0x5] =	wrdreg s11  }
0x21: {  	s9 =	sadd.s32 s8, s9;
	s18 =	simm.s32 $0x380;
	[dreg:$0x11] =	wrdreg s17  }
0x22: {  	s7 =	sadd.s32 s8, s7;
	s9 =	sadd.s32 $0x80, s9;
	[dreg:$0x12] =	wrdreg s18  }
0x23: {  	s25 =	simm.s32 $0x80;
	s7 =	sadd.s32 $0x80, s7;
	[dreg:$0x6] =	wrdreg s9  }
0x24: {  	s21 =	sshrl.u32 s10, $0x3;
	s10 =	simm.s32 $0x200;
	[dreg:$0x7] =	wrdreg s7  }
0x25: {  	s26 =	simm.s32 $0x400;
	s11 =	simm.s32 $0x980;
	[dreg:$0xc] =	wrdreg s10  }
0x26: {  	s24 =	simm.s32 $0x800;
	s20 =	sadd.s32 s6, s1;
	[dreg:$0xd] =	wrdreg s11  }
0x27: {  	s8 =	sadd.s32 s0, s21;
	s9 =	simm.s32 $0x900;
	[smem:$0x7FD] =	sst s20  }
0x28: {  	s21 =	simm.s32 $0xB80;
	s7 =	simm.s32 $0xE00;
	[smem:$0x7F8] =	sst s8  }
0x29: {  	s10 =	simm.s32 $0x780;
	s8 =	sadd.s32 s2, s23;
	[dreg:$0xb] =	wrdreg s9  }
0x2a: {  	[dreg:$0x14] =	wrdreg s21;
	s23 =	simm.s32 $0x500;
	s8 =	sshrl.u32 s8, $0x3  }
0x2b: {  	s11 =	simm.s32 $0xF00;
	[dreg:$0x16] =	wrdreg s23;
	s8 =	sadd.s32 s0, s8  }
0x2c: {  	s9 =	simm.s32 $0xE80;
	s23 =	simm.s32 $0x3;
	[smem:$0x7FA] =	sst s8  }
0x2d: {  	s8 =	sadd.s32 s2, s12;
	s2 =	sadd.s32 s2, s6;
	s6 =	simm.s32 $0x680  }
0x2e: {  	s12 =	simm.s32 $0xF80;
	s8 =	sshrl.u32 s8, $0x3;
	s2 =	sshrl.u32 s2, $0x3  }
0x2f: {  	s8 =	sadd.s32 s0, s8;
	s21 =	sadd.s32 s0, s2;
	s0 =	simm.s32 $0x600  }
0x30: {  	v0 =	vimm.f32 $0.0e+00;
	s2 =	simm.s32 $0xD80;
	[smem:$0x7FC] =	sst s8;
	s8 =	simm.s32 $0x700  }
.LBB2_1:
0x31: {  	s14 =	simm.s32 $0x0;
	s15 =	simm.s32 $0x200  }
.LBB2_2:
0x32: {  	p0 =	sne.s32 s15, $0xFE00;
	[tilespmem:s14+$0x1070] =	vst v0  }
0x33: {  	[tilespmem:s14+$0x1000] =	vst v0  }
0x34: {  	[tilespmem:s14+$0x1010] =	vst v0  }
.Ltmp0:
0x35: {  	[tilespmem:s14+$0x1020] =	vst v0;
	(pc) =	sbr.rel @p0 .LBB2_2-.Ltmp0, $4  }
0x36: {  	[tilespmem:s14+$0x1030] =	vst v0  }
0x37: {  	[tilespmem:s14+$0x1040] =	vst v0  }
0x38: {  	[tilespmem:s14+$0x1050] =	vst v0  }
0x39: {  	[tilespmem:s14+$0x1060] =	vst v0;
	s14 =	sshra.s32 s15, $0x2;
	s15 =	sadd.s32 $0x200, s15  }
0x3a: {  	[tilespmem:s14+$0x1070] =	vst v0  }
0x3b: {  	[tilespmem:s14+$0x1000] =	vst v0  }
0x3c: {  	[tilespmem:s14+$0x1010] =	vst v0  }
0x3d: {  	[tilespmem:s14+$0x1020] =	vst v0  }
0x3e: {  	[tilespmem:s14+$0x1030] =	vst v0  }
0x3f: {  	[tilespmem:s14+$0x1040] =	vst v0  }
0x40: {  	[tilespmem:s14+$0x1050] =	vst v0  }
0x41: {  	[tilespmem:s14+$0x1060] =	vst v0  }
0x42: {  	[spmem:s5] =	stream.linear.scatter [tilespmem:s22], [sflag:$0x3], $0x4000, $0x38;
	[tilespmem:$0x1D000] =	vst v63  }
0x43: {  	_ =	swait.ge [sflag:s23], $0x4000  }
0x44: {  	[sflag:s23] =	ssyncset.done $0x0  }
0x45: {  	s18 =	rddreg [dreg:$0x1d];
	[sflag:s23] =	ssyncadd.s32 $0xFFFFC000  }
0x46: {  	[spmem:s18] =	stream.linear.scatter [tilespmem:s22], [sflag:$0x3], $0x4000, $0x38;
	[tilespmem:$0x1D000] =	vst v63  }
0x47: {  	_ =	swait.ge [sflag:s23], $0x4000  }
0x48: {  	[sflag:s23] =	ssyncset.done $0x0  }
0x49: {  	s19 =	rddreg [dreg:$0x1e];
	[sflag:s23] =	ssyncadd.s32 $0xFFFFC000  }
0x4a: {  	[spmem:s19] =	stream.linear.scatter [tilespmem:s22], [sflag:$0x3], $0x4000, $0x38;
	[tilespmem:$0x1D000] =	vst v63  }
0x4b: {  	_ =	swait.ge [sflag:s23], $0x4000  }
0x4c: {  	[sflag:s23] =	ssyncset.done $0x0  }
0x4d: {  	s20 =	rddreg [dreg:$0x1f];
	[sflag:s23] =	ssyncadd.s32 $0xFFFFC000  }
0x4e: {  	[spmem:s20] =	stream.linear.scatter [tilespmem:s22], [sflag:$0x3], $0x4000, $0x38;
	[tilespmem:$0x1D000] =	vst v63  }
0x4f: {  	_ =	swait.ge [sflag:s23], $0x4000  }
0x50: {  	s15 =	sld [smem:$0x7F5]  }
0x51: {  	[sflag:s23] =	ssyncset.done $0x0  }
0x52: {  	[sflag:s23] =	ssyncadd.s32 $0xFFFFC000  }
0x53: {  	[spmem:s15] =	stream.linear.scatter [tilespmem:s22], [sflag:$0x3], $0x4000, $0x38;
	[tilespmem:$0x1D000] =	vst v63  }
0x54: {  	_ =	swait.ge [sflag:s23], $0x4000  }
0x55: {  	[sflag:s23] =	ssyncset.done $0x0  }
0x56: {  	[sflag:s23] =	ssyncadd.s32 $0xFFFFC000  }
0x57: {  	[bflag:$0x0] =	sbarrier.arrive $0xFFFF  }
0x58: {  	s16 =	simm.s32 $0x0;
	s15 =	rddreg [dreg:$0x1a]  }
0x59: {  	[tilespmem:s16], [sflag:$0x3] =	stream.linear.gather [hbm4b:s15+s16], $0x400, $0x38;
	[tilespmem:$0x1D000] =	vst v63  }
0x5a: {  	_ =	swait.ge [sflag:s23], $0x400  }
0x5b: {  	[sflag:s23] =	ssyncset.done $0x0  }
0x5c: {  	s17 =	rddreg [dreg:$0x1b];
	[sflag:s23] =	ssyncadd.s32 $0xFFFFFC00  }
0x5d: {  	[tilespmem:s24], [sflag:$0x3] =	stream.linear.gather [hbm4b:s17+s16], $0x400, $0x38;
	[tilespmem:$0x1D000] =	vst v63  }
0x5e: {  	_ =	swait.ge [sflag:s23], $0x400  }
0x5f: {  	[sflag:s23] =	ssyncset.done $0x0  }
0x60: {  	s18 =	rddreg [dreg:$0x6];
	[sflag:s23] =	ssyncadd.s32 $0xFFFFFC00  }
0x61: {  	[tilespmem:s22], [sflag:$0x1] =	stream.indirect.gather [hbm4b:s4+s25], $0x80, s16, s25, $0xb8;
	[tilespmem:$0x1D000] =	vst v63  }
0x62: {  	s19 =	sadd.s32 $0x0, s18  }
0x63: {  	[tilespmem:s26], [sflag:$0x3] =	stream.linear.gather [hbm4b:s19+s3], $0x400, $0x38;
	[tilespmem:$0x1D000] =	vst v63  }
0x64: {  	_ =	swait.ge [sflag:s23], $0x400  }
0x65: {  	s20 =	rddreg [dreg:$0x7];
	[sflag:s23] =	ssyncset.done $0x0  }
0x66: {  	[sflag:s23] =	ssyncadd.s32 $0xFFFFFC00;
	s14 =	sadd.s32 $0x0, s20  }
0x67: {  	[tilespmem:s28], [sflag:$0x3] =	stream.linear.gather [hbm4b:s14+s3], $0x400, $0x38;
	[tilespmem:$0x1D000] =	vst v63  }
0x68: {  	_ =	swait.ge [sflag:s23], $0x400  }
0x69: {  	[sflag:s23] =	ssyncset.done $0x0  }
0x6a: {  	[sflag:s23] =	ssyncadd.s32 $0xFFFFFC00  }
0x6b: {  	_ =	swait.ge [sflag:s29], $0x4000  }
0x6c: {  	[sflag:s29] =	ssyncset.done $0x0  }
0x6d: {  	[sflag:s29] =	ssyncadd.s32 $0xFFFFC000  }
0x6e: {  	[tilespmem:s30], [sflag:$0x2] =	stream.indirect.gather [hbm4b:s4+s25], $0x80, s25, s25, $0xb8;
	[tilespmem:$0x1D000] =	vst v63  }
0x6f: {  	_ = 	snop  }
0x70: {  	[spmem:s1] =	stream.indirect.scatter.add.f32 [tilespmem:s22], [sflag:$0x3], $0x80, s24, s25, $0xb8;
	[tilespmem:$0x1D000] =	vst v63  }
0x71: {  	_ =	swait.ge [sflag:s23], $0x4000  }
0x72: {  	[sflag:s23] =	ssyncset.done $0x0  }
0x73: {  	[sflag:s23] =	ssyncadd.s32 $0xFFFFC000  }
0x74: {  	_ =	swait.ge [sflag:s31], $0x4000  }
0x75: {  	[sflag:s31] =	ssyncset.done $0x0  }
0x76: {  	s15 =	rddreg [dreg:$0x8];
	[sflag:s31] =	ssyncadd.s32 $0xFFFFC000  }
0x77: {  	[tilespmem:s22], [sflag:$0x1] =	stream.indirect.gather [hbm4b:s4+s25], $0x80, s15, s25, $0xb8;
	[tilespmem:$0x1D000] =	vst v63  }
0x78: {  	s16 =	rddreg [dreg:$0x9]  }
0x79: {  	[spmem:s1] =	stream.indirect.scatter.add.f32 [tilespmem:s30], [sflag:$0x3], $0x80, s16, s25, $0xb8;
	[tilespmem:$0x1D000] =	vst v63  }
0x7a: {  	_ =	swait.ge [sflag:s23], $0x4000  }
0x7b: {  	[sflag:s23] =	ssyncset.done $0x0  }
0x7c: {  	[sflag:s23] =	ssyncadd.s32 $0xFFFFC000  }
0x7d: {  	_ =	swait.ge [sflag:s29], $0x4000  }
0x7e: {  	[sflag:s29] =	ssyncset.done $0x0  }
0x7f: {  	s17 =	rddreg [dreg:$0xa];
	[sflag:s29] =	ssyncadd.s32 $0xFFFFC000  }
0x80: {  	[tilespmem:s30], [sflag:$0x2] =	stream.indirect.gather [hbm4b:s4+s25], $0x80, s17, s25, $0xb8;
	[tilespmem:$0x1D000] =	vst v63  }
0x81: {  	s18 =	rddreg [dreg:$0xb]  }
0x82: {  	[spmem:s1] =	stream.indirect.scatter.add.f32 [tilespmem:s22], [sflag:$0x3], $0x80, s18, s25, $0xb8;
	[tilespmem:$0x1D000] =	vst v63  }
0x83: {  	_ =	swait.ge [sflag:s23], $0x4000  }
0x84: {  	[sflag:s23] =	ssyncset.done $0x0  }
0x85: {  	[sflag:s23] =	ssyncadd.s32 $0xFFFFC000  }
0x86: {  	_ =	swait.ge [sflag:s31], $0x4000  }
0x87: {  	[sflag:s31] =	ssyncset.done $0x0  }
0x88: {  	s19 =	rddreg [dreg:$0xc];
	[sflag:s31] =	ssyncadd.s32 $0xFFFFC000  }
0x89: {  	[tilespmem:s22], [sflag:$0x1] =	stream.indirect.gather [hbm4b:s4+s25], $0x80, s19, s25, $0xb8;
	[tilespmem:$0x1D000] =	vst v63  }
0x8a: {  	s20 =	rddreg [dreg:$0xd]  }
0x8b: {  	[spmem:s1] =	stream.indirect.scatter.add.f32 [tilespmem:s30], [sflag:$0x3], $0x80, s20, s25, $0xb8;
	[tilespmem:$0x1D000] =	vst v63  }
0x8c: {  	_ =	swait.ge [sflag:s23], $0x4000  }
0x8d: {  	[sflag:s23] =	ssyncset.done $0x0  }
0x8e: {  	[sflag:s23] =	ssyncadd.s32 $0xFFFFC000  }
0x8f: {  	_ =	swait.ge [sflag:s29], $0x4000  }
0x90: {  	[sflag:s29] =	ssyncset.done $0x0  }
0x91: {  	s15 =	rddreg [dreg:$0xe];
	[sflag:s29] =	ssyncadd.s32 $0xFFFFC000  }
0x92: {  	[tilespmem:s30], [sflag:$0x2] =	stream.indirect.gather [hbm4b:s4+s25], $0x80, s15, s25, $0xb8;
	[tilespmem:$0x1D000] =	vst v63  }
0x93: {  	s16 =	rddreg [dreg:$0xf]  }
0x94: {  	[spmem:s1] =	stream.indirect.scatter.add.f32 [tilespmem:s22], [sflag:$0x3], $0x80, s16, s25, $0xb8;
	[tilespmem:$0x1D000] =	vst v63  }
0x95: {  	_ =	swait.ge [sflag:s23], $0x4000  }
0x96: {  	[sflag:s23] =	ssyncset.done $0x0  }
0x97: {  	[sflag:s23] =	ssyncadd.s32 $0xFFFFC000  }
0x98: {  	_ =	swait.ge [sflag:s31], $0x4000  }
0x99: {  	[sflag:s31] =	ssyncset.done $0x0  }
0x9a: {  	s17 =	rddreg [dreg:$0x10];
	[sflag:s31] =	ssyncadd.s32 $0xFFFFC000  }
0x9b: {  	[tilespmem:s22], [sflag:$0x1] =	stream.indirect.gather [hbm4b:s4+s25], $0x80, s17, s25, $0xb8;
	[tilespmem:$0x1D000] =	vst v63  }
0x9c: {  	s18 =	rddreg [dreg:$0x11]  }
0x9d: {  	[spmem:s1] =	stream.indirect.scatter.add.f32 [tilespmem:s30], [sflag:$0x3], $0x80, s18, s25, $0xb8;
	[tilespmem:$0x1D000] =	vst v63  }
0x9e: {  	_ =	swait.ge [sflag:s23], $0x4000  }
0x9f: {  	[sflag:s23] =	ssyncset.done $0x0  }
0xa0: {  	[sflag:s23] =	ssyncadd.s32 $0xFFFFC000  }
0xa1: {  	_ =	swait.ge [sflag:s29], $0x4000  }
0xa2: {  	[sflag:s29] =	ssyncset.done $0x0  }
0xa3: {  	s19 =	rddreg [dreg:$0x12];
	[sflag:s29] =	ssyncadd.s32 $0xFFFFC000  }
0xa4: {  	[tilespmem:s30], [sflag:$0x2] =	stream.indirect.gather [hbm4b:s4+s25], $0x80, s19, s25, $0xb8;
	[tilespmem:$0x1D000] =	vst v63  }
0xa5: {  	s20 =	rddreg [dreg:$0x13]  }
0xa6: {  	[spmem:s1] =	stream.indirect.scatter.add.f32 [tilespmem:s22], [sflag:$0x3], $0x80, s20, s25, $0xb8;
	[tilespmem:$0x1D000] =	vst v63  }
0xa7: {  	_ =	swait.ge [sflag:s23], $0x4000  }
0xa8: {  	[sflag:s23] =	ssyncset.done $0x0  }
0xa9: {  	[sflag:s23] =	ssyncadd.s32 $0xFFFFC000  }
0xaa: {  	_ =	swait.ge [sflag:s31], $0x4000  }
0xab: {  	[sflag:s31] =	ssyncset.done $0x0  }
0xac: {  	[sflag:s31] =	ssyncadd.s32 $0xFFFFC000  }
0xad: {  	[tilespmem:s22], [sflag:$0x1] =	stream.indirect.gather [hbm4b:s4+s25], $0x80, s26, s25, $0xb8;
	[tilespmem:$0x1D000] =	vst v63  }
0xae: {  	s15 =	rddreg [dreg:$0x14]  }
0xaf: {  	[spmem:s1] =	stream.indirect.scatter.add.f32 [tilespmem:s30], [sflag:$0x3], $0x80, s15, s25, $0xb8;
	[tilespmem:$0x1D000] =	vst v63  }
0xb0: {  	_ =	swait.ge [sflag:s23], $0x4000  }
0xb1: {  	p0 =	por $0x0, $0x0;
	s14 =	rddreg [dreg:$0x4];
	[sflag:s23] =	ssyncset.done $0x0  }
0xb2: {  	[sflag:s23] =	ssyncadd.s32 $0xFFFFC000;
	s15 =	sadd.s32 @!p0 $0x0, s14;
	s14 =	simm.s32 @!p0 $0x0  }
0xb3: {  	[tilespmem:s14], [sflag:$0x3] =	stream.linear.gather @!p0 [hbm4b:s15+s14], $0x400, $0x38;
	[tilespmem:$0x1D000] =	vst v63  }
0xb4: {  	s15 =	simm.s32 @!p0 $0x3  }
0xb5: {  	_ =	swait.ge @!p0 [sflag:s15], $0x400  }
0xb6: {  	s16 =	rddreg [dreg:$0x5];
	[sflag:s15] =	ssyncset.done @!p0 $0x0  }
0xb7: {  	s17 =	simm.s32 @!p0 $0x800;
	[sflag:s15] =	ssyncadd.s32 @!p0 $0xFFFFFC00;
	s16 =	sadd.s32 @!p0 $0x0, s16  }
0xb8: {  	[tilespmem:s17], [sflag:$0x3] =	stream.linear.gather @!p0 [hbm4b:s16+s14], $0x400, $0x38;
	[tilespmem:$0x1D000] =	vst v63  }
0xb9: {  	_ =	swait.ge @!p0 [sflag:s15], $0x400  }
0xba: {  	[sflag:s15] =	ssyncset.done @!p0 $0x0  }
0xbb: {  	[sflag:s15] =	ssyncadd.s32 @!p0 $0xFFFFFC00  }
0xbc: {  	_ =	swait.ge [sflag:s29], $0x4000  }
0xbd: {  	[sflag:s29] =	ssyncset.done $0x0  }
0xbe: {  	s16 =	rddreg [dreg:$0x15];
	[sflag:s29] =	ssyncadd.s32 $0xFFFFC000  }
0xbf: {  	[tilespmem:s30], [sflag:$0x2] =	stream.indirect.gather [hbm4b:s4+s25], $0x80, s16, s25, $0xb8;
	[tilespmem:$0x1D000] =	vst v63  }
0xc0: {  	_ = 	snop  }
0xc1: {  	[spmem:s1] =	stream.indirect.scatter.add.f32 [tilespmem:s22], [sflag:$0x3], $0x80, s28, s25, $0xb8;
	[tilespmem:$0x1D000] =	vst v63  }
0xc2: {  	_ =	swait.ge [sflag:s23], $0x4000  }
0xc3: {  	[sflag:s23] =	ssyncset.done $0x0  }
0xc4: {  	[sflag:s23] =	ssyncadd.s32 $0xFFFFC000  }
0xc5: {  	_ =	swait.ge [sflag:s31], $0x4000  }
0xc6: {  	[sflag:s31] =	ssyncset.done $0x0  }
0xc7: {  	s17 =	rddreg [dreg:$0x16];
	[sflag:s31] =	ssyncadd.s32 $0xFFFFC000  }
0xc8: {  	[tilespmem:s22], [sflag:$0x1] =	stream.indirect.gather [hbm4b:s4+s25], $0x80, s17, s25, $0xb8;
	[tilespmem:$0x1D000] =	vst v63  }
0xc9: {  	s18 =	rddreg [dreg:$0x17]  }
0xca: {  	[spmem:s1] =	stream.indirect.scatter.add.f32 [tilespmem:s30], [sflag:$0x3], $0x80, s18, s25, $0xb8;
	[tilespmem:$0x1D000] =	vst v63  }
0xcb: {  	_ =	swait.ge [sflag:s23], $0x4000  }
0xcc: {  	[sflag:s23] =	ssyncset.done $0x0  }
0xcd: {  	[sflag:s23] =	ssyncadd.s32 $0xFFFFC000  }
0xce: {  	_ =	swait.ge [sflag:s29], $0x4000  }
0xcf: {  	[sflag:s29] =	ssyncset.done $0x0  }
0xd0: {  	s19 =	rddreg [dreg:$0x18];
	[sflag:s29] =	ssyncadd.s32 $0xFFFFC000  }
0xd1: {  	[tilespmem:s30], [sflag:$0x2] =	stream.indirect.gather [hbm4b:s4+s25], $0x80, s19, s25, $0xb8;
	[tilespmem:$0x1D000] =	vst v63  }
0xd2: {  	s20 =	rddreg [dreg:$0x19]  }
0xd3: {  	[spmem:s1] =	stream.indirect.scatter.add.f32 [tilespmem:s22], [sflag:$0x3], $0x80, s20, s25, $0xb8;
	[tilespmem:$0x1D000] =	vst v63  }
0xd4: {  	_ =	swait.ge [sflag:s23], $0x4000  }
0xd5: {  	[sflag:s23] =	ssyncset.done $0x0  }
0xd6: {  	[sflag:s23] =	ssyncadd.s32 $0xFFFFC000  }
0xd7: {  	_ =	swait.ge [sflag:s31], $0x4000  }
0xd8: {  	[sflag:s31] =	ssyncset.done $0x0  }
0xd9: {  	[sflag:s31] =	ssyncadd.s32 $0xFFFFC000  }
0xda: {  	[tilespmem:s22], [sflag:$0x1] =	stream.indirect.gather [hbm4b:s4+s25], $0x80, s0, s25, $0xb8;
	[tilespmem:$0x1D000] =	vst v63  }
0xdb: {  	_ = 	snop  }
0xdc: {  	[spmem:s1] =	stream.indirect.scatter.add.f32 [tilespmem:s30], [sflag:$0x3], $0x80, s2, s25, $0xb8;
	[tilespmem:$0x1D000] =	vst v63  }
0xdd: {  	_ =	swait.ge [sflag:s23], $0x4000  }
0xde: {  	[sflag:s23] =	ssyncset.done $0x0  }
0xdf: {  	[sflag:s23] =	ssyncadd.s32 $0xFFFFC000  }
0xe0: {  	_ =	swait.ge [sflag:s29], $0x4000  }
0xe1: {  	[sflag:s29] =	ssyncset.done $0x0  }
0xe2: {  	[sflag:s29] =	ssyncadd.s32 $0xFFFFC000  }
0xe3: {  	[tilespmem:s30], [sflag:$0x2] =	stream.indirect.gather [hbm4b:s4+s25], $0x80, s6, s25, $0xb8;
	[tilespmem:$0x1D000] =	vst v63  }
0xe4: {  	_ = 	snop  }
0xe5: {  	[spmem:s1] =	stream.indirect.scatter.add.f32 [tilespmem:s22], [sflag:$0x3], $0x80, s7, s25, $0xb8;
	[tilespmem:$0x1D000] =	vst v63  }
0xe6: {  	_ =	swait.ge [sflag:s23], $0x4000  }
0xe7: {  	[sflag:s23] =	ssyncset.done $0x0  }
0xe8: {  	[sflag:s23] =	ssyncadd.s32 $0xFFFFC000  }
0xe9: {  	_ =	swait.ge [sflag:s31], $0x4000  }
0xea: {  	[sflag:s31] =	ssyncset.done $0x0  }
0xeb: {  	[sflag:s31] =	ssyncadd.s32 $0xFFFFC000  }
0xec: {  	[tilespmem:s22], [sflag:$0x1] =	stream.indirect.gather [hbm4b:s4+s25], $0x80, s8, s25, $0xb8;
	[tilespmem:$0x1D000] =	vst v63  }
0xed: {  	_ = 	snop  }
0xee: {  	[spmem:s1] =	stream.indirect.scatter.add.f32 [tilespmem:s30], [sflag:$0x3], $0x80, s9, s25, $0xb8;
	[tilespmem:$0x1D000] =	vst v63  }
0xef: {  	_ =	swait.ge [sflag:s23], $0x4000  }
0xf0: {  	[sflag:s23] =	ssyncset.done $0x0  }
0xf1: {  	[sflag:s23] =	ssyncadd.s32 $0xFFFFC000  }
0xf2: {  	_ =	swait.ge [sflag:s29], $0x4000  }
0xf3: {  	[sflag:s29] =	ssyncset.done $0x0  }
0xf4: {  	[sflag:s29] =	ssyncadd.s32 $0xFFFFC000  }
0xf5: {  	[tilespmem:s30], [sflag:$0x2] =	stream.indirect.gather [hbm4b:s4+s25], $0x80, s10, s25, $0xb8;
	[tilespmem:$0x1D000] =	vst v63  }
0xf6: {  	_ = 	snop  }
0xf7: {  	[spmem:s1] =	stream.indirect.scatter.add.f32 [tilespmem:s22], [sflag:$0x3], $0x80, s11, s25, $0xb8;
	[tilespmem:$0x1D000] =	vst v63  }
0xf8: {  	_ =	swait.ge [sflag:s23], $0x4000  }
0xf9: {  	[sflag:s23] =	ssyncset.done $0x0  }
0xfa: {  	[sflag:s23] =	ssyncadd.s32 $0xFFFFC000  }
0xfb: {  	_ =	swait.ge [sflag:s31], $0x4000  }
0xfc: {  	[sflag:s31] =	ssyncset.done $0x0  }
0xfd: {  	s15 =	simm.s32 @!p0 $0x80;
	s16 =	simm.s32 @!p0 $0x1000;
	[sflag:s31] =	ssyncadd.s32 $0xFFFFC000  }
0xfe: {  	[tilespmem:s16], [sflag:$0x1] =	stream.indirect.gather @!p0 [hbm4b:s4+s15], $0x80, s14, s15, $0xb8;
	[tilespmem:$0x1D000] =	vst v63  }
0xff: {  	_ = 	snop  }
0x100: {  	[spmem:s1] =	stream.indirect.scatter.add.f32 [tilespmem:s30], [sflag:$0x3], $0x80, s12, s25, $0xb8;
	[tilespmem:$0x1D000] =	vst v63  }
0x101: {  	s14 =	simm.s32 $0x100;
	s15 =	simm.s32 $0x200;
	_ =	swait.ge [sflag:s23], $0x4000  }
.LBB2_4:
0x102: {  	s17 =	rddreg [dreg:$0x6];
	[sflag:s23] =	ssyncset.done $0x0  }
0x103: {  	[sflag:s23] =	ssyncadd.s32 $0xFFFFC000;
	s17 =	sadd.s32 s14, s17  }
0x104: {  	[tilespmem:s26], [sflag:$0x3] =	stream.linear.gather [hbm4b:s17+s3], $0x400, $0x38;
	[tilespmem:$0x1D000] =	vst v63  }
0x105: {  	_ =	swait.ge [sflag:s23], $0x400  }
0x106: {  	s19 =	rddreg [dreg:$0x7];
	[sflag:s23] =	ssyncset.done $0x0  }
0x107: {  	[sflag:s23] =	ssyncadd.s32 $0xFFFFFC00;
	s17 =	sadd.s32 s14, s19  }
0x108: {  	[tilespmem:s28], [sflag:$0x3] =	stream.linear.gather [hbm4b:s17+s3], $0x400, $0x38;
	[tilespmem:$0x1D000] =	vst v63  }
0x109: {  	_ =	swait.ge [sflag:s23], $0x400  }
0x10a: {  	[sflag:s23] =	ssyncset.done $0x0  }
0x10b: {  	[sflag:s23] =	ssyncadd.s32 $0xFFFFFC00  }
0x10c: {  	_ =	swait.ge [sflag:s29], $0x4000  }
0x10d: {  	[sflag:s29] =	ssyncset.done $0x0  }
0x10e: {  	[sflag:s29] =	ssyncadd.s32 $0xFFFFC000  }
0x10f: {  	[tilespmem:s30], [sflag:$0x2] =	stream.indirect.gather [hbm4b:s4+s25], $0x80, s25, s25, $0xb8;
	[tilespmem:$0x1D000] =	vst v63  }
0x110: {  	_ = 	snop  }
0x111: {  	[spmem:s1] =	stream.indirect.scatter.add.f32 [tilespmem:s22], [sflag:$0x3], $0x80, s24, s25, $0xb8;
	[tilespmem:$0x1D000] =	vst v63  }
0x112: {  	_ =	swait.ge [sflag:s23], $0x4000  }
0x113: {  	[sflag:s23] =	ssyncset.done $0x0  }
0x114: {  	[sflag:s23] =	ssyncadd.s32 $0xFFFFC000  }
0x115: {  	_ =	swait.ge [sflag:s31], $0x4000  }
0x116: {  	[sflag:s31] =	ssyncset.done $0x0  }
0x117: {  	s20 =	rddreg [dreg:$0x8];
	[sflag:s31] =	ssyncadd.s32 $0xFFFFC000  }
0x118: {  	[tilespmem:s22], [sflag:$0x1] =	stream.indirect.gather [hbm4b:s4+s25], $0x80, s20, s25, $0xb8;
	[tilespmem:$0x1D000] =	vst v63  }
0x119: {  	s18 =	rddreg [dreg:$0x9]  }
0x11a: {  	[spmem:s1] =	stream.indirect.scatter.add.f32 [tilespmem:s30], [sflag:$0x3], $0x80, s18, s25, $0xb8;
	[tilespmem:$0x1D000] =	vst v63  }
0x11b: {  	_ =	swait.ge [sflag:s23], $0x4000  }
0x11c: {  	[sflag:s23] =	ssyncset.done $0x0  }
0x11d: {  	[sflag:s23] =	ssyncadd.s32 $0xFFFFC000  }
0x11e: {  	_ =	swait.ge [sflag:s29], $0x4000  }
0x11f: {  	[sflag:s29] =	ssyncset.done $0x0  }
0x120: {  	s19 =	rddreg [dreg:$0xa];
	[sflag:s29] =	ssyncadd.s32 $0xFFFFC000  }
0x121: {  	[tilespmem:s30], [sflag:$0x2] =	stream.indirect.gather [hbm4b:s4+s25], $0x80, s19, s25, $0xb8;
	[tilespmem:$0x1D000] =	vst v63  }
0x122: {  	s20 =	rddreg [dreg:$0xb]  }
0x123: {  	[spmem:s1] =	stream.indirect.scatter.add.f32 [tilespmem:s22], [sflag:$0x3], $0x80, s20, s25, $0xb8;
	[tilespmem:$0x1D000] =	vst v63  }
0x124: {  	_ =	swait.ge [sflag:s23], $0x4000  }
0x125: {  	[sflag:s23] =	ssyncset.done $0x0  }
0x126: {  	[sflag:s23] =	ssyncadd.s32 $0xFFFFC000  }
0x127: {  	_ =	swait.ge [sflag:s31], $0x4000  }
0x128: {  	[sflag:s31] =	ssyncset.done $0x0  }
0x129: {  	s19 =	rddreg [dreg:$0xc];
	[sflag:s31] =	ssyncadd.s32 $0xFFFFC000  }
0x12a: {  	[tilespmem:s22], [sflag:$0x1] =	stream.indirect.gather [hbm4b:s4+s25], $0x80, s19, s25, $0xb8;
	[tilespmem:$0x1D000] =	vst v63  }
0x12b: {  	s20 =	rddreg [dreg:$0xd]  }
0x12c: {  	[spmem:s1] =	stream.indirect.scatter.add.f32 [tilespmem:s30], [sflag:$0x3], $0x80, s20, s25, $0xb8;
	[tilespmem:$0x1D000] =	vst v63  }
0x12d: {  	_ =	swait.ge [sflag:s23], $0x4000  }
0x12e: {  	[sflag:s23] =	ssyncset.done $0x0  }
0x12f: {  	[sflag:s23] =	ssyncadd.s32 $0xFFFFC000  }
0x130: {  	_ =	swait.ge [sflag:s29], $0x4000  }
0x131: {  	[sflag:s29] =	ssyncset.done $0x0  }
0x132: {  	s19 =	rddreg [dreg:$0xe];
	[sflag:s29] =	ssyncadd.s32 $0xFFFFC000  }
0x133: {  	[tilespmem:s30], [sflag:$0x2] =	stream.indirect.gather [hbm4b:s4+s25], $0x80, s19, s25, $0xb8;
	[tilespmem:$0x1D000] =	vst v63  }
0x134: {  	s20 =	rddreg [dreg:$0xf]  }
0x135: {  	[spmem:s1] =	stream.indirect.scatter.add.f32 [tilespmem:s22], [sflag:$0x3], $0x80, s20, s25, $0xb8;
	[tilespmem:$0x1D000] =	vst v63  }
0x136: {  	_ =	swait.ge [sflag:s23], $0x4000  }
0x137: {  	[sflag:s23] =	ssyncset.done $0x0  }
0x138: {  	[sflag:s23] =	ssyncadd.s32 $0xFFFFC000  }
0x139: {  	_ =	swait.ge [sflag:s31], $0x4000  }
0x13a: {  	[sflag:s31] =	ssyncset.done $0x0  }
0x13b: {  	s19 =	rddreg [dreg:$0x10];
	[sflag:s31] =	ssyncadd.s32 $0xFFFFC000  }
0x13c: {  	[tilespmem:s22], [sflag:$0x1] =	stream.indirect.gather [hbm4b:s4+s25], $0x80, s19, s25, $0xb8;
	[tilespmem:$0x1D000] =	vst v63  }
0x13d: {  	s20 =	rddreg [dreg:$0x11]  }
0x13e: {  	[spmem:s1] =	stream.indirect.scatter.add.f32 [tilespmem:s30], [sflag:$0x3], $0x80, s20, s25, $0xb8;
	[tilespmem:$0x1D000] =	vst v63  }
0x13f: {  	_ =	swait.ge [sflag:s23], $0x4000  }
0x140: {  	[sflag:s23] =	ssyncset.done $0x0  }
0x141: {  	[sflag:s23] =	ssyncadd.s32 $0xFFFFC000  }
0x142: {  	_ =	swait.ge [sflag:s29], $0x4000  }
0x143: {  	[sflag:s29] =	ssyncset.done $0x0  }
0x144: {  	s18 =	rddreg [dreg:$0x12];
	[sflag:s29] =	ssyncadd.s32 $0xFFFFC000  }
0x145: {  	[tilespmem:s30], [sflag:$0x2] =	stream.indirect.gather [hbm4b:s4+s25], $0x80, s18, s25, $0xb8;
	[tilespmem:$0x1D000] =	vst v63  }
0x146: {  	s19 =	rddreg [dreg:$0x13]  }
0x147: {  	[spmem:s1] =	stream.indirect.scatter.add.f32 [tilespmem:s22], [sflag:$0x3], $0x80, s19, s25, $0xb8;
	[tilespmem:$0x1D000] =	vst v63  }
0x148: {  	_ =	swait.ge [sflag:s23], $0x4000  }
0x149: {  	[sflag:s23] =	ssyncset.done $0x0  }
0x14a: {  	[sflag:s23] =	ssyncadd.s32 $0xFFFFC000  }
0x14b: {  	_ =	swait.ge [sflag:s31], $0x4000  }
0x14c: {  	[sflag:s31] =	ssyncset.done $0x0  }
0x14d: {  	[sflag:s31] =	ssyncadd.s32 $0xFFFFC000  }
0x14e: {  	[tilespmem:s22], [sflag:$0x1] =	stream.indirect.gather [hbm4b:s4+s25], $0x80, s26, s25, $0xb8;
	[tilespmem:$0x1D000] =	vst v63  }
0x14f: {  	s20 =	rddreg [dreg:$0x14]  }
0x150: {  	[spmem:s1] =	stream.indirect.scatter.add.f32 [tilespmem:s30], [sflag:$0x3], $0x80, s20, s25, $0xb8;
	[tilespmem:$0x1D000] =	vst v63  }
0x151: {  	_ =	swait.ge [sflag:s23], $0x4000  }
0x152: {  	p1 =	seq.s32 s14, $0x400;
	s17 =	rddreg [dreg:$0x4];
	[sflag:s23] =	ssyncset.done $0x0  }
0x153: {  	[sflag:s23] =	ssyncadd.s32 $0xFFFFC000;
	s18 =	sadd.s32 @!p1 s14, s17;
	s17 =	simm.s32 @!p1 $0x0  }
0x154: {  	[tilespmem:s17], [sflag:$0x3] =	stream.linear.gather @!p1 [hbm4b:s18+s17], $0x400, $0x38;
	[tilespmem:$0x1D000] =	vst v63  }
0x155: {  	s18 =	simm.s32 @!p1 $0x3  }
0x156: {  	_ =	swait.ge @!p1 [sflag:s18], $0x400  }
0x157: {  	[sflag:s18] =	ssyncset.done @!p1 $0x0;
	s19 =	rddreg [dreg:$0x5]  }
0x158: {  	s20 =	simm.s32 @!p1 $0x800;
	[sflag:s18] =	ssyncadd.s32 @!p1 $0xFFFFFC00;
	s19 =	sadd.s32 @!p1 s14, s19  }
0x159: {  	[tilespmem:s20], [sflag:$0x3] =	stream.linear.gather @!p1 [hbm4b:s19+s17], $0x400, $0x38;
	[tilespmem:$0x1D000] =	vst v63  }
0x15a: {  	_ =	swait.ge @!p1 [sflag:s18], $0x400  }
0x15b: {  	[sflag:s18] =	ssyncset.done @!p1 $0x0  }
0x15c: {  	[sflag:s18] =	ssyncadd.s32 @!p1 $0xFFFFFC00  }
0x15d: {  	_ =	swait.ge [sflag:s29], $0x4000  }
0x15e: {  	[sflag:s29] =	ssyncset.done $0x0  }
0x15f: {  	s18 =	rddreg [dreg:$0x15];
	[sflag:s29] =	ssyncadd.s32 $0xFFFFC000  }
0x160: {  	[tilespmem:s30], [sflag:$0x2] =	stream.indirect.gather [hbm4b:s4+s25], $0x80, s18, s25, $0xb8;
	[tilespmem:$0x1D000] =	vst v63  }
0x161: {  	_ = 	snop  }
0x162: {  	[spmem:s1] =	stream.indirect.scatter.add.f32 [tilespmem:s22], [sflag:$0x3], $0x80, s28, s25, $0xb8;
	[tilespmem:$0x1D000] =	vst v63  }
0x163: {  	_ =	swait.ge [sflag:s23], $0x4000  }
0x164: {  	[sflag:s23] =	ssyncset.done $0x0  }
0x165: {  	[sflag:s23] =	ssyncadd.s32 $0xFFFFC000  }
0x166: {  	_ =	swait.ge [sflag:s31], $0x4000  }
0x167: {  	[sflag:s31] =	ssyncset.done $0x0  }
0x168: {  	s19 =	rddreg [dreg:$0x16];
	[sflag:s31] =	ssyncadd.s32 $0xFFFFC000  }
0x169: {  	[tilespmem:s22], [sflag:$0x1] =	stream.indirect.gather [hbm4b:s4+s25], $0x80, s19, s25, $0xb8;
	[tilespmem:$0x1D000] =	vst v63  }
0x16a: {  	s20 =	rddreg [dreg:$0x17]  }
0x16b: {  	[spmem:s1] =	stream.indirect.scatter.add.f32 [tilespmem:s30], [sflag:$0x3], $0x80, s20, s25, $0xb8;
	[tilespmem:$0x1D000] =	vst v63  }
0x16c: {  	_ =	swait.ge [sflag:s23], $0x4000  }
0x16d: {  	[sflag:s23] =	ssyncset.done $0x0  }
0x16e: {  	[sflag:s23] =	ssyncadd.s32 $0xFFFFC000  }
0x16f: {  	_ =	swait.ge [sflag:s29], $0x4000  }
0x170: {  	[sflag:s29] =	ssyncset.done $0x0  }
0x171: {  	s19 =	rddreg [dreg:$0x18];
	[sflag:s29] =	ssyncadd.s32 $0xFFFFC000  }
0x172: {  	[tilespmem:s30], [sflag:$0x2] =	stream.indirect.gather [hbm4b:s4+s25], $0x80, s19, s25, $0xb8;
	[tilespmem:$0x1D000] =	vst v63  }
0x173: {  	s20 =	rddreg [dreg:$0x19]  }
0x174: {  	[spmem:s1] =	stream.indirect.scatter.add.f32 [tilespmem:s22], [sflag:$0x3], $0x80, s20, s25, $0xb8;
	[tilespmem:$0x1D000] =	vst v63  }
0x175: {  	_ =	swait.ge [sflag:s23], $0x4000  }
0x176: {  	[sflag:s23] =	ssyncset.done $0x0  }
0x177: {  	[sflag:s23] =	ssyncadd.s32 $0xFFFFC000  }
0x178: {  	_ =	swait.ge [sflag:s31], $0x4000  }
0x179: {  	[sflag:s31] =	ssyncset.done $0x0  }
0x17a: {  	[sflag:s31] =	ssyncadd.s32 $0xFFFFC000  }
0x17b: {  	[tilespmem:s22], [sflag:$0x1] =	stream.indirect.gather [hbm4b:s4+s25], $0x80, s0, s25, $0xb8;
	[tilespmem:$0x1D000] =	vst v63  }
0x17c: {  	_ = 	snop  }
0x17d: {  	[spmem:s1] =	stream.indirect.scatter.add.f32 [tilespmem:s30], [sflag:$0x3], $0x80, s2, s25, $0xb8;
	[tilespmem:$0x1D000] =	vst v63  }
0x17e: {  	_ =	swait.ge [sflag:s23], $0x4000  }
0x17f: {  	[sflag:s23] =	ssyncset.done $0x0  }
0x180: {  	[sflag:s23] =	ssyncadd.s32 $0xFFFFC000  }
0x181: {  	_ =	swait.ge [sflag:s29], $0x4000  }
0x182: {  	[sflag:s29] =	ssyncset.done $0x0  }
0x183: {  	[sflag:s29] =	ssyncadd.s32 $0xFFFFC000  }
0x184: {  	[tilespmem:s30], [sflag:$0x2] =	stream.indirect.gather [hbm4b:s4+s25], $0x80, s6, s25, $0xb8;
	[tilespmem:$0x1D000] =	vst v63  }
0x185: {  	_ = 	snop  }
0x186: {  	[spmem:s1] =	stream.indirect.scatter.add.f32 [tilespmem:s22], [sflag:$0x3], $0x80, s7, s25, $0xb8;
	[tilespmem:$0x1D000] =	vst v63  }
0x187: {  	_ =	swait.ge [sflag:s23], $0x4000  }
0x188: {  	[sflag:s23] =	ssyncset.done $0x0  }
0x189: {  	[sflag:s23] =	ssyncadd.s32 $0xFFFFC000  }
0x18a: {  	_ =	swait.ge [sflag:s31], $0x4000  }
0x18b: {  	[sflag:s31] =	ssyncset.done $0x0  }
0x18c: {  	[sflag:s31] =	ssyncadd.s32 $0xFFFFC000  }
0x18d: {  	[tilespmem:s22], [sflag:$0x1] =	stream.indirect.gather [hbm4b:s4+s25], $0x80, s8, s25, $0xb8;
	[tilespmem:$0x1D000] =	vst v63  }
0x18e: {  	_ = 	snop  }
0x18f: {  	[spmem:s1] =	stream.indirect.scatter.add.f32 [tilespmem:s30], [sflag:$0x3], $0x80, s9, s25, $0xb8;
	[tilespmem:$0x1D000] =	vst v63  }
0x190: {  	_ =	swait.ge [sflag:s23], $0x4000  }
0x191: {  	[sflag:s23] =	ssyncset.done $0x0  }
0x192: {  	[sflag:s23] =	ssyncadd.s32 $0xFFFFC000  }
0x193: {  	_ =	swait.ge [sflag:s29], $0x4000  }
0x194: {  	[sflag:s29] =	ssyncset.done $0x0  }
0x195: {  	[sflag:s29] =	ssyncadd.s32 $0xFFFFC000  }
0x196: {  	[tilespmem:s30], [sflag:$0x2] =	stream.indirect.gather [hbm4b:s4+s25], $0x80, s10, s25, $0xb8;
	[tilespmem:$0x1D000] =	vst v63  }
0x197: {  	_ = 	snop  }
0x198: {  	[spmem:s1] =	stream.indirect.scatter.add.f32 [tilespmem:s22], [sflag:$0x3], $0x80, s11, s25, $0xb8;
	[tilespmem:$0x1D000] =	vst v63  }
0x199: {  	_ =	swait.ge [sflag:s23], $0x4000  }
0x19a: {  	[sflag:s23] =	ssyncset.done $0x0  }
0x19b: {  	s16 =	smov.u32 s15;
	s15 =	sadd.s32 $0x100, s15;
	[sflag:s23] =	ssyncadd.s32 $0xFFFFC000  }
0x19c: {  	p0 =	sne.s32 s15, $0x500;
	_ =	swait.ge [sflag:s31], $0x4000  }
0x19d: {  	s14 =	smov.u32 s16;
	s16 =	simm.s32 @!p1 $0x80;
	[sflag:s31] =	ssyncset.done $0x0  }
.Ltmp1:
0x19e: {  	s18 =	simm.s32 @!p1 $0x1000;
	[sflag:s31] =	ssyncadd.s32 $0xFFFFC000;
	(pc) =	sbr.rel @p0 .LBB2_4-.Ltmp1, $4  }
0x19f: {  	[tilespmem:s18], [sflag:$0x1] =	stream.indirect.gather @!p1 [hbm4b:s4+s16], $0x80, s17, s16, $0xb8;
	[tilespmem:$0x1D000] =	vst v63  }
0x1a0: {  	_ = 	snop  }
0x1a1: {  	[spmem:s1] =	stream.indirect.scatter.add.f32 [tilespmem:s30], [sflag:$0x3], $0x80, s12, s25, $0xb8;
	[tilespmem:$0x1D000] =	vst v63  }
0x1a2: {  	_ =	swait.ge [sflag:s23], $0x4000  }
0x1a3: {  	s15 =	rddreg [dreg:$0x6];
	[sflag:s23] =	ssyncset.done $0x0  }
0x1a4: {  	[sflag:s23] =	ssyncadd.s32 $0xFFFFC000;
	s15 =	sadd.s32 s14, s15  }
0x1a5: {  	[tilespmem:s26], [sflag:$0x3] =	stream.linear.gather [hbm4b:s15+s3], $0x400, $0x38;
	[tilespmem:$0x1D000] =	vst v63  }
0x1a6: {  	_ =	swait.ge [sflag:s23], $0x400  }
0x1a7: {  	s17 =	rddreg [dreg:$0x7];
	[sflag:s23] =	ssyncset.done $0x0  }
0x1a8: {  	[sflag:s23] =	ssyncadd.s32 $0xFFFFFC00;
	s15 =	sadd.s32 s14, s17  }
0x1a9: {  	[tilespmem:s28], [sflag:$0x3] =	stream.linear.gather [hbm4b:s15+s3], $0x400, $0x38;
	[tilespmem:$0x1D000] =	vst v63  }
0x1aa: {  	_ =	swait.ge [sflag:s23], $0x400  }
0x1ab: {  	[sflag:s23] =	ssyncset.done $0x0  }
0x1ac: {  	[sflag:s23] =	ssyncadd.s32 $0xFFFFFC00  }
0x1ad: {  	_ =	swait.ge [sflag:s29], $0x4000  }
0x1ae: {  	[sflag:s29] =	ssyncset.done $0x0  }
0x1af: {  	[sflag:s29] =	ssyncadd.s32 $0xFFFFC000  }
0x1b0: {  	[tilespmem:s30], [sflag:$0x2] =	stream.indirect.gather [hbm4b:s4+s25], $0x80, s25, s25, $0xb8;
	[tilespmem:$0x1D000] =	vst v63  }
0x1b1: {  	_ = 	snop  }
0x1b2: {  	[spmem:s1] =	stream.indirect.scatter.add.f32 [tilespmem:s22], [sflag:$0x3], $0x80, s24, s25, $0xb8;
	[tilespmem:$0x1D000] =	vst v63  }
0x1b3: {  	_ =	swait.ge [sflag:s23], $0x4000  }
0x1b4: {  	[sflag:s23] =	ssyncset.done $0x0  }
0x1b5: {  	[sflag:s23] =	ssyncadd.s32 $0xFFFFC000  }
0x1b6: {  	_ =	swait.ge [sflag:s31], $0x4000  }
0x1b7: {  	[sflag:s31] =	ssyncset.done $0x0  }
0x1b8: {  	s18 =	rddreg [dreg:$0x8];
	[sflag:s31] =	ssyncadd.s32 $0xFFFFC000  }
0x1b9: {  	[tilespmem:s22], [sflag:$0x1] =	stream.indirect.gather [hbm4b:s4+s25], $0x80, s18, s25, $0xb8;
	[tilespmem:$0x1D000] =	vst v63  }
0x1ba: {  	s16 =	rddreg [dreg:$0x9]  }
0x1bb: {  	[spmem:s1] =	stream.indirect.scatter.add.f32 [tilespmem:s30], [sflag:$0x3], $0x80, s16, s25, $0xb8;
	[tilespmem:$0x1D000] =	vst v63  }
0x1bc: {  	_ =	swait.ge [sflag:s23], $0x4000  }
0x1bd: {  	[sflag:s23] =	ssyncset.done $0x0  }
0x1be: {  	[sflag:s23] =	ssyncadd.s32 $0xFFFFC000  }
0x1bf: {  	_ =	swait.ge [sflag:s29], $0x4000  }
0x1c0: {  	[sflag:s29] =	ssyncset.done $0x0  }
0x1c1: {  	s19 =	rddreg [dreg:$0xa];
	[sflag:s29] =	ssyncadd.s32 $0xFFFFC000  }
0x1c2: {  	[tilespmem:s30], [sflag:$0x2] =	stream.indirect.gather [hbm4b:s4+s25], $0x80, s19, s25, $0xb8;
	[tilespmem:$0x1D000] =	vst v63  }
0x1c3: {  	s20 =	rddreg [dreg:$0xb]  }
0x1c4: {  	[spmem:s1] =	stream.indirect.scatter.add.f32 [tilespmem:s22], [sflag:$0x3], $0x80, s20, s25, $0xb8;
	[tilespmem:$0x1D000] =	vst v63  }
0x1c5: {  	_ =	swait.ge [sflag:s23], $0x4000  }
0x1c6: {  	[sflag:s23] =	ssyncset.done $0x0  }
0x1c7: {  	[sflag:s23] =	ssyncadd.s32 $0xFFFFC000  }
0x1c8: {  	_ =	swait.ge [sflag:s31], $0x4000  }
0x1c9: {  	[sflag:s31] =	ssyncset.done $0x0  }
0x1ca: {  	s17 =	rddreg [dreg:$0xc];
	[sflag:s31] =	ssyncadd.s32 $0xFFFFC000  }
0x1cb: {  	[tilespmem:s22], [sflag:$0x1] =	stream.indirect.gather [hbm4b:s4+s25], $0x80, s17, s25, $0xb8;
	[tilespmem:$0x1D000] =	vst v63  }
0x1cc: {  	s18 =	rddreg [dreg:$0xd]  }
0x1cd: {  	[spmem:s1] =	stream.indirect.scatter.add.f32 [tilespmem:s30], [sflag:$0x3], $0x80, s18, s25, $0xb8;
	[tilespmem:$0x1D000] =	vst v63  }
0x1ce: {  	_ =	swait.ge [sflag:s23], $0x4000  }
0x1cf: {  	[sflag:s23] =	ssyncset.done $0x0  }
0x1d0: {  	[sflag:s23] =	ssyncadd.s32 $0xFFFFC000  }
0x1d1: {  	_ =	swait.ge [sflag:s29], $0x4000  }
0x1d2: {  	[sflag:s29] =	ssyncset.done $0x0  }
0x1d3: {  	s19 =	rddreg [dreg:$0xe];
	[sflag:s29] =	ssyncadd.s32 $0xFFFFC000  }
0x1d4: {  	[tilespmem:s30], [sflag:$0x2] =	stream.indirect.gather [hbm4b:s4+s25], $0x80, s19, s25, $0xb8;
	[tilespmem:$0x1D000] =	vst v63  }
0x1d5: {  	s20 =	rddreg [dreg:$0xf]  }
0x1d6: {  	[spmem:s1] =	stream.indirect.scatter.add.f32 [tilespmem:s22], [sflag:$0x3], $0x80, s20, s25, $0xb8;
	[tilespmem:$0x1D000] =	vst v63  }
0x1d7: {  	_ =	swait.ge [sflag:s23], $0x4000  }
0x1d8: {  	[sflag:s23] =	ssyncset.done $0x0  }
0x1d9: {  	[sflag:s23] =	ssyncadd.s32 $0xFFFFC000  }
0x1da: {  	_ =	swait.ge [sflag:s31], $0x4000  }
0x1db: {  	[sflag:s31] =	ssyncset.done $0x0  }
0x1dc: {  	s17 =	rddreg [dreg:$0x10];
	[sflag:s31] =	ssyncadd.s32 $0xFFFFC000  }
0x1dd: {  	[tilespmem:s22], [sflag:$0x1] =	stream.indirect.gather [hbm4b:s4+s25], $0x80, s17, s25, $0xb8;
	[tilespmem:$0x1D000] =	vst v63  }
0x1de: {  	s18 =	rddreg [dreg:$0x11]  }
0x1df: {  	[spmem:s1] =	stream.indirect.scatter.add.f32 [tilespmem:s30], [sflag:$0x3], $0x80, s18, s25, $0xb8;
	[tilespmem:$0x1D000] =	vst v63  }
0x1e0: {  	_ =	swait.ge [sflag:s23], $0x4000  }
0x1e1: {  	[sflag:s23] =	ssyncset.done $0x0  }
0x1e2: {  	[sflag:s23] =	ssyncadd.s32 $0xFFFFC000  }
0x1e3: {  	_ =	swait.ge [sflag:s29], $0x4000  }
0x1e4: {  	[sflag:s29] =	ssyncset.done $0x0  }
0x1e5: {  	s19 =	rddreg [dreg:$0x12];
	[sflag:s29] =	ssyncadd.s32 $0xFFFFC000  }
0x1e6: {  	[tilespmem:s30], [sflag:$0x2] =	stream.indirect.gather [hbm4b:s4+s25], $0x80, s19, s25, $0xb8;
	[tilespmem:$0x1D000] =	vst v63  }
0x1e7: {  	s20 =	rddreg [dreg:$0x13]  }
0x1e8: {  	[spmem:s1] =	stream.indirect.scatter.add.f32 [tilespmem:s22], [sflag:$0x3], $0x80, s20, s25, $0xb8;
	[tilespmem:$0x1D000] =	vst v63  }
0x1e9: {  	_ =	swait.ge [sflag:s23], $0x4000  }
0x1ea: {  	[sflag:s23] =	ssyncset.done $0x0  }
0x1eb: {  	[sflag:s23] =	ssyncadd.s32 $0xFFFFC000  }
0x1ec: {  	_ =	swait.ge [sflag:s31], $0x4000  }
0x1ed: {  	[sflag:s31] =	ssyncset.done $0x0  }
0x1ee: {  	[sflag:s31] =	ssyncadd.s32 $0xFFFFC000  }
0x1ef: {  	[tilespmem:s22], [sflag:$0x1] =	stream.indirect.gather [hbm4b:s4+s25], $0x80, s26, s25, $0xb8;
	[tilespmem:$0x1D000] =	vst v63  }
0x1f0: {  	s17 =	rddreg [dreg:$0x14]  }
0x1f1: {  	[spmem:s1] =	stream.indirect.scatter.add.f32 [tilespmem:s30], [sflag:$0x3], $0x80, s17, s25, $0xb8;
	[tilespmem:$0x1D000] =	vst v63  }
0x1f2: {  	_ =	swait.ge [sflag:s23], $0x4000  }
0x1f3: {  	p0 =	seq.s32 s14, $0x400;
	s15 =	rddreg [dreg:$0x4];
	[sflag:s23] =	ssyncset.done $0x0  }
0x1f4: {  	[sflag:s23] =	ssyncadd.s32 $0xFFFFC000;
	s16 =	sadd.s32 @!p0 s14, s15;
	s15 =	simm.s32 @!p0 $0x0  }
0x1f5: {  	[tilespmem:s15], [sflag:$0x3] =	stream.linear.gather @!p0 [hbm4b:s16+s15], $0x400, $0x38;
	[tilespmem:$0x1D000] =	vst v63  }
0x1f6: {  	s16 =	simm.s32 @!p0 $0x3  }
0x1f7: {  	_ =	swait.ge @!p0 [sflag:s16], $0x400  }
0x1f8: {  	s17 =	rddreg [dreg:$0x5];
	[sflag:s16] =	ssyncset.done @!p0 $0x0  }
0x1f9: {  	[sflag:s16] =	ssyncadd.s32 @!p0 $0xFFFFFC00;
	s14 =	sadd.s32 @!p0 s14, s17;
	s17 =	simm.s32 @!p0 $0x800  }
0x1fa: {  	[tilespmem:s17], [sflag:$0x3] =	stream.linear.gather @!p0 [hbm4b:s14+s15], $0x400, $0x38;
	[tilespmem:$0x1D000] =	vst v63  }
0x1fb: {  	_ =	swait.ge @!p0 [sflag:s16], $0x400  }
0x1fc: {  	[sflag:s16] =	ssyncset.done @!p0 $0x0  }
0x1fd: {  	[sflag:s16] =	ssyncadd.s32 @!p0 $0xFFFFFC00  }
0x1fe: {  	_ =	swait.ge [sflag:s29], $0x4000  }
0x1ff: {  	[sflag:s29] =	ssyncset.done $0x0  }
0x200: {  	s18 =	rddreg [dreg:$0x15];
	[sflag:s29] =	ssyncadd.s32 $0xFFFFC000  }
0x201: {  	[tilespmem:s30], [sflag:$0x2] =	stream.indirect.gather [hbm4b:s4+s25], $0x80, s18, s25, $0xb8;
	[tilespmem:$0x1D000] =	vst v63  }
0x202: {  	_ = 	snop  }
0x203: {  	[spmem:s1] =	stream.indirect.scatter.add.f32 [tilespmem:s22], [sflag:$0x3], $0x80, s28, s25, $0xb8;
	[tilespmem:$0x1D000] =	vst v63  }
0x204: {  	_ =	swait.ge [sflag:s23], $0x4000  }
0x205: {  	[sflag:s23] =	ssyncset.done $0x0  }
0x206: {  	[sflag:s23] =	ssyncadd.s32 $0xFFFFC000  }
0x207: {  	_ =	swait.ge [sflag:s31], $0x4000  }
0x208: {  	[sflag:s31] =	ssyncset.done $0x0  }
0x209: {  	s19 =	rddreg [dreg:$0x16];
	[sflag:s31] =	ssyncadd.s32 $0xFFFFC000  }
0x20a: {  	[tilespmem:s22], [sflag:$0x1] =	stream.indirect.gather [hbm4b:s4+s25], $0x80, s19, s25, $0xb8;
	[tilespmem:$0x1D000] =	vst v63  }
0x20b: {  	s20 =	rddreg [dreg:$0x17]  }
0x20c: {  	[spmem:s1] =	stream.indirect.scatter.add.f32 [tilespmem:s30], [sflag:$0x3], $0x80, s20, s25, $0xb8;
	[tilespmem:$0x1D000] =	vst v63  }
0x20d: {  	_ =	swait.ge [sflag:s23], $0x4000  }
0x20e: {  	[sflag:s23] =	ssyncset.done $0x0  }
0x20f: {  	[sflag:s23] =	ssyncadd.s32 $0xFFFFC000  }
0x210: {  	_ =	swait.ge [sflag:s29], $0x4000  }
0x211: {  	[sflag:s29] =	ssyncset.done $0x0  }
0x212: {  	s16 =	rddreg [dreg:$0x18];
	[sflag:s29] =	ssyncadd.s32 $0xFFFFC000  }
0x213: {  	[tilespmem:s30], [sflag:$0x2] =	stream.indirect.gather [hbm4b:s4+s25], $0x80, s16, s25, $0xb8;
	[tilespmem:$0x1D000] =	vst v63  }
0x214: {  	s17 =	rddreg [dreg:$0x19]  }
0x215: {  	[spmem:s1] =	stream.indirect.scatter.add.f32 [tilespmem:s22], [sflag:$0x3], $0x80, s17, s25, $0xb8;
	[tilespmem:$0x1D000] =	vst v63  }
0x216: {  	_ =	swait.ge [sflag:s23], $0x4000  }
0x217: {  	[sflag:s23] =	ssyncset.done $0x0  }
0x218: {  	[sflag:s23] =	ssyncadd.s32 $0xFFFFC000  }
0x219: {  	_ =	swait.ge [sflag:s31], $0x4000  }
0x21a: {  	[sflag:s31] =	ssyncset.done $0x0  }
0x21b: {  	[sflag:s31] =	ssyncadd.s32 $0xFFFFC000  }
0x21c: {  	[tilespmem:s22], [sflag:$0x1] =	stream.indirect.gather [hbm4b:s4+s25], $0x80, s0, s25, $0xb8;
	[tilespmem:$0x1D000] =	vst v63  }
0x21d: {  	_ = 	snop  }
0x21e: {  	[spmem:s1] =	stream.indirect.scatter.add.f32 [tilespmem:s30], [sflag:$0x3], $0x80, s2, s25, $0xb8;
	[tilespmem:$0x1D000] =	vst v63  }
0x21f: {  	_ =	swait.ge [sflag:s23], $0x4000  }
0x220: {  	[sflag:s23] =	ssyncset.done $0x0  }
0x221: {  	[sflag:s23] =	ssyncadd.s32 $0xFFFFC000  }
0x222: {  	_ =	swait.ge [sflag:s29], $0x4000  }
0x223: {  	[sflag:s29] =	ssyncset.done $0x0  }
0x224: {  	[sflag:s29] =	ssyncadd.s32 $0xFFFFC000  }
0x225: {  	[tilespmem:s30], [sflag:$0x2] =	stream.indirect.gather [hbm4b:s4+s25], $0x80, s6, s25, $0xb8;
	[tilespmem:$0x1D000] =	vst v63  }
0x226: {  	_ = 	snop  }
0x227: {  	[spmem:s1] =	stream.indirect.scatter.add.f32 [tilespmem:s22], [sflag:$0x3], $0x80, s7, s25, $0xb8;
	[tilespmem:$0x1D000] =	vst v63  }
0x228: {  	_ =	swait.ge [sflag:s23], $0x4000  }
0x229: {  	[sflag:s23] =	ssyncset.done $0x0  }
0x22a: {  	[sflag:s23] =	ssyncadd.s32 $0xFFFFC000  }
0x22b: {  	_ =	swait.ge [sflag:s31], $0x4000  }
0x22c: {  	[sflag:s31] =	ssyncset.done $0x0  }
0x22d: {  	[sflag:s31] =	ssyncadd.s32 $0xFFFFC000  }
0x22e: {  	[tilespmem:s22], [sflag:$0x1] =	stream.indirect.gather [hbm4b:s4+s25], $0x80, s8, s25, $0xb8;
	[tilespmem:$0x1D000] =	vst v63  }
0x22f: {  	_ = 	snop  }
0x230: {  	[spmem:s1] =	stream.indirect.scatter.add.f32 [tilespmem:s30], [sflag:$0x3], $0x80, s9, s25, $0xb8;
	[tilespmem:$0x1D000] =	vst v63  }
0x231: {  	_ =	swait.ge [sflag:s23], $0x4000  }
0x232: {  	[sflag:s23] =	ssyncset.done $0x0  }
0x233: {  	[sflag:s23] =	ssyncadd.s32 $0xFFFFC000  }
0x234: {  	_ =	swait.ge [sflag:s29], $0x4000  }
0x235: {  	[sflag:s29] =	ssyncset.done $0x0  }
0x236: {  	[sflag:s29] =	ssyncadd.s32 $0xFFFFC000  }
0x237: {  	[tilespmem:s30], [sflag:$0x2] =	stream.indirect.gather [hbm4b:s4+s25], $0x80, s10, s25, $0xb8;
	[tilespmem:$0x1D000] =	vst v63  }
0x238: {  	_ = 	snop  }
0x239: {  	[spmem:s1] =	stream.indirect.scatter.add.f32 [tilespmem:s22], [sflag:$0x3], $0x80, s11, s25, $0xb8;
	[tilespmem:$0x1D000] =	vst v63  }
0x23a: {  	_ =	swait.ge [sflag:s23], $0x4000  }
0x23b: {  	[sflag:s23] =	ssyncset.done $0x0  }
0x23c: {  	[sflag:s23] =	ssyncadd.s32 $0xFFFFC000  }
0x23d: {  	_ =	swait.ge [sflag:s31], $0x4000  }
0x23e: {  	[sflag:s31] =	ssyncset.done $0x0  }
0x23f: {  	s14 =	simm.s32 @!p0 $0x80;
	s16 =	simm.s32 @!p0 $0x1000;
	[sflag:s31] =	ssyncadd.s32 $0xFFFFC000  }
0x240: {  	[tilespmem:s16], [sflag:$0x1] =	stream.indirect.gather @!p0 [hbm4b:s4+s14], $0x80, s15, s14, $0xb8;
	[tilespmem:$0x1D000] =	vst v63  }
0x241: {  	_ = 	snop  }
0x242: {  	[spmem:s1] =	stream.indirect.scatter.add.f32 [tilespmem:s30], [sflag:$0x3], $0x80, s12, s25, $0xb8;
	[tilespmem:$0x1D000] =	vst v63  }
0x243: {  	_ =	swait.ge [sflag:s23], $0x4000  }
0x244: {  	[sflag:s23] =	ssyncset.done $0x0  }
0x245: {  	[sflag:s23] =	ssyncadd.s32 $0xFFFFC000  }
0x246: {  	[bflag:$0x0] =	sbarrier.arrive $0xFFFF  }
0x247: {  	[tilespmem:s22], [sflag:$0x3] =	stream.linear.gather [spmem:s5], $0x4000, $0x38;
	[tilespmem:$0x1D000] =	vst v63  }
0x248: {  	_ =	swait.ge [sflag:s23], $0x4000  }
0x249: {  	s18 =	sld [smem:$0x7F6]  }
0x24a: {  	[sflag:s23] =	ssyncset.done $0x0  }
0x24b: {  	[sflag:s23] =	ssyncadd.s32 $0xFFFFC000  }
0x24c: {  	[hbm4b:s18+s3] =	stream.linear.scatter [tilespmem:s22], [sflag:$0x3], $0x4000, $0x38;
	[tilespmem:$0x1D000] =	vst v63  }
0x24d: {  	_ =	swait.ge [sflag:s23], $0x4000  }
0x24e: {  	s19 =	sld [smem:$0x7F7]  }
0x24f: {  	[sflag:s23] =	ssyncset.done $0x0  }
0x250: {  	[sflag:s23] =	ssyncadd.s32 $0xFFFFC000  }
0x251: {  	[tilespmem:s22], [sflag:$0x3] =	stream.linear.gather [spmem:s19], $0x4000, $0x38;
	[tilespmem:$0x1D000] =	vst v63  }
0x252: {  	_ =	swait.ge [sflag:s23], $0x4000  }
0x253: {  	s20 =	sld [smem:$0x7F8]  }
0x254: {  	[sflag:s23] =	ssyncset.done $0x0  }
0x255: {  	[sflag:s23] =	ssyncadd.s32 $0xFFFFC000  }
0x256: {  	[hbm4b:s20+s3] =	stream.linear.scatter [tilespmem:s22], [sflag:$0x3], $0x4000, $0x38;
	[tilespmem:$0x1D000] =	vst v63  }
0x257: {  	_ =	swait.ge [sflag:s23], $0x4000  }
0x258: {  	s15 =	sld [smem:$0x7F9]  }
0x259: {  	[sflag:s23] =	ssyncset.done $0x0  }
0x25a: {  	[sflag:s23] =	ssyncadd.s32 $0xFFFFC000  }
0x25b: {  	[tilespmem:s22], [sflag:$0x3] =	stream.linear.gather [spmem:s15], $0x4000, $0x38;
	[tilespmem:$0x1D000] =	vst v63  }
0x25c: {  	_ =	swait.ge [sflag:s23], $0x4000  }
0x25d: {  	s16 =	sld [smem:$0x7FA]  }
0x25e: {  	[sflag:s23] =	ssyncset.done $0x0  }
0x25f: {  	[sflag:s23] =	ssyncadd.s32 $0xFFFFC000  }
0x260: {  	[hbm4b:s16+s3] =	stream.linear.scatter [tilespmem:s22], [sflag:$0x3], $0x4000, $0x38;
	[tilespmem:$0x1D000] =	vst v63  }
0x261: {  	_ =	swait.ge [sflag:s23], $0x4000  }
0x262: {  	s17 =	sld [smem:$0x7FB]  }
0x263: {  	[sflag:s23] =	ssyncset.done $0x0  }
0x264: {  	[sflag:s23] =	ssyncadd.s32 $0xFFFFC000  }
0x265: {  	[tilespmem:s22], [sflag:$0x3] =	stream.linear.gather [spmem:s17], $0x4000, $0x38;
	[tilespmem:$0x1D000] =	vst v63  }
0x266: {  	_ =	swait.ge [sflag:s23], $0x4000  }
0x267: {  	s18 =	sld [smem:$0x7FC]  }
0x268: {  	[sflag:s23] =	ssyncset.done $0x0  }
0x269: {  	[sflag:s23] =	ssyncadd.s32 $0xFFFFC000  }
0x26a: {  	[hbm4b:s18+s3] =	stream.linear.scatter [tilespmem:s22], [sflag:$0x3], $0x4000, $0x38;
	[tilespmem:$0x1D000] =	vst v63  }
0x26b: {  	_ =	swait.ge [sflag:s23], $0x4000  }
0x26c: {  	s19 =	sld [smem:$0x7FD]  }
0x26d: {  	[sflag:s23] =	ssyncset.done $0x0  }
0x26e: {  	[sflag:s23] =	ssyncadd.s32 $0xFFFFC000  }
0x26f: {  	[tilespmem:s22], [sflag:$0x3] =	stream.linear.gather [spmem:s19], $0x4000, $0x38;
	[tilespmem:$0x1D000] =	vst v63  }
0x270: {  	_ =	swait.ge [sflag:s23], $0x4000  }
0x271: {  	[sflag:s23] =	ssyncset.done $0x0  }
0x272: {  	[sflag:s23] =	ssyncadd.s32 $0xFFFFC000  }
0x273: {  	[hbm4b:s21+s3] =	stream.linear.scatter [tilespmem:s22], [sflag:$0x3], $0x4000, $0x38;
	[tilespmem:$0x1D000] =	vst v63  }
0x274: {  	_ =	swait.ge [sflag:s23], $0x4000  }
0x275: {  	s13 =	sadd.s32 $0x1, s13;
	s20 =	rddreg [dreg:$0x1c]  }
0x276: {  	p0 =	sne.s32 s13, s20  }
.Ltmp2:
0x277: {  	_ = 	snop;
	(pc) =	sbr.rel @p0 .LBB2_1-.Ltmp2, $3  }
0x278: {  	_ =	sdelay $0x1  }
0x279: {  	[sflag:s23] =	ssyncset.done $0x0  }
0x27a: {  	[sflag:s23] =	ssyncadd.s32 $0xFFFFC000  }
0x27b: {  	_ =	sfence.sel $0x180000  }
0x27c: {  	[bflag:$0x0] =	sbarrier.arrive $0xFFFF  }
0x27d: {  	_ =	strace $0x9000004A  }
0x27e: {  	s0 =	stileid.u32;
	[bflag:$0x2] =	sbarrier.arrive $0xFFFF  }
0x27f: {  	p0 =	sne.s32 s0, $0x0;
	s0 =	rddreg [dreg:$0x3]  }
0x280: {  	s0 =	sadd.s32 @!p0 $0x100000, s0  }
0x281: {  	[sflag:s0] =	ssyncadd.tile.s32 @!p0 $0x1;
	_ =	shalt  }
.Lfunc_end2:
_tile_overlayer_lowered:
.L_overlay_start_2:
0x282: {  	(tag) =	ssettag $0x2  }
0x283: {  	s0 =	rddreg [dreg:$0x0];
	s2 =	stileid.u32  }
0x284: {  	s1 =	rddreg [dreg:$0x1];
	p0 =	sne.s32 s2, $0x0  }
0x285: {  	s3 =	rddreg [dreg:$0x2];
	[bflag:$0x3] =	sbarrier.arrive $0xFFFF;
	s2 =	simm.s32 @!p0 $0x1C03  }
0x286: {  	[timem:s3], [sflag:s2] =	dma.local @!p0 [hbm:s0], s1  }
0x287: {  	s0 =	simm.s32 @!p0 $0x3  }
0x288: {  	_ =	swait.ge @!p0 [sflag:s0], s1  }
0x289: {  	s1 =	ssub.s32 @!p0 $0x0, s1;
	[sflag:s0] =	ssyncset.done @!p0 $0x0  }
0x28a: {  	[sflag:s0] =	ssyncadd.s32 @!p0 s1  }
0x28b: {  	[bflag:$0x3] =	sbarrier.arrive $0xFFFF  }
0x28c: {  	_ =	shalt  }

// kernel: kernel.16.cloned.1.call-start
scs
__scs_entry_jumppad:
0x0: {  	(pc) =	sbr.rel $0x88, $3  }
0x1: {  	(tag) =	ssettag $0x0;
	lr =	simm.s32 $0x1  }
0x2: {  	[smem:$0x3F97] =	sst lr;
	_ =	strace $0xD0000000  }
0x3: {  	_ = 	snop  }
0x4: {  	_ = 	snop  }
0x5: {  	_ = 	snop  }
0x6: {  	_ = 	snop  }
0x7: {  	_ = 	snop  }
__scs_overlays_trampoline_lowered:
0x8: {  	[smem:$0x3FA6] =	sst s0  }
0x9: {  	[smem:$0x3FA7] =	sst s1  }
0xa: {  	[smem:$0x3FA8] =	sst s2  }
0xb: {  	[smem:$0x3FA9] =	sst s3  }
0xc: {  	[smem:$0x3FAA] =	sst s4  }
0xd: {  	[smem:$0x3FAB] =	sst s5  }
0xe: {  	[smem:$0x3FAC] =	sst s6  }
0xf: {  	[smem:$0x3FAD] =	sst s7  }
0x10: {  	[smem:$0x3FAE] =	sst s8  }
0x11: {  	[smem:$0x3FAF] =	sst s9;
	s0 =	simm.s32 @!p0 $0x0  }
0x12: {  	s1 =	sld [smem:$0x3F95];
	s0 =	simm.s32 @p0 $0x1  }
0x13: {  	[smem:$0x3FB0] =	sst s0;
	s0 =	simm.s32 @!p1 $0x0  }
0x14: {  	s2 =	sld [smem:$0x3F94];
	s0 =	simm.s32 @p1 $0x1  }
0x15: {  	[smem:$0x3FB1] =	sst s0;
	s0 =	simm.s32 @!p2 $0x0  }
0x16: {  	s3 =	sld [smem:$0x3FDB];
	s0 =	simm.s32 @p2 $0x1  }
0x17: {  	s4 =	simm.s32 $0x1BF5;
	[smem:$0x3FB3] =	sst s0  }
0x18: {  	s0 =	sld [smem:$0x3F96];
	_ =	swait.ge [sflag:s4], $0x0  }
0x19: {  	s7 =	sld [smem:$0x3F97]  }
0x1a: {  	s8 =	sadd.s32 $0xFFFFE003, lr  }
0x1b: {  	s9 =	sadd.s32 $0xFFFFFEF7, lr;
	s5 =	simm.s32 $0xFFFFFFFF;
	p2 =	slt.u32 s8, $0xFFFFF086  }
0x1c: {  	p1 =	slt.u32 s9, $0xF7A;
	s5 =	simm.s32 @!p2 $0x0  }
0x1d: {  	s5 =	simm.s32 @p1 $0x1;
	p0 =	seq.s32 s7, s2  }
0x1e: {  	s7 =	smul.u32 @!p0 $0xF7A, s2;
	p2 =	seq.s32 @!p0 s5, $0x0  }
0x1f: {  	s9 =	smul.u32 $0xF7A, s1;
	s8 =	simm.s32 @!p0 $0x1BF5;
	p2 =	por !p2, p0  }
0x20: {  	[sflag:s8] =	ssyncset.s32 @!p0 $0xFFFFF086;
	s6 =	sadd.s32 @!p0 s3, s7;
	s7 =	simm.s32 @!p0 $0x108  }
0x21: {  	s3 =	sadd.s32 s3, s9;
	s6 =	sadd.s32 @!p0 $0x88, s6;
	s7 =	simm.s32 @p2 $0x1082  }
0x22: {  	[simem:s7], [sflag:s8] =	dma.local @!p0 [hbm:s6], $0xF7A  }
0x23: {  	s9 =	sor.u32 $0xD0000000, s2;
	s6 =	simm.s32 $0x108;
	_ =	swait.ge @!p0 [sflag:s8], $0x0  }
0x24: {  	s3 =	sadd.s32 $0x88, s3;
	s6 =	simm.s32 @!p1 $0x1082;
	[sflag:s4] =	ssyncset.s32 $0xFFFFF086  }
0x25: {  	[simem:s6], [sflag:s4] =	dma.local [hbm:s3], $0xF7A  }
0x26: {  	[smem:$0x3F97] =	sst s1;
	(tag) =	ssettag s2;
	_ =	strace s9  }
0x27: {  	s1 =	sld [smem:$0x3FA7]  }
0x28: {  	s2 =	sld [smem:$0x3FA8]  }
0x29: {  	s4 =	sld [smem:$0x3FAA]  }
0x2a: {  	p0 =	seq.s32 s5, $0x0;
	s5 =	sld [smem:$0x3FAB]  }
0x2b: {  	s6 =	sld [smem:$0x3FAC]  }
0x2c: {  	s7 =	sld [smem:$0x3FAD]  }
0x2d: {  	s3 =	simm.s32 $0x108;
	s8 =	sld [smem:$0x3FAE]  }
0x2e: {  	s3 =	simm.s32 @!p0 $0x1082;
	s9 =	sld [smem:$0x3FAF]  }
0x2f: {  	lr =	sadd.s32 s0, s3;
	s0 =	sld [smem:$0x3FA6]  }
0x30: {  	s3 =	sld [smem:$0x3FA9]  }
0x31: {  	[smem:$0x3FB2] =	sst s10  }
0x32: {  	s10 =	sld [smem:$0x3FB0];
	_ =	sdelay $0x3  }
0x33: {  	p0 =	seq.s32 s10, $0x1;
	s10 =	sld [smem:$0x3FB2];
	_ =	sdelay $0x3  }
0x34: {  	[smem:$0x3FB2] =	sst s10  }
0x35: {  	s10 =	sld [smem:$0x3FB1];
	_ =	sdelay $0x3  }
0x36: {  	p1 =	seq.s32 s10, $0x1;
	s10 =	sld [smem:$0x3FB2];
	_ =	sdelay $0x3  }
0x37: {  	[smem:$0x3FB2] =	sst s10  }
0x38: {  	s10 =	sld [smem:$0x3FB3]  }
0x39: {  	_ = 	snop;
	(pc) =	sbr.ind lr, $3  }
0x3a: {  	_ = 	snop  }
0x3b: {  	_ = 	snop  }
0x3c: {  	p2 =	seq.s32 s10, $0x1;
	s10 =	sld [smem:$0x3FB2]  }
0x3d: {  	_ =	shalt  }
0x3e: {  	_ =	shalt  }
0x3f: {  	_ =	shalt  }
0x40: {  	_ =	shalt  }
0x41: {  	_ =	shalt  }
0x42: {  	_ =	shalt  }
0x43: {  	_ =	shalt  }
0x44: {  	_ =	shalt  }
0x45: {  	_ =	shalt  }
0x46: {  	_ =	shalt  }
0x47: {  	_ =	shalt  }
0x48: {  	_ =	shalt  }
0x49: {  	_ =	shalt  }
0x4a: {  	_ =	shalt  }
0x4b: {  	_ =	shalt  }
0x4c: {  	_ =	shalt  }
0x4d: {  	_ =	shalt  }
0x4e: {  	_ =	shalt  }
0x4f: {  	_ =	shalt  }
0x50: {  	_ =	shalt  }
0x51: {  	_ =	shalt  }
0x52: {  	_ =	shalt  }
0x53: {  	_ =	shalt  }
0x54: {  	_ =	shalt  }
0x55: {  	_ =	shalt  }
0x56: {  	_ =	shalt  }
0x57: {  	_ =	shalt  }
0x58: {  	_ =	shalt  }
0x59: {  	_ =	shalt  }
0x5a: {  	_ =	shalt  }
0x5b: {  	_ =	shalt  }
0x5c: {  	_ =	shalt  }
0x5d: {  	_ =	shalt  }
0x5e: {  	_ =	shalt  }
0x5f: {  	_ =	shalt  }
0x60: {  	_ =	shalt  }
0x61: {  	_ =	shalt  }
0x62: {  	_ =	shalt  }
0x63: {  	_ =	shalt  }
0x64: {  	_ =	shalt  }
0x65: {  	_ =	shalt  }
0x66: {  	_ =	shalt  }
0x67: {  	_ =	shalt  }
0x68: {  	_ =	shalt  }
0x69: {  	_ =	shalt  }
0x6a: {  	_ =	shalt  }
0x6b: {  	_ =	shalt  }
0x6c: {  	_ =	shalt  }
0x6d: {  	_ =	shalt  }
0x6e: {  	_ =	shalt  }
0x6f: {  	_ =	shalt  }
0x70: {  	_ =	shalt  }
0x71: {  	_ =	shalt  }
0x72: {  	_ =	shalt  }
0x73: {  	_ =	shalt  }
0x74: {  	_ =	shalt  }
0x75: {  	_ =	shalt  }
0x76: {  	_ =	shalt  }
0x77: {  	_ =	shalt  }
0x78: {  	_ =	shalt  }
0x79: {  	_ =	shalt  }
0x7a: {  	_ =	shalt  }
0x7b: {  	_ =	shalt  }
0x7c: {  	_ =	shalt  }
0x7d: {  	_ =	shalt  }
0x7e: {  	_ =	shalt  }
0x7f: {  	_ =	shalt  }
0x80: {  	_ =	shalt  }
0x81: {  	_ =	shalt  }
0x82: {  	_ =	shalt  }
0x83: {  	_ =	shalt  }
0x84: {  	_ =	shalt  }
0x85: {  	_ =	shalt  }
0x86: {  	_ =	shalt  }
0x87: {  	_ =	shalt  }
.Lfunc_end0:
.L_simem_size_0:
called_computation.2_lowered:
.L_overlay_start_0:
0x88: {  	s2 =	sld [smem:$0x3FD9]  }
0x89: {  	s3 =	sld [smem:$0x3FFE];
	_ =	sdelay $0x1  }
0x8a: {  	s1 =	srdreg.scid  }
0x8b: {  	s0 =	sand.u32 $0x1, s1  }
0x8c: {  	s17 =	sshll.u32 s0, $0xA;
	s2 =	sadd.s32 s3, s2  }
0x8d: {  	s2 =	sadd.s32 s2, s17  }
0x8e: {  	[smem:$0x3FBE] =	sst s2  }
0x8f: {  	_ = 	snop  }
0x90: {  	s2 =	sld [smem:$0x3FD0];
	(tm) =	ssettm $0x1  }
0x91: {  	s18 =	sld [smem:$0x3FFB];
	_ =	sdelay $0x3  }
0x92: {  	_ =	strace s18  }
0x93: {  	s3 =	sld [smem:$0x3FFC];
	_ =	sdelay $0x3  }
0x94: {  	_ =	strace s3  }
0x95: {  	s3 =	sld [smem:$0x3FFD];
	_ =	sdelay $0x3  }
0x96: {  	_ =	strace s3  }
0x97: {  	_ =	strace $0x8FFFFFFF  }
0x98: {  	s19 =	sld [smem:$0x3FDB];
	_ =	sdelay $0x1  }
0x99: {  	s4 =	simm.s32 $_scs_section_size  }
0x9a: {  	s5 =	simm.s32 $_size__tile_overlayer_lowered;
	s6 =	simm.s32 $_tile_overlayer_lowered  }
0x9b: {  	s22 =	simm.s32 $0x1BFF;
	s21 =	sshll.u32 s6, $0x1;
	s3 =	sadd.s32 s4, s19  }
0x9c: {  	s7 =	simm.s32 $0x0;
	s20 =	sshll.u32 s5, $0x1;
	s5 =	sadd.s32 s21, s3  }
0x9d: {  	[timem:s7], [sflag:s22] =	dma.local [hbm:s5], s20  }
0x9e: {  	_ =	swait.ge [sflag:s22], s20  }
0x9f: {  	s4 =	ssub.s32 $0x0, s20;
	[sflag:s22] =	ssyncset.done $0x0  }
0xa0: {  	[sflag:s22] =	ssyncadd.s32 s4;
	_ =	sdelay $0x1  }
0xa1: {  	s23 =	simm.s32 $0x1B8B  }
0xa2: {  	_ =	swait.ge [sflag:s23], $0x1  }
0xa3: {  	[sflag:s23] =	ssyncset.done $0x0  }
0xa4: {  	s25 =	simm.s32 $0x1B8E;
	s24 =	sld [smem:$0x3FFE];
	[sflag:s23] =	ssyncadd.s32 $0xFFFFFFFF  }
0xa5: {  	s26 =	simm.s32 $execute0_lowered;
	[smem:$0x3FD2] =	sst s25  }
0xa6: {  	s5 =	sshll.u32 s26, $0x1;
	_ =	strace $0x8000004C;
	[dreg:$0x1] =	wrdreg $0xFFFFFFFF  }
0xa7: {  	s28 =	simm.s32 $_size_execute0_lowered;
	s3 =	sadd.s32 s3, s5;
	[dreg:$0x0] =	wrdreg $0x0  }
0xa8: {  	s5 =	sshll.u32 s28, $0x1;
	[dreg:$0x2] =	wrdreg s3  }
0xa9: {  	[dreg:$0x3] =	wrdreg s5  }
0xaa: {  	[dreg:$0x4] =	wrdreg $0xC0  }
0xab: {  	_ =	task [dreg:s7], $0x5FFFF  }
0xac: {  	[dreg:$0x1] =	wrdreg $0xFFFFFFFF  }
0xad: {  	[dreg:$0x0] =	wrdreg $0x60  }
0xae: {  	[dreg:$0x2] =	wrdreg s24  }
0xaf: {  	[dreg:$0x3] =	wrdreg s2  }
0xb0: {  	[dreg:$0x4] =	wrdreg $0x90000  }
0xb1: {  	[dreg:$0x5] =	wrdreg $0x9  }
0xb2: {  	_ =	task.clear_ibuf [dreg:s7], $0x6FFFF;
	_ =	strace $0x9000004C  }
0xb3: {  	s29 =	simm.s32 $0x9;
	_ =	strace $0x8000004E  }
0xb4: {  	_ =	swait.ge [sflag:s29], $0x1  }
0xb5: {  	[sflag:s29] =	ssyncadd.s32 $0xFFFFFFFF  }
0xb6: {  	_ =	strace $0x9000004E  }
0xb7: {  	_ =	sfence  }
0xb8: {  	s30 =	sld [smem:$0x0];
	_ =	sdelay $0x2  }
0xb9: {  	s31 =	sshll.u32 s1, $0xD;
	s1 =	sshrl.u32 s1, $0x2  }
0xba: {  	s3 =	sand.u32 $0x4000, s31;
	s1 =	sadd.s32 s1, s30  }
0xbb: {  	s0 =	sor.u32 s3, s0;
	s1 =	sshll.u32 s1, $0x11  }
0xbc: {  	s0 =	sor.u32 s1, s0  }
0xbd: {  	s0 =	sadd.s32 $0x8F2B, s0  }
0xbe: {  	[sflag:s0] =	ssyncadd.remote.s32 $0x1  }
0xbf: {  	_ =	sfence.sel $0xFFFF  }
0xc0: {  	[dreg:$0x0] =	wrdreg $0xFFFFFFFF;
	(pc) =	sbr.abs _section_cstart, $3  }
0xc1: {  	[dreg:$0x1] =	wrdreg $0xFFFFFFFF  }
0xc2: {  	_ =	task.clear_ibuf [dreg:s7], $0x2FFFF;
	_ =	strace $0x9FFFFFFF  }
0xc3: {  	(tm) =	ssettm $0x7FFFFFFF  }
tec
execute0_lowered:
.L_overlay_start_1:
0x0: {  	(tag) =	ssettag $0x1  }
0x1: {  	s0 =	rddreg [dreg:$0x0]  }
0x2: {  	s7 =	rddreg [dreg:$0x1]  }
0x3: {  	s1 =	rddreg [dreg:$0x2]  }
0x4: {  	s2 =	srdreg.scid;
	s3 =	simm.s32 $0x0;
	s13 =	stileid.u32  }
0x5: {  	s22 =	simm.s32 $0x100;
	s28 =	simm.s32 $0xC00;
	s29 =	simm.s32 $0x1  }
0x6: {  	s8 =	sand.u32 $0x1, s2;
	[smem:$0x7FF] =	sst s3;
	s5 =	smul.u32 $0x50000, s13  }
0x7: {  	s9 =	sadd.s32 $0x4200, s0;
	s6 =	smul.u32 $0x14000, s13;
	_ =	strace $0x8000004D  }
0x8: {  	s11 =	ssub.s32 $0x2, s8;
	[dreg:$0x8] =	wrdreg s22;
	s22 =	simm.s32 $0x480  }
0x9: {  	s12 =	sshrl.u32 s11, $0x1;
	s5 =	sshrl.u32 s5, $0x2;
	s17 =	sadd.s32 $0x4000, s6  }
0xa: {  	[dreg:$0x15] =	wrdreg s22;
	s11 =	ssub.s32 s11, s12;
	s19 =	sadd.s32 s17, s1  }
0xb: {  	s5 =	sadd.s32 s5, s1;
	s11 =	smax.u32 s11, $0x1;
	[smem:$0x7F7] =	sst s19  }
0xc: {  	s25 =	smul.u32 $0xA, s13;
	s26 =	sadd.s32 $0x4000, s5;
	[dreg:$0x1c] =	wrdreg s11  }
0xd: {  	s2 =	sshll.u32 s8, $0x4;
	s12 =	sadd.s32 $0x8000, s5;
	[dreg:$0x1d] =	wrdreg s26  }
0xe: {  	s2 =	sor.u32 s13, s2;
	s13 =	sadd.s32 $0xC000, s5;
	[dreg:$0x1e] =	wrdreg s12  }
0xf: {  	s10 =	smul.u32 $0x500, s2;
	s15 =	sadd.s32 $0x10000, s5;
	[dreg:$0x1f] =	wrdreg s13  }
0x10: {  	s2 =	smul.u32 $0x140000, s8;
	s19 =	simm.s32 $0xB00;
	[smem:$0x7F5] =	sst s15  }
0x11: {  	s8 =	smul.u32 $0xA0, s8;
	s24 =	sadd.s32 s9, s10;
	[dreg:$0x13] =	wrdreg s19  }
0x12: {  	s23 =	sadd.s32 $0x8000, s6;
	s10 =	sadd.s32 s7, s10;
	[dreg:$0x1a] =	wrdreg s24  }
0x13: {  	s8 =	sadd.s32 s25, s8;
	s25 =	sadd.s32 s23, s1;
	[dreg:$0x1b] =	wrdreg s10  }
0x14: {  	s30 =	simm.s32 $0x5000;
	s26 =	simm.s32 $0x180;
	[smem:$0x7F9] =	sst s25  }
0x15: {  	s31 =	simm.s32 $0x2;
	s13 =	simm.s32 $0x280;
	[dreg:$0xa] =	wrdreg s26  }
0x16: {  	s14 =	sadd.s32 s2, s6;
	s15 =	simm.s32 $0xA00;
	[dreg:$0xe] =	wrdreg s13  }
0x17: {  	s12 =	sadd.s32 $0xC000, s6;
	s24 =	simm.s32 $0x880;
	[dreg:$0xf] =	wrdreg s15  }
0x18: {  	s16 =	sshrl.u32 s14, $0x3;
	s14 =	sadd.s32 s12, s1;
	[dreg:$0x9] =	wrdreg s24  }
0x19: {  	s4 =	sadd.s32 $0x35400, s0;
	s25 =	simm.s32 $0x580;
	[smem:$0x7FB] =	sst s14  }
0x1a: {  	s0 =	sadd.s32 $0x5C600, s0;
	s26 =	simm.s32 $0xD00;
	[dreg:$0x18] =	wrdreg s25  }
0x1b: {  	s22 =	simm.s32 $0x1000;
	s10 =	sadd.s32 s0, s16;
	[dreg:$0x19] =	wrdreg s26  }
0x1c: {  	s8 =	sshll.u32 s8, $0x7;
	s16 =	simm.s32 $0x300;
	[smem:$0x7F6] =	sst s10  }
0x1d: {  	s18 =	sadd.s32 $0x100, s8;
	s24 =	simm.s32 $0xC80;
	[dreg:$0x10] =	wrdreg s16  }
0x1e: {  	s6 =	sadd.s32 $0x10000, s6;
	s20 =	sadd.s32 s18, s9;
	[dreg:$0x17] =	wrdreg s24  }
0x1f: {  	s13 =	simm.s32 $0x0;
	s11 =	sadd.s32 s18, s7;
	[dreg:$0x4] =	wrdreg s20  }
0x20: {  	s10 =	sadd.s32 s2, s17;
	s17 =	simm.s32 $0xA80;
	[dreg:$0x5] =	wrdreg s11  }
0x21: {  	s9 =	sadd.s32 s8, s9;
	s18 =	simm.s32 $0x380;
	[dreg:$0x11] =	wrdreg s17  }
0x22: {  	s7 =	sadd.s32 s8, s7;
	s9 =	sadd.s32 $0x80, s9;
	[dreg:$0x12] =	wrdreg s18  }
0x23: {  	s25 =	simm.s32 $0x80;
	s7 =	sadd.s32 $0x80, s7;
	[dreg:$0x6] =	wrdreg s9  }
0x24: {  	s21 =	sshrl.u32 s10, $0x3;
	s10 =	simm.s32 $0x200;
	[dreg:$0x7] =	wrdreg s7  }
0x25: {  	s26 =	simm.s32 $0x400;
	s11 =	simm.s32 $0x980;
	[dreg:$0xc] =	wrdreg s10  }
0x26: {  	s24 =	simm.s32 $0x800;
	s20 =	sadd.s32 s6, s1;
	[dreg:$0xd] =	wrdreg s11  }
0x27: {  	s8 =	sadd.s32 s0, s21;
	s9 =	simm.s32 $0x900;
	[smem:$0x7FD] =	sst s20  }
0x28: {  	s21 =	simm.s32 $0xB80;
	s7 =	simm.s32 $0xE00;
	[smem:$0x7F8] =	sst s8  }
0x29: {  	s10 =	simm.s32 $0x780;
	s8 =	sadd.s32 s2, s23;
	[dreg:$0xb] =	wrdreg s9  }
0x2a: {  	[dreg:$0x14] =	wrdreg s21;
	s23 =	simm.s32 $0x500;
	s8 =	sshrl.u32 s8, $0x3  }
0x2b: {  	s11 =	simm.s32 $0xF00;
	[dreg:$0x16] =	wrdreg s23;
	s8 =	sadd.s32 s0, s8  }
0x2c: {  	s9 =	simm.s32 $0xE80;
	s23 =	simm.s32 $0x3;
	[smem:$0x7FA] =	sst s8  }
0x2d: {  	s8 =	sadd.s32 s2, s12;
	s2 =	sadd.s32 s2, s6;
	s6 =	simm.s32 $0x680  }
0x2e: {  	s12 =	simm.s32 $0xF80;
	s8 =	sshrl.u32 s8, $0x3;
	s2 =	sshrl.u32 s2, $0x3  }
0x2f: {  	s8 =	sadd.s32 s0, s8;
	s21 =	sadd.s32 s0, s2;
	s0 =	simm.s32 $0x600  }
0x30: {  	v0 =	vimm.f32 $0.0e+00;
	s2 =	simm.s32 $0xD80;
	[smem:$0x7FC] =	sst s8;
	s8 =	simm.s32 $0x700  }
.LBB2_1:
0x31: {  	s14 =	simm.s32 $0x0;
	s15 =	simm.s32 $0x200  }
.LBB2_2:
0x32: {  	p0 =	sne.s32 s15, $0xFE00;
	[tilespmem:s14+$0x1070] =	vst v0  }
0x33: {  	[tilespmem:s14+$0x1000] =	vst v0  }
0x34: {  	[tilespmem:s14+$0x1010] =	vst v0  }
.Ltmp0:
0x35: {  	[tilespmem:s14+$0x1020] =	vst v0;
	(pc) =	sbr.rel @p0 .LBB2_2-.Ltmp0, $4  }
0x36: {  	[tilespmem:s14+$0x1030] =	vst v0  }
0x37: {  	[tilespmem:s14+$0x1040] =	vst v0  }
0x38: {  	[tilespmem:s14+$0x1050] =	vst v0  }
0x39: {  	[tilespmem:s14+$0x1060] =	vst v0;
	s14 =	sshra.s32 s15, $0x2;
	s15 =	sadd.s32 $0x200, s15  }
0x3a: {  	[tilespmem:s14+$0x1070] =	vst v0  }
0x3b: {  	[tilespmem:s14+$0x1000] =	vst v0  }
0x3c: {  	[tilespmem:s14+$0x1010] =	vst v0  }
0x3d: {  	[tilespmem:s14+$0x1020] =	vst v0  }
0x3e: {  	[tilespmem:s14+$0x1030] =	vst v0  }
0x3f: {  	[tilespmem:s14+$0x1040] =	vst v0  }
0x40: {  	[tilespmem:s14+$0x1050] =	vst v0  }
0x41: {  	[tilespmem:s14+$0x1060] =	vst v0  }
0x42: {  	[spmem:s5] =	stream.linear.scatter [tilespmem:s22], [sflag:$0x3], $0x4000, $0x38;
	[tilespmem:$0x1D000] =	vst v63  }
0x43: {  	_ =	swait.ge [sflag:s23], $0x4000  }
0x44: {  	[sflag:s23] =	ssyncset.done $0x0  }
0x45: {  	s18 =	rddreg [dreg:$0x1d];
	[sflag:s23] =	ssyncadd.s32 $0xFFFFC000  }
0x46: {  	[spmem:s18] =	stream.linear.scatter [tilespmem:s22], [sflag:$0x3], $0x4000, $0x38;
	[tilespmem:$0x1D000] =	vst v63  }
0x47: {  	_ =	swait.ge [sflag:s23], $0x4000  }
0x48: {  	[sflag:s23] =	ssyncset.done $0x0  }
0x49: {  	s19 =	rddreg [dreg:$0x1e];
	[sflag:s23] =	ssyncadd.s32 $0xFFFFC000  }
0x4a: {  	[spmem:s19] =	stream.linear.scatter [tilespmem:s22], [sflag:$0x3], $0x4000, $0x38;
	[tilespmem:$0x1D000] =	vst v63  }
0x4b: {  	_ =	swait.ge [sflag:s23], $0x4000  }
0x4c: {  	[sflag:s23] =	ssyncset.done $0x0  }
0x4d: {  	s20 =	rddreg [dreg:$0x1f];
	[sflag:s23] =	ssyncadd.s32 $0xFFFFC000  }
0x4e: {  	[spmem:s20] =	stream.linear.scatter [tilespmem:s22], [sflag:$0x3], $0x4000, $0x38;
	[tilespmem:$0x1D000] =	vst v63  }
0x4f: {  	_ =	swait.ge [sflag:s23], $0x4000  }
0x50: {  	s15 =	sld [smem:$0x7F5]  }
0x51: {  	[sflag:s23] =	ssyncset.done $0x0  }
0x52: {  	[sflag:s23] =	ssyncadd.s32 $0xFFFFC000  }
0x53: {  	[spmem:s15] =	stream.linear.scatter [tilespmem:s22], [sflag:$0x3], $0x4000, $0x38;
	[tilespmem:$0x1D000] =	vst v63  }
0x54: {  	_ =	swait.ge [sflag:s23], $0x4000  }
0x55: {  	[sflag:s23] =	ssyncset.done $0x0  }
0x56: {  	[sflag:s23] =	ssyncadd.s32 $0xFFFFC000  }
0x57: {  	[bflag:$0x0] =	sbarrier.arrive $0xFFFF  }
0x58: {  	s16 =	simm.s32 $0x0;
	s15 =	rddreg [dreg:$0x1a]  }
0x59: {  	[tilespmem:s16], [sflag:$0x3] =	stream.linear.gather [hbm4b:s15+s16], $0x400, $0x38;
	[tilespmem:$0x1D000] =	vst v63  }
0x5a: {  	_ =	swait.ge [sflag:s23], $0x400  }
0x5b: {  	[sflag:s23] =	ssyncset.done $0x0  }
0x5c: {  	s17 =	rddreg [dreg:$0x1b];
	[sflag:s23] =	ssyncadd.s32 $0xFFFFFC00  }
0x5d: {  	[tilespmem:s24], [sflag:$0x3] =	stream.linear.gather [hbm4b:s17+s16], $0x400, $0x38;
	[tilespmem:$0x1D000] =	vst v63  }
0x5e: {  	_ =	swait.ge [sflag:s23], $0x400  }
0x5f: {  	[sflag:s23] =	ssyncset.done $0x0  }
0x60: {  	s18 =	rddreg [dreg:$0x6];
	[sflag:s23] =	ssyncadd.s32 $0xFFFFFC00  }
0x61: {  	[tilespmem:s22], [sflag:$0x1] =	stream.indirect.gather [hbm4b:s4+s25], $0x80, s16, s25, $0xb8;
	[tilespmem:$0x1D000] =	vst v63  }
0x62: {  	s19 =	sadd.s32 $0x0, s18  }
0x63: {  	[tilespmem:s26], [sflag:$0x3] =	stream.linear.gather [hbm4b:s19+s3], $0x400, $0x38;
	[tilespmem:$0x1D000] =	vst v63  }
0x64: {  	_ =	swait.ge [sflag:s23], $0x400  }
0x65: {  	s20 =	rddreg [dreg:$0x7];
	[sflag:s23] =	ssyncset.done $0x0  }
0x66: {  	[sflag:s23] =	ssyncadd.s32 $0xFFFFFC00;
	s14 =	sadd.s32 $0x0, s20  }
0x67: {  	[tilespmem:s28], [sflag:$0x3] =	stream.linear.gather [hbm4b:s14+s3], $0x400, $0x38;
	[tilespmem:$0x1D000] =	vst v63  }
0x68: {  	_ =	swait.ge [sflag:s23], $0x400  }
0x69: {  	[sflag:s23] =	ssyncset.done $0x0  }
0x6a: {  	[sflag:s23] =	ssyncadd.s32 $0xFFFFFC00  }
0x6b: {  	_ =	swait.ge [sflag:s29], $0x4000  }
0x6c: {  	[sflag:s29] =	ssyncset.done $0x0  }
0x6d: {  	[sflag:s29] =	ssyncadd.s32 $0xFFFFC000  }
0x6e: {  	[tilespmem:s30], [sflag:$0x2] =	stream.indirect.gather [hbm4b:s4+s25], $0x80, s25, s25, $0xb8;
	[tilespmem:$0x1D000] =	vst v63  }
0x6f: {  	_ = 	snop  }
0x70: {  	[spmem:s1] =	stream.indirect.scatter.add.f32 [tilespmem:s22], [sflag:$0x3], $0x80, s24, s25, $0xb8;
	[tilespmem:$0x1D000] =	vst v63  }
0x71: {  	_ =	swait.ge [sflag:s23], $0x4000  }
0x72: {  	[sflag:s23] =	ssyncset.done $0x0  }
0x73: {  	[sflag:s23] =	ssyncadd.s32 $0xFFFFC000  }
0x74: {  	_ =	swait.ge [sflag:s31], $0x4000  }
0x75: {  	[sflag:s31] =	ssyncset.done $0x0  }
0x76: {  	s15 =	rddreg [dreg:$0x8];
	[sflag:s31] =	ssyncadd.s32 $0xFFFFC000  }
0x77: {  	[tilespmem:s22], [sflag:$0x1] =	stream.indirect.gather [hbm4b:s4+s25], $0x80, s15, s25, $0xb8;
	[tilespmem:$0x1D000] =	vst v63  }
0x78: {  	s16 =	rddreg [dreg:$0x9]  }
0x79: {  	[spmem:s1] =	stream.indirect.scatter.add.f32 [tilespmem:s30], [sflag:$0x3], $0x80, s16, s25, $0xb8;
	[tilespmem:$0x1D000] =	vst v63  }
0x7a: {  	_ =	swait.ge [sflag:s23], $0x4000  }
0x7b: {  	[sflag:s23] =	ssyncset.done $0x0  }
0x7c: {  	[sflag:s23] =	ssyncadd.s32 $0xFFFFC000  }
0x7d: {  	_ =	swait.ge [sflag:s29], $0x4000  }
0x7e: {  	[sflag:s29] =	ssyncset.done $0x0  }
0x7f: {  	s17 =	rddreg [dreg:$0xa];
	[sflag:s29] =	ssyncadd.s32 $0xFFFFC000  }
0x80: {  	[tilespmem:s30], [sflag:$0x2] =	stream.indirect.gather [hbm4b:s4+s25], $0x80, s17, s25, $0xb8;
	[tilespmem:$0x1D000] =	vst v63  }
0x81: {  	s18 =	rddreg [dreg:$0xb]  }
0x82: {  	[spmem:s1] =	stream.indirect.scatter.add.f32 [tilespmem:s22], [sflag:$0x3], $0x80, s18, s25, $0xb8;
	[tilespmem:$0x1D000] =	vst v63  }
0x83: {  	_ =	swait.ge [sflag:s23], $0x4000  }
0x84: {  	[sflag:s23] =	ssyncset.done $0x0  }
0x85: {  	[sflag:s23] =	ssyncadd.s32 $0xFFFFC000  }
0x86: {  	_ =	swait.ge [sflag:s31], $0x4000  }
0x87: {  	[sflag:s31] =	ssyncset.done $0x0  }
0x88: {  	s19 =	rddreg [dreg:$0xc];
	[sflag:s31] =	ssyncadd.s32 $0xFFFFC000  }
0x89: {  	[tilespmem:s22], [sflag:$0x1] =	stream.indirect.gather [hbm4b:s4+s25], $0x80, s19, s25, $0xb8;
	[tilespmem:$0x1D000] =	vst v63  }
0x8a: {  	s20 =	rddreg [dreg:$0xd]  }
0x8b: {  	[spmem:s1] =	stream.indirect.scatter.add.f32 [tilespmem:s30], [sflag:$0x3], $0x80, s20, s25, $0xb8;
	[tilespmem:$0x1D000] =	vst v63  }
0x8c: {  	_ =	swait.ge [sflag:s23], $0x4000  }
0x8d: {  	[sflag:s23] =	ssyncset.done $0x0  }
0x8e: {  	[sflag:s23] =	ssyncadd.s32 $0xFFFFC000  }
0x8f: {  	_ =	swait.ge [sflag:s29], $0x4000  }
0x90: {  	[sflag:s29] =	ssyncset.done $0x0  }
0x91: {  	s15 =	rddreg [dreg:$0xe];
	[sflag:s29] =	ssyncadd.s32 $0xFFFFC000  }
0x92: {  	[tilespmem:s30], [sflag:$0x2] =	stream.indirect.gather [hbm4b:s4+s25], $0x80, s15, s25, $0xb8;
	[tilespmem:$0x1D000] =	vst v63  }
0x93: {  	s16 =	rddreg [dreg:$0xf]  }
0x94: {  	[spmem:s1] =	stream.indirect.scatter.add.f32 [tilespmem:s22], [sflag:$0x3], $0x80, s16, s25, $0xb8;
	[tilespmem:$0x1D000] =	vst v63  }
0x95: {  	_ =	swait.ge [sflag:s23], $0x4000  }
0x96: {  	[sflag:s23] =	ssyncset.done $0x0  }
0x97: {  	[sflag:s23] =	ssyncadd.s32 $0xFFFFC000  }
0x98: {  	_ =	swait.ge [sflag:s31], $0x4000  }
0x99: {  	[sflag:s31] =	ssyncset.done $0x0  }
0x9a: {  	s17 =	rddreg [dreg:$0x10];
	[sflag:s31] =	ssyncadd.s32 $0xFFFFC000  }
0x9b: {  	[tilespmem:s22], [sflag:$0x1] =	stream.indirect.gather [hbm4b:s4+s25], $0x80, s17, s25, $0xb8;
	[tilespmem:$0x1D000] =	vst v63  }
0x9c: {  	s18 =	rddreg [dreg:$0x11]  }
0x9d: {  	[spmem:s1] =	stream.indirect.scatter.add.f32 [tilespmem:s30], [sflag:$0x3], $0x80, s18, s25, $0xb8;
	[tilespmem:$0x1D000] =	vst v63  }
0x9e: {  	_ =	swait.ge [sflag:s23], $0x4000  }
0x9f: {  	[sflag:s23] =	ssyncset.done $0x0  }
0xa0: {  	[sflag:s23] =	ssyncadd.s32 $0xFFFFC000  }
0xa1: {  	_ =	swait.ge [sflag:s29], $0x4000  }
0xa2: {  	[sflag:s29] =	ssyncset.done $0x0  }
0xa3: {  	s19 =	rddreg [dreg:$0x12];
	[sflag:s29] =	ssyncadd.s32 $0xFFFFC000  }
0xa4: {  	[tilespmem:s30], [sflag:$0x2] =	stream.indirect.gather [hbm4b:s4+s25], $0x80, s19, s25, $0xb8;
	[tilespmem:$0x1D000] =	vst v63  }
0xa5: {  	s20 =	rddreg [dreg:$0x13]  }
0xa6: {  	[spmem:s1] =	stream.indirect.scatter.add.f32 [tilespmem:s22], [sflag:$0x3], $0x80, s20, s25, $0xb8;
	[tilespmem:$0x1D000] =	vst v63  }
0xa7: {  	_ =	swait.ge [sflag:s23], $0x4000  }
0xa8: {  	[sflag:s23] =	ssyncset.done $0x0  }
0xa9: {  	[sflag:s23] =	ssyncadd.s32 $0xFFFFC000  }
0xaa: {  	_ =	swait.ge [sflag:s31], $0x4000  }
0xab: {  	[sflag:s31] =	ssyncset.done $0x0  }
0xac: {  	[sflag:s31] =	ssyncadd.s32 $0xFFFFC000  }
0xad: {  	[tilespmem:s22], [sflag:$0x1] =	stream.indirect.gather [hbm4b:s4+s25], $0x80, s26, s25, $0xb8;
	[tilespmem:$0x1D000] =	vst v63  }
0xae: {  	s15 =	rddreg [dreg:$0x14]  }
0xaf: {  	[spmem:s1] =	stream.indirect.scatter.add.f32 [tilespmem:s30], [sflag:$0x3], $0x80, s15, s25, $0xb8;
	[tilespmem:$0x1D000] =	vst v63  }
0xb0: {  	_ =	swait.ge [sflag:s23], $0x4000  }
0xb1: {  	p0 =	por $0x0, $0x0;
	s14 =	rddreg [dreg:$0x4];
	[sflag:s23] =	ssyncset.done $0x0  }
0xb2: {  	[sflag:s23] =	ssyncadd.s32 $0xFFFFC000;
	s15 =	sadd.s32 @!p0 $0x0, s14;
	s14 =	simm.s32 @!p0 $0x0  }
0xb3: {  	[tilespmem:s14], [sflag:$0x3] =	stream.linear.gather @!p0 [hbm4b:s15+s14], $0x400, $0x38;
	[tilespmem:$0x1D000] =	vst v63  }
0xb4: {  	s15 =	simm.s32 @!p0 $0x3  }
0xb5: {  	_ =	swait.ge @!p0 [sflag:s15], $0x400  }
0xb6: {  	s16 =	rddreg [dreg:$0x5];
	[sflag:s15] =	ssyncset.done @!p0 $0x0  }
0xb7: {  	s17 =	simm.s32 @!p0 $0x800;
	[sflag:s15] =	ssyncadd.s32 @!p0 $0xFFFFFC00;
	s16 =	sadd.s32 @!p0 $0x0, s16  }
0xb8: {  	[tilespmem:s17], [sflag:$0x3] =	stream.linear.gather @!p0 [hbm4b:s16+s14], $0x400, $0x38;
	[tilespmem:$0x1D000] =	vst v63  }
0xb9: {  	_ =	swait.ge @!p0 [sflag:s15], $0x400  }
0xba: {  	[sflag:s15] =	ssyncset.done @!p0 $0x0  }
0xbb: {  	[sflag:s15] =	ssyncadd.s32 @!p0 $0xFFFFFC00  }
0xbc: {  	_ =	swait.ge [sflag:s29], $0x4000  }
0xbd: {  	[sflag:s29] =	ssyncset.done $0x0  }
0xbe: {  	s16 =	rddreg [dreg:$0x15];
	[sflag:s29] =	ssyncadd.s32 $0xFFFFC000  }
0xbf: {  	[tilespmem:s30], [sflag:$0x2] =	stream.indirect.gather [hbm4b:s4+s25], $0x80, s16, s25, $0xb8;
	[tilespmem:$0x1D000] =	vst v63  }
0xc0: {  	_ = 	snop  }
0xc1: {  	[spmem:s1] =	stream.indirect.scatter.add.f32 [tilespmem:s22], [sflag:$0x3], $0x80, s28, s25, $0xb8;
	[tilespmem:$0x1D000] =	vst v63  }
0xc2: {  	_ =	swait.ge [sflag:s23], $0x4000  }
0xc3: {  	[sflag:s23] =	ssyncset.done $0x0  }
0xc4: {  	[sflag:s23] =	ssyncadd.s32 $0xFFFFC000  }
0xc5: {  	_ =	swait.ge [sflag:s31], $0x4000  }
0xc6: {  	[sflag:s31] =	ssyncset.done $0x0  }
0xc7: {  	s17 =	rddreg [dreg:$0x16];
	[sflag:s31] =	ssyncadd.s32 $0xFFFFC000  }
0xc8: {  	[tilespmem:s22], [sflag:$0x1] =	stream.indirect.gather [hbm4b:s4+s25], $0x80, s17, s25, $0xb8;
	[tilespmem:$0x1D000] =	vst v63  }
0xc9: {  	s18 =	rddreg [dreg:$0x17]  }
0xca: {  	[spmem:s1] =	stream.indirect.scatter.add.f32 [tilespmem:s30], [sflag:$0x3], $0x80, s18, s25, $0xb8;
	[tilespmem:$0x1D000] =	vst v63  }
0xcb: {  	_ =	swait.ge [sflag:s23], $0x4000  }
0xcc: {  	[sflag:s23] =	ssyncset.done $0x0  }
0xcd: {  	[sflag:s23] =	ssyncadd.s32 $0xFFFFC000  }
0xce: {  	_ =	swait.ge [sflag:s29], $0x4000  }
0xcf: {  	[sflag:s29] =	ssyncset.done $0x0  }
0xd0: {  	s19 =	rddreg [dreg:$0x18];
	[sflag:s29] =	ssyncadd.s32 $0xFFFFC000  }
0xd1: {  	[tilespmem:s30], [sflag:$0x2] =	stream.indirect.gather [hbm4b:s4+s25], $0x80, s19, s25, $0xb8;
	[tilespmem:$0x1D000] =	vst v63  }
0xd2: {  	s20 =	rddreg [dreg:$0x19]  }
0xd3: {  	[spmem:s1] =	stream.indirect.scatter.add.f32 [tilespmem:s22], [sflag:$0x3], $0x80, s20, s25, $0xb8;
	[tilespmem:$0x1D000] =	vst v63  }
0xd4: {  	_ =	swait.ge [sflag:s23], $0x4000  }
0xd5: {  	[sflag:s23] =	ssyncset.done $0x0  }
0xd6: {  	[sflag:s23] =	ssyncadd.s32 $0xFFFFC000  }
0xd7: {  	_ =	swait.ge [sflag:s31], $0x4000  }
0xd8: {  	[sflag:s31] =	ssyncset.done $0x0  }
0xd9: {  	[sflag:s31] =	ssyncadd.s32 $0xFFFFC000  }
0xda: {  	[tilespmem:s22], [sflag:$0x1] =	stream.indirect.gather [hbm4b:s4+s25], $0x80, s0, s25, $0xb8;
	[tilespmem:$0x1D000] =	vst v63  }
0xdb: {  	_ = 	snop  }
0xdc: {  	[spmem:s1] =	stream.indirect.scatter.add.f32 [tilespmem:s30], [sflag:$0x3], $0x80, s2, s25, $0xb8;
	[tilespmem:$0x1D000] =	vst v63  }
0xdd: {  	_ =	swait.ge [sflag:s23], $0x4000  }
0xde: {  	[sflag:s23] =	ssyncset.done $0x0  }
0xdf: {  	[sflag:s23] =	ssyncadd.s32 $0xFFFFC000  }
0xe0: {  	_ =	swait.ge [sflag:s29], $0x4000  }
0xe1: {  	[sflag:s29] =	ssyncset.done $0x0  }
0xe2: {  	[sflag:s29] =	ssyncadd.s32 $0xFFFFC000  }
0xe3: {  	[tilespmem:s30], [sflag:$0x2] =	stream.indirect.gather [hbm4b:s4+s25], $0x80, s6, s25, $0xb8;
	[tilespmem:$0x1D000] =	vst v63  }
0xe4: {  	_ = 	snop  }
0xe5: {  	[spmem:s1] =	stream.indirect.scatter.add.f32 [tilespmem:s22], [sflag:$0x3], $0x80, s7, s25, $0xb8;
	[tilespmem:$0x1D000] =	vst v63  }
0xe6: {  	_ =	swait.ge [sflag:s23], $0x4000  }
0xe7: {  	[sflag:s23] =	ssyncset.done $0x0  }
0xe8: {  	[sflag:s23] =	ssyncadd.s32 $0xFFFFC000  }
0xe9: {  	_ =	swait.ge [sflag:s31], $0x4000  }
0xea: {  	[sflag:s31] =	ssyncset.done $0x0  }
0xeb: {  	[sflag:s31] =	ssyncadd.s32 $0xFFFFC000  }
0xec: {  	[tilespmem:s22], [sflag:$0x1] =	stream.indirect.gather [hbm4b:s4+s25], $0x80, s8, s25, $0xb8;
	[tilespmem:$0x1D000] =	vst v63  }
0xed: {  	_ = 	snop  }
0xee: {  	[spmem:s1] =	stream.indirect.scatter.add.f32 [tilespmem:s30], [sflag:$0x3], $0x80, s9, s25, $0xb8;
	[tilespmem:$0x1D000] =	vst v63  }
0xef: {  	_ =	swait.ge [sflag:s23], $0x4000  }
0xf0: {  	[sflag:s23] =	ssyncset.done $0x0  }
0xf1: {  	[sflag:s23] =	ssyncadd.s32 $0xFFFFC000  }
0xf2: {  	_ =	swait.ge [sflag:s29], $0x4000  }
0xf3: {  	[sflag:s29] =	ssyncset.done $0x0  }
0xf4: {  	[sflag:s29] =	ssyncadd.s32 $0xFFFFC000  }
0xf5: {  	[tilespmem:s30], [sflag:$0x2] =	stream.indirect.gather [hbm4b:s4+s25], $0x80, s10, s25, $0xb8;
	[tilespmem:$0x1D000] =	vst v63  }
0xf6: {  	_ = 	snop  }
0xf7: {  	[spmem:s1] =	stream.indirect.scatter.add.f32 [tilespmem:s22], [sflag:$0x3], $0x80, s11, s25, $0xb8;
	[tilespmem:$0x1D000] =	vst v63  }
0xf8: {  	_ =	swait.ge [sflag:s23], $0x4000  }
0xf9: {  	[sflag:s23] =	ssyncset.done $0x0  }
0xfa: {  	[sflag:s23] =	ssyncadd.s32 $0xFFFFC000  }
0xfb: {  	_ =	swait.ge [sflag:s31], $0x4000  }
0xfc: {  	[sflag:s31] =	ssyncset.done $0x0  }
0xfd: {  	s15 =	simm.s32 @!p0 $0x80;
	s16 =	simm.s32 @!p0 $0x1000;
	[sflag:s31] =	ssyncadd.s32 $0xFFFFC000  }
0xfe: {  	[tilespmem:s16], [sflag:$0x1] =	stream.indirect.gather @!p0 [hbm4b:s4+s15], $0x80, s14, s15, $0xb8;
	[tilespmem:$0x1D000] =	vst v63  }
0xff: {  	_ = 	snop  }
0x100: {  	[spmem:s1] =	stream.indirect.scatter.add.f32 [tilespmem:s30], [sflag:$0x3], $0x80, s12, s25, $0xb8;
	[tilespmem:$0x1D000] =	vst v63  }
0x101: {  	s14 =	simm.s32 $0x100;
	s15 =	simm.s32 $0x200;
	_ =	swait.ge [sflag:s23], $0x4000  }
.LBB2_4:
0x102: {  	s17 =	rddreg [dreg:$0x6];
	[sflag:s23] =	ssyncset.done $0x0  }
0x103: {  	[sflag:s23] =	ssyncadd.s32 $0xFFFFC000;
	s17 =	sadd.s32 s14, s17  }
0x104: {  	[tilespmem:s26], [sflag:$0x3] =	stream.linear.gather [hbm4b:s17+s3], $0x400, $0x38;
	[tilespmem:$0x1D000] =	vst v63  }
0x105: {  	_ =	swait.ge [sflag:s23], $0x400  }
0x106: {  	s19 =	rddreg [dreg:$0x7];
	[sflag:s23] =	ssyncset.done $0x0  }
0x107: {  	[sflag:s23] =	ssyncadd.s32 $0xFFFFFC00;
	s17 =	sadd.s32 s14, s19  }
0x108: {  	[tilespmem:s28], [sflag:$0x3] =	stream.linear.gather [hbm4b:s17+s3], $0x400, $0x38;
	[tilespmem:$0x1D000] =	vst v63  }
0x109: {  	_ =	swait.ge [sflag:s23], $0x400  }
0x10a: {  	[sflag:s23] =	ssyncset.done $0x0  }
0x10b: {  	[sflag:s23] =	ssyncadd.s32 $0xFFFFFC00  }
0x10c: {  	_ =	swait.ge [sflag:s29], $0x4000  }
0x10d: {  	[sflag:s29] =	ssyncset.done $0x0  }
0x10e: {  	[sflag:s29] =	ssyncadd.s32 $0xFFFFC000  }
0x10f: {  	[tilespmem:s30], [sflag:$0x2] =	stream.indirect.gather [hbm4b:s4+s25], $0x80, s25, s25, $0xb8;
	[tilespmem:$0x1D000] =	vst v63  }
0x110: {  	_ = 	snop  }
0x111: {  	[spmem:s1] =	stream.indirect.scatter.add.f32 [tilespmem:s22], [sflag:$0x3], $0x80, s24, s25, $0xb8;
	[tilespmem:$0x1D000] =	vst v63  }
0x112: {  	_ =	swait.ge [sflag:s23], $0x4000  }
0x113: {  	[sflag:s23] =	ssyncset.done $0x0  }
0x114: {  	[sflag:s23] =	ssyncadd.s32 $0xFFFFC000  }
0x115: {  	_ =	swait.ge [sflag:s31], $0x4000  }
0x116: {  	[sflag:s31] =	ssyncset.done $0x0  }
0x117: {  	s20 =	rddreg [dreg:$0x8];
	[sflag:s31] =	ssyncadd.s32 $0xFFFFC000  }
0x118: {  	[tilespmem:s22], [sflag:$0x1] =	stream.indirect.gather [hbm4b:s4+s25], $0x80, s20, s25, $0xb8;
	[tilespmem:$0x1D000] =	vst v63  }
0x119: {  	s18 =	rddreg [dreg:$0x9]  }
0x11a: {  	[spmem:s1] =	stream.indirect.scatter.add.f32 [tilespmem:s30], [sflag:$0x3], $0x80, s18, s25, $0xb8;
	[tilespmem:$0x1D000] =	vst v63  }
0x11b: {  	_ =	swait.ge [sflag:s23], $0x4000  }
0x11c: {  	[sflag:s23] =	ssyncset.done $0x0  }
0x11d: {  	[sflag:s23] =	ssyncadd.s32 $0xFFFFC000  }
0x11e: {  	_ =	swait.ge [sflag:s29], $0x4000  }
0x11f: {  	[sflag:s29] =	ssyncset.done $0x0  }
0x120: {  	s19 =	rddreg [dreg:$0xa];
	[sflag:s29] =	ssyncadd.s32 $0xFFFFC000  }
0x121: {  	[tilespmem:s30], [sflag:$0x2] =	stream.indirect.gather [hbm4b:s4+s25], $0x80, s19, s25, $0xb8;
	[tilespmem:$0x1D000] =	vst v63  }
0x122: {  	s20 =	rddreg [dreg:$0xb]  }
0x123: {  	[spmem:s1] =	stream.indirect.scatter.add.f32 [tilespmem:s22], [sflag:$0x3], $0x80, s20, s25, $0xb8;
	[tilespmem:$0x1D000] =	vst v63  }
0x124: {  	_ =	swait.ge [sflag:s23], $0x4000  }
0x125: {  	[sflag:s23] =	ssyncset.done $0x0  }
0x126: {  	[sflag:s23] =	ssyncadd.s32 $0xFFFFC000  }
0x127: {  	_ =	swait.ge [sflag:s31], $0x4000  }
0x128: {  	[sflag:s31] =	ssyncset.done $0x0  }
0x129: {  	s19 =	rddreg [dreg:$0xc];
	[sflag:s31] =	ssyncadd.s32 $0xFFFFC000  }
0x12a: {  	[tilespmem:s22], [sflag:$0x1] =	stream.indirect.gather [hbm4b:s4+s25], $0x80, s19, s25, $0xb8;
	[tilespmem:$0x1D000] =	vst v63  }
0x12b: {  	s20 =	rddreg [dreg:$0xd]  }
0x12c: {  	[spmem:s1] =	stream.indirect.scatter.add.f32 [tilespmem:s30], [sflag:$0x3], $0x80, s20, s25, $0xb8;
	[tilespmem:$0x1D000] =	vst v63  }
0x12d: {  	_ =	swait.ge [sflag:s23], $0x4000  }
0x12e: {  	[sflag:s23] =	ssyncset.done $0x0  }
0x12f: {  	[sflag:s23] =	ssyncadd.s32 $0xFFFFC000  }
0x130: {  	_ =	swait.ge [sflag:s29], $0x4000  }
0x131: {  	[sflag:s29] =	ssyncset.done $0x0  }
0x132: {  	s19 =	rddreg [dreg:$0xe];
	[sflag:s29] =	ssyncadd.s32 $0xFFFFC000  }
0x133: {  	[tilespmem:s30], [sflag:$0x2] =	stream.indirect.gather [hbm4b:s4+s25], $0x80, s19, s25, $0xb8;
	[tilespmem:$0x1D000] =	vst v63  }
0x134: {  	s20 =	rddreg [dreg:$0xf]  }
0x135: {  	[spmem:s1] =	stream.indirect.scatter.add.f32 [tilespmem:s22], [sflag:$0x3], $0x80, s20, s25, $0xb8;
	[tilespmem:$0x1D000] =	vst v63  }
0x136: {  	_ =	swait.ge [sflag:s23], $0x4000  }
0x137: {  	[sflag:s23] =	ssyncset.done $0x0  }
0x138: {  	[sflag:s23] =	ssyncadd.s32 $0xFFFFC000  }
0x139: {  	_ =	swait.ge [sflag:s31], $0x4000  }
0x13a: {  	[sflag:s31] =	ssyncset.done $0x0  }
0x13b: {  	s19 =	rddreg [dreg:$0x10];
	[sflag:s31] =	ssyncadd.s32 $0xFFFFC000  }
0x13c: {  	[tilespmem:s22], [sflag:$0x1] =	stream.indirect.gather [hbm4b:s4+s25], $0x80, s19, s25, $0xb8;
	[tilespmem:$0x1D000] =	vst v63  }
0x13d: {  	s20 =	rddreg [dreg:$0x11]  }
0x13e: {  	[spmem:s1] =	stream.indirect.scatter.add.f32 [tilespmem:s30], [sflag:$0x3], $0x80, s20, s25, $0xb8;
	[tilespmem:$0x1D000] =	vst v63  }
0x13f: {  	_ =	swait.ge [sflag:s23], $0x4000  }
0x140: {  	[sflag:s23] =	ssyncset.done $0x0  }
0x141: {  	[sflag:s23] =	ssyncadd.s32 $0xFFFFC000  }
0x142: {  	_ =	swait.ge [sflag:s29], $0x4000  }
0x143: {  	[sflag:s29] =	ssyncset.done $0x0  }
0x144: {  	s18 =	rddreg [dreg:$0x12];
	[sflag:s29] =	ssyncadd.s32 $0xFFFFC000  }
0x145: {  	[tilespmem:s30], [sflag:$0x2] =	stream.indirect.gather [hbm4b:s4+s25], $0x80, s18, s25, $0xb8;
	[tilespmem:$0x1D000] =	vst v63  }
0x146: {  	s19 =	rddreg [dreg:$0x13]  }
0x147: {  	[spmem:s1] =	stream.indirect.scatter.add.f32 [tilespmem:s22], [sflag:$0x3], $0x80, s19, s25, $0xb8;
	[tilespmem:$0x1D000] =	vst v63  }
0x148: {  	_ =	swait.ge [sflag:s23], $0x4000  }
0x149: {  	[sflag:s23] =	ssyncset.done $0x0  }
0x14a: {  	[sflag:s23] =	ssyncadd.s32 $0xFFFFC000  }
0x14b: {  	_ =	swait.ge [sflag:s31], $0x4000  }
0x14c: {  	[sflag:s31] =	ssyncset.done $0x0  }
0x14d: {  	[sflag:s31] =	ssyncadd.s32 $0xFFFFC000  }
0x14e: {  	[tilespmem:s22], [sflag:$0x1] =	stream.indirect.gather [hbm4b:s4+s25], $0x80, s26, s25, $0xb8;
	[tilespmem:$0x1D000] =	vst v63  }
0x14f: {  	s20 =	rddreg [dreg:$0x14]  }
0x150: {  	[spmem:s1] =	stream.indirect.scatter.add.f32 [tilespmem:s30], [sflag:$0x3], $0x80, s20, s25, $0xb8;
	[tilespmem:$0x1D000] =	vst v63  }
0x151: {  	_ =	swait.ge [sflag:s23], $0x4000  }
0x152: {  	p1 =	seq.s32 s14, $0x400;
	s17 =	rddreg [dreg:$0x4];
	[sflag:s23] =	ssyncset.done $0x0  }
0x153: {  	[sflag:s23] =	ssyncadd.s32 $0xFFFFC000;
	s18 =	sadd.s32 @!p1 s14, s17;
	s17 =	simm.s32 @!p1 $0x0  }
0x154: {  	[tilespmem:s17], [sflag:$0x3] =	stream.linear.gather @!p1 [hbm4b:s18+s17], $0x400, $0x38;
	[tilespmem:$0x1D000] =	vst v63  }
0x155: {  	s18 =	simm.s32 @!p1 $0x3  }
0x156: {  	_ =	swait.ge @!p1 [sflag:s18], $0x400  }
0x157: {  	[sflag:s18] =	ssyncset.done @!p1 $0x0;
	s19 =	rddreg [dreg:$0x5]  }
0x158: {  	s20 =	simm.s32 @!p1 $0x800;
	[sflag:s18] =	ssyncadd.s32 @!p1 $0xFFFFFC00;
	s19 =	sadd.s32 @!p1 s14, s19  }
0x159: {  	[tilespmem:s20], [sflag:$0x3] =	stream.linear.gather @!p1 [hbm4b:s19+s17], $0x400, $0x38;
	[tilespmem:$0x1D000] =	vst v63  }
0x15a: {  	_ =	swait.ge @!p1 [sflag:s18], $0x400  }
0x15b: {  	[sflag:s18] =	ssyncset.done @!p1 $0x0  }
0x15c: {  	[sflag:s18] =	ssyncadd.s32 @!p1 $0xFFFFFC00  }
0x15d: {  	_ =	swait.ge [sflag:s29], $0x4000  }
0x15e: {  	[sflag:s29] =	ssyncset.done $0x0  }
0x15f: {  	s18 =	rddreg [dreg:$0x15];
	[sflag:s29] =	ssyncadd.s32 $0xFFFFC000  }
0x160: {  	[tilespmem:s30], [sflag:$0x2] =	stream.indirect.gather [hbm4b:s4+s25], $0x80, s18, s25, $0xb8;
	[tilespmem:$0x1D000] =	vst v63  }
0x161: {  	_ = 	snop  }
0x162: {  	[spmem:s1] =	stream.indirect.scatter.add.f32 [tilespmem:s22], [sflag:$0x3], $0x80, s28, s25, $0xb8;
	[tilespmem:$0x1D000] =	vst v63  }
0x163: {  	_ =	swait.ge [sflag:s23], $0x4000  }
0x164: {  	[sflag:s23] =	ssyncset.done $0x0  }
0x165: {  	[sflag:s23] =	ssyncadd.s32 $0xFFFFC000  }
0x166: {  	_ =	swait.ge [sflag:s31], $0x4000  }
0x167: {  	[sflag:s31] =	ssyncset.done $0x0  }
0x168: {  	s19 =	rddreg [dreg:$0x16];
	[sflag:s31] =	ssyncadd.s32 $0xFFFFC000  }
0x169: {  	[tilespmem:s22], [sflag:$0x1] =	stream.indirect.gather [hbm4b:s4+s25], $0x80, s19, s25, $0xb8;
	[tilespmem:$0x1D000] =	vst v63  }
0x16a: {  	s20 =	rddreg [dreg:$0x17]  }
0x16b: {  	[spmem:s1] =	stream.indirect.scatter.add.f32 [tilespmem:s30], [sflag:$0x3], $0x80, s20, s25, $0xb8;
	[tilespmem:$0x1D000] =	vst v63  }
0x16c: {  	_ =	swait.ge [sflag:s23], $0x4000  }
0x16d: {  	[sflag:s23] =	ssyncset.done $0x0  }
0x16e: {  	[sflag:s23] =	ssyncadd.s32 $0xFFFFC000  }
0x16f: {  	_ =	swait.ge [sflag:s29], $0x4000  }
0x170: {  	[sflag:s29] =	ssyncset.done $0x0  }
0x171: {  	s19 =	rddreg [dreg:$0x18];
	[sflag:s29] =	ssyncadd.s32 $0xFFFFC000  }
0x172: {  	[tilespmem:s30], [sflag:$0x2] =	stream.indirect.gather [hbm4b:s4+s25], $0x80, s19, s25, $0xb8;
	[tilespmem:$0x1D000] =	vst v63  }
0x173: {  	s20 =	rddreg [dreg:$0x19]  }
0x174: {  	[spmem:s1] =	stream.indirect.scatter.add.f32 [tilespmem:s22], [sflag:$0x3], $0x80, s20, s25, $0xb8;
	[tilespmem:$0x1D000] =	vst v63  }
0x175: {  	_ =	swait.ge [sflag:s23], $0x4000  }
0x176: {  	[sflag:s23] =	ssyncset.done $0x0  }
0x177: {  	[sflag:s23] =	ssyncadd.s32 $0xFFFFC000  }
0x178: {  	_ =	swait.ge [sflag:s31], $0x4000  }
0x179: {  	[sflag:s31] =	ssyncset.done $0x0  }
0x17a: {  	[sflag:s31] =	ssyncadd.s32 $0xFFFFC000  }
0x17b: {  	[tilespmem:s22], [sflag:$0x1] =	stream.indirect.gather [hbm4b:s4+s25], $0x80, s0, s25, $0xb8;
	[tilespmem:$0x1D000] =	vst v63  }
0x17c: {  	_ = 	snop  }
0x17d: {  	[spmem:s1] =	stream.indirect.scatter.add.f32 [tilespmem:s30], [sflag:$0x3], $0x80, s2, s25, $0xb8;
	[tilespmem:$0x1D000] =	vst v63  }
0x17e: {  	_ =	swait.ge [sflag:s23], $0x4000  }
0x17f: {  	[sflag:s23] =	ssyncset.done $0x0  }
0x180: {  	[sflag:s23] =	ssyncadd.s32 $0xFFFFC000  }
0x181: {  	_ =	swait.ge [sflag:s29], $0x4000  }
0x182: {  	[sflag:s29] =	ssyncset.done $0x0  }
0x183: {  	[sflag:s29] =	ssyncadd.s32 $0xFFFFC000  }
0x184: {  	[tilespmem:s30], [sflag:$0x2] =	stream.indirect.gather [hbm4b:s4+s25], $0x80, s6, s25, $0xb8;
	[tilespmem:$0x1D000] =	vst v63  }
0x185: {  	_ = 	snop  }
0x186: {  	[spmem:s1] =	stream.indirect.scatter.add.f32 [tilespmem:s22], [sflag:$0x3], $0x80, s7, s25, $0xb8;
	[tilespmem:$0x1D000] =	vst v63  }
0x187: {  	_ =	swait.ge [sflag:s23], $0x4000  }
0x188: {  	[sflag:s23] =	ssyncset.done $0x0  }
0x189: {  	[sflag:s23] =	ssyncadd.s32 $0xFFFFC000  }
0x18a: {  	_ =	swait.ge [sflag:s31], $0x4000  }
0x18b: {  	[sflag:s31] =	ssyncset.done $0x0  }
0x18c: {  	[sflag:s31] =	ssyncadd.s32 $0xFFFFC000  }
0x18d: {  	[tilespmem:s22], [sflag:$0x1] =	stream.indirect.gather [hbm4b:s4+s25], $0x80, s8, s25, $0xb8;
	[tilespmem:$0x1D000] =	vst v63  }
0x18e: {  	_ = 	snop  }
0x18f: {  	[spmem:s1] =	stream.indirect.scatter.add.f32 [tilespmem:s30], [sflag:$0x3], $0x80, s9, s25, $0xb8;
	[tilespmem:$0x1D000] =	vst v63  }
0x190: {  	_ =	swait.ge [sflag:s23], $0x4000  }
0x191: {  	[sflag:s23] =	ssyncset.done $0x0  }
0x192: {  	[sflag:s23] =	ssyncadd.s32 $0xFFFFC000  }
0x193: {  	_ =	swait.ge [sflag:s29], $0x4000  }
0x194: {  	[sflag:s29] =	ssyncset.done $0x0  }
0x195: {  	[sflag:s29] =	ssyncadd.s32 $0xFFFFC000  }
0x196: {  	[tilespmem:s30], [sflag:$0x2] =	stream.indirect.gather [hbm4b:s4+s25], $0x80, s10, s25, $0xb8;
	[tilespmem:$0x1D000] =	vst v63  }
0x197: {  	_ = 	snop  }
0x198: {  	[spmem:s1] =	stream.indirect.scatter.add.f32 [tilespmem:s22], [sflag:$0x3], $0x80, s11, s25, $0xb8;
	[tilespmem:$0x1D000] =	vst v63  }
0x199: {  	_ =	swait.ge [sflag:s23], $0x4000  }
0x19a: {  	[sflag:s23] =	ssyncset.done $0x0  }
0x19b: {  	s16 =	smov.u32 s15;
	s15 =	sadd.s32 $0x100, s15;
	[sflag:s23] =	ssyncadd.s32 $0xFFFFC000  }
0x19c: {  	p0 =	sne.s32 s15, $0x500;
	_ =	swait.ge [sflag:s31], $0x4000  }
0x19d: {  	s14 =	smov.u32 s16;
	s16 =	simm.s32 @!p1 $0x80;
	[sflag:s31] =	ssyncset.done $0x0  }
.Ltmp1:
0x19e: {  	s18 =	simm.s32 @!p1 $0x1000;
	[sflag:s31] =	ssyncadd.s32 $0xFFFFC000;
	(pc) =	sbr.rel @p0 .LBB2_4-.Ltmp1, $4  }
0x19f: {  	[tilespmem:s18], [sflag:$0x1] =	stream.indirect.gather @!p1 [hbm4b:s4+s16], $0x80, s17, s16, $0xb8;
	[tilespmem:$0x1D000] =	vst v63  }
0x1a0: {  	_ = 	snop  }
0x1a1: {  	[spmem:s1] =	stream.indirect.scatter.add.f32 [tilespmem:s30], [sflag:$0x3], $0x80, s12, s25, $0xb8;
	[tilespmem:$0x1D000] =	vst v63  }
0x1a2: {  	_ =	swait.ge [sflag:s23], $0x4000  }
0x1a3: {  	s15 =	rddreg [dreg:$0x6];
	[sflag:s23] =	ssyncset.done $0x0  }
0x1a4: {  	[sflag:s23] =	ssyncadd.s32 $0xFFFFC000;
	s15 =	sadd.s32 s14, s15  }
0x1a5: {  	[tilespmem:s26], [sflag:$0x3] =	stream.linear.gather [hbm4b:s15+s3], $0x400, $0x38;
	[tilespmem:$0x1D000] =	vst v63  }
0x1a6: {  	_ =	swait.ge [sflag:s23], $0x400  }
0x1a7: {  	s17 =	rddreg [dreg:$0x7];
	[sflag:s23] =	ssyncset.done $0x0  }
0x1a8: {  	[sflag:s23] =	ssyncadd.s32 $0xFFFFFC00;
	s15 =	sadd.s32 s14, s17  }
0x1a9: {  	[tilespmem:s28], [sflag:$0x3] =	stream.linear.gather [hbm4b:s15+s3], $0x400, $0x38;
	[tilespmem:$0x1D000] =	vst v63  }
0x1aa: {  	_ =	swait.ge [sflag:s23], $0x400  }
0x1ab: {  	[sflag:s23] =	ssyncset.done $0x0  }
0x1ac: {  	[sflag:s23] =	ssyncadd.s32 $0xFFFFFC00  }
0x1ad: {  	_ =	swait.ge [sflag:s29], $0x4000  }
0x1ae: {  	[sflag:s29] =	ssyncset.done $0x0  }
0x1af: {  	[sflag:s29] =	ssyncadd.s32 $0xFFFFC000  }
0x1b0: {  	[tilespmem:s30], [sflag:$0x2] =	stream.indirect.gather [hbm4b:s4+s25], $0x80, s25, s25, $0xb8;
	[tilespmem:$0x1D000] =	vst v63  }
0x1b1: {  	_ = 	snop  }
0x1b2: {  	[spmem:s1] =	stream.indirect.scatter.add.f32 [tilespmem:s22], [sflag:$0x3], $0x80, s24, s25, $0xb8;
	[tilespmem:$0x1D000] =	vst v63  }
0x1b3: {  	_ =	swait.ge [sflag:s23], $0x4000  }
0x1b4: {  	[sflag:s23] =	ssyncset.done $0x0  }
0x1b5: {  	[sflag:s23] =	ssyncadd.s32 $0xFFFFC000  }
0x1b6: {  	_ =	swait.ge [sflag:s31], $0x4000  }
0x1b7: {  	[sflag:s31] =	ssyncset.done $0x0  }
0x1b8: {  	s18 =	rddreg [dreg:$0x8];
	[sflag:s31] =	ssyncadd.s32 $0xFFFFC000  }
0x1b9: {  	[tilespmem:s22], [sflag:$0x1] =	stream.indirect.gather [hbm4b:s4+s25], $0x80, s18, s25, $0xb8;
	[tilespmem:$0x1D000] =	vst v63  }
0x1ba: {  	s16 =	rddreg [dreg:$0x9]  }
0x1bb: {  	[spmem:s1] =	stream.indirect.scatter.add.f32 [tilespmem:s30], [sflag:$0x3], $0x80, s16, s25, $0xb8;
	[tilespmem:$0x1D000] =	vst v63  }
0x1bc: {  	_ =	swait.ge [sflag:s23], $0x4000  }
0x1bd: {  	[sflag:s23] =	ssyncset.done $0x0  }
0x1be: {  	[sflag:s23] =	ssyncadd.s32 $0xFFFFC000  }
0x1bf: {  	_ =	swait.ge [sflag:s29], $0x4000  }
0x1c0: {  	[sflag:s29] =	ssyncset.done $0x0  }
0x1c1: {  	s19 =	rddreg [dreg:$0xa];
	[sflag:s29] =	ssyncadd.s32 $0xFFFFC000  }
0x1c2: {  	[tilespmem:s30], [sflag:$0x2] =	stream.indirect.gather [hbm4b:s4+s25], $0x80, s19, s25, $0xb8;
	[tilespmem:$0x1D000] =	vst v63  }
0x1c3: {  	s20 =	rddreg [dreg:$0xb]  }
0x1c4: {  	[spmem:s1] =	stream.indirect.scatter.add.f32 [tilespmem:s22], [sflag:$0x3], $0x80, s20, s25, $0xb8;
	[tilespmem:$0x1D000] =	vst v63  }
0x1c5: {  	_ =	swait.ge [sflag:s23], $0x4000  }
0x1c6: {  	[sflag:s23] =	ssyncset.done $0x0  }
0x1c7: {  	[sflag:s23] =	ssyncadd.s32 $0xFFFFC000  }
0x1c8: {  	_ =	swait.ge [sflag:s31], $0x4000  }
0x1c9: {  	[sflag:s31] =	ssyncset.done $0x0  }
0x1ca: {  	s17 =	rddreg [dreg:$0xc];
	[sflag:s31] =	ssyncadd.s32 $0xFFFFC000  }
0x1cb: {  	[tilespmem:s22], [sflag:$0x1] =	stream.indirect.gather [hbm4b:s4+s25], $0x80, s17, s25, $0xb8;
	[tilespmem:$0x1D000] =	vst v63  }
0x1cc: {  	s18 =	rddreg [dreg:$0xd]  }
0x1cd: {  	[spmem:s1] =	stream.indirect.scatter.add.f32 [tilespmem:s30], [sflag:$0x3], $0x80, s18, s25, $0xb8;
	[tilespmem:$0x1D000] =	vst v63  }
0x1ce: {  	_ =	swait.ge [sflag:s23], $0x4000  }
0x1cf: {  	[sflag:s23] =	ssyncset.done $0x0  }
0x1d0: {  	[sflag:s23] =	ssyncadd.s32 $0xFFFFC000  }
0x1d1: {  	_ =	swait.ge [sflag:s29], $0x4000  }
0x1d2: {  	[sflag:s29] =	ssyncset.done $0x0  }
0x1d3: {  	s19 =	rddreg [dreg:$0xe];
	[sflag:s29] =	ssyncadd.s32 $0xFFFFC000  }
0x1d4: {  	[tilespmem:s30], [sflag:$0x2] =	stream.indirect.gather [hbm4b:s4+s25], $0x80, s19, s25, $0xb8;
	[tilespmem:$0x1D000] =	vst v63  }
0x1d5: {  	s20 =	rddreg [dreg:$0xf]  }
0x1d6: {  	[spmem:s1] =	stream.indirect.scatter.add.f32 [tilespmem:s22], [sflag:$0x3], $0x80, s20, s25, $0xb8;
	[tilespmem:$0x1D000] =	vst v63  }
0x1d7: {  	_ =	swait.ge [sflag:s23], $0x4000  }
0x1d8: {  	[sflag:s23] =	ssyncset.done $0x0  }
0x1d9: {  	[sflag:s23] =	ssyncadd.s32 $0xFFFFC000  }
0x1da: {  	_ =	swait.ge [sflag:s31], $0x4000  }
0x1db: {  	[sflag:s31] =	ssyncset.done $0x0  }
0x1dc: {  	s17 =	rddreg [dreg:$0x10];
	[sflag:s31] =	ssyncadd.s32 $0xFFFFC000  }
0x1dd: {  	[tilespmem:s22], [sflag:$0x1] =	stream.indirect.gather [hbm4b:s4+s25], $0x80, s17, s25, $0xb8;
	[tilespmem:$0x1D000] =	vst v63  }
0x1de: {  	s18 =	rddreg [dreg:$0x11]  }
0x1df: {  	[spmem:s1] =	stream.indirect.scatter.add.f32 [tilespmem:s30], [sflag:$0x3], $0x80, s18, s25, $0xb8;
	[tilespmem:$0x1D000] =	vst v63  }
0x1e0: {  	_ =	swait.ge [sflag:s23], $0x4000  }
0x1e1: {  	[sflag:s23] =	ssyncset.done $0x0  }
0x1e2: {  	[sflag:s23] =	ssyncadd.s32 $0xFFFFC000  }
0x1e3: {  	_ =	swait.ge [sflag:s29], $0x4000  }
0x1e4: {  	[sflag:s29] =	ssyncset.done $0x0  }
0x1e5: {  	s19 =	rddreg [dreg:$0x12];
	[sflag:s29] =	ssyncadd.s32 $0xFFFFC000  }
0x1e6: {  	[tilespmem:s30], [sflag:$0x2] =	stream.indirect.gather [hbm4b:s4+s25], $0x80, s19, s25, $0xb8;
	[tilespmem:$0x1D000] =	vst v63  }
0x1e7: {  	s20 =	rddreg [dreg:$0x13]  }
0x1e8: {  	[spmem:s1] =	stream.indirect.scatter.add.f32 [tilespmem:s22], [sflag:$0x3], $0x80, s20, s25, $0xb8;
	[tilespmem:$0x1D000] =	vst v63  }
0x1e9: {  	_ =	swait.ge [sflag:s23], $0x4000  }
0x1ea: {  	[sflag:s23] =	ssyncset.done $0x0  }
0x1eb: {  	[sflag:s23] =	ssyncadd.s32 $0xFFFFC000  }
0x1ec: {  	_ =	swait.ge [sflag:s31], $0x4000  }
0x1ed: {  	[sflag:s31] =	ssyncset.done $0x0  }
0x1ee: {  	[sflag:s31] =	ssyncadd.s32 $0xFFFFC000  }
0x1ef: {  	[tilespmem:s22], [sflag:$0x1] =	stream.indirect.gather [hbm4b:s4+s25], $0x80, s26, s25, $0xb8;
	[tilespmem:$0x1D000] =	vst v63  }
0x1f0: {  	s17 =	rddreg [dreg:$0x14]  }
0x1f1: {  	[spmem:s1] =	stream.indirect.scatter.add.f32 [tilespmem:s30], [sflag:$0x3], $0x80, s17, s25, $0xb8;
	[tilespmem:$0x1D000] =	vst v63  }
0x1f2: {  	_ =	swait.ge [sflag:s23], $0x4000  }
0x1f3: {  	p0 =	seq.s32 s14, $0x400;
	s15 =	rddreg [dreg:$0x4];
	[sflag:s23] =	ssyncset.done $0x0  }
0x1f4: {  	[sflag:s23] =	ssyncadd.s32 $0xFFFFC000;
	s16 =	sadd.s32 @!p0 s14, s15;
	s15 =	simm.s32 @!p0 $0x0  }
0x1f5: {  	[tilespmem:s15], [sflag:$0x3] =	stream.linear.gather @!p0 [hbm4b:s16+s15], $0x400, $0x38;
	[tilespmem:$0x1D000] =	vst v63  }
0x1f6: {  	s16 =	simm.s32 @!p0 $0x3  }
0x1f7: {  	_ =	swait.ge @!p0 [sflag:s16], $0x400  }
0x1f8: {  	s17 =	rddreg [dreg:$0x5];
	[sflag:s16] =	ssyncset.done @!p0 $0x0  }
0x1f9: {  	[sflag:s16] =	ssyncadd.s32 @!p0 $0xFFFFFC00;
	s14 =	sadd.s32 @!p0 s14, s17;
	s17 =	simm.s32 @!p0 $0x800  }
0x1fa: {  	[tilespmem:s17], [sflag:$0x3] =	stream.linear.gather @!p0 [hbm4b:s14+s15], $0x400, $0x38;
	[tilespmem:$0x1D000] =	vst v63  }
0x1fb: {  	_ =	swait.ge @!p0 [sflag:s16], $0x400  }
0x1fc: {  	[sflag:s16] =	ssyncset.done @!p0 $0x0  }
0x1fd: {  	[sflag:s16] =	ssyncadd.s32 @!p0 $0xFFFFFC00  }
0x1fe: {  	_ =	swait.ge [sflag:s29], $0x4000  }
0x1ff: {  	[sflag:s29] =	ssyncset.done $0x0  }
0x200: {  	s18 =	rddreg [dreg:$0x15];
	[sflag:s29] =	ssyncadd.s32 $0xFFFFC000  }
0x201: {  	[tilespmem:s30], [sflag:$0x2] =	stream.indirect.gather [hbm4b:s4+s25], $0x80, s18, s25, $0xb8;
	[tilespmem:$0x1D000] =	vst v63  }
0x202: {  	_ = 	snop  }
0x203: {  	[spmem:s1] =	stream.indirect.scatter.add.f32 [tilespmem:s22], [sflag:$0x3], $0x80, s28, s25, $0xb8;
	[tilespmem:$0x1D000] =	vst v63  }
0x204: {  	_ =	swait.ge [sflag:s23], $0x4000  }
0x205: {  	[sflag:s23] =	ssyncset.done $0x0  }
0x206: {  	[sflag:s23] =	ssyncadd.s32 $0xFFFFC000  }
0x207: {  	_ =	swait.ge [sflag:s31], $0x4000  }
0x208: {  	[sflag:s31] =	ssyncset.done $0x0  }
0x209: {  	s19 =	rddreg [dreg:$0x16];
	[sflag:s31] =	ssyncadd.s32 $0xFFFFC000  }
0x20a: {  	[tilespmem:s22], [sflag:$0x1] =	stream.indirect.gather [hbm4b:s4+s25], $0x80, s19, s25, $0xb8;
	[tilespmem:$0x1D000] =	vst v63  }
0x20b: {  	s20 =	rddreg [dreg:$0x17]  }
0x20c: {  	[spmem:s1] =	stream.indirect.scatter.add.f32 [tilespmem:s30], [sflag:$0x3], $0x80, s20, s25, $0xb8;
	[tilespmem:$0x1D000] =	vst v63  }
0x20d: {  	_ =	swait.ge [sflag:s23], $0x4000  }
0x20e: {  	[sflag:s23] =	ssyncset.done $0x0  }
0x20f: {  	[sflag:s23] =	ssyncadd.s32 $0xFFFFC000  }
0x210: {  	_ =	swait.ge [sflag:s29], $0x4000  }
0x211: {  	[sflag:s29] =	ssyncset.done $0x0  }
0x212: {  	s16 =	rddreg [dreg:$0x18];
	[sflag:s29] =	ssyncadd.s32 $0xFFFFC000  }
0x213: {  	[tilespmem:s30], [sflag:$0x2] =	stream.indirect.gather [hbm4b:s4+s25], $0x80, s16, s25, $0xb8;
	[tilespmem:$0x1D000] =	vst v63  }
0x214: {  	s17 =	rddreg [dreg:$0x19]  }
0x215: {  	[spmem:s1] =	stream.indirect.scatter.add.f32 [tilespmem:s22], [sflag:$0x3], $0x80, s17, s25, $0xb8;
	[tilespmem:$0x1D000] =	vst v63  }
0x216: {  	_ =	swait.ge [sflag:s23], $0x4000  }
0x217: {  	[sflag:s23] =	ssyncset.done $0x0  }
0x218: {  	[sflag:s23] =	ssyncadd.s32 $0xFFFFC000  }
0x219: {  	_ =	swait.ge [sflag:s31], $0x4000  }
0x21a: {  	[sflag:s31] =	ssyncset.done $0x0  }
0x21b: {  	[sflag:s31] =	ssyncadd.s32 $0xFFFFC000  }
0x21c: {  	[tilespmem:s22], [sflag:$0x1] =	stream.indirect.gather [hbm4b:s4+s25], $0x80, s0, s25, $0xb8;
	[tilespmem:$0x1D000] =	vst v63  }
0x21d: {  	_ = 	snop  }
0x21e: {  	[spmem:s1] =	stream.indirect.scatter.add.f32 [tilespmem:s30], [sflag:$0x3], $0x80, s2, s25, $0xb8;
	[tilespmem:$0x1D000] =	vst v63  }
0x21f: {  	_ =	swait.ge [sflag:s23], $0x4000  }
0x220: {  	[sflag:s23] =	ssyncset.done $0x0  }
0x221: {  	[sflag:s23] =	ssyncadd.s32 $0xFFFFC000  }
0x222: {  	_ =	swait.ge [sflag:s29], $0x4000  }
0x223: {  	[sflag:s29] =	ssyncset.done $0x0  }
0x224: {  	[sflag:s29] =	ssyncadd.s32 $0xFFFFC000  }
0x225: {  	[tilespmem:s30], [sflag:$0x2] =	stream.indirect.gather [hbm4b:s4+s25], $0x80, s6, s25, $0xb8;
	[tilespmem:$0x1D000] =	vst v63  }
0x226: {  	_ = 	snop  }
0x227: {  	[spmem:s1] =	stream.indirect.scatter.add.f32 [tilespmem:s22], [sflag:$0x3], $0x80, s7, s25, $0xb8;
	[tilespmem:$0x1D000] =	vst v63  }
0x228: {  	_ =	swait.ge [sflag:s23], $0x4000  }
0x229: {  	[sflag:s23] =	ssyncset.done $0x0  }
0x22a: {  	[sflag:s23] =	ssyncadd.s32 $0xFFFFC000  }
0x22b: {  	_ =	swait.ge [sflag:s31], $0x4000  }
0x22c: {  	[sflag:s31] =	ssyncset.done $0x0  }
0x22d: {  	[sflag:s31] =	ssyncadd.s32 $0xFFFFC000  }
0x22e: {  	[tilespmem:s22], [sflag:$0x1] =	stream.indirect.gather [hbm4b:s4+s25], $0x80, s8, s25, $0xb8;
	[tilespmem:$0x1D000] =	vst v63  }
0x22f: {  	_ = 	snop  }
0x230: {  	[spmem:s1] =	stream.indirect.scatter.add.f32 [tilespmem:s30], [sflag:$0x3], $0x80, s9, s25, $0xb8;
	[tilespmem:$0x1D000] =	vst v63  }
0x231: {  	_ =	swait.ge [sflag:s23], $0x4000  }
0x232: {  	[sflag:s23] =	ssyncset.done $0x0  }
0x233: {  	[sflag:s23] =	ssyncadd.s32 $0xFFFFC000  }
0x234: {  	_ =	swait.ge [sflag:s29], $0x4000  }
0x235: {  	[sflag:s29] =	ssyncset.done $0x0  }
0x236: {  	[sflag:s29] =	ssyncadd.s32 $0xFFFFC000  }
0x237: {  	[tilespmem:s30], [sflag:$0x2] =	stream.indirect.gather [hbm4b:s4+s25], $0x80, s10, s25, $0xb8;
	[tilespmem:$0x1D000] =	vst v63  }
0x238: {  	_ = 	snop  }
0x239: {  	[spmem:s1] =	stream.indirect.scatter.add.f32 [tilespmem:s22], [sflag:$0x3], $0x80, s11, s25, $0xb8;
	[tilespmem:$0x1D000] =	vst v63  }
0x23a: {  	_ =	swait.ge [sflag:s23], $0x4000  }
0x23b: {  	[sflag:s23] =	ssyncset.done $0x0  }
0x23c: {  	[sflag:s23] =	ssyncadd.s32 $0xFFFFC000  }
0x23d: {  	_ =	swait.ge [sflag:s31], $0x4000  }
0x23e: {  	[sflag:s31] =	ssyncset.done $0x0  }
0x23f: {  	s14 =	simm.s32 @!p0 $0x80;
	s16 =	simm.s32 @!p0 $0x1000;
	[sflag:s31] =	ssyncadd.s32 $0xFFFFC000  }
0x240: {  	[tilespmem:s16], [sflag:$0x1] =	stream.indirect.gather @!p0 [hbm4b:s4+s14], $0x80, s15, s14, $0xb8;
	[tilespmem:$0x1D000] =	vst v63  }
0x241: {  	_ = 	snop  }
0x242: {  	[spmem:s1] =	stream.indirect.scatter.add.f32 [tilespmem:s30], [sflag:$0x3], $0x80, s12, s25, $0xb8;
	[tilespmem:$0x1D000] =	vst v63  }
0x243: {  	_ =	swait.ge [sflag:s23], $0x4000  }
0x244: {  	[sflag:s23] =	ssyncset.done $0x0  }
0x245: {  	[sflag:s23] =	ssyncadd.s32 $0xFFFFC000  }
0x246: {  	[bflag:$0x0] =	sbarrier.arrive $0xFFFF  }
0x247: {  	[tilespmem:s22], [sflag:$0x3] =	stream.linear.gather [spmem:s5], $0x4000, $0x38;
	[tilespmem:$0x1D000] =	vst v63  }
0x248: {  	_ =	swait.ge [sflag:s23], $0x4000  }
0x249: {  	s18 =	sld [smem:$0x7F6]  }
0x24a: {  	[sflag:s23] =	ssyncset.done $0x0  }
0x24b: {  	[sflag:s23] =	ssyncadd.s32 $0xFFFFC000  }
0x24c: {  	[hbm4b:s18+s3] =	stream.linear.scatter [tilespmem:s22], [sflag:$0x3], $0x4000, $0x38;
	[tilespmem:$0x1D000] =	vst v63  }
0x24d: {  	_ =	swait.ge [sflag:s23], $0x4000  }
0x24e: {  	s19 =	sld [smem:$0x7F7]  }
0x24f: {  	[sflag:s23] =	ssyncset.done $0x0  }
0x250: {  	[sflag:s23] =	ssyncadd.s32 $0xFFFFC000  }
0x251: {  	[tilespmem:s22], [sflag:$0x3] =	stream.linear.gather [spmem:s19], $0x4000, $0x38;
	[tilespmem:$0x1D000] =	vst v63  }
0x252: {  	_ =	swait.ge [sflag:s23], $0x4000  }
0x253: {  	s20 =	sld [smem:$0x7F8]  }
0x254: {  	[sflag:s23] =	ssyncset.done $0x0  }
0x255: {  	[sflag:s23] =	ssyncadd.s32 $0xFFFFC000  }
0x256: {  	[hbm4b:s20+s3] =	stream.linear.scatter [tilespmem:s22], [sflag:$0x3], $0x4000, $0x38;
	[tilespmem:$0x1D000] =	vst v63  }
0x257: {  	_ =	swait.ge [sflag:s23], $0x4000  }
0x258: {  	s15 =	sld [smem:$0x7F9]  }
0x259: {  	[sflag:s23] =	ssyncset.done $0x0  }
0x25a: {  	[sflag:s23] =	ssyncadd.s32 $0xFFFFC000  }
0x25b: {  	[tilespmem:s22], [sflag:$0x3] =	stream.linear.gather [spmem:s15], $0x4000, $0x38;
	[tilespmem:$0x1D000] =	vst v63  }
0x25c: {  	_ =	swait.ge [sflag:s23], $0x4000  }
0x25d: {  	s16 =	sld [smem:$0x7FA]  }
0x25e: {  	[sflag:s23] =	ssyncset.done $0x0  }
0x25f: {  	[sflag:s23] =	ssyncadd.s32 $0xFFFFC000  }
0x260: {  	[hbm4b:s16+s3] =	stream.linear.scatter [tilespmem:s22], [sflag:$0x3], $0x4000, $0x38;
	[tilespmem:$0x1D000] =	vst v63  }
0x261: {  	_ =	swait.ge [sflag:s23], $0x4000  }
0x262: {  	s17 =	sld [smem:$0x7FB]  }
0x263: {  	[sflag:s23] =	ssyncset.done $0x0  }
0x264: {  	[sflag:s23] =	ssyncadd.s32 $0xFFFFC000  }
0x265: {  	[tilespmem:s22], [sflag:$0x3] =	stream.linear.gather [spmem:s17], $0x4000, $0x38;
	[tilespmem:$0x1D000] =	vst v63  }
0x266: {  	_ =	swait.ge [sflag:s23], $0x4000  }
0x267: {  	s18 =	sld [smem:$0x7FC]  }
0x268: {  	[sflag:s23] =	ssyncset.done $0x0  }
0x269: {  	[sflag:s23] =	ssyncadd.s32 $0xFFFFC000  }
0x26a: {  	[hbm4b:s18+s3] =	stream.linear.scatter [tilespmem:s22], [sflag:$0x3], $0x4000, $0x38;
	[tilespmem:$0x1D000] =	vst v63  }
0x26b: {  	_ =	swait.ge [sflag:s23], $0x4000  }
0x26c: {  	s19 =	sld [smem:$0x7FD]  }
0x26d: {  	[sflag:s23] =	ssyncset.done $0x0  }
0x26e: {  	[sflag:s23] =	ssyncadd.s32 $0xFFFFC000  }
0x26f: {  	[tilespmem:s22], [sflag:$0x3] =	stream.linear.gather [spmem:s19], $0x4000, $0x38;
	[tilespmem:$0x1D000] =	vst v63  }
0x270: {  	_ =	swait.ge [sflag:s23], $0x4000  }
0x271: {  	[sflag:s23] =	ssyncset.done $0x0  }
0x272: {  	[sflag:s23] =	ssyncadd.s32 $0xFFFFC000  }
0x273: {  	[hbm4b:s21+s3] =	stream.linear.scatter [tilespmem:s22], [sflag:$0x3], $0x4000, $0x38;
	[tilespmem:$0x1D000] =	vst v63  }
0x274: {  	_ =	swait.ge [sflag:s23], $0x4000  }
0x275: {  	s13 =	sadd.s32 $0x1, s13;
	s20 =	rddreg [dreg:$0x1c]  }
0x276: {  	p0 =	sne.s32 s13, s20  }
.Ltmp2:
0x277: {  	_ = 	snop;
	(pc) =	sbr.rel @p0 .LBB2_1-.Ltmp2, $3  }
0x278: {  	_ =	sdelay $0x1  }
0x279: {  	[sflag:s23] =	ssyncset.done $0x0  }
0x27a: {  	[sflag:s23] =	ssyncadd.s32 $0xFFFFC000  }
0x27b: {  	_ =	sfence.sel $0x180000  }
0x27c: {  	[bflag:$0x0] =	sbarrier.arrive $0xFFFF  }
0x27d: {  	_ =	strace $0x9000004D  }
0x27e: {  	s0 =	stileid.u32;
	[bflag:$0x2] =	sbarrier.arrive $0xFFFF  }
0x27f: {  	p0 =	sne.s32 s0, $0x0;
	s0 =	rddreg [dreg:$0x3]  }
0x280: {  	s0 =	sadd.s32 @!p0 $0x100000, s0  }
0x281: {  	[sflag:s0] =	ssyncadd.tile.s32 @!p0 $0x1;
	_ =	shalt  }
.Lfunc_end2:
_tile_overlayer_lowered:
.L_overlay_start_2:
0x282: {  	(tag) =	ssettag $0x2  }
0x283: {  	s0 =	rddreg [dreg:$0x0];
	s2 =	stileid.u32  }
0x284: {  	s1 =	rddreg [dreg:$0x1];
	p0 =	sne.s32 s2, $0x0  }
0x285: {  	s3 =	rddreg [dreg:$0x2];
	[bflag:$0x3] =	sbarrier.arrive $0xFFFF;
	s2 =	simm.s32 @!p0 $0x1C03  }
0x286: {  	[timem:s3], [sflag:s2] =	dma.local @!p0 [hbm:s0], s1  }
0x287: {  	s0 =	simm.s32 @!p0 $0x3  }
0x288: {  	_ =	swait.ge @!p0 [sflag:s0], s1  }
0x289: {  	s1 =	ssub.s32 @!p0 $0x0, s1;
	[sflag:s0] =	ssyncset.done @!p0 $0x0  }
0x28a: {  	[sflag:s0] =	ssyncadd.s32 @!p0 s1  }
0x28b: {  	[bflag:$0x3] =	sbarrier.arrive $0xFFFF  }
0x28c: {  	_ =	shalt  }

// kernel: kernel.19.cloned.1.call-start
scs
__scs_entry_jumppad:
0x0: {  	(pc) =	sbr.rel $0x88, $3  }
0x1: {  	(tag) =	ssettag $0x0;
	lr =	simm.s32 $0x1  }
0x2: {  	[smem:$0x3F97] =	sst lr;
	_ =	strace $0xD0000000  }
0x3: {  	_ = 	snop  }
0x4: {  	_ = 	snop  }
0x5: {  	_ = 	snop  }
0x6: {  	_ = 	snop  }
0x7: {  	_ = 	snop  }
__scs_overlays_trampoline_lowered:
0x8: {  	[smem:$0x3FA6] =	sst s0  }
0x9: {  	[smem:$0x3FA7] =	sst s1  }
0xa: {  	[smem:$0x3FA8] =	sst s2  }
0xb: {  	[smem:$0x3FA9] =	sst s3  }
0xc: {  	[smem:$0x3FAA] =	sst s4  }
0xd: {  	[smem:$0x3FAB] =	sst s5  }
0xe: {  	[smem:$0x3FAC] =	sst s6  }
0xf: {  	[smem:$0x3FAD] =	sst s7  }
0x10: {  	[smem:$0x3FAE] =	sst s8  }
0x11: {  	[smem:$0x3FAF] =	sst s9;
	s0 =	simm.s32 @!p0 $0x0  }
0x12: {  	s1 =	sld [smem:$0x3F95];
	s0 =	simm.s32 @p0 $0x1  }
0x13: {  	[smem:$0x3FB0] =	sst s0;
	s0 =	simm.s32 @!p1 $0x0  }
0x14: {  	s2 =	sld [smem:$0x3F94];
	s0 =	simm.s32 @p1 $0x1  }
0x15: {  	[smem:$0x3FB1] =	sst s0;
	s0 =	simm.s32 @!p2 $0x0  }
0x16: {  	s3 =	sld [smem:$0x3FDB];
	s0 =	simm.s32 @p2 $0x1  }
0x17: {  	s4 =	simm.s32 $0x1BF5;
	[smem:$0x3FB3] =	sst s0  }
0x18: {  	s0 =	sld [smem:$0x3F96];
	_ =	swait.ge [sflag:s4], $0x0  }
0x19: {  	s7 =	sld [smem:$0x3F97]  }
0x1a: {  	s8 =	sadd.s32 $0xFFFFE003, lr  }
0x1b: {  	s9 =	sadd.s32 $0xFFFFFEF7, lr;
	s5 =	simm.s32 $0xFFFFFFFF;
	p2 =	slt.u32 s8, $0xFFFFF086  }
0x1c: {  	p1 =	slt.u32 s9, $0xF7A;
	s5 =	simm.s32 @!p2 $0x0  }
0x1d: {  	s5 =	simm.s32 @p1 $0x1;
	p0 =	seq.s32 s7, s2  }
0x1e: {  	s7 =	smul.u32 @!p0 $0xF7A, s2;
	p2 =	seq.s32 @!p0 s5, $0x0  }
0x1f: {  	s9 =	smul.u32 $0xF7A, s1;
	s8 =	simm.s32 @!p0 $0x1BF5;
	p2 =	por !p2, p0  }
0x20: {  	[sflag:s8] =	ssyncset.s32 @!p0 $0xFFFFF086;
	s6 =	sadd.s32 @!p0 s3, s7;
	s7 =	simm.s32 @!p0 $0x108  }
0x21: {  	s3 =	sadd.s32 s3, s9;
	s6 =	sadd.s32 @!p0 $0x88, s6;
	s7 =	simm.s32 @p2 $0x1082  }
0x22: {  	[simem:s7], [sflag:s8] =	dma.local @!p0 [hbm:s6], $0xF7A  }
0x23: {  	s9 =	sor.u32 $0xD0000000, s2;
	s6 =	simm.s32 $0x108;
	_ =	swait.ge @!p0 [sflag:s8], $0x0  }
0x24: {  	s3 =	sadd.s32 $0x88, s3;
	s6 =	simm.s32 @!p1 $0x1082;
	[sflag:s4] =	ssyncset.s32 $0xFFFFF086  }
0x25: {  	[simem:s6], [sflag:s4] =	dma.local [hbm:s3], $0xF7A  }
0x26: {  	[smem:$0x3F97] =	sst s1;
	(tag) =	ssettag s2;
	_ =	strace s9  }
0x27: {  	s1 =	sld [smem:$0x3FA7]  }
0x28: {  	s2 =	sld [smem:$0x3FA8]  }
0x29: {  	s4 =	sld [smem:$0x3FAA]  }
0x2a: {  	p0 =	seq.s32 s5, $0x0;
	s5 =	sld [smem:$0x3FAB]  }
0x2b: {  	s6 =	sld [smem:$0x3FAC]  }
0x2c: {  	s7 =	sld [smem:$0x3FAD]  }
0x2d: {  	s3 =	simm.s32 $0x108;
	s8 =	sld [smem:$0x3FAE]  }
0x2e: {  	s3 =	simm.s32 @!p0 $0x1082;
	s9 =	sld [smem:$0x3FAF]  }
0x2f: {  	lr =	sadd.s32 s0, s3;
	s0 =	sld [smem:$0x3FA6]  }
0x30: {  	s3 =	sld [smem:$0x3FA9]  }
0x31: {  	[smem:$0x3FB2] =	sst s10  }
0x32: {  	s10 =	sld [smem:$0x3FB0];
	_ =	sdelay $0x3  }
0x33: {  	p0 =	seq.s32 s10, $0x1;
	s10 =	sld [smem:$0x3FB2];
	_ =	sdelay $0x3  }
0x34: {  	[smem:$0x3FB2] =	sst s10  }
0x35: {  	s10 =	sld [smem:$0x3FB1];
	_ =	sdelay $0x3  }
0x36: {  	p1 =	seq.s32 s10, $0x1;
	s10 =	sld [smem:$0x3FB2];
	_ =	sdelay $0x3  }
0x37: {  	[smem:$0x3FB2] =	sst s10  }
0x38: {  	s10 =	sld [smem:$0x3FB3]  }
0x39: {  	_ = 	snop;
	(pc) =	sbr.ind lr, $3  }
0x3a: {  	_ = 	snop  }
0x3b: {  	_ = 	snop  }
0x3c: {  	p2 =	seq.s32 s10, $0x1;
	s10 =	sld [smem:$0x3FB2]  }
0x3d: {  	_ =	shalt  }
0x3e: {  	_ =	shalt  }
0x3f: {  	_ =	shalt  }
0x40: {  	_ =	shalt  }
0x41: {  	_ =	shalt  }
0x42: {  	_ =	shalt  }
0x43: {  	_ =	shalt  }
0x44: {  	_ =	shalt  }
0x45: {  	_ =	shalt  }
0x46: {  	_ =	shalt  }
0x47: {  	_ =	shalt  }
0x48: {  	_ =	shalt  }
0x49: {  	_ =	shalt  }
0x4a: {  	_ =	shalt  }
0x4b: {  	_ =	shalt  }
0x4c: {  	_ =	shalt  }
0x4d: {  	_ =	shalt  }
0x4e: {  	_ =	shalt  }
0x4f: {  	_ =	shalt  }
0x50: {  	_ =	shalt  }
0x51: {  	_ =	shalt  }
0x52: {  	_ =	shalt  }
0x53: {  	_ =	shalt  }
0x54: {  	_ =	shalt  }
0x55: {  	_ =	shalt  }
0x56: {  	_ =	shalt  }
0x57: {  	_ =	shalt  }
0x58: {  	_ =	shalt  }
0x59: {  	_ =	shalt  }
0x5a: {  	_ =	shalt  }
0x5b: {  	_ =	shalt  }
0x5c: {  	_ =	shalt  }
0x5d: {  	_ =	shalt  }
0x5e: {  	_ =	shalt  }
0x5f: {  	_ =	shalt  }
0x60: {  	_ =	shalt  }
0x61: {  	_ =	shalt  }
0x62: {  	_ =	shalt  }
0x63: {  	_ =	shalt  }
0x64: {  	_ =	shalt  }
0x65: {  	_ =	shalt  }
0x66: {  	_ =	shalt  }
0x67: {  	_ =	shalt  }
0x68: {  	_ =	shalt  }
0x69: {  	_ =	shalt  }
0x6a: {  	_ =	shalt  }
0x6b: {  	_ =	shalt  }
0x6c: {  	_ =	shalt  }
0x6d: {  	_ =	shalt  }
0x6e: {  	_ =	shalt  }
0x6f: {  	_ =	shalt  }
0x70: {  	_ =	shalt  }
0x71: {  	_ =	shalt  }
0x72: {  	_ =	shalt  }
0x73: {  	_ =	shalt  }
0x74: {  	_ =	shalt  }
0x75: {  	_ =	shalt  }
0x76: {  	_ =	shalt  }
0x77: {  	_ =	shalt  }
0x78: {  	_ =	shalt  }
0x79: {  	_ =	shalt  }
0x7a: {  	_ =	shalt  }
0x7b: {  	_ =	shalt  }
0x7c: {  	_ =	shalt  }
0x7d: {  	_ =	shalt  }
0x7e: {  	_ =	shalt  }
0x7f: {  	_ =	shalt  }
0x80: {  	_ =	shalt  }
0x81: {  	_ =	shalt  }
0x82: {  	_ =	shalt  }
0x83: {  	_ =	shalt  }
0x84: {  	_ =	shalt  }
0x85: {  	_ =	shalt  }
0x86: {  	_ =	shalt  }
0x87: {  	_ =	shalt  }
.Lfunc_end0:
.L_simem_size_0:
called_computation.3_lowered:
.L_overlay_start_0:
0x88: {  	s2 =	sld [smem:$0x3FD9]  }
0x89: {  	s3 =	sld [smem:$0x3FFE];
	_ =	sdelay $0x1  }
0x8a: {  	s1 =	srdreg.scid  }
0x8b: {  	s0 =	sand.u32 $0x1, s1  }
0x8c: {  	s17 =	sshll.u32 s0, $0xA;
	s2 =	sadd.s32 s3, s2  }
0x8d: {  	s2 =	sadd.s32 s2, s17  }
0x8e: {  	[smem:$0x3FBE] =	sst s2  }
0x8f: {  	_ = 	snop  }
0x90: {  	s2 =	sld [smem:$0x3FD0];
	(tm) =	ssettm $0x1  }
0x91: {  	s18 =	sld [smem:$0x3FFB];
	_ =	sdelay $0x3  }
0x92: {  	_ =	strace s18  }
0x93: {  	s3 =	sld [smem:$0x3FFC];
	_ =	sdelay $0x3  }
0x94: {  	_ =	strace s3  }
0x95: {  	s3 =	sld [smem:$0x3FFD];
	_ =	sdelay $0x3  }
0x96: {  	_ =	strace s3  }
0x97: {  	_ =	strace $0x8FFFFFFF  }
0x98: {  	s19 =	sld [smem:$0x3FDB];
	_ =	sdelay $0x1  }
0x99: {  	s4 =	simm.s32 $_scs_section_size  }
0x9a: {  	s5 =	simm.s32 $_size__tile_overlayer_lowered;
	s6 =	simm.s32 $_tile_overlayer_lowered  }
0x9b: {  	s22 =	simm.s32 $0x1BFF;
	s21 =	sshll.u32 s6, $0x1;
	s3 =	sadd.s32 s4, s19  }
0x9c: {  	s7 =	simm.s32 $0x0;
	s20 =	sshll.u32 s5, $0x1;
	s5 =	sadd.s32 s21, s3  }
0x9d: {  	[timem:s7], [sflag:s22] =	dma.local [hbm:s5], s20  }
0x9e: {  	_ =	swait.ge [sflag:s22], s20  }
0x9f: {  	s4 =	ssub.s32 $0x0, s20;
	[sflag:s22] =	ssyncset.done $0x0  }
0xa0: {  	[sflag:s22] =	ssyncadd.s32 s4;
	_ =	sdelay $0x1  }
0xa1: {  	s23 =	simm.s32 $0x1B8B  }
0xa2: {  	_ =	swait.ge [sflag:s23], $0x1  }
0xa3: {  	[sflag:s23] =	ssyncset.done $0x0  }
0xa4: {  	s25 =	simm.s32 $0x1B8E;
	s24 =	sld [smem:$0x3FFE];
	[sflag:s23] =	ssyncadd.s32 $0xFFFFFFFF  }
0xa5: {  	s26 =	simm.s32 $execute0_lowered;
	[smem:$0x3FD2] =	sst s25  }
0xa6: {  	s5 =	sshll.u32 s26, $0x1;
	_ =	strace $0x8000004F;
	[dreg:$0x1] =	wrdreg $0xFFFFFFFF  }
0xa7: {  	s28 =	simm.s32 $_size_execute0_lowered;
	s3 =	sadd.s32 s3, s5;
	[dreg:$0x0] =	wrdreg $0x0  }
0xa8: {  	s5 =	sshll.u32 s28, $0x1;
	[dreg:$0x2] =	wrdreg s3  }
0xa9: {  	[dreg:$0x3] =	wrdreg s5  }
0xaa: {  	[dreg:$0x4] =	wrdreg $0xC0  }
0xab: {  	_ =	task [dreg:s7], $0x5FFFF  }
0xac: {  	[dreg:$0x1] =	wrdreg $0xFFFFFFFF  }
0xad: {  	[dreg:$0x0] =	wrdreg $0x60  }
0xae: {  	[dreg:$0x2] =	wrdreg s24  }
0xaf: {  	[dreg:$0x3] =	wrdreg s2  }
0xb0: {  	[dreg:$0x4] =	wrdreg $0x90000  }
0xb1: {  	[dreg:$0x5] =	wrdreg $0x9  }
0xb2: {  	_ =	task.clear_ibuf [dreg:s7], $0x6FFFF;
	_ =	strace $0x9000004F  }
0xb3: {  	s29 =	simm.s32 $0x9;
	_ =	strace $0x80000051  }
0xb4: {  	_ =	swait.ge [sflag:s29], $0x1  }
0xb5: {  	[sflag:s29] =	ssyncadd.s32 $0xFFFFFFFF  }
0xb6: {  	_ =	strace $0x90000051  }
0xb7: {  	_ =	sfence  }
0xb8: {  	s30 =	sld [smem:$0x0];
	_ =	sdelay $0x2  }
0xb9: {  	s31 =	sshll.u32 s1, $0xD;
	s1 =	sshrl.u32 s1, $0x2  }
0xba: {  	s3 =	sand.u32 $0x4000, s31;
	s1 =	sadd.s32 s1, s30  }
0xbb: {  	s0 =	sor.u32 s3, s0;
	s1 =	sshll.u32 s1, $0x11  }
0xbc: {  	s0 =	sor.u32 s1, s0  }
0xbd: {  	s0 =	sadd.s32 $0x8F2B, s0  }
0xbe: {  	[sflag:s0] =	ssyncadd.remote.s32 $0x1  }
0xbf: {  	_ =	sfence.sel $0xFFFF  }
0xc0: {  	[dreg:$0x0] =	wrdreg $0xFFFFFFFF;
	(pc) =	sbr.abs _section_cstart, $3  }
0xc1: {  	[dreg:$0x1] =	wrdreg $0xFFFFFFFF  }
0xc2: {  	_ =	task.clear_ibuf [dreg:s7], $0x2FFFF;
	_ =	strace $0x9FFFFFFF  }
0xc3: {  	(tm) =	ssettm $0x7FFFFFFF  }
tec
execute0_lowered:
.L_overlay_start_1:
0x0: {  	(tag) =	ssettag $0x1  }
0x1: {  	s0 =	rddreg [dreg:$0x0]  }
0x2: {  	s7 =	rddreg [dreg:$0x1]  }
0x3: {  	s1 =	rddreg [dreg:$0x2]  }
0x4: {  	s2 =	srdreg.scid;
	s3 =	simm.s32 $0x0;
	s13 =	stileid.u32  }
0x5: {  	s22 =	simm.s32 $0x100;
	s28 =	simm.s32 $0xC00;
	s29 =	simm.s32 $0x1  }
0x6: {  	s8 =	sand.u32 $0x1, s2;
	[smem:$0x7FF] =	sst s3;
	s5 =	smul.u32 $0x50000, s13  }
0x7: {  	s9 =	sadd.s32 $0x4200, s0;
	s6 =	smul.u32 $0x14000, s13;
	_ =	strace $0x80000050  }
0x8: {  	s11 =	ssub.s32 $0x2, s8;
	[dreg:$0x8] =	wrdreg s22;
	s22 =	simm.s32 $0x480  }
0x9: {  	s12 =	sshrl.u32 s11, $0x1;
	s5 =	sshrl.u32 s5, $0x2;
	s17 =	sadd.s32 $0x4000, s6  }
0xa: {  	[dreg:$0x15] =	wrdreg s22;
	s11 =	ssub.s32 s11, s12;
	s19 =	sadd.s32 s17, s1  }
0xb: {  	s5 =	sadd.s32 s5, s1;
	s11 =	smax.u32 s11, $0x1;
	[smem:$0x7F7] =	sst s19  }
0xc: {  	s25 =	smul.u32 $0xA, s13;
	s26 =	sadd.s32 $0x4000, s5;
	[dreg:$0x1c] =	wrdreg s11  }
0xd: {  	s2 =	sshll.u32 s8, $0x4;
	s12 =	sadd.s32 $0x8000, s5;
	[dreg:$0x1d] =	wrdreg s26  }
0xe: {  	s2 =	sor.u32 s13, s2;
	s13 =	sadd.s32 $0xC000, s5;
	[dreg:$0x1e] =	wrdreg s12  }
0xf: {  	s10 =	smul.u32 $0x500, s2;
	s15 =	sadd.s32 $0x10000, s5;
	[dreg:$0x1f] =	wrdreg s13  }
0x10: {  	s2 =	smul.u32 $0x140000, s8;
	s19 =	simm.s32 $0xB00;
	[smem:$0x7F5] =	sst s15  }
0x11: {  	s8 =	smul.u32 $0xA0, s8;
	s24 =	sadd.s32 s9, s10;
	[dreg:$0x13] =	wrdreg s19  }
0x12: {  	s23 =	sadd.s32 $0x8000, s6;
	s10 =	sadd.s32 s7, s10;
	[dreg:$0x1a] =	wrdreg s24  }
0x13: {  	s8 =	sadd.s32 s25, s8;
	s25 =	sadd.s32 s23, s1;
	[dreg:$0x1b] =	wrdreg s10  }
0x14: {  	s30 =	simm.s32 $0x5000;
	s26 =	simm.s32 $0x180;
	[smem:$0x7F9] =	sst s25  }
0x15: {  	s31 =	simm.s32 $0x2;
	s13 =	simm.s32 $0x280;
	[dreg:$0xa] =	wrdreg s26  }
0x16: {  	s14 =	sadd.s32 s2, s6;
	s15 =	simm.s32 $0xA00;
	[dreg:$0xe] =	wrdreg s13  }
0x17: {  	s12 =	sadd.s32 $0xC000, s6;
	s24 =	simm.s32 $0x880;
	[dreg:$0xf] =	wrdreg s15  }
0x18: {  	s16 =	sshrl.u32 s14, $0x3;
	s14 =	sadd.s32 s12, s1;
	[dreg:$0x9] =	wrdreg s24  }
0x19: {  	s4 =	sadd.s32 $0x35400, s0;
	s25 =	simm.s32 $0x580;
	[smem:$0x7FB] =	sst s14  }
0x1a: {  	s0 =	sadd.s32 $0x5C600, s0;
	s26 =	simm.s32 $0xD00;
	[dreg:$0x18] =	wrdreg s25  }
0x1b: {  	s22 =	simm.s32 $0x1000;
	s10 =	sadd.s32 s0, s16;
	[dreg:$0x19] =	wrdreg s26  }
0x1c: {  	s8 =	sshll.u32 s8, $0x7;
	s16 =	simm.s32 $0x300;
	[smem:$0x7F6] =	sst s10  }
0x1d: {  	s18 =	sadd.s32 $0x100, s8;
	s24 =	simm.s32 $0xC80;
	[dreg:$0x10] =	wrdreg s16  }
0x1e: {  	s6 =	sadd.s32 $0x10000, s6;
	s20 =	sadd.s32 s18, s9;
	[dreg:$0x17] =	wrdreg s24  }
0x1f: {  	s13 =	simm.s32 $0x0;
	s11 =	sadd.s32 s18, s7;
	[dreg:$0x4] =	wrdreg s20  }
0x20: {  	s10 =	sadd.s32 s2, s17;
	s17 =	simm.s32 $0xA80;
	[dreg:$0x5] =	wrdreg s11  }
0x21: {  	s9 =	sadd.s32 s8, s9;
	s18 =	simm.s32 $0x380;
	[dreg:$0x11] =	wrdreg s17  }
0x22: {  	s7 =	sadd.s32 s8, s7;
	s9 =	sadd.s32 $0x80, s9;
	[dreg:$0x12] =	wrdreg s18  }
0x23: {  	s25 =	simm.s32 $0x80;
	s7 =	sadd.s32 $0x80, s7;
	[dreg:$0x6] =	wrdreg s9  }
0x24: {  	s21 =	sshrl.u32 s10, $0x3;
	s10 =	simm.s32 $0x200;
	[dreg:$0x7] =	wrdreg s7  }
0x25: {  	s26 =	simm.s32 $0x400;
	s11 =	simm.s32 $0x980;
	[dreg:$0xc] =	wrdreg s10  }
0x26: {  	s24 =	simm.s32 $0x800;
	s20 =	sadd.s32 s6, s1;
	[dreg:$0xd] =	wrdreg s11  }
0x27: {  	s8 =	sadd.s32 s0, s21;
	s9 =	simm.s32 $0x900;
	[smem:$0x7FD] =	sst s20  }
0x28: {  	s21 =	simm.s32 $0xB80;
	s7 =	simm.s32 $0xE00;
	[smem:$0x7F8] =	sst s8  }
0x29: {  	s10 =	simm.s32 $0x780;
	s8 =	sadd.s32 s2, s23;
	[dreg:$0xb] =	wrdreg s9  }
0x2a: {  	[dreg:$0x14] =	wrdreg s21;
	s23 =	simm.s32 $0x500;
	s8 =	sshrl.u32 s8, $0x3  }
0x2b: {  	s11 =	simm.s32 $0xF00;
	[dreg:$0x16] =	wrdreg s23;
	s8 =	sadd.s32 s0, s8  }
0x2c: {  	s9 =	simm.s32 $0xE80;
	s23 =	simm.s32 $0x3;
	[smem:$0x7FA] =	sst s8  }
0x2d: {  	s8 =	sadd.s32 s2, s12;
	s2 =	sadd.s32 s2, s6;
	s6 =	simm.s32 $0x680  }
0x2e: {  	s12 =	simm.s32 $0xF80;
	s8 =	sshrl.u32 s8, $0x3;
	s2 =	sshrl.u32 s2, $0x3  }
0x2f: {  	s8 =	sadd.s32 s0, s8;
	s21 =	sadd.s32 s0, s2;
	s0 =	simm.s32 $0x600  }
0x30: {  	v0 =	vimm.f32 $0.0e+00;
	s2 =	simm.s32 $0xD80;
	[smem:$0x7FC] =	sst s8;
	s8 =	simm.s32 $0x700  }
.LBB2_1:
0x31: {  	s14 =	simm.s32 $0x0;
	s15 =	simm.s32 $0x200  }
.LBB2_2:
0x32: {  	p0 =	sne.s32 s15, $0xFE00;
	[tilespmem:s14+$0x1070] =	vst v0  }
0x33: {  	[tilespmem:s14+$0x1000] =	vst v0  }
0x34: {  	[tilespmem:s14+$0x1010] =	vst v0  }
.Ltmp0:
0x35: {  	[tilespmem:s14+$0x1020] =	vst v0;
	(pc) =	sbr.rel @p0 .LBB2_2-.Ltmp0, $4  }
0x36: {  	[tilespmem:s14+$0x1030] =	vst v0  }
0x37: {  	[tilespmem:s14+$0x1040] =	vst v0  }
0x38: {  	[tilespmem:s14+$0x1050] =	vst v0  }
0x39: {  	[tilespmem:s14+$0x1060] =	vst v0;
	s14 =	sshra.s32 s15, $0x2;
	s15 =	sadd.s32 $0x200, s15  }
0x3a: {  	[tilespmem:s14+$0x1070] =	vst v0  }
0x3b: {  	[tilespmem:s14+$0x1000] =	vst v0  }
0x3c: {  	[tilespmem:s14+$0x1010] =	vst v0  }
0x3d: {  	[tilespmem:s14+$0x1020] =	vst v0  }
0x3e: {  	[tilespmem:s14+$0x1030] =	vst v0  }
0x3f: {  	[tilespmem:s14+$0x1040] =	vst v0  }
0x40: {  	[tilespmem:s14+$0x1050] =	vst v0  }
0x41: {  	[tilespmem:s14+$0x1060] =	vst v0  }
0x42: {  	[spmem:s5] =	stream.linear.scatter [tilespmem:s22], [sflag:$0x3], $0x4000, $0x38;
	[tilespmem:$0x1D000] =	vst v63  }
0x43: {  	_ =	swait.ge [sflag:s23], $0x4000  }
0x44: {  	[sflag:s23] =	ssyncset.done $0x0  }
0x45: {  	s18 =	rddreg [dreg:$0x1d];
	[sflag:s23] =	ssyncadd.s32 $0xFFFFC000  }
0x46: {  	[spmem:s18] =	stream.linear.scatter [tilespmem:s22], [sflag:$0x3], $0x4000, $0x38;
	[tilespmem:$0x1D000] =	vst v63  }
0x47: {  	_ =	swait.ge [sflag:s23], $0x4000  }
0x48: {  	[sflag:s23] =	ssyncset.done $0x0  }
0x49: {  	s19 =	rddreg [dreg:$0x1e];
	[sflag:s23] =	ssyncadd.s32 $0xFFFFC000  }
0x4a: {  	[spmem:s19] =	stream.linear.scatter [tilespmem:s22], [sflag:$0x3], $0x4000, $0x38;
	[tilespmem:$0x1D000] =	vst v63  }
0x4b: {  	_ =	swait.ge [sflag:s23], $0x4000  }
0x4c: {  	[sflag:s23] =	ssyncset.done $0x0  }
0x4d: {  	s20 =	rddreg [dreg:$0x1f];
	[sflag:s23] =	ssyncadd.s32 $0xFFFFC000  }
0x4e: {  	[spmem:s20] =	stream.linear.scatter [tilespmem:s22], [sflag:$0x3], $0x4000, $0x38;
	[tilespmem:$0x1D000] =	vst v63  }
0x4f: {  	_ =	swait.ge [sflag:s23], $0x4000  }
0x50: {  	s15 =	sld [smem:$0x7F5]  }
0x51: {  	[sflag:s23] =	ssyncset.done $0x0  }
0x52: {  	[sflag:s23] =	ssyncadd.s32 $0xFFFFC000  }
0x53: {  	[spmem:s15] =	stream.linear.scatter [tilespmem:s22], [sflag:$0x3], $0x4000, $0x38;
	[tilespmem:$0x1D000] =	vst v63  }
0x54: {  	_ =	swait.ge [sflag:s23], $0x4000  }
0x55: {  	[sflag:s23] =	ssyncset.done $0x0  }
0x56: {  	[sflag:s23] =	ssyncadd.s32 $0xFFFFC000  }
0x57: {  	[bflag:$0x0] =	sbarrier.arrive $0xFFFF  }
0x58: {  	s16 =	simm.s32 $0x0;
	s15 =	rddreg [dreg:$0x1a]  }
0x59: {  	[tilespmem:s16], [sflag:$0x3] =	stream.linear.gather [hbm4b:s15+s16], $0x400, $0x38;
	[tilespmem:$0x1D000] =	vst v63  }
0x5a: {  	_ =	swait.ge [sflag:s23], $0x400  }
0x5b: {  	[sflag:s23] =	ssyncset.done $0x0  }
0x5c: {  	s17 =	rddreg [dreg:$0x1b];
	[sflag:s23] =	ssyncadd.s32 $0xFFFFFC00  }
0x5d: {  	[tilespmem:s24], [sflag:$0x3] =	stream.linear.gather [hbm4b:s17+s16], $0x400, $0x38;
	[tilespmem:$0x1D000] =	vst v63  }
0x5e: {  	_ =	swait.ge [sflag:s23], $0x400  }
0x5f: {  	[sflag:s23] =	ssyncset.done $0x0  }
0x60: {  	s18 =	rddreg [dreg:$0x6];
	[sflag:s23] =	ssyncadd.s32 $0xFFFFFC00  }
0x61: {  	[tilespmem:s22], [sflag:$0x1] =	stream.indirect.gather [hbm4b:s4+s25], $0x80, s16, s25, $0xb8;
	[tilespmem:$0x1D000] =	vst v63  }
0x62: {  	s19 =	sadd.s32 $0x0, s18  }
0x63: {  	[tilespmem:s26], [sflag:$0x3] =	stream.linear.gather [hbm4b:s19+s3], $0x400, $0x38;
	[tilespmem:$0x1D000] =	vst v63  }
0x64: {  	_ =	swait.ge [sflag:s23], $0x400  }
0x65: {  	s20 =	rddreg [dreg:$0x7];
	[sflag:s23] =	ssyncset.done $0x0  }
0x66: {  	[sflag:s23] =	ssyncadd.s32 $0xFFFFFC00;
	s14 =	sadd.s32 $0x0, s20  }
0x67: {  	[tilespmem:s28], [sflag:$0x3] =	stream.linear.gather [hbm4b:s14+s3], $0x400, $0x38;
	[tilespmem:$0x1D000] =	vst v63  }
0x68: {  	_ =	swait.ge [sflag:s23], $0x400  }
0x69: {  	[sflag:s23] =	ssyncset.done $0x0  }
0x6a: {  	[sflag:s23] =	ssyncadd.s32 $0xFFFFFC00  }
0x6b: {  	_ =	swait.ge [sflag:s29], $0x4000  }
0x6c: {  	[sflag:s29] =	ssyncset.done $0x0  }
0x6d: {  	[sflag:s29] =	ssyncadd.s32 $0xFFFFC000  }
0x6e: {  	[tilespmem:s30], [sflag:$0x2] =	stream.indirect.gather [hbm4b:s4+s25], $0x80, s25, s25, $0xb8;
	[tilespmem:$0x1D000] =	vst v63  }
0x6f: {  	_ = 	snop  }
0x70: {  	[spmem:s1] =	stream.indirect.scatter.add.f32 [tilespmem:s22], [sflag:$0x3], $0x80, s24, s25, $0xb8;
	[tilespmem:$0x1D000] =	vst v63  }
0x71: {  	_ =	swait.ge [sflag:s23], $0x4000  }
0x72: {  	[sflag:s23] =	ssyncset.done $0x0  }
0x73: {  	[sflag:s23] =	ssyncadd.s32 $0xFFFFC000  }
0x74: {  	_ =	swait.ge [sflag:s31], $0x4000  }
0x75: {  	[sflag:s31] =	ssyncset.done $0x0  }
0x76: {  	s15 =	rddreg [dreg:$0x8];
	[sflag:s31] =	ssyncadd.s32 $0xFFFFC000  }
0x77: {  	[tilespmem:s22], [sflag:$0x1] =	stream.indirect.gather [hbm4b:s4+s25], $0x80, s15, s25, $0xb8;
	[tilespmem:$0x1D000] =	vst v63  }
0x78: {  	s16 =	rddreg [dreg:$0x9]  }
0x79: {  	[spmem:s1] =	stream.indirect.scatter.add.f32 [tilespmem:s30], [sflag:$0x3], $0x80, s16, s25, $0xb8;
	[tilespmem:$0x1D000] =	vst v63  }
0x7a: {  	_ =	swait.ge [sflag:s23], $0x4000  }
0x7b: {  	[sflag:s23] =	ssyncset.done $0x0  }
0x7c: {  	[sflag:s23] =	ssyncadd.s32 $0xFFFFC000  }
0x7d: {  	_ =	swait.ge [sflag:s29], $0x4000  }
0x7e: {  	[sflag:s29] =	ssyncset.done $0x0  }
0x7f: {  	s17 =	rddreg [dreg:$0xa];
	[sflag:s29] =	ssyncadd.s32 $0xFFFFC000  }
0x80: {  	[tilespmem:s30], [sflag:$0x2] =	stream.indirect.gather [hbm4b:s4+s25], $0x80, s17, s25, $0xb8;
	[tilespmem:$0x1D000] =	vst v63  }
0x81: {  	s18 =	rddreg [dreg:$0xb]  }
0x82: {  	[spmem:s1] =	stream.indirect.scatter.add.f32 [tilespmem:s22], [sflag:$0x3], $0x80, s18, s25, $0xb8;
	[tilespmem:$0x1D000] =	vst v63  }
0x83: {  	_ =	swait.ge [sflag:s23], $0x4000  }
0x84: {  	[sflag:s23] =	ssyncset.done $0x0  }
0x85: {  	[sflag:s23] =	ssyncadd.s32 $0xFFFFC000  }
0x86: {  	_ =	swait.ge [sflag:s31], $0x4000  }
0x87: {  	[sflag:s31] =	ssyncset.done $0x0  }
0x88: {  	s19 =	rddreg [dreg:$0xc];
	[sflag:s31] =	ssyncadd.s32 $0xFFFFC000  }
0x89: {  	[tilespmem:s22], [sflag:$0x1] =	stream.indirect.gather [hbm4b:s4+s25], $0x80, s19, s25, $0xb8;
	[tilespmem:$0x1D000] =	vst v63  }
0x8a: {  	s20 =	rddreg [dreg:$0xd]  }
0x8b: {  	[spmem:s1] =	stream.indirect.scatter.add.f32 [tilespmem:s30], [sflag:$0x3], $0x80, s20, s25, $0xb8;
	[tilespmem:$0x1D000] =	vst v63  }
0x8c: {  	_ =	swait.ge [sflag:s23], $0x4000  }
0x8d: {  	[sflag:s23] =	ssyncset.done $0x0  }
0x8e: {  	[sflag:s23] =	ssyncadd.s32 $0xFFFFC000  }
0x8f: {  	_ =	swait.ge [sflag:s29], $0x4000  }
0x90: {  	[sflag:s29] =	ssyncset.done $0x0  }
0x91: {  	s15 =	rddreg [dreg:$0xe];
	[sflag:s29] =	ssyncadd.s32 $0xFFFFC000  }
0x92: {  	[tilespmem:s30], [sflag:$0x2] =	stream.indirect.gather [hbm4b:s4+s25], $0x80, s15, s25, $0xb8;
	[tilespmem:$0x1D000] =	vst v63  }
0x93: {  	s16 =	rddreg [dreg:$0xf]  }
0x94: {  	[spmem:s1] =	stream.indirect.scatter.add.f32 [tilespmem:s22], [sflag:$0x3], $0x80, s16, s25, $0xb8;
	[tilespmem:$0x1D000] =	vst v63  }
0x95: {  	_ =	swait.ge [sflag:s23], $0x4000  }
0x96: {  	[sflag:s23] =	ssyncset.done $0x0  }
0x97: {  	[sflag:s23] =	ssyncadd.s32 $0xFFFFC000  }
0x98: {  	_ =	swait.ge [sflag:s31], $0x4000  }
0x99: {  	[sflag:s31] =	ssyncset.done $0x0  }
0x9a: {  	s17 =	rddreg [dreg:$0x10];
	[sflag:s31] =	ssyncadd.s32 $0xFFFFC000  }
0x9b: {  	[tilespmem:s22], [sflag:$0x1] =	stream.indirect.gather [hbm4b:s4+s25], $0x80, s17, s25, $0xb8;
	[tilespmem:$0x1D000] =	vst v63  }
0x9c: {  	s18 =	rddreg [dreg:$0x11]  }
0x9d: {  	[spmem:s1] =	stream.indirect.scatter.add.f32 [tilespmem:s30], [sflag:$0x3], $0x80, s18, s25, $0xb8;
	[tilespmem:$0x1D000] =	vst v63  }
0x9e: {  	_ =	swait.ge [sflag:s23], $0x4000  }
0x9f: {  	[sflag:s23] =	ssyncset.done $0x0  }
0xa0: {  	[sflag:s23] =	ssyncadd.s32 $0xFFFFC000  }
0xa1: {  	_ =	swait.ge [sflag:s29], $0x4000  }
0xa2: {  	[sflag:s29] =	ssyncset.done $0x0  }
0xa3: {  	s19 =	rddreg [dreg:$0x12];
	[sflag:s29] =	ssyncadd.s32 $0xFFFFC000  }
0xa4: {  	[tilespmem:s30], [sflag:$0x2] =	stream.indirect.gather [hbm4b:s4+s25], $0x80, s19, s25, $0xb8;
	[tilespmem:$0x1D000] =	vst v63  }
0xa5: {  	s20 =	rddreg [dreg:$0x13]  }
0xa6: {  	[spmem:s1] =	stream.indirect.scatter.add.f32 [tilespmem:s22], [sflag:$0x3], $0x80, s20, s25, $0xb8;
	[tilespmem:$0x1D000] =	vst v63  }
0xa7: {  	_ =	swait.ge [sflag:s23], $0x4000  }
0xa8: {  	[sflag:s23] =	ssyncset.done $0x0  }
0xa9: {  	[sflag:s23] =	ssyncadd.s32 $0xFFFFC000  }
0xaa: {  	_ =	swait.ge [sflag:s31], $0x4000  }
0xab: {  	[sflag:s31] =	ssyncset.done $0x0  }
0xac: {  	[sflag:s31] =	ssyncadd.s32 $0xFFFFC000  }
0xad: {  	[tilespmem:s22], [sflag:$0x1] =	stream.indirect.gather [hbm4b:s4+s25], $0x80, s26, s25, $0xb8;
	[tilespmem:$0x1D000] =	vst v63  }
0xae: {  	s15 =	rddreg [dreg:$0x14]  }
0xaf: {  	[spmem:s1] =	stream.indirect.scatter.add.f32 [tilespmem:s30], [sflag:$0x3], $0x80, s15, s25, $0xb8;
	[tilespmem:$0x1D000] =	vst v63  }
0xb0: {  	_ =	swait.ge [sflag:s23], $0x4000  }
0xb1: {  	p0 =	por $0x0, $0x0;
	s14 =	rddreg [dreg:$0x4];
	[sflag:s23] =	ssyncset.done $0x0  }
0xb2: {  	[sflag:s23] =	ssyncadd.s32 $0xFFFFC000;
	s15 =	sadd.s32 @!p0 $0x0, s14;
	s14 =	simm.s32 @!p0 $0x0  }
0xb3: {  	[tilespmem:s14], [sflag:$0x3] =	stream.linear.gather @!p0 [hbm4b:s15+s14], $0x400, $0x38;
	[tilespmem:$0x1D000] =	vst v63  }
0xb4: {  	s15 =	simm.s32 @!p0 $0x3  }
0xb5: {  	_ =	swait.ge @!p0 [sflag:s15], $0x400  }
0xb6: {  	s16 =	rddreg [dreg:$0x5];
	[sflag:s15] =	ssyncset.done @!p0 $0x0  }
0xb7: {  	s17 =	simm.s32 @!p0 $0x800;
	[sflag:s15] =	ssyncadd.s32 @!p0 $0xFFFFFC00;
	s16 =	sadd.s32 @!p0 $0x0, s16  }
0xb8: {  	[tilespmem:s17], [sflag:$0x3] =	stream.linear.gather @!p0 [hbm4b:s16+s14], $0x400, $0x38;
	[tilespmem:$0x1D000] =	vst v63  }
0xb9: {  	_ =	swait.ge @!p0 [sflag:s15], $0x400  }
0xba: {  	[sflag:s15] =	ssyncset.done @!p0 $0x0  }
0xbb: {  	[sflag:s15] =	ssyncadd.s32 @!p0 $0xFFFFFC00  }
0xbc: {  	_ =	swait.ge [sflag:s29], $0x4000  }
0xbd: {  	[sflag:s29] =	ssyncset.done $0x0  }
0xbe: {  	s16 =	rddreg [dreg:$0x15];
	[sflag:s29] =	ssyncadd.s32 $0xFFFFC000  }
0xbf: {  	[tilespmem:s30], [sflag:$0x2] =	stream.indirect.gather [hbm4b:s4+s25], $0x80, s16, s25, $0xb8;
	[tilespmem:$0x1D000] =	vst v63  }
0xc0: {  	_ = 	snop  }
0xc1: {  	[spmem:s1] =	stream.indirect.scatter.add.f32 [tilespmem:s22], [sflag:$0x3], $0x80, s28, s25, $0xb8;
	[tilespmem:$0x1D000] =	vst v63  }
0xc2: {  	_ =	swait.ge [sflag:s23], $0x4000  }
0xc3: {  	[sflag:s23] =	ssyncset.done $0x0  }
0xc4: {  	[sflag:s23] =	ssyncadd.s32 $0xFFFFC000  }
0xc5: {  	_ =	swait.ge [sflag:s31], $0x4000  }
0xc6: {  	[sflag:s31] =	ssyncset.done $0x0  }
0xc7: {  	s17 =	rddreg [dreg:$0x16];
	[sflag:s31] =	ssyncadd.s32 $0xFFFFC000  }
0xc8: {  	[tilespmem:s22], [sflag:$0x1] =	stream.indirect.gather [hbm4b:s4+s25], $0x80, s17, s25, $0xb8;
	[tilespmem:$0x1D000] =	vst v63  }
0xc9: {  	s18 =	rddreg [dreg:$0x17]  }
0xca: {  	[spmem:s1] =	stream.indirect.scatter.add.f32 [tilespmem:s30], [sflag:$0x3], $0x80, s18, s25, $0xb8;
	[tilespmem:$0x1D000] =	vst v63  }
0xcb: {  	_ =	swait.ge [sflag:s23], $0x4000  }
0xcc: {  	[sflag:s23] =	ssyncset.done $0x0  }
0xcd: {  	[sflag:s23] =	ssyncadd.s32 $0xFFFFC000  }
0xce: {  	_ =	swait.ge [sflag:s29], $0x4000  }
0xcf: {  	[sflag:s29] =	ssyncset.done $0x0  }
0xd0: {  	s19 =	rddreg [dreg:$0x18];
	[sflag:s29] =	ssyncadd.s32 $0xFFFFC000  }
0xd1: {  	[tilespmem:s30], [sflag:$0x2] =	stream.indirect.gather [hbm4b:s4+s25], $0x80, s19, s25, $0xb8;
	[tilespmem:$0x1D000] =	vst v63  }
0xd2: {  	s20 =	rddreg [dreg:$0x19]  }
0xd3: {  	[spmem:s1] =	stream.indirect.scatter.add.f32 [tilespmem:s22], [sflag:$0x3], $0x80, s20, s25, $0xb8;
	[tilespmem:$0x1D000] =	vst v63  }
0xd4: {  	_ =	swait.ge [sflag:s23], $0x4000  }
0xd5: {  	[sflag:s23] =	ssyncset.done $0x0  }
0xd6: {  	[sflag:s23] =	ssyncadd.s32 $0xFFFFC000  }
0xd7: {  	_ =	swait.ge [sflag:s31], $0x4000  }
0xd8: {  	[sflag:s31] =	ssyncset.done $0x0  }
0xd9: {  	[sflag:s31] =	ssyncadd.s32 $0xFFFFC000  }
0xda: {  	[tilespmem:s22], [sflag:$0x1] =	stream.indirect.gather [hbm4b:s4+s25], $0x80, s0, s25, $0xb8;
	[tilespmem:$0x1D000] =	vst v63  }
0xdb: {  	_ = 	snop  }
0xdc: {  	[spmem:s1] =	stream.indirect.scatter.add.f32 [tilespmem:s30], [sflag:$0x3], $0x80, s2, s25, $0xb8;
	[tilespmem:$0x1D000] =	vst v63  }
0xdd: {  	_ =	swait.ge [sflag:s23], $0x4000  }
0xde: {  	[sflag:s23] =	ssyncset.done $0x0  }
0xdf: {  	[sflag:s23] =	ssyncadd.s32 $0xFFFFC000  }
0xe0: {  	_ =	swait.ge [sflag:s29], $0x4000  }
0xe1: {  	[sflag:s29] =	ssyncset.done $0x0  }
0xe2: {  	[sflag:s29] =	ssyncadd.s32 $0xFFFFC000  }
0xe3: {  	[tilespmem:s30], [sflag:$0x2] =	stream.indirect.gather [hbm4b:s4+s25], $0x80, s6, s25, $0xb8;
	[tilespmem:$0x1D000] =	vst v63  }
0xe4: {  	_ = 	snop  }
0xe5: {  	[spmem:s1] =	stream.indirect.scatter.add.f32 [tilespmem:s22], [sflag:$0x3], $0x80, s7, s25, $0xb8;
	[tilespmem:$0x1D000] =	vst v63  }
0xe6: {  	_ =	swait.ge [sflag:s23], $0x4000  }
0xe7: {  	[sflag:s23] =	ssyncset.done $0x0  }
0xe8: {  	[sflag:s23] =	ssyncadd.s32 $0xFFFFC000  }
0xe9: {  	_ =	swait.ge [sflag:s31], $0x4000  }
0xea: {  	[sflag:s31] =	ssyncset.done $0x0  }
0xeb: {  	[sflag:s31] =	ssyncadd.s32 $0xFFFFC000  }
0xec: {  	[tilespmem:s22], [sflag:$0x1] =	stream.indirect.gather [hbm4b:s4+s25], $0x80, s8, s25, $0xb8;
	[tilespmem:$0x1D000] =	vst v63  }
0xed: {  	_ = 	snop  }
0xee: {  	[spmem:s1] =	stream.indirect.scatter.add.f32 [tilespmem:s30], [sflag:$0x3], $0x80, s9, s25, $0xb8;
	[tilespmem:$0x1D000] =	vst v63  }
0xef: {  	_ =	swait.ge [sflag:s23], $0x4000  }
0xf0: {  	[sflag:s23] =	ssyncset.done $0x0  }
0xf1: {  	[sflag:s23] =	ssyncadd.s32 $0xFFFFC000  }
0xf2: {  	_ =	swait.ge [sflag:s29], $0x4000  }
0xf3: {  	[sflag:s29] =	ssyncset.done $0x0  }
0xf4: {  	[sflag:s29] =	ssyncadd.s32 $0xFFFFC000  }
0xf5: {  	[tilespmem:s30], [sflag:$0x2] =	stream.indirect.gather [hbm4b:s4+s25], $0x80, s10, s25, $0xb8;
	[tilespmem:$0x1D000] =	vst v63  }
0xf6: {  	_ = 	snop  }
0xf7: {  	[spmem:s1] =	stream.indirect.scatter.add.f32 [tilespmem:s22], [sflag:$0x3], $0x80, s11, s25, $0xb8;
	[tilespmem:$0x1D000] =	vst v63  }
0xf8: {  	_ =	swait.ge [sflag:s23], $0x4000  }
0xf9: {  	[sflag:s23] =	ssyncset.done $0x0  }
0xfa: {  	[sflag:s23] =	ssyncadd.s32 $0xFFFFC000  }
0xfb: {  	_ =	swait.ge [sflag:s31], $0x4000  }
0xfc: {  	[sflag:s31] =	ssyncset.done $0x0  }
0xfd: {  	s15 =	simm.s32 @!p0 $0x80;
	s16 =	simm.s32 @!p0 $0x1000;
	[sflag:s31] =	ssyncadd.s32 $0xFFFFC000  }
0xfe: {  	[tilespmem:s16], [sflag:$0x1] =	stream.indirect.gather @!p0 [hbm4b:s4+s15], $0x80, s14, s15, $0xb8;
	[tilespmem:$0x1D000] =	vst v63  }
0xff: {  	_ = 	snop  }
0x100: {  	[spmem:s1] =	stream.indirect.scatter.add.f32 [tilespmem:s30], [sflag:$0x3], $0x80, s12, s25, $0xb8;
	[tilespmem:$0x1D000] =	vst v63  }
0x101: {  	s14 =	simm.s32 $0x100;
	s15 =	simm.s32 $0x200;
	_ =	swait.ge [sflag:s23], $0x4000  }
.LBB2_4:
0x102: {  	s17 =	rddreg [dreg:$0x6];
	[sflag:s23] =	ssyncset.done $0x0  }
0x103: {  	[sflag:s23] =	ssyncadd.s32 $0xFFFFC000;
	s17 =	sadd.s32 s14, s17  }
0x104: {  	[tilespmem:s26], [sflag:$0x3] =	stream.linear.gather [hbm4b:s17+s3], $0x400, $0x38;
	[tilespmem:$0x1D000] =	vst v63  }
0x105: {  	_ =	swait.ge [sflag:s23], $0x400  }
0x106: {  	s19 =	rddreg [dreg:$0x7];
	[sflag:s23] =	ssyncset.done $0x0  }
0x107: {  	[sflag:s23] =	ssyncadd.s32 $0xFFFFFC00;
	s17 =	sadd.s32 s14, s19  }
0x108: {  	[tilespmem:s28], [sflag:$0x3] =	stream.linear.gather [hbm4b:s17+s3], $0x400, $0x38;
	[tilespmem:$0x1D000] =	vst v63  }
0x109: {  	_ =	swait.ge [sflag:s23], $0x400  }
0x10a: {  	[sflag:s23] =	ssyncset.done $0x0  }
0x10b: {  	[sflag:s23] =	ssyncadd.s32 $0xFFFFFC00  }
0x10c: {  	_ =	swait.ge [sflag:s29], $0x4000  }
0x10d: {  	[sflag:s29] =	ssyncset.done $0x0  }
0x10e: {  	[sflag:s29] =	ssyncadd.s32 $0xFFFFC000  }
0x10f: {  	[tilespmem:s30], [sflag:$0x2] =	stream.indirect.gather [hbm4b:s4+s25], $0x80, s25, s25, $0xb8;
	[tilespmem:$0x1D000] =	vst v63  }
0x110: {  	_ = 	snop  }
0x111: {  	[spmem:s1] =	stream.indirect.scatter.add.f32 [tilespmem:s22], [sflag:$0x3], $0x80, s24, s25, $0xb8;
	[tilespmem:$0x1D000] =	vst v63  }
0x112: {  	_ =	swait.ge [sflag:s23], $0x4000  }
0x113: {  	[sflag:s23] =	ssyncset.done $0x0  }
0x114: {  	[sflag:s23] =	ssyncadd.s32 $0xFFFFC000  }
0x115: {  	_ =	swait.ge [sflag:s31], $0x4000  }
0x116: {  	[sflag:s31] =	ssyncset.done $0x0  }
0x117: {  	s20 =	rddreg [dreg:$0x8];
	[sflag:s31] =	ssyncadd.s32 $0xFFFFC000  }
0x118: {  	[tilespmem:s22], [sflag:$0x1] =	stream.indirect.gather [hbm4b:s4+s25], $0x80, s20, s25, $0xb8;
	[tilespmem:$0x1D000] =	vst v63  }
0x119: {  	s18 =	rddreg [dreg:$0x9]  }
0x11a: {  	[spmem:s1] =	stream.indirect.scatter.add.f32 [tilespmem:s30], [sflag:$0x3], $0x80, s18, s25, $0xb8;
	[tilespmem:$0x1D000] =	vst v63  }
0x11b: {  	_ =	swait.ge [sflag:s23], $0x4000  }
0x11c: {  	[sflag:s23] =	ssyncset.done $0x0  }
0x11d: {  	[sflag:s23] =	ssyncadd.s32 $0xFFFFC000  }
0x11e: {  	_ =	swait.ge [sflag:s29], $0x4000  }
0x11f: {  	[sflag:s29] =	ssyncset.done $0x0  }
0x120: {  	s19 =	rddreg [dreg:$0xa];
	[sflag:s29] =	ssyncadd.s32 $0xFFFFC000  }
0x121: {  	[tilespmem:s30], [sflag:$0x2] =	stream.indirect.gather [hbm4b:s4+s25], $0x80, s19, s25, $0xb8;
	[tilespmem:$0x1D000] =	vst v63  }
0x122: {  	s20 =	rddreg [dreg:$0xb]  }
0x123: {  	[spmem:s1] =	stream.indirect.scatter.add.f32 [tilespmem:s22], [sflag:$0x3], $0x80, s20, s25, $0xb8;
	[tilespmem:$0x1D000] =	vst v63  }
0x124: {  	_ =	swait.ge [sflag:s23], $0x4000  }
0x125: {  	[sflag:s23] =	ssyncset.done $0x0  }
0x126: {  	[sflag:s23] =	ssyncadd.s32 $0xFFFFC000  }
0x127: {  	_ =	swait.ge [sflag:s31], $0x4000  }
0x128: {  	[sflag:s31] =	ssyncset.done $0x0  }
0x129: {  	s19 =	rddreg [dreg:$0xc];
	[sflag:s31] =	ssyncadd.s32 $0xFFFFC000  }
0x12a: {  	[tilespmem:s22], [sflag:$0x1] =	stream.indirect.gather [hbm4b:s4+s25], $0x80, s19, s25, $0xb8;
	[tilespmem:$0x1D000] =	vst v63  }
0x12b: {  	s20 =	rddreg [dreg:$0xd]  }
0x12c: {  	[spmem:s1] =	stream.indirect.scatter.add.f32 [tilespmem:s30], [sflag:$0x3], $0x80, s20, s25, $0xb8;
	[tilespmem:$0x1D000] =	vst v63  }
0x12d: {  	_ =	swait.ge [sflag:s23], $0x4000  }
0x12e: {  	[sflag:s23] =	ssyncset.done $0x0  }
0x12f: {  	[sflag:s23] =	ssyncadd.s32 $0xFFFFC000  }
0x130: {  	_ =	swait.ge [sflag:s29], $0x4000  }
0x131: {  	[sflag:s29] =	ssyncset.done $0x0  }
0x132: {  	s19 =	rddreg [dreg:$0xe];
	[sflag:s29] =	ssyncadd.s32 $0xFFFFC000  }
0x133: {  	[tilespmem:s30], [sflag:$0x2] =	stream.indirect.gather [hbm4b:s4+s25], $0x80, s19, s25, $0xb8;
	[tilespmem:$0x1D000] =	vst v63  }
0x134: {  	s20 =	rddreg [dreg:$0xf]  }
0x135: {  	[spmem:s1] =	stream.indirect.scatter.add.f32 [tilespmem:s22], [sflag:$0x3], $0x80, s20, s25, $0xb8;
	[tilespmem:$0x1D000] =	vst v63  }
0x136: {  	_ =	swait.ge [sflag:s23], $0x4000  }
0x137: {  	[sflag:s23] =	ssyncset.done $0x0  }
0x138: {  	[sflag:s23] =	ssyncadd.s32 $0xFFFFC000  }
0x139: {  	_ =	swait.ge [sflag:s31], $0x4000  }
0x13a: {  	[sflag:s31] =	ssyncset.done $0x0  }
0x13b: {  	s19 =	rddreg [dreg:$0x10];
	[sflag:s31] =	ssyncadd.s32 $0xFFFFC000  }
0x13c: {  	[tilespmem:s22], [sflag:$0x1] =	stream.indirect.gather [hbm4b:s4+s25], $0x80, s19, s25, $0xb8;
	[tilespmem:$0x1D000] =	vst v63  }
0x13d: {  	s20 =	rddreg [dreg:$0x11]  }
0x13e: {  	[spmem:s1] =	stream.indirect.scatter.add.f32 [tilespmem:s30], [sflag:$0x3], $0x80, s20, s25, $0xb8;
	[tilespmem:$0x1D000] =	vst v63  }
0x13f: {  	_ =	swait.ge [sflag:s23], $0x4000  }
0x140: {  	[sflag:s23] =	ssyncset.done $0x0  }
0x141: {  	[sflag:s23] =	ssyncadd.s32 $0xFFFFC000  }
0x142: {  	_ =	swait.ge [sflag:s29], $0x4000  }
0x143: {  	[sflag:s29] =	ssyncset.done $0x0  }
0x144: {  	s18 =	rddreg [dreg:$0x12];
	[sflag:s29] =	ssyncadd.s32 $0xFFFFC000  }
0x145: {  	[tilespmem:s30], [sflag:$0x2] =	stream.indirect.gather [hbm4b:s4+s25], $0x80, s18, s25, $0xb8;
	[tilespmem:$0x1D000] =	vst v63  }
0x146: {  	s19 =	rddreg [dreg:$0x13]  }
0x147: {  	[spmem:s1] =	stream.indirect.scatter.add.f32 [tilespmem:s22], [sflag:$0x3], $0x80, s19, s25, $0xb8;
	[tilespmem:$0x1D000] =	vst v63  }
0x148: {  	_ =	swait.ge [sflag:s23], $0x4000  }
0x149: {  	[sflag:s23] =	ssyncset.done $0x0  }
0x14a: {  	[sflag:s23] =	ssyncadd.s32 $0xFFFFC000  }
0x14b: {  	_ =	swait.ge [sflag:s31], $0x4000  }
0x14c: {  	[sflag:s31] =	ssyncset.done $0x0  }
0x14d: {  	[sflag:s31] =	ssyncadd.s32 $0xFFFFC000  }
0x14e: {  	[tilespmem:s22], [sflag:$0x1] =	stream.indirect.gather [hbm4b:s4+s25], $0x80, s26, s25, $0xb8;
	[tilespmem:$0x1D000] =	vst v63  }
0x14f: {  	s20 =	rddreg [dreg:$0x14]  }
0x150: {  	[spmem:s1] =	stream.indirect.scatter.add.f32 [tilespmem:s30], [sflag:$0x3], $0x80, s20, s25, $0xb8;
	[tilespmem:$0x1D000] =	vst v63  }
0x151: {  	_ =	swait.ge [sflag:s23], $0x4000  }
0x152: {  	p1 =	seq.s32 s14, $0x400;
	s17 =	rddreg [dreg:$0x4];
	[sflag:s23] =	ssyncset.done $0x0  }
0x153: {  	[sflag:s23] =	ssyncadd.s32 $0xFFFFC000;
	s18 =	sadd.s32 @!p1 s14, s17;
	s17 =	simm.s32 @!p1 $0x0  }
0x154: {  	[tilespmem:s17], [sflag:$0x3] =	stream.linear.gather @!p1 [hbm4b:s18+s17], $0x400, $0x38;
	[tilespmem:$0x1D000] =	vst v63  }
0x155: {  	s18 =	simm.s32 @!p1 $0x3  }
0x156: {  	_ =	swait.ge @!p1 [sflag:s18], $0x400  }
0x157: {  	[sflag:s18] =	ssyncset.done @!p1 $0x0;
	s19 =	rddreg [dreg:$0x5]  }
0x158: {  	s20 =	simm.s32 @!p1 $0x800;
	[sflag:s18] =	ssyncadd.s32 @!p1 $0xFFFFFC00;
	s19 =	sadd.s32 @!p1 s14, s19  }
0x159: {  	[tilespmem:s20], [sflag:$0x3] =	stream.linear.gather @!p1 [hbm4b:s19+s17], $0x400, $0x38;
	[tilespmem:$0x1D000] =	vst v63  }
0x15a: {  	_ =	swait.ge @!p1 [sflag:s18], $0x400  }
0x15b: {  	[sflag:s18] =	ssyncset.done @!p1 $0x0  }
0x15c: {  	[sflag:s18] =	ssyncadd.s32 @!p1 $0xFFFFFC00  }
0x15d: {  	_ =	swait.ge [sflag:s29], $0x4000  }
0x15e: {  	[sflag:s29] =	ssyncset.done $0x0  }
0x15f: {  	s18 =	rddreg [dreg:$0x15];
	[sflag:s29] =	ssyncadd.s32 $0xFFFFC000  }
0x160: {  	[tilespmem:s30], [sflag:$0x2] =	stream.indirect.gather [hbm4b:s4+s25], $0x80, s18, s25, $0xb8;
	[tilespmem:$0x1D000] =	vst v63  }
0x161: {  	_ = 	snop  }
0x162: {  	[spmem:s1] =	stream.indirect.scatter.add.f32 [tilespmem:s22], [sflag:$0x3], $0x80, s28, s25, $0xb8;
	[tilespmem:$0x1D000] =	vst v63  }
0x163: {  	_ =	swait.ge [sflag:s23], $0x4000  }
0x164: {  	[sflag:s23] =	ssyncset.done $0x0  }
0x165: {  	[sflag:s23] =	ssyncadd.s32 $0xFFFFC000  }
0x166: {  	_ =	swait.ge [sflag:s31], $0x4000  }
0x167: {  	[sflag:s31] =	ssyncset.done $0x0  }
0x168: {  	s19 =	rddreg [dreg:$0x16];
	[sflag:s31] =	ssyncadd.s32 $0xFFFFC000  }
0x169: {  	[tilespmem:s22], [sflag:$0x1] =	stream.indirect.gather [hbm4b:s4+s25], $0x80, s19, s25, $0xb8;
	[tilespmem:$0x1D000] =	vst v63  }
0x16a: {  	s20 =	rddreg [dreg:$0x17]  }
0x16b: {  	[spmem:s1] =	stream.indirect.scatter.add.f32 [tilespmem:s30], [sflag:$0x3], $0x80, s20, s25, $0xb8;
	[tilespmem:$0x1D000] =	vst v63  }
0x16c: {  	_ =	swait.ge [sflag:s23], $0x4000  }
0x16d: {  	[sflag:s23] =	ssyncset.done $0x0  }
0x16e: {  	[sflag:s23] =	ssyncadd.s32 $0xFFFFC000  }
0x16f: {  	_ =	swait.ge [sflag:s29], $0x4000  }
0x170: {  	[sflag:s29] =	ssyncset.done $0x0  }
0x171: {  	s19 =	rddreg [dreg:$0x18];
	[sflag:s29] =	ssyncadd.s32 $0xFFFFC000  }
0x172: {  	[tilespmem:s30], [sflag:$0x2] =	stream.indirect.gather [hbm4b:s4+s25], $0x80, s19, s25, $0xb8;
	[tilespmem:$0x1D000] =	vst v63  }
0x173: {  	s20 =	rddreg [dreg:$0x19]  }
0x174: {  	[spmem:s1] =	stream.indirect.scatter.add.f32 [tilespmem:s22], [sflag:$0x3], $0x80, s20, s25, $0xb8;
	[tilespmem:$0x1D000] =	vst v63  }
0x175: {  	_ =	swait.ge [sflag:s23], $0x4000  }
0x176: {  	[sflag:s23] =	ssyncset.done $0x0  }
0x177: {  	[sflag:s23] =	ssyncadd.s32 $0xFFFFC000  }
0x178: {  	_ =	swait.ge [sflag:s31], $0x4000  }
0x179: {  	[sflag:s31] =	ssyncset.done $0x0  }
0x17a: {  	[sflag:s31] =	ssyncadd.s32 $0xFFFFC000  }
0x17b: {  	[tilespmem:s22], [sflag:$0x1] =	stream.indirect.gather [hbm4b:s4+s25], $0x80, s0, s25, $0xb8;
	[tilespmem:$0x1D000] =	vst v63  }
0x17c: {  	_ = 	snop  }
0x17d: {  	[spmem:s1] =	stream.indirect.scatter.add.f32 [tilespmem:s30], [sflag:$0x3], $0x80, s2, s25, $0xb8;
	[tilespmem:$0x1D000] =	vst v63  }
0x17e: {  	_ =	swait.ge [sflag:s23], $0x4000  }
0x17f: {  	[sflag:s23] =	ssyncset.done $0x0  }
0x180: {  	[sflag:s23] =	ssyncadd.s32 $0xFFFFC000  }
0x181: {  	_ =	swait.ge [sflag:s29], $0x4000  }
0x182: {  	[sflag:s29] =	ssyncset.done $0x0  }
0x183: {  	[sflag:s29] =	ssyncadd.s32 $0xFFFFC000  }
0x184: {  	[tilespmem:s30], [sflag:$0x2] =	stream.indirect.gather [hbm4b:s4+s25], $0x80, s6, s25, $0xb8;
	[tilespmem:$0x1D000] =	vst v63  }
0x185: {  	_ = 	snop  }
0x186: {  	[spmem:s1] =	stream.indirect.scatter.add.f32 [tilespmem:s22], [sflag:$0x3], $0x80, s7, s25, $0xb8;
	[tilespmem:$0x1D000] =	vst v63  }
0x187: {  	_ =	swait.ge [sflag:s23], $0x4000  }
0x188: {  	[sflag:s23] =	ssyncset.done $0x0  }
0x189: {  	[sflag:s23] =	ssyncadd.s32 $0xFFFFC000  }
0x18a: {  	_ =	swait.ge [sflag:s31], $0x4000  }
0x18b: {  	[sflag:s31] =	ssyncset.done $0x0  }
0x18c: {  	[sflag:s31] =	ssyncadd.s32 $0xFFFFC000  }
0x18d: {  	[tilespmem:s22], [sflag:$0x1] =	stream.indirect.gather [hbm4b:s4+s25], $0x80, s8, s25, $0xb8;
	[tilespmem:$0x1D000] =	vst v63  }
0x18e: {  	_ = 	snop  }
0x18f: {  	[spmem:s1] =	stream.indirect.scatter.add.f32 [tilespmem:s30], [sflag:$0x3], $0x80, s9, s25, $0xb8;
	[tilespmem:$0x1D000] =	vst v63  }
0x190: {  	_ =	swait.ge [sflag:s23], $0x4000  }
0x191: {  	[sflag:s23] =	ssyncset.done $0x0  }
0x192: {  	[sflag:s23] =	ssyncadd.s32 $0xFFFFC000  }
0x193: {  	_ =	swait.ge [sflag:s29], $0x4000  }
0x194: {  	[sflag:s29] =	ssyncset.done $0x0  }
0x195: {  	[sflag:s29] =	ssyncadd.s32 $0xFFFFC000  }
0x196: {  	[tilespmem:s30], [sflag:$0x2] =	stream.indirect.gather [hbm4b:s4+s25], $0x80, s10, s25, $0xb8;
	[tilespmem:$0x1D000] =	vst v63  }
0x197: {  	_ = 	snop  }
0x198: {  	[spmem:s1] =	stream.indirect.scatter.add.f32 [tilespmem:s22], [sflag:$0x3], $0x80, s11, s25, $0xb8;
	[tilespmem:$0x1D000] =	vst v63  }
0x199: {  	_ =	swait.ge [sflag:s23], $0x4000  }
0x19a: {  	[sflag:s23] =	ssyncset.done $0x0  }
0x19b: {  	s16 =	smov.u32 s15;
	s15 =	sadd.s32 $0x100, s15;
	[sflag:s23] =	ssyncadd.s32 $0xFFFFC000  }
0x19c: {  	p0 =	sne.s32 s15, $0x500;
	_ =	swait.ge [sflag:s31], $0x4000  }
0x19d: {  	s14 =	smov.u32 s16;
	s16 =	simm.s32 @!p1 $0x80;
	[sflag:s31] =	ssyncset.done $0x0  }
.Ltmp1:
0x19e: {  	s18 =	simm.s32 @!p1 $0x1000;
	[sflag:s31] =	ssyncadd.s32 $0xFFFFC000;
	(pc) =	sbr.rel @p0 .LBB2_4-.Ltmp1, $4  }
0x19f: {  	[tilespmem:s18], [sflag:$0x1] =	stream.indirect.gather @!p1 [hbm4b:s4+s16], $0x80, s17, s16, $0xb8;
	[tilespmem:$0x1D000] =	vst v63  }
0x1a0: {  	_ = 	snop  }
0x1a1: {  	[spmem:s1] =	stream.indirect.scatter.add.f32 [tilespmem:s30], [sflag:$0x3], $0x80, s12, s25, $0xb8;
	[tilespmem:$0x1D000] =	vst v63  }
0x1a2: {  	_ =	swait.ge [sflag:s23], $0x4000  }
0x1a3: {  	s15 =	rddreg [dreg:$0x6];
	[sflag:s23] =	ssyncset.done $0x0  }
0x1a4: {  	[sflag:s23] =	ssyncadd.s32 $0xFFFFC000;
	s15 =	sadd.s32 s14, s15  }
0x1a5: {  	[tilespmem:s26], [sflag:$0x3] =	stream.linear.gather [hbm4b:s15+s3], $0x400, $0x38;
	[tilespmem:$0x1D000] =	vst v63  }
0x1a6: {  	_ =	swait.ge [sflag:s23], $0x400  }
0x1a7: {  	s17 =	rddreg [dreg:$0x7];
	[sflag:s23] =	ssyncset.done $0x0  }
0x1a8: {  	[sflag:s23] =	ssyncadd.s32 $0xFFFFFC00;
	s15 =	sadd.s32 s14, s17  }
0x1a9: {  	[tilespmem:s28], [sflag:$0x3] =	stream.linear.gather [hbm4b:s15+s3], $0x400, $0x38;
	[tilespmem:$0x1D000] =	vst v63  }
0x1aa: {  	_ =	swait.ge [sflag:s23], $0x400  }
0x1ab: {  	[sflag:s23] =	ssyncset.done $0x0  }
0x1ac: {  	[sflag:s23] =	ssyncadd.s32 $0xFFFFFC00  }
0x1ad: {  	_ =	swait.ge [sflag:s29], $0x4000  }
0x1ae: {  	[sflag:s29] =	ssyncset.done $0x0  }
0x1af: {  	[sflag:s29] =	ssyncadd.s32 $0xFFFFC000  }
0x1b0: {  	[tilespmem:s30], [sflag:$0x2] =	stream.indirect.gather [hbm4b:s4+s25], $0x80, s25, s25, $0xb8;
	[tilespmem:$0x1D000] =	vst v63  }
0x1b1: {  	_ = 	snop  }
0x1b2: {  	[spmem:s1] =	stream.indirect.scatter.add.f32 [tilespmem:s22], [sflag:$0x3], $0x80, s24, s25, $0xb8;
	[tilespmem:$0x1D000] =	vst v63  }
0x1b3: {  	_ =	swait.ge [sflag:s23], $0x4000  }
0x1b4: {  	[sflag:s23] =	ssyncset.done $0x0  }
0x1b5: {  	[sflag:s23] =	ssyncadd.s32 $0xFFFFC000  }
0x1b6: {  	_ =	swait.ge [sflag:s31], $0x4000  }
0x1b7: {  	[sflag:s31] =	ssyncset.done $0x0  }
0x1b8: {  	s18 =	rddreg [dreg:$0x8];
	[sflag:s31] =	ssyncadd.s32 $0xFFFFC000  }
0x1b9: {  	[tilespmem:s22], [sflag:$0x1] =	stream.indirect.gather [hbm4b:s4+s25], $0x80, s18, s25, $0xb8;
	[tilespmem:$0x1D000] =	vst v63  }
0x1ba: {  	s16 =	rddreg [dreg:$0x9]  }
0x1bb: {  	[spmem:s1] =	stream.indirect.scatter.add.f32 [tilespmem:s30], [sflag:$0x3], $0x80, s16, s25, $0xb8;
	[tilespmem:$0x1D000] =	vst v63  }
0x1bc: {  	_ =	swait.ge [sflag:s23], $0x4000  }
0x1bd: {  	[sflag:s23] =	ssyncset.done $0x0  }
0x1be: {  	[sflag:s23] =	ssyncadd.s32 $0xFFFFC000  }
0x1bf: {  	_ =	swait.ge [sflag:s29], $0x4000  }
0x1c0: {  	[sflag:s29] =	ssyncset.done $0x0  }
0x1c1: {  	s19 =	rddreg [dreg:$0xa];
	[sflag:s29] =	ssyncadd.s32 $0xFFFFC000  }
0x1c2: {  	[tilespmem:s30], [sflag:$0x2] =	stream.indirect.gather [hbm4b:s4+s25], $0x80, s19, s25, $0xb8;
	[tilespmem:$0x1D000] =	vst v63  }
0x1c3: {  	s20 =	rddreg [dreg:$0xb]  }
0x1c4: {  	[spmem:s1] =	stream.indirect.scatter.add.f32 [tilespmem:s22], [sflag:$0x3], $0x80, s20, s25, $0xb8;
	[tilespmem:$0x1D000] =	vst v63  }
0x1c5: {  	_ =	swait.ge [sflag:s23], $0x4000  }
0x1c6: {  	[sflag:s23] =	ssyncset.done $0x0  }
0x1c7: {  	[sflag:s23] =	ssyncadd.s32 $0xFFFFC000  }
0x1c8: {  	_ =	swait.ge [sflag:s31], $0x4000  }
0x1c9: {  	[sflag:s31] =	ssyncset.done $0x0  }
0x1ca: {  	s17 =	rddreg [dreg:$0xc];
	[sflag:s31] =	ssyncadd.s32 $0xFFFFC000  }
0x1cb: {  	[tilespmem:s22], [sflag:$0x1] =	stream.indirect.gather [hbm4b:s4+s25], $0x80, s17, s25, $0xb8;
	[tilespmem:$0x1D000] =	vst v63  }
0x1cc: {  	s18 =	rddreg [dreg:$0xd]  }
0x1cd: {  	[spmem:s1] =	stream.indirect.scatter.add.f32 [tilespmem:s30], [sflag:$0x3], $0x80, s18, s25, $0xb8;
	[tilespmem:$0x1D000] =	vst v63  }
0x1ce: {  	_ =	swait.ge [sflag:s23], $0x4000  }
0x1cf: {  	[sflag:s23] =	ssyncset.done $0x0  }
0x1d0: {  	[sflag:s23] =	ssyncadd.s32 $0xFFFFC000  }
0x1d1: {  	_ =	swait.ge [sflag:s29], $0x4000  }
0x1d2: {  	[sflag:s29] =	ssyncset.done $0x0  }
0x1d3: {  	s19 =	rddreg [dreg:$0xe];
	[sflag:s29] =	ssyncadd.s32 $0xFFFFC000  }
0x1d4: {  	[tilespmem:s30], [sflag:$0x2] =	stream.indirect.gather [hbm4b:s4+s25], $0x80, s19, s25, $0xb8;
	[tilespmem:$0x1D000] =	vst v63  }
0x1d5: {  	s20 =	rddreg [dreg:$0xf]  }
0x1d6: {  	[spmem:s1] =	stream.indirect.scatter.add.f32 [tilespmem:s22], [sflag:$0x3], $0x80, s20, s25, $0xb8;
	[tilespmem:$0x1D000] =	vst v63  }
0x1d7: {  	_ =	swait.ge [sflag:s23], $0x4000  }
0x1d8: {  	[sflag:s23] =	ssyncset.done $0x0  }
0x1d9: {  	[sflag:s23] =	ssyncadd.s32 $0xFFFFC000  }
0x1da: {  	_ =	swait.ge [sflag:s31], $0x4000  }
0x1db: {  	[sflag:s31] =	ssyncset.done $0x0  }
0x1dc: {  	s17 =	rddreg [dreg:$0x10];
	[sflag:s31] =	ssyncadd.s32 $0xFFFFC000  }
0x1dd: {  	[tilespmem:s22], [sflag:$0x1] =	stream.indirect.gather [hbm4b:s4+s25], $0x80, s17, s25, $0xb8;
	[tilespmem:$0x1D000] =	vst v63  }
0x1de: {  	s18 =	rddreg [dreg:$0x11]  }
0x1df: {  	[spmem:s1] =	stream.indirect.scatter.add.f32 [tilespmem:s30], [sflag:$0x3], $0x80, s18, s25, $0xb8;
	[tilespmem:$0x1D000] =	vst v63  }
0x1e0: {  	_ =	swait.ge [sflag:s23], $0x4000  }
0x1e1: {  	[sflag:s23] =	ssyncset.done $0x0  }
0x1e2: {  	[sflag:s23] =	ssyncadd.s32 $0xFFFFC000  }
0x1e3: {  	_ =	swait.ge [sflag:s29], $0x4000  }
0x1e4: {  	[sflag:s29] =	ssyncset.done $0x0  }
0x1e5: {  	s19 =	rddreg [dreg:$0x12];
	[sflag:s29] =	ssyncadd.s32 $0xFFFFC000  }
0x1e6: {  	[tilespmem:s30], [sflag:$0x2] =	stream.indirect.gather [hbm4b:s4+s25], $0x80, s19, s25, $0xb8;
	[tilespmem:$0x1D000] =	vst v63  }
0x1e7: {  	s20 =	rddreg [dreg:$0x13]  }
0x1e8: {  	[spmem:s1] =	stream.indirect.scatter.add.f32 [tilespmem:s22], [sflag:$0x3], $0x80, s20, s25, $0xb8;
	[tilespmem:$0x1D000] =	vst v63  }
0x1e9: {  	_ =	swait.ge [sflag:s23], $0x4000  }
0x1ea: {  	[sflag:s23] =	ssyncset.done $0x0  }
0x1eb: {  	[sflag:s23] =	ssyncadd.s32 $0xFFFFC000  }
0x1ec: {  	_ =	swait.ge [sflag:s31], $0x4000  }
0x1ed: {  	[sflag:s31] =	ssyncset.done $0x0  }
0x1ee: {  	[sflag:s31] =	ssyncadd.s32 $0xFFFFC000  }
0x1ef: {  	[tilespmem:s22], [sflag:$0x1] =	stream.indirect.gather [hbm4b:s4+s25], $0x80, s26, s25, $0xb8;
	[tilespmem:$0x1D000] =	vst v63  }
0x1f0: {  	s17 =	rddreg [dreg:$0x14]  }
0x1f1: {  	[spmem:s1] =	stream.indirect.scatter.add.f32 [tilespmem:s30], [sflag:$0x3], $0x80, s17, s25, $0xb8;
	[tilespmem:$0x1D000] =	vst v63  }
0x1f2: {  	_ =	swait.ge [sflag:s23], $0x4000  }
0x1f3: {  	p0 =	seq.s32 s14, $0x400;
	s15 =	rddreg [dreg:$0x4];
	[sflag:s23] =	ssyncset.done $0x0  }
0x1f4: {  	[sflag:s23] =	ssyncadd.s32 $0xFFFFC000;
	s16 =	sadd.s32 @!p0 s14, s15;
	s15 =	simm.s32 @!p0 $0x0  }
0x1f5: {  	[tilespmem:s15], [sflag:$0x3] =	stream.linear.gather @!p0 [hbm4b:s16+s15], $0x400, $0x38;
	[tilespmem:$0x1D000] =	vst v63  }
0x1f6: {  	s16 =	simm.s32 @!p0 $0x3  }
0x1f7: {  	_ =	swait.ge @!p0 [sflag:s16], $0x400  }
0x1f8: {  	s17 =	rddreg [dreg:$0x5];
	[sflag:s16] =	ssyncset.done @!p0 $0x0  }
0x1f9: {  	[sflag:s16] =	ssyncadd.s32 @!p0 $0xFFFFFC00;
	s14 =	sadd.s32 @!p0 s14, s17;
	s17 =	simm.s32 @!p0 $0x800  }
0x1fa: {  	[tilespmem:s17], [sflag:$0x3] =	stream.linear.gather @!p0 [hbm4b:s14+s15], $0x400, $0x38;
	[tilespmem:$0x1D000] =	vst v63  }
0x1fb: {  	_ =	swait.ge @!p0 [sflag:s16], $0x400  }
0x1fc: {  	[sflag:s16] =	ssyncset.done @!p0 $0x0  }
0x1fd: {  	[sflag:s16] =	ssyncadd.s32 @!p0 $0xFFFFFC00  }
0x1fe: {  	_ =	swait.ge [sflag:s29], $0x4000  }
0x1ff: {  	[sflag:s29] =	ssyncset.done $0x0  }
0x200: {  	s18 =	rddreg [dreg:$0x15];
	[sflag:s29] =	ssyncadd.s32 $0xFFFFC000  }
0x201: {  	[tilespmem:s30], [sflag:$0x2] =	stream.indirect.gather [hbm4b:s4+s25], $0x80, s18, s25, $0xb8;
	[tilespmem:$0x1D000] =	vst v63  }
0x202: {  	_ = 	snop  }
0x203: {  	[spmem:s1] =	stream.indirect.scatter.add.f32 [tilespmem:s22], [sflag:$0x3], $0x80, s28, s25, $0xb8;
	[tilespmem:$0x1D000] =	vst v63  }
0x204: {  	_ =	swait.ge [sflag:s23], $0x4000  }
0x205: {  	[sflag:s23] =	ssyncset.done $0x0  }
0x206: {  	[sflag:s23] =	ssyncadd.s32 $0xFFFFC000  }
0x207: {  	_ =	swait.ge [sflag:s31], $0x4000  }
0x208: {  	[sflag:s31] =	ssyncset.done $0x0  }
0x209: {  	s19 =	rddreg [dreg:$0x16];
	[sflag:s31] =	ssyncadd.s32 $0xFFFFC000  }
0x20a: {  	[tilespmem:s22], [sflag:$0x1] =	stream.indirect.gather [hbm4b:s4+s25], $0x80, s19, s25, $0xb8;
	[tilespmem:$0x1D000] =	vst v63  }
0x20b: {  	s20 =	rddreg [dreg:$0x17]  }
0x20c: {  	[spmem:s1] =	stream.indirect.scatter.add.f32 [tilespmem:s30], [sflag:$0x3], $0x80, s20, s25, $0xb8;
	[tilespmem:$0x1D000] =	vst v63  }
0x20d: {  	_ =	swait.ge [sflag:s23], $0x4000  }
0x20e: {  	[sflag:s23] =	ssyncset.done $0x0  }
0x20f: {  	[sflag:s23] =	ssyncadd.s32 $0xFFFFC000  }
0x210: {  	_ =	swait.ge [sflag:s29], $0x4000  }
0x211: {  	[sflag:s29] =	ssyncset.done $0x0  }
0x212: {  	s16 =	rddreg [dreg:$0x18];
	[sflag:s29] =	ssyncadd.s32 $0xFFFFC000  }
0x213: {  	[tilespmem:s30], [sflag:$0x2] =	stream.indirect.gather [hbm4b:s4+s25], $0x80, s16, s25, $0xb8;
	[tilespmem:$0x1D000] =	vst v63  }
0x214: {  	s17 =	rddreg [dreg:$0x19]  }
0x215: {  	[spmem:s1] =	stream.indirect.scatter.add.f32 [tilespmem:s22], [sflag:$0x3], $0x80, s17, s25, $0xb8;
	[tilespmem:$0x1D000] =	vst v63  }
0x216: {  	_ =	swait.ge [sflag:s23], $0x4000  }
0x217: {  	[sflag:s23] =	ssyncset.done $0x0  }
0x218: {  	[sflag:s23] =	ssyncadd.s32 $0xFFFFC000  }
0x219: {  	_ =	swait.ge [sflag:s31], $0x4000  }
0x21a: {  	[sflag:s31] =	ssyncset.done $0x0  }
0x21b: {  	[sflag:s31] =	ssyncadd.s32 $0xFFFFC000  }
0x21c: {  	[tilespmem:s22], [sflag:$0x1] =	stream.indirect.gather [hbm4b:s4+s25], $0x80, s0, s25, $0xb8;
	[tilespmem:$0x1D000] =	vst v63  }
0x21d: {  	_ = 	snop  }
0x21e: {  	[spmem:s1] =	stream.indirect.scatter.add.f32 [tilespmem:s30], [sflag:$0x3], $0x80, s2, s25, $0xb8;
	[tilespmem:$0x1D000] =	vst v63  }
0x21f: {  	_ =	swait.ge [sflag:s23], $0x4000  }
0x220: {  	[sflag:s23] =	ssyncset.done $0x0  }
0x221: {  	[sflag:s23] =	ssyncadd.s32 $0xFFFFC000  }
0x222: {  	_ =	swait.ge [sflag:s29], $0x4000  }
0x223: {  	[sflag:s29] =	ssyncset.done $0x0  }
0x224: {  	[sflag:s29] =	ssyncadd.s32 $0xFFFFC000  }
0x225: {  	[tilespmem:s30], [sflag:$0x2] =	stream.indirect.gather [hbm4b:s4+s25], $0x80, s6, s25, $0xb8;
	[tilespmem:$0x1D000] =	vst v63  }
0x226: {  	_ = 	snop  }
0x227: {  	[spmem:s1] =	stream.indirect.scatter.add.f32 [tilespmem:s22], [sflag:$0x3], $0x80, s7, s25, $0xb8;
	[tilespmem:$0x1D000] =	vst v63  }
0x228: {  	_ =	swait.ge [sflag:s23], $0x4000  }
0x229: {  	[sflag:s23] =	ssyncset.done $0x0  }
0x22a: {  	[sflag:s23] =	ssyncadd.s32 $0xFFFFC000  }
0x22b: {  	_ =	swait.ge [sflag:s31], $0x4000  }
0x22c: {  	[sflag:s31] =	ssyncset.done $0x0  }
0x22d: {  	[sflag:s31] =	ssyncadd.s32 $0xFFFFC000  }
0x22e: {  	[tilespmem:s22], [sflag:$0x1] =	stream.indirect.gather [hbm4b:s4+s25], $0x80, s8, s25, $0xb8;
	[tilespmem:$0x1D000] =	vst v63  }
0x22f: {  	_ = 	snop  }
0x230: {  	[spmem:s1] =	stream.indirect.scatter.add.f32 [tilespmem:s30], [sflag:$0x3], $0x80, s9, s25, $0xb8;
	[tilespmem:$0x1D000] =	vst v63  }
0x231: {  	_ =	swait.ge [sflag:s23], $0x4000  }
0x232: {  	[sflag:s23] =	ssyncset.done $0x0  }
0x233: {  	[sflag:s23] =	ssyncadd.s32 $0xFFFFC000  }
0x234: {  	_ =	swait.ge [sflag:s29], $0x4000  }
0x235: {  	[sflag:s29] =	ssyncset.done $0x0  }
0x236: {  	[sflag:s29] =	ssyncadd.s32 $0xFFFFC000  }
0x237: {  	[tilespmem:s30], [sflag:$0x2] =	stream.indirect.gather [hbm4b:s4+s25], $0x80, s10, s25, $0xb8;
	[tilespmem:$0x1D000] =	vst v63  }
0x238: {  	_ = 	snop  }
0x239: {  	[spmem:s1] =	stream.indirect.scatter.add.f32 [tilespmem:s22], [sflag:$0x3], $0x80, s11, s25, $0xb8;
	[tilespmem:$0x1D000] =	vst v63  }
0x23a: {  	_ =	swait.ge [sflag:s23], $0x4000  }
0x23b: {  	[sflag:s23] =	ssyncset.done $0x0  }
0x23c: {  	[sflag:s23] =	ssyncadd.s32 $0xFFFFC000  }
0x23d: {  	_ =	swait.ge [sflag:s31], $0x4000  }
0x23e: {  	[sflag:s31] =	ssyncset.done $0x0  }
0x23f: {  	s14 =	simm.s32 @!p0 $0x80;
	s16 =	simm.s32 @!p0 $0x1000;
	[sflag:s31] =	ssyncadd.s32 $0xFFFFC000  }
0x240: {  	[tilespmem:s16], [sflag:$0x1] =	stream.indirect.gather @!p0 [hbm4b:s4+s14], $0x80, s15, s14, $0xb8;
	[tilespmem:$0x1D000] =	vst v63  }
0x241: {  	_ = 	snop  }
0x242: {  	[spmem:s1] =	stream.indirect.scatter.add.f32 [tilespmem:s30], [sflag:$0x3], $0x80, s12, s25, $0xb8;
	[tilespmem:$0x1D000] =	vst v63  }
0x243: {  	_ =	swait.ge [sflag:s23], $0x4000  }
0x244: {  	[sflag:s23] =	ssyncset.done $0x0  }
0x245: {  	[sflag:s23] =	ssyncadd.s32 $0xFFFFC000  }
0x246: {  	[bflag:$0x0] =	sbarrier.arrive $0xFFFF  }
0x247: {  	[tilespmem:s22], [sflag:$0x3] =	stream.linear.gather [spmem:s5], $0x4000, $0x38;
	[tilespmem:$0x1D000] =	vst v63  }
0x248: {  	_ =	swait.ge [sflag:s23], $0x4000  }
0x249: {  	s18 =	sld [smem:$0x7F6]  }
0x24a: {  	[sflag:s23] =	ssyncset.done $0x0  }
0x24b: {  	[sflag:s23] =	ssyncadd.s32 $0xFFFFC000  }
0x24c: {  	[hbm4b:s18+s3] =	stream.linear.scatter [tilespmem:s22], [sflag:$0x3], $0x4000, $0x38;
	[tilespmem:$0x1D000] =	vst v63  }
0x24d: {  	_ =	swait.ge [sflag:s23], $0x4000  }
0x24e: {  	s19 =	sld [smem:$0x7F7]  }
0x24f: {  	[sflag:s23] =	ssyncset.done $0x0  }
0x250: {  	[sflag:s23] =	ssyncadd.s32 $0xFFFFC000  }
0x251: {  	[tilespmem:s22], [sflag:$0x3] =	stream.linear.gather [spmem:s19], $0x4000, $0x38;
	[tilespmem:$0x1D000] =	vst v63  }
0x252: {  	_ =	swait.ge [sflag:s23], $0x4000  }
0x253: {  	s20 =	sld [smem:$0x7F8]  }
0x254: {  	[sflag:s23] =	ssyncset.done $0x0  }
0x255: {  	[sflag:s23] =	ssyncadd.s32 $0xFFFFC000  }
0x256: {  	[hbm4b:s20+s3] =	stream.linear.scatter [tilespmem:s22], [sflag:$0x3], $0x4000, $0x38;
	[tilespmem:$0x1D000] =	vst v63  }
0x257: {  	_ =	swait.ge [sflag:s23], $0x4000  }
0x258: {  	s15 =	sld [smem:$0x7F9]  }
0x259: {  	[sflag:s23] =	ssyncset.done $0x0  }
0x25a: {  	[sflag:s23] =	ssyncadd.s32 $0xFFFFC000  }
0x25b: {  	[tilespmem:s22], [sflag:$0x3] =	stream.linear.gather [spmem:s15], $0x4000, $0x38;
	[tilespmem:$0x1D000] =	vst v63  }
0x25c: {  	_ =	swait.ge [sflag:s23], $0x4000  }
0x25d: {  	s16 =	sld [smem:$0x7FA]  }
0x25e: {  	[sflag:s23] =	ssyncset.done $0x0  }
0x25f: {  	[sflag:s23] =	ssyncadd.s32 $0xFFFFC000  }
0x260: {  	[hbm4b:s16+s3] =	stream.linear.scatter [tilespmem:s22], [sflag:$0x3], $0x4000, $0x38;
	[tilespmem:$0x1D000] =	vst v63  }
0x261: {  	_ =	swait.ge [sflag:s23], $0x4000  }
0x262: {  	s17 =	sld [smem:$0x7FB]  }
0x263: {  	[sflag:s23] =	ssyncset.done $0x0  }
0x264: {  	[sflag:s23] =	ssyncadd.s32 $0xFFFFC000  }
0x265: {  	[tilespmem:s22], [sflag:$0x3] =	stream.linear.gather [spmem:s17], $0x4000, $0x38;
	[tilespmem:$0x1D000] =	vst v63  }
0x266: {  	_ =	swait.ge [sflag:s23], $0x4000  }
0x267: {  	s18 =	sld [smem:$0x7FC]  }
0x268: {  	[sflag:s23] =	ssyncset.done $0x0  }
0x269: {  	[sflag:s23] =	ssyncadd.s32 $0xFFFFC000  }
0x26a: {  	[hbm4b:s18+s3] =	stream.linear.scatter [tilespmem:s22], [sflag:$0x3], $0x4000, $0x38;
	[tilespmem:$0x1D000] =	vst v63  }
0x26b: {  	_ =	swait.ge [sflag:s23], $0x4000  }
0x26c: {  	s19 =	sld [smem:$0x7FD]  }
0x26d: {  	[sflag:s23] =	ssyncset.done $0x0  }
0x26e: {  	[sflag:s23] =	ssyncadd.s32 $0xFFFFC000  }
0x26f: {  	[tilespmem:s22], [sflag:$0x3] =	stream.linear.gather [spmem:s19], $0x4000, $0x38;
	[tilespmem:$0x1D000] =	vst v63  }
0x270: {  	_ =	swait.ge [sflag:s23], $0x4000  }
0x271: {  	[sflag:s23] =	ssyncset.done $0x0  }
0x272: {  	[sflag:s23] =	ssyncadd.s32 $0xFFFFC000  }
0x273: {  	[hbm4b:s21+s3] =	stream.linear.scatter [tilespmem:s22], [sflag:$0x3], $0x4000, $0x38;
	[tilespmem:$0x1D000] =	vst v63  }
0x274: {  	_ =	swait.ge [sflag:s23], $0x4000  }
0x275: {  	s13 =	sadd.s32 $0x1, s13;
	s20 =	rddreg [dreg:$0x1c]  }
0x276: {  	p0 =	sne.s32 s13, s20  }
.Ltmp2:
0x277: {  	_ = 	snop;
	(pc) =	sbr.rel @p0 .LBB2_1-.Ltmp2, $3  }
0x278: {  	_ =	sdelay $0x1  }
0x279: {  	[sflag:s23] =	ssyncset.done $0x0  }
0x27a: {  	[sflag:s23] =	ssyncadd.s32 $0xFFFFC000  }
0x27b: {  	_ =	sfence.sel $0x180000  }
0x27c: {  	[bflag:$0x0] =	sbarrier.arrive $0xFFFF  }
0x27d: {  	_ =	strace $0x90000050  }
0x27e: {  	s0 =	stileid.u32;
	[bflag:$0x2] =	sbarrier.arrive $0xFFFF  }
0x27f: {  	p0 =	sne.s32 s0, $0x0;
	s0 =	rddreg [dreg:$0x3]  }
0x280: {  	s0 =	sadd.s32 @!p0 $0x100000, s0  }
0x281: {  	[sflag:s0] =	ssyncadd.tile.s32 @!p0 $0x1;
	_ =	shalt  }
.Lfunc_end2:
_tile_overlayer_lowered:
.L_overlay_start_2:
0x282: {  	(tag) =	ssettag $0x2  }
0x283: {  	s0 =	rddreg [dreg:$0x0];
	s2 =	stileid.u32  }
0x284: {  	s1 =	rddreg [dreg:$0x1];
	p0 =	sne.s32 s2, $0x0  }
0x285: {  	s3 =	rddreg [dreg:$0x2];
	[bflag:$0x3] =	sbarrier.arrive $0xFFFF;
	s2 =	simm.s32 @!p0 $0x1C03  }
0x286: {  	[timem:s3], [sflag:s2] =	dma.local @!p0 [hbm:s0], s1  }
0x287: {  	s0 =	simm.s32 @!p0 $0x3  }
0x288: {  	_ =	swait.ge @!p0 [sflag:s0], s1  }
0x289: {  	s1 =	ssub.s32 @!p0 $0x0, s1;
	[sflag:s0] =	ssyncset.done @!p0 $0x0  }
0x28a: {  	[sflag:s0] =	ssyncadd.s32 @!p0 s1  }
0x28b: {  	[bflag:$0x3] =	sbarrier.arrive $0xFFFF  }
0x28c: {  	_ =	shalt  }

</sc_bundles>
